<compile_context>
chip_gen: v7x
topology: tpu7x:2x2x1
jax: 0.10.2.dev20260603
libtpu: 0.0.44.dev20260713+nightly
codegen_flags: <defaults>
</compile_context>

<pallas_src>
import functools

import jax
import jax.numpy as jnp
from jax import lax
from jax.experimental import pallas as pl
from jax.experimental.pallas import tpu as pltpu
from jax.experimental.pallas import tpu_sc as plsc

N = 100000
K = 128
GROUP = 32
NG = K // GROUP
B = 16384

NC = 2
NS = 16
NW = NC * NS
BPW = B // NW
CHUNK = 128
NCHUNK = BPW // CHUNK
LANES = 16


def _sc_kernel(x_hbm, q_hbm, s_hbm, out_hbm, idx_v, q_v, sidx_v, s4_v, o_v,
               gsem, wsem):
    wid = lax.axis_index("s") * NC + lax.axis_index("c")
    base = wid * BPW

    pltpu.sync_copy(x_hbm.at[pl.ds(base, BPW)], idx_v)

    def build_sidx(c, b):
        for t in range(CHUNK // LANES):
            tok = idx_v[pl.ds(c * CHUNK + t * LANES, LANES)]
            for g in range(NG):
                sidx_v[b, g, pl.ds(t * LANES, LANES)] = tok + (g * N)

    def fire(c, b):
        pltpu.async_copy(q_hbm.at[idx_v.at[pl.ds(c * CHUNK, CHUNK)]],
                         q_v.at[b], gsem.at[b])
        for g in range(NG):
            pltpu.async_copy(s_hbm.at[sidx_v.at[b, g]],
                             s4_v.at[b, pl.ds(g * CHUNK, CHUNK)], gsem.at[b])

    def compute(b):
        @plsc.parallel_loop(0, CHUNK // LANES, 1, unroll=2)
        def blk_body(t):
            rbase = t * LANES
            for g in range(NG):
                s16 = s4_v[b, pl.ds(g * CHUNK + rbase, LANES)]
                for l in range(LANES):
                    lidx = jnp.full((LANES,), l, jnp.int32)
                    svec = jnp.take_along_axis(
                        s16, lidx, axis=0, mode="promise_in_bounds")
                    r = rbase + l
                    for h in range(2):
                        j = g * 2 + h
                        q16 = q_v[b, r, pl.ds(j * LANES, LANES)]
                        o_v[b, r, pl.ds(j * LANES, LANES)] = (
                            q16.astype(jnp.float32) * svec)

    def drain_gather(b):
        pltpu.make_async_copy(q_hbm.at[pl.ds(0, CHUNK)], q_v.at[b],
                              gsem.at[b]).wait()
        pltpu.make_async_copy(s_hbm.at[pl.ds(0, NG * CHUNK)], s4_v.at[b],
                              gsem.at[b]).wait()

    def drain_wb(b):
        pltpu.make_async_copy(o_v.at[b], out_hbm.at[pl.ds(0, CHUNK)],
                              wsem.at[b]).wait()

    build_sidx(0, 0)
    fire(0, 0)
    build_sidx(1, 1)
    fire(1, 1)

    def body(c, carry):
        b = lax.rem(c, 2)
        drain_gather(b)
        @pl.when(c >= 2)
        def _():
            drain_wb(b)
        compute(b)
        pltpu.async_copy(
            o_v.at[b], out_hbm.at[pl.ds(base + c * CHUNK, CHUNK)], wsem.at[b])
        @pl.when(c + 2 < NCHUNK)
        def _():
            build_sidx(c + 2, b)
            fire(c + 2, b)
        return carry

    lax.fori_loop(0, NCHUNK, body, 0)
    drain_wb(0)
    drain_wb(1)


def kernel(x, qweights, scales):
    mesh = plsc.VectorSubcoreMesh(core_axis_name="c", subcore_axis_name="s")
    run = functools.partial(
        pl.kernel,
        mesh=mesh,
        out_type=jax.ShapeDtypeStruct((B, K), jnp.float32),
        scratch_types=[
            pltpu.VMEM((BPW,), jnp.int32),
            pltpu.VMEM((2, CHUNK, K), jnp.int32),
            pltpu.VMEM((2, NG, CHUNK), jnp.int32),
            pltpu.VMEM((2, NG * CHUNK), jnp.float32),
            pltpu.VMEM((2, CHUNK, K), jnp.float32),
            pltpu.SemaphoreType.DMA((2,)),
            pltpu.SemaphoreType.DMA((2,)),
        ],
    )(_sc_kernel)
    return run(x, qweights, scales.T.reshape(N * NG))

# --- scband reference (transcript-rebuilt; emitter-appended) ---
"""Pipeline reference for scband-quantized-tied-embedding-20375324852408 (READ-ONLY COPY).

The authoritative reference and input builder live on the scoring server;
editing this copy changes nothing except your own understanding.
"""

import jax, jax.numpy as jnp
import numpy as np

N = 100000   # vocab rows (n)
K = 128      # embedding dim (k)
GROUP = 32   # group_size for groupwise quantization
NG = K // GROUP
B = 16384    # number of token indices


def setup_inputs(seed: int = 0) -> dict:
    key = jax.random.key(seed)
    k1, k2, k3 = jax.random.split(key, 3)
    # token indices into the tied (un)embedding table
    x = jax.random.randint(k1, (B,), 0, N, dtype=jnp.int32)
    # 4-bit symmetric quantized weights, stored unpacked as int32 in [-8, 8)
    # (the torchao packed uint buffer is an opaque bit-packing of exactly these values)
    qweights = jax.random.randint(k2, (N, K), -8, 8, dtype=jnp.int32)
    # per-group scales, one scale per GROUP contiguous columns of each row
    scales = jax.random.uniform(k3, (N, NG), dtype=jnp.float32) * 0.02 + 0.001
    return {"x": x, "qweights": qweights, "scales": scales}


def reference(x, qweights, scales):
    # shared/tied embedding lookup: gather rows of the quantized unembedding
    # matrix and dequantize groupwise: w[i, g*GROUP + j] = q[i, g*GROUP + j] * scale[i, g]
    shape = x.shape
    flat = x.reshape(-1)
    qg = jnp.take(qweights, flat, axis=0).astype(jnp.float32)  # [B, K]
    sg = jnp.take(scales, flat, axis=0)                         # [B, NG]
    deq = (qg.reshape(flat.shape[0], NG, GROUP) * sg[:, :, None]).reshape(flat.shape[0], K)
    return deq.reshape(*shape, K)

if __name__ == "__main__":
    import jax
    _d = setup_inputs()
    print(jax.jit(kernel)(*tuple(_d.values())))

</pallas_src>

<mosaic_0001>
#map = affine_map<(d0, d1) -> (0)>
#map1 = affine_map<(d0, d1) -> (0, 0)>
module attributes {stable_mosaic.version = 14 : i64} {
  func.func @_sc_kernel(%arg0: i32, %arg1: i32, %arg2: memref<16384xi32, #tpu.memory_space<hbm>>, %arg3: memref<100000x128xi32, #tpu.memory_space<hbm>>, %arg4: memref<400000xf32, #tpu.memory_space<hbm>>, %arg5: memref<16384x128xf32, #tpu.memory_space<hbm>>, %arg6: memref<512xi32, #tpu.memory_space<vmem>>, %arg7: memref<2x128x128xi32, #tpu.memory_space<vmem>>, %arg8: memref<2x4x128xi32, #tpu.memory_space<vmem>>, %arg9: memref<2x512xf32, #tpu.memory_space<vmem>>, %arg10: memref<2x128x128xf32, #tpu.memory_space<vmem>>, %arg11: memref<2x!tpu.dma_semaphore, #tpu.memory_space<semaphore_mem>>, %arg12: memref<2x!tpu.dma_semaphore, #tpu.memory_space<semaphore_mem>>) attributes {dimension_semantics = [#tpu.dimension_semantics<core_parallel>, #tpu.dimension_semantics<subcore_parallel>], iteration_bounds = array<i64: 2, 16>, scalar_prefetch = 0 : i64, scratch_operands = 7 : i64, tpu.core_type = #tpu.core_type<sc_vector_subcore>, window_params = [{transform_indices = #map}, {transform_indices = #map1}, {transform_indices = #map}, {transform_indices = #map1}]} {
    %mul3A = arith.constant 2 : i32
    %mul3A_0 = arith.muli %arg1, %mul3A : i32
    %add3A = arith.addi %mul3A_0, %arg0 : i32
    %mul3A_1 = arith.constant 512 : i32
    %mul3A_2 = arith.muli %add3A, %mul3A_1 : i32
    "tpu.region"() ({
      %run_scoped3A = tpu.sem_alloc : memref<!tpu.dma_semaphore, #tpu.memory_space<semaphore_mem>>
      %dma_start3A_930 = tpu.memref_slice %arg2[%mul3A_2] : memref<16384xi32, #tpu.memory_space<hbm>> -> memref<512xi32, #tpu.memory_space<hbm>>
      %dma_start3A_931 = tpu.memref_slice %arg2[%mul3A_2] : memref<16384xi32, #tpu.memory_space<hbm>> -> memref<512xi32, #tpu.memory_space<hbm>>
      tpu.enqueue_dma source(%dma_start3A_931 : memref<512xi32, #tpu.memory_space<hbm>>) target(%arg6 : memref<512xi32, #tpu.memory_space<vmem>>) target_semaphore(%run_scoped3A : memref<!tpu.dma_semaphore, #tpu.memory_space<semaphore_mem>>)
      %dma_wait3A_932 = tpu.memref_slice %arg2[%mul3A_2] : memref<16384xi32, #tpu.memory_space<hbm>> -> memref<512xi32, #tpu.memory_space<hbm>>
      %dma_wait3A_933 = tpu.memref_slice %arg2[%mul3A_2] : memref<16384xi32, #tpu.memory_space<hbm>> -> memref<512xi32, #tpu.memory_space<hbm>>
      tpu.wait_dma2 semaphore(%run_scoped3A : memref<!tpu.dma_semaphore, #tpu.memory_space<semaphore_mem>>) src(%dma_wait3A_933 : memref<512xi32, #tpu.memory_space<hbm>>) dst(%arg6 : memref<512xi32, #tpu.memory_space<vmem>>)
      tpu.yield
    }) : () -> ()
    %get3A = arith.constant 0 : index
    %get3A_3 = tpu.vector_load %arg6[%get3A] {strides = array<i32>} : memref<512xi32, #tpu.memory_space<vmem>>, vector<16xi32>,
    %get3A_4 = vector.shape_cast %get3A_3 : vector<16xi32> to vector<16xi32>
    %add3A_5 = arith.constant 0 : i32
    %add3A_6 = vector.broadcast %add3A_5 : i32 to vector<16xi32>
    %add3A_7 = arith.addi %get3A_4, %add3A_6 : vector<16xi32>
    %swap3A = arith.constant 0 : i32
    %swap3A_8 = arith.constant 0 : i32
    %swap3A_9 = arith.index_cast %swap3A : i32 to index
    %swap3A_10 = arith.index_cast %swap3A_8 : i32 to index
    %swap3A_11 = arith.constant 0 : index
    %swap3A_12 = tpu.vector_load %arg8[%swap3A_9, %swap3A_10, %swap3A_11] {strides = array<i32>} : memref<2x4x128xi32, #tpu.memory_space<vmem>>, vector<1x1x16xi32>,
    %swap3A_13 = vector.shape_cast %swap3A_12 : vector<1x1x16xi32> to vector<16xi32>
    %swap3A_14 = vector.shape_cast %add3A_7 : vector<16xi32> to vector<1x1x16xi32>
    tpu.vector_store %arg8[%swap3A_9, %swap3A_10, %swap3A_11], %swap3A_14 {strides = array<i32>} : memref<2x4x128xi32, #tpu.memory_space<vmem>>, vector<1x1x16xi32>,
    %add3A_15 = arith.constant 100000 : i32
    %add3A_16 = vector.broadcast %add3A_15 : i32 to vector<16xi32>
    %add3A_17 = arith.addi %get3A_4, %add3A_16 : vector<16xi32>
    %swap3A_18 = arith.constant 0 : i32
    %swap3A_19 = arith.constant 1 : i32
    %swap3A_20 = arith.index_cast %swap3A_18 : i32 to index
    %swap3A_21 = arith.index_cast %swap3A_19 : i32 to index
    %swap3A_22 = arith.constant 0 : index
    %swap3A_23 = tpu.vector_load %arg8[%swap3A_20, %swap3A_21, %swap3A_22] {strides = array<i32>} : memref<2x4x128xi32, #tpu.memory_space<vmem>>, vector<1x1x16xi32>,
    %swap3A_24 = vector.shape_cast %swap3A_23 : vector<1x1x16xi32> to vector<16xi32>
    %swap3A_25 = vector.shape_cast %add3A_17 : vector<16xi32> to vector<1x1x16xi32>
    tpu.vector_store %arg8[%swap3A_20, %swap3A_21, %swap3A_22], %swap3A_25 {strides = array<i32>} : memref<2x4x128xi32, #tpu.memory_space<vmem>>, vector<1x1x16xi32>,
    %add3A_26 = arith.constant 200000 : i32
    %add3A_27 = vector.broadcast %add3A_26 : i32 to vector<16xi32>
    %add3A_28 = arith.addi %get3A_4, %add3A_27 : vector<16xi32>
    %swap3A_29 = arith.constant 0 : i32
    %swap3A_30 = arith.constant 2 : i32
    %swap3A_31 = arith.index_cast %swap3A_29 : i32 to index
    %swap3A_32 = arith.index_cast %swap3A_30 : i32 to index
    %swap3A_33 = arith.constant 0 : index
    %swap3A_34 = tpu.vector_load %arg8[%swap3A_31, %swap3A_32, %swap3A_33] {strides = array<i32>} : memref<2x4x128xi32, #tpu.memory_space<vmem>>, vector<1x1x16xi32>,
    %swap3A_35 = vector.shape_cast %swap3A_34 : vector<1x1x16xi32> to vector<16xi32>
    %swap3A_36 = vector.shape_cast %add3A_28 : vector<16xi32> to vector<1x1x16xi32>
    tpu.vector_store %arg8[%swap3A_31, %swap3A_32, %swap3A_33], %swap3A_36 {strides = array<i32>} : memref<2x4x128xi32, #tpu.memory_space<vmem>>, vector<1x1x16xi32>,
    %add3A_37 = arith.constant 300000 : i32
    %add3A_38 = vector.broadcast %add3A_37 : i32 to vector<16xi32>
    %add3A_39 = arith.addi %get3A_4, %add3A_38 : vector<16xi32>
    %swap3A_40 = arith.constant 0 : i32
    %swap3A_41 = arith.constant 3 : i32
    %swap3A_42 = arith.index_cast %swap3A_40 : i32 to index
    %swap3A_43 = arith.index_cast %swap3A_41 : i32 to index
    %swap3A_44 = arith.constant 0 : index
    %swap3A_45 = tpu.vector_load %arg8[%swap3A_42, %swap3A_43, %swap3A_44] {strides = array<i32>} : memref<2x4x128xi32, #tpu.memory_space<vmem>>, vector<1x1x16xi32>,
    %swap3A_46 = vector.shape_cast %swap3A_45 : vector<1x1x16xi32> to vector<16xi32>
    %swap3A_47 = vector.shape_cast %add3A_39 : vector<16xi32> to vector<1x1x16xi32>
    tpu.vector_store %arg8[%swap3A_42, %swap3A_43, %swap3A_44], %swap3A_47 {strides = array<i32>} : memref<2x4x128xi32, #tpu.memory_space<vmem>>, vector<1x1x16xi32>,
    %get3A_48 = arith.constant 16 : index
    %get3A_49 = tpu.vector_load %arg6[%get3A_48] {strides = array<i32>} : memref<512xi32, #tpu.memory_space<vmem>>, vector<16xi32>,
    %get3A_50 = vector.shape_cast %get3A_49 : vector<16xi32> to vector<16xi32>
    %add3A_51 = arith.constant 0 : i32
    %add3A_52 = vector.broadcast %add3A_51 : i32 to vector<16xi32>
    %add3A_53 = arith.addi %get3A_50, %add3A_52 : vector<16xi32>
    %swap3A_54 = arith.constant 0 : i32
    %swap3A_55 = arith.constant 0 : i32
    %swap3A_56 = arith.index_cast %swap3A_54 : i32 to index
    %swap3A_57 = arith.index_cast %swap3A_55 : i32 to index
    %swap3A_58 = arith.constant 16 : index
    %swap3A_59 = tpu.vector_load %arg8[%swap3A_56, %swap3A_57, %swap3A_58] {strides = array<i32>} : memref<2x4x128xi32, #tpu.memory_space<vmem>>, vector<1x1x16xi32>,
    %swap3A_60 = vector.shape_cast %swap3A_59 : vector<1x1x16xi32> to vector<16xi32>
    %swap3A_61 = vector.shape_cast %add3A_53 : vector<16xi32> to vector<1x1x16xi32>
    tpu.vector_store %arg8[%swap3A_56, %swap3A_57, %swap3A_58], %swap3A_61 {strides = array<i32>} : memref<2x4x128xi32, #tpu.memory_space<vmem>>, vector<1x1x16xi32>,
    %add3A_62 = arith.constant 100000 : i32
    %add3A_63 = vector.broadcast %add3A_62 : i32 to vector<16xi32>
    %add3A_64 = arith.addi %get3A_50, %add3A_63 : vector<16xi32>
    %swap3A_65 = arith.constant 0 : i32
    %swap3A_66 = arith.constant 1 : i32
    %swap3A_67 = arith.index_cast %swap3A_65 : i32 to index
    %swap3A_68 = arith.index_cast %swap3A_66 : i32 to index
    %swap3A_69 = arith.constant 16 : index
    %swap3A_70 = tpu.vector_load %arg8[%swap3A_67, %swap3A_68, %swap3A_69] {strides = array<i32>} : memref<2x4x128xi32, #tpu.memory_space<vmem>>, vector<1x1x16xi32>,
    %swap3A_71 = vector.shape_cast %swap3A_70 : vector<1x1x16xi32> to vector<16xi32>
    %swap3A_72 = vector.shape_cast %add3A_64 : vector<16xi32> to vector<1x1x16xi32>
    tpu.vector_store %arg8[%swap3A_67, %swap3A_68, %swap3A_69], %swap3A_72 {strides = array<i32>} : memref<2x4x128xi32, #tpu.memory_space<vmem>>, vector<1x1x16xi32>,
    %add3A_73 = arith.constant 200000 : i32
    %add3A_74 = vector.broadcast %add3A_73 : i32 to vector<16xi32>
    %add3A_75 = arith.addi %get3A_50, %add3A_74 : vector<16xi32>
    %swap3A_76 = arith.constant 0 : i32
    %swap3A_77 = arith.constant 2 : i32
    %swap3A_78 = arith.index_cast %swap3A_76 : i32 to index
    %swap3A_79 = arith.index_cast %swap3A_77 : i32 to index
    %swap3A_80 = arith.constant 16 : index
    %swap3A_81 = tpu.vector_load %arg8[%swap3A_78, %swap3A_79, %swap3A_80] {strides = array<i32>} : memref<2x4x128xi32, #tpu.memory_space<vmem>>, vector<1x1x16xi32>,
    %swap3A_82 = vector.shape_cast %swap3A_81 : vector<1x1x16xi32> to vector<16xi32>
    %swap3A_83 = vector.shape_cast %add3A_75 : vector<16xi32> to vector<1x1x16xi32>
    tpu.vector_store %arg8[%swap3A_78, %swap3A_79, %swap3A_80], %swap3A_83 {strides = array<i32>} : memref<2x4x128xi32, #tpu.memory_space<vmem>>, vector<1x1x16xi32>,
    %add3A_84 = arith.constant 300000 : i32
    %add3A_85 = vector.broadcast %add3A_84 : i32 to vector<16xi32>
    %add3A_86 = arith.addi %get3A_50, %add3A_85 : vector<16xi32>
    %swap3A_87 = arith.constant 0 : i32
    %swap3A_88 = arith.constant 3 : i32
    %swap3A_89 = arith.index_cast %swap3A_87 : i32 to index
    %swap3A_90 = arith.index_cast %swap3A_88 : i32 to index
    %swap3A_91 = arith.constant 16 : index
    %swap3A_92 = tpu.vector_load %arg8[%swap3A_89, %swap3A_90, %swap3A_91] {strides = array<i32>} : memref<2x4x128xi32, #tpu.memory_space<vmem>>, vector<1x1x16xi32>,
    %swap3A_93 = vector.shape_cast %swap3A_92 : vector<1x1x16xi32> to vector<16xi32>
    %swap3A_94 = vector.shape_cast %add3A_86 : vector<16xi32> to vector<1x1x16xi32>
    tpu.vector_store %arg8[%swap3A_89, %swap3A_90, %swap3A_91], %swap3A_94 {strides = array<i32>} : memref<2x4x128xi32, #tpu.memory_space<vmem>>, vector<1x1x16xi32>,
    %get3A_95 = arith.constant 32 : index
    %get3A_96 = tpu.vector_load %arg6[%get3A_95] {strides = array<i32>} : memref<512xi32, #tpu.memory_space<vmem>>, vector<16xi32>,
    %get3A_97 = vector.shape_cast %get3A_96 : vector<16xi32> to vector<16xi32>
    %add3A_98 = arith.constant 0 : i32
    %add3A_99 = vector.broadcast %add3A_98 : i32 to vector<16xi32>
    %add3A_100 = arith.addi %get3A_97, %add3A_99 : vector<16xi32>
    %swap3A_101 = arith.constant 0 : i32
    %swap3A_102 = arith.constant 0 : i32
    %swap3A_103 = arith.index_cast %swap3A_101 : i32 to index
    %swap3A_104 = arith.index_cast %swap3A_102 : i32 to index
    %swap3A_105 = arith.constant 32 : index
    %swap3A_106 = tpu.vector_load %arg8[%swap3A_103, %swap3A_104, %swap3A_105] {strides = array<i32>} : memref<2x4x128xi32, #tpu.memory_space<vmem>>, vector<1x1x16xi32>,
    %swap3A_107 = vector.shape_cast %swap3A_106 : vector<1x1x16xi32> to vector<16xi32>
    %swap3A_108 = vector.shape_cast %add3A_100 : vector<16xi32> to vector<1x1x16xi32>
    tpu.vector_store %arg8[%swap3A_103, %swap3A_104, %swap3A_105], %swap3A_108 {strides = array<i32>} : memref<2x4x128xi32, #tpu.memory_space<vmem>>, vector<1x1x16xi32>,
    %add3A_109 = arith.constant 100000 : i32
    %add3A_110 = vector.broadcast %add3A_109 : i32 to vector<16xi32>
    %add3A_111 = arith.addi %get3A_97, %add3A_110 : vector<16xi32>
    %swap3A_112 = arith.constant 0 : i32
    %swap3A_113 = arith.constant 1 : i32
    %swap3A_114 = arith.index_cast %swap3A_112 : i32 to index
    %swap3A_115 = arith.index_cast %swap3A_113 : i32 to index
    %swap3A_116 = arith.constant 32 : index
    %swap3A_117 = tpu.vector_load %arg8[%swap3A_114, %swap3A_115, %swap3A_116] {strides = array<i32>} : memref<2x4x128xi32, #tpu.memory_space<vmem>>, vector<1x1x16xi32>,
    %swap3A_118 = vector.shape_cast %swap3A_117 : vector<1x1x16xi32> to vector<16xi32>
    %swap3A_119 = vector.shape_cast %add3A_111 : vector<16xi32> to vector<1x1x16xi32>
    tpu.vector_store %arg8[%swap3A_114, %swap3A_115, %swap3A_116], %swap3A_119 {strides = array<i32>} : memref<2x4x128xi32, #tpu.memory_space<vmem>>, vector<1x1x16xi32>,
    %add3A_120 = arith.constant 200000 : i32
    %add3A_121 = vector.broadcast %add3A_120 : i32 to vector<16xi32>
    %add3A_122 = arith.addi %get3A_97, %add3A_121 : vector<16xi32>
    %swap3A_123 = arith.constant 0 : i32
    %swap3A_124 = arith.constant 2 : i32
    %swap3A_125 = arith.index_cast %swap3A_123 : i32 to index
    %swap3A_126 = arith.index_cast %swap3A_124 : i32 to index
    %swap3A_127 = arith.constant 32 : index
    %swap3A_128 = tpu.vector_load %arg8[%swap3A_125, %swap3A_126, %swap3A_127] {strides = array<i32>} : memref<2x4x128xi32, #tpu.memory_space<vmem>>, vector<1x1x16xi32>,
    %swap3A_129 = vector.shape_cast %swap3A_128 : vector<1x1x16xi32> to vector<16xi32>
    %swap3A_130 = vector.shape_cast %add3A_122 : vector<16xi32> to vector<1x1x16xi32>
    tpu.vector_store %arg8[%swap3A_125, %swap3A_126, %swap3A_127], %swap3A_130 {strides = array<i32>} : memref<2x4x128xi32, #tpu.memory_space<vmem>>, vector<1x1x16xi32>,
    %add3A_131 = arith.constant 300000 : i32
    %add3A_132 = vector.broadcast %add3A_131 : i32 to vector<16xi32>
    %add3A_133 = arith.addi %get3A_97, %add3A_132 : vector<16xi32>
    %swap3A_134 = arith.constant 0 : i32
    %swap3A_135 = arith.constant 3 : i32
    %swap3A_136 = arith.index_cast %swap3A_134 : i32 to index
    %swap3A_137 = arith.index_cast %swap3A_135 : i32 to index
    %swap3A_138 = arith.constant 32 : index
    %swap3A_139 = tpu.vector_load %arg8[%swap3A_136, %swap3A_137, %swap3A_138] {strides = array<i32>} : memref<2x4x128xi32, #tpu.memory_space<vmem>>, vector<1x1x16xi32>,
    %swap3A_140 = vector.shape_cast %swap3A_139 : vector<1x1x16xi32> to vector<16xi32>
    %swap3A_141 = vector.shape_cast %add3A_133 : vector<16xi32> to vector<1x1x16xi32>
    tpu.vector_store %arg8[%swap3A_136, %swap3A_137, %swap3A_138], %swap3A_141 {strides = array<i32>} : memref<2x4x128xi32, #tpu.memory_space<vmem>>, vector<1x1x16xi32>,
    %get3A_142 = arith.constant 48 : index
    %get3A_143 = tpu.vector_load %arg6[%get3A_142] {strides = array<i32>} : memref<512xi32, #tpu.memory_space<vmem>>, vector<16xi32>,
    %get3A_144 = vector.shape_cast %get3A_143 : vector<16xi32> to vector<16xi32>
    %add3A_145 = arith.constant 0 : i32
    %add3A_146 = vector.broadcast %add3A_145 : i32 to vector<16xi32>
    %add3A_147 = arith.addi %get3A_144, %add3A_146 : vector<16xi32>
    %swap3A_148 = arith.constant 0 : i32
    %swap3A_149 = arith.constant 0 : i32
    %swap3A_150 = arith.index_cast %swap3A_148 : i32 to index
    %swap3A_151 = arith.index_cast %swap3A_149 : i32 to index
    %swap3A_152 = arith.constant 48 : index
    %swap3A_153 = tpu.vector_load %arg8[%swap3A_150, %swap3A_151, %swap3A_152] {strides = array<i32>} : memref<2x4x128xi32, #tpu.memory_space<vmem>>, vector<1x1x16xi32>,
    %swap3A_154 = vector.shape_cast %swap3A_153 : vector<1x1x16xi32> to vector<16xi32>
    %swap3A_155 = vector.shape_cast %add3A_147 : vector<16xi32> to vector<1x1x16xi32>
    tpu.vector_store %arg8[%swap3A_150, %swap3A_151, %swap3A_152], %swap3A_155 {strides = array<i32>} : memref<2x4x128xi32, #tpu.memory_space<vmem>>, vector<1x1x16xi32>,
    %add3A_156 = arith.constant 100000 : i32
    %add3A_157 = vector.broadcast %add3A_156 : i32 to vector<16xi32>
    %add3A_158 = arith.addi %get3A_144, %add3A_157 : vector<16xi32>
    %swap3A_159 = arith.constant 0 : i32
    %swap3A_160 = arith.constant 1 : i32
    %swap3A_161 = arith.index_cast %swap3A_159 : i32 to index
    %swap3A_162 = arith.index_cast %swap3A_160 : i32 to index
    %swap3A_163 = arith.constant 48 : index
    %swap3A_164 = tpu.vector_load %arg8[%swap3A_161, %swap3A_162, %swap3A_163] {strides = array<i32>} : memref<2x4x128xi32, #tpu.memory_space<vmem>>, vector<1x1x16xi32>,
    %swap3A_165 = vector.shape_cast %swap3A_164 : vector<1x1x16xi32> to vector<16xi32>
    %swap3A_166 = vector.shape_cast %add3A_158 : vector<16xi32> to vector<1x1x16xi32>
    tpu.vector_store %arg8[%swap3A_161, %swap3A_162, %swap3A_163], %swap3A_166 {strides = array<i32>} : memref<2x4x128xi32, #tpu.memory_space<vmem>>, vector<1x1x16xi32>,
    %add3A_167 = arith.constant 200000 : i32
    %add3A_168 = vector.broadcast %add3A_167 : i32 to vector<16xi32>
    %add3A_169 = arith.addi %get3A_144, %add3A_168 : vector<16xi32>
    %swap3A_170 = arith.constant 0 : i32
    %swap3A_171 = arith.constant 2 : i32
    %swap3A_172 = arith.index_cast %swap3A_170 : i32 to index
    %swap3A_173 = arith.index_cast %swap3A_171 : i32 to index
    %swap3A_174 = arith.constant 48 : index
    %swap3A_175 = tpu.vector_load %arg8[%swap3A_172, %swap3A_173, %swap3A_174] {strides = array<i32>} : memref<2x4x128xi32, #tpu.memory_space<vmem>>, vector<1x1x16xi32>,
    %swap3A_176 = vector.shape_cast %swap3A_175 : vector<1x1x16xi32> to vector<16xi32>
    %swap3A_177 = vector.shape_cast %add3A_169 : vector<16xi32> to vector<1x1x16xi32>
    tpu.vector_store %arg8[%swap3A_172, %swap3A_173, %swap3A_174], %swap3A_177 {strides = array<i32>} : memref<2x4x128xi32, #tpu.memory_space<vmem>>, vector<1x1x16xi32>,
    %add3A_178 = arith.constant 300000 : i32
    %add3A_179 = vector.broadcast %add3A_178 : i32 to vector<16xi32>
    %add3A_180 = arith.addi %get3A_144, %add3A_179 : vector<16xi32>
    %swap3A_181 = arith.constant 0 : i32
    %swap3A_182 = arith.constant 3 : i32
    %swap3A_183 = arith.index_cast %swap3A_181 : i32 to index
    %swap3A_184 = arith.index_cast %swap3A_182 : i32 to index
    %swap3A_185 = arith.constant 48 : index
    %swap3A_186 = tpu.vector_load %arg8[%swap3A_183, %swap3A_184, %swap3A_185] {strides = array<i32>} : memref<2x4x128xi32, #tpu.memory_space<vmem>>, vector<1x1x16xi32>,
    %swap3A_187 = vector.shape_cast %swap3A_186 : vector<1x1x16xi32> to vector<16xi32>
    %swap3A_188 = vector.shape_cast %add3A_180 : vector<16xi32> to vector<1x1x16xi32>
    tpu.vector_store %arg8[%swap3A_183, %swap3A_184, %swap3A_185], %swap3A_188 {strides = array<i32>} : memref<2x4x128xi32, #tpu.memory_space<vmem>>, vector<1x1x16xi32>,
    %get3A_189 = arith.constant 64 : index
    %get3A_190 = tpu.vector_load %arg6[%get3A_189] {strides = array<i32>} : memref<512xi32, #tpu.memory_space<vmem>>, vector<16xi32>,
    %get3A_191 = vector.shape_cast %get3A_190 : vector<16xi32> to vector<16xi32>
    %add3A_192 = arith.constant 0 : i32
    %add3A_193 = vector.broadcast %add3A_192 : i32 to vector<16xi32>
    %add3A_194 = arith.addi %get3A_191, %add3A_193 : vector<16xi32>
    %swap3A_195 = arith.constant 0 : i32
    %swap3A_196 = arith.constant 0 : i32
    %swap3A_197 = arith.index_cast %swap3A_195 : i32 to index
    %swap3A_198 = arith.index_cast %swap3A_196 : i32 to index
    %swap3A_199 = arith.constant 64 : index
    %swap3A_200 = tpu.vector_load %arg8[%swap3A_197, %swap3A_198, %swap3A_199] {strides = array<i32>} : memref<2x4x128xi32, #tpu.memory_space<vmem>>, vector<1x1x16xi32>,
    %swap3A_201 = vector.shape_cast %swap3A_200 : vector<1x1x16xi32> to vector<16xi32>
    %swap3A_202 = vector.shape_cast %add3A_194 : vector<16xi32> to vector<1x1x16xi32>
    tpu.vector_store %arg8[%swap3A_197, %swap3A_198, %swap3A_199], %swap3A_202 {strides = array<i32>} : memref<2x4x128xi32, #tpu.memory_space<vmem>>, vector<1x1x16xi32>,
    %add3A_203 = arith.constant 100000 : i32
    %add3A_204 = vector.broadcast %add3A_203 : i32 to vector<16xi32>
    %add3A_205 = arith.addi %get3A_191, %add3A_204 : vector<16xi32>
    %swap3A_206 = arith.constant 0 : i32
    %swap3A_207 = arith.constant 1 : i32
    %swap3A_208 = arith.index_cast %swap3A_206 : i32 to index
    %swap3A_209 = arith.index_cast %swap3A_207 : i32 to index
    %swap3A_210 = arith.constant 64 : index
    %swap3A_211 = tpu.vector_load %arg8[%swap3A_208, %swap3A_209, %swap3A_210] {strides = array<i32>} : memref<2x4x128xi32, #tpu.memory_space<vmem>>, vector<1x1x16xi32>,
    %swap3A_212 = vector.shape_cast %swap3A_211 : vector<1x1x16xi32> to vector<16xi32>
    %swap3A_213 = vector.shape_cast %add3A_205 : vector<16xi32> to vector<1x1x16xi32>
    tpu.vector_store %arg8[%swap3A_208, %swap3A_209, %swap3A_210], %swap3A_213 {strides = array<i32>} : memref<2x4x128xi32, #tpu.memory_space<vmem>>, vector<1x1x16xi32>,
    %add3A_214 = arith.constant 200000 : i32
    %add3A_215 = vector.broadcast %add3A_214 : i32 to vector<16xi32>
    %add3A_216 = arith.addi %get3A_191, %add3A_215 : vector<16xi32>
    %swap3A_217 = arith.constant 0 : i32
    %swap3A_218 = arith.constant 2 : i32
    %swap3A_219 = arith.index_cast %swap3A_217 : i32 to index
    %swap3A_220 = arith.index_cast %swap3A_218 : i32 to index
    %swap3A_221 = arith.constant 64 : index
    %swap3A_222 = tpu.vector_load %arg8[%swap3A_219, %swap3A_220, %swap3A_221] {strides = array<i32>} : memref<2x4x128xi32, #tpu.memory_space<vmem>>, vector<1x1x16xi32>,
    %swap3A_223 = vector.shape_cast %swap3A_222 : vector<1x1x16xi32> to vector<16xi32>
    %swap3A_224 = vector.shape_cast %add3A_216 : vector<16xi32> to vector<1x1x16xi32>
    tpu.vector_store %arg8[%swap3A_219, %swap3A_220, %swap3A_221], %swap3A_224 {strides = array<i32>} : memref<2x4x128xi32, #tpu.memory_space<vmem>>, vector<1x1x16xi32>,
    %add3A_225 = arith.constant 300000 : i32
    %add3A_226 = vector.broadcast %add3A_225 : i32 to vector<16xi32>
    %add3A_227 = arith.addi %get3A_191, %add3A_226 : vector<16xi32>
    %swap3A_228 = arith.constant 0 : i32
    %swap3A_229 = arith.constant 3 : i32
    %swap3A_230 = arith.index_cast %swap3A_228 : i32 to index
    %swap3A_231 = arith.index_cast %swap3A_229 : i32 to index
    %swap3A_232 = arith.constant 64 : index
    %swap3A_233 = tpu.vector_load %arg8[%swap3A_230, %swap3A_231, %swap3A_232] {strides = array<i32>} : memref<2x4x128xi32, #tpu.memory_space<vmem>>, vector<1x1x16xi32>,
    %swap3A_234 = vector.shape_cast %swap3A_233 : vector<1x1x16xi32> to vector<16xi32>
    %swap3A_235 = vector.shape_cast %add3A_227 : vector<16xi32> to vector<1x1x16xi32>
    tpu.vector_store %arg8[%swap3A_230, %swap3A_231, %swap3A_232], %swap3A_235 {strides = array<i32>} : memref<2x4x128xi32, #tpu.memory_space<vmem>>, vector<1x1x16xi32>,
    %get3A_236 = arith.constant 80 : index
    %get3A_237 = tpu.vector_load %arg6[%get3A_236] {strides = array<i32>} : memref<512xi32, #tpu.memory_space<vmem>>, vector<16xi32>,
    %get3A_238 = vector.shape_cast %get3A_237 : vector<16xi32> to vector<16xi32>
    %add3A_239 = arith.constant 0 : i32
    %add3A_240 = vector.broadcast %add3A_239 : i32 to vector<16xi32>
    %add3A_241 = arith.addi %get3A_238, %add3A_240 : vector<16xi32>
    %swap3A_242 = arith.constant 0 : i32
    %swap3A_243 = arith.constant 0 : i32
    %swap3A_244 = arith.index_cast %swap3A_242 : i32 to index
    %swap3A_245 = arith.index_cast %swap3A_243 : i32 to index
    %swap3A_246 = arith.constant 80 : index
    %swap3A_247 = tpu.vector_load %arg8[%swap3A_244, %swap3A_245, %swap3A_246] {strides = array<i32>} : memref<2x4x128xi32, #tpu.memory_space<vmem>>, vector<1x1x16xi32>,
    %swap3A_248 = vector.shape_cast %swap3A_247 : vector<1x1x16xi32> to vector<16xi32>
    %swap3A_249 = vector.shape_cast %add3A_241 : vector<16xi32> to vector<1x1x16xi32>
    tpu.vector_store %arg8[%swap3A_244, %swap3A_245, %swap3A_246], %swap3A_249 {strides = array<i32>} : memref<2x4x128xi32, #tpu.memory_space<vmem>>, vector<1x1x16xi32>,
    %add3A_250 = arith.constant 100000 : i32
    %add3A_251 = vector.broadcast %add3A_250 : i32 to vector<16xi32>
    %add3A_252 = arith.addi %get3A_238, %add3A_251 : vector<16xi32>
    %swap3A_253 = arith.constant 0 : i32
    %swap3A_254 = arith.constant 1 : i32
    %swap3A_255 = arith.index_cast %swap3A_253 : i32 to index
    %swap3A_256 = arith.index_cast %swap3A_254 : i32 to index
    %swap3A_257 = arith.constant 80 : index
    %swap3A_258 = tpu.vector_load %arg8[%swap3A_255, %swap3A_256, %swap3A_257] {strides = array<i32>} : memref<2x4x128xi32, #tpu.memory_space<vmem>>, vector<1x1x16xi32>,
    %swap3A_259 = vector.shape_cast %swap3A_258 : vector<1x1x16xi32> to vector<16xi32>
    %swap3A_260 = vector.shape_cast %add3A_252 : vector<16xi32> to vector<1x1x16xi32>
    tpu.vector_store %arg8[%swap3A_255, %swap3A_256, %swap3A_257], %swap3A_260 {strides = array<i32>} : memref<2x4x128xi32, #tpu.memory_space<vmem>>, vector<1x1x16xi32>,
    %add3A_261 = arith.constant 200000 : i32
    %add3A_262 = vector.broadcast %add3A_261 : i32 to vector<16xi32>
    %add3A_263 = arith.addi %get3A_238, %add3A_262 : vector<16xi32>
    %swap3A_264 = arith.constant 0 : i32
    %swap3A_265 = arith.constant 2 : i32
    %swap3A_266 = arith.index_cast %swap3A_264 : i32 to index
    %swap3A_267 = arith.index_cast %swap3A_265 : i32 to index
    %swap3A_268 = arith.constant 80 : index
    %swap3A_269 = tpu.vector_load %arg8[%swap3A_266, %swap3A_267, %swap3A_268] {strides = array<i32>} : memref<2x4x128xi32, #tpu.memory_space<vmem>>, vector<1x1x16xi32>,
    %swap3A_270 = vector.shape_cast %swap3A_269 : vector<1x1x16xi32> to vector<16xi32>
    %swap3A_271 = vector.shape_cast %add3A_263 : vector<16xi32> to vector<1x1x16xi32>
    tpu.vector_store %arg8[%swap3A_266, %swap3A_267, %swap3A_268], %swap3A_271 {strides = array<i32>} : memref<2x4x128xi32, #tpu.memory_space<vmem>>, vector<1x1x16xi32>,
    %add3A_272 = arith.constant 300000 : i32
    %add3A_273 = vector.broadcast %add3A_272 : i32 to vector<16xi32>
    %add3A_274 = arith.addi %get3A_238, %add3A_273 : vector<16xi32>
    %swap3A_275 = arith.constant 0 : i32
    %swap3A_276 = arith.constant 3 : i32
    %swap3A_277 = arith.index_cast %swap3A_275 : i32 to index
    %swap3A_278 = arith.index_cast %swap3A_276 : i32 to index
    %swap3A_279 = arith.constant 80 : index
    %swap3A_280 = tpu.vector_load %arg8[%swap3A_277, %swap3A_278, %swap3A_279] {strides = array<i32>} : memref<2x4x128xi32, #tpu.memory_space<vmem>>, vector<1x1x16xi32>,
    %swap3A_281 = vector.shape_cast %swap3A_280 : vector<1x1x16xi32> to vector<16xi32>
    %swap3A_282 = vector.shape_cast %add3A_274 : vector<16xi32> to vector<1x1x16xi32>
    tpu.vector_store %arg8[%swap3A_277, %swap3A_278, %swap3A_279], %swap3A_282 {strides = array<i32>} : memref<2x4x128xi32, #tpu.memory_space<vmem>>, vector<1x1x16xi32>,
    %get3A_283 = arith.constant 96 : index
    %get3A_284 = tpu.vector_load %arg6[%get3A_283] {strides = array<i32>} : memref<512xi32, #tpu.memory_space<vmem>>, vector<16xi32>,
    %get3A_285 = vector.shape_cast %get3A_284 : vector<16xi32> to vector<16xi32>
    %add3A_286 = arith.constant 0 : i32
    %add3A_287 = vector.broadcast %add3A_286 : i32 to vector<16xi32>
    %add3A_288 = arith.addi %get3A_285, %add3A_287 : vector<16xi32>
    %swap3A_289 = arith.constant 0 : i32
    %swap3A_290 = arith.constant 0 : i32
    %swap3A_291 = arith.index_cast %swap3A_289 : i32 to index
    %swap3A_292 = arith.index_cast %swap3A_290 : i32 to index
    %swap3A_293 = arith.constant 96 : index
    %swap3A_294 = tpu.vector_load %arg8[%swap3A_291, %swap3A_292, %swap3A_293] {strides = array<i32>} : memref<2x4x128xi32, #tpu.memory_space<vmem>>, vector<1x1x16xi32>,
    %swap3A_295 = vector.shape_cast %swap3A_294 : vector<1x1x16xi32> to vector<16xi32>
    %swap3A_296 = vector.shape_cast %add3A_288 : vector<16xi32> to vector<1x1x16xi32>
    tpu.vector_store %arg8[%swap3A_291, %swap3A_292, %swap3A_293], %swap3A_296 {strides = array<i32>} : memref<2x4x128xi32, #tpu.memory_space<vmem>>, vector<1x1x16xi32>,
    %add3A_297 = arith.constant 100000 : i32
    %add3A_298 = vector.broadcast %add3A_297 : i32 to vector<16xi32>
    %add3A_299 = arith.addi %get3A_285, %add3A_298 : vector<16xi32>
    %swap3A_300 = arith.constant 0 : i32
    %swap3A_301 = arith.constant 1 : i32
    %swap3A_302 = arith.index_cast %swap3A_300 : i32 to index
    %swap3A_303 = arith.index_cast %swap3A_301 : i32 to index
    %swap3A_304 = arith.constant 96 : index
    %swap3A_305 = tpu.vector_load %arg8[%swap3A_302, %swap3A_303, %swap3A_304] {strides = array<i32>} : memref<2x4x128xi32, #tpu.memory_space<vmem>>, vector<1x1x16xi32>,
    %swap3A_306 = vector.shape_cast %swap3A_305 : vector<1x1x16xi32> to vector<16xi32>
    %swap3A_307 = vector.shape_cast %add3A_299 : vector<16xi32> to vector<1x1x16xi32>
    tpu.vector_store %arg8[%swap3A_302, %swap3A_303, %swap3A_304], %swap3A_307 {strides = array<i32>} : memref<2x4x128xi32, #tpu.memory_space<vmem>>, vector<1x1x16xi32>,
    %add3A_308 = arith.constant 200000 : i32
    %add3A_309 = vector.broadcast %add3A_308 : i32 to vector<16xi32>
    %add3A_310 = arith.addi %get3A_285, %add3A_309 : vector<16xi32>
    %swap3A_311 = arith.constant 0 : i32
    %swap3A_312 = arith.constant 2 : i32
    %swap3A_313 = arith.index_cast %swap3A_311 : i32 to index
    %swap3A_314 = arith.index_cast %swap3A_312 : i32 to index
    %swap3A_315 = arith.constant 96 : index
    %swap3A_316 = tpu.vector_load %arg8[%swap3A_313, %swap3A_314, %swap3A_315] {strides = array<i32>} : memref<2x4x128xi32, #tpu.memory_space<vmem>>, vector<1x1x16xi32>,
    %swap3A_317 = vector.shape_cast %swap3A_316 : vector<1x1x16xi32> to vector<16xi32>
    %swap3A_318 = vector.shape_cast %add3A_310 : vector<16xi32> to vector<1x1x16xi32>
    tpu.vector_store %arg8[%swap3A_313, %swap3A_314, %swap3A_315], %swap3A_318 {strides = array<i32>} : memref<2x4x128xi32, #tpu.memory_space<vmem>>, vector<1x1x16xi32>,
    %add3A_319 = arith.constant 300000 : i32
    %add3A_320 = vector.broadcast %add3A_319 : i32 to vector<16xi32>
    %add3A_321 = arith.addi %get3A_285, %add3A_320 : vector<16xi32>
    %swap3A_322 = arith.constant 0 : i32
    %swap3A_323 = arith.constant 3 : i32
    %swap3A_324 = arith.index_cast %swap3A_322 : i32 to index
    %swap3A_325 = arith.index_cast %swap3A_323 : i32 to index
    %swap3A_326 = arith.constant 96 : index
    %swap3A_327 = tpu.vector_load %arg8[%swap3A_324, %swap3A_325, %swap3A_326] {strides = array<i32>} : memref<2x4x128xi32, #tpu.memory_space<vmem>>, vector<1x1x16xi32>,
    %swap3A_328 = vector.shape_cast %swap3A_327 : vector<1x1x16xi32> to vector<16xi32>
    %swap3A_329 = vector.shape_cast %add3A_321 : vector<16xi32> to vector<1x1x16xi32>
    tpu.vector_store %arg8[%swap3A_324, %swap3A_325, %swap3A_326], %swap3A_329 {strides = array<i32>} : memref<2x4x128xi32, #tpu.memory_space<vmem>>, vector<1x1x16xi32>,
    %get3A_330 = arith.constant 112 : index
    %get3A_331 = tpu.vector_load %arg6[%get3A_330] {strides = array<i32>} : memref<512xi32, #tpu.memory_space<vmem>>, vector<16xi32>,
    %get3A_332 = vector.shape_cast %get3A_331 : vector<16xi32> to vector<16xi32>
    %add3A_333 = arith.constant 0 : i32
    %add3A_334 = vector.broadcast %add3A_333 : i32 to vector<16xi32>
    %add3A_335 = arith.addi %get3A_332, %add3A_334 : vector<16xi32>
    %swap3A_336 = arith.constant 0 : i32
    %swap3A_337 = arith.constant 0 : i32
    %swap3A_338 = arith.index_cast %swap3A_336 : i32 to index
    %swap3A_339 = arith.index_cast %swap3A_337 : i32 to index
    %swap3A_340 = arith.constant 112 : index
    %swap3A_341 = tpu.vector_load %arg8[%swap3A_338, %swap3A_339, %swap3A_340] {strides = array<i32>} : memref<2x4x128xi32, #tpu.memory_space<vmem>>, vector<1x1x16xi32>,
    %swap3A_342 = vector.shape_cast %swap3A_341 : vector<1x1x16xi32> to vector<16xi32>
    %swap3A_343 = vector.shape_cast %add3A_335 : vector<16xi32> to vector<1x1x16xi32>
    tpu.vector_store %arg8[%swap3A_338, %swap3A_339, %swap3A_340], %swap3A_343 {strides = array<i32>} : memref<2x4x128xi32, #tpu.memory_space<vmem>>, vector<1x1x16xi32>,
    %add3A_344 = arith.constant 100000 : i32
    %add3A_345 = vector.broadcast %add3A_344 : i32 to vector<16xi32>
    %add3A_346 = arith.addi %get3A_332, %add3A_345 : vector<16xi32>
    %swap3A_347 = arith.constant 0 : i32
    %swap3A_348 = arith.constant 1 : i32
    %swap3A_349 = arith.index_cast %swap3A_347 : i32 to index
    %swap3A_350 = arith.index_cast %swap3A_348 : i32 to index
    %swap3A_351 = arith.constant 112 : index
    %swap3A_352 = tpu.vector_load %arg8[%swap3A_349, %swap3A_350, %swap3A_351] {strides = array<i32>} : memref<2x4x128xi32, #tpu.memory_space<vmem>>, vector<1x1x16xi32>,
    %swap3A_353 = vector.shape_cast %swap3A_352 : vector<1x1x16xi32> to vector<16xi32>
    %swap3A_354 = vector.shape_cast %add3A_346 : vector<16xi32> to vector<1x1x16xi32>
    tpu.vector_store %arg8[%swap3A_349, %swap3A_350, %swap3A_351], %swap3A_354 {strides = array<i32>} : memref<2x4x128xi32, #tpu.memory_space<vmem>>, vector<1x1x16xi32>,
    %add3A_355 = arith.constant 200000 : i32
    %add3A_356 = vector.broadcast %add3A_355 : i32 to vector<16xi32>
    %add3A_357 = arith.addi %get3A_332, %add3A_356 : vector<16xi32>
    %swap3A_358 = arith.constant 0 : i32
    %swap3A_359 = arith.constant 2 : i32
    %swap3A_360 = arith.index_cast %swap3A_358 : i32 to index
    %swap3A_361 = arith.index_cast %swap3A_359 : i32 to index
    %swap3A_362 = arith.constant 112 : index
    %swap3A_363 = tpu.vector_load %arg8[%swap3A_360, %swap3A_361, %swap3A_362] {strides = array<i32>} : memref<2x4x128xi32, #tpu.memory_space<vmem>>, vector<1x1x16xi32>,
    %swap3A_364 = vector.shape_cast %swap3A_363 : vector<1x1x16xi32> to vector<16xi32>
    %swap3A_365 = vector.shape_cast %add3A_357 : vector<16xi32> to vector<1x1x16xi32>
    tpu.vector_store %arg8[%swap3A_360, %swap3A_361, %swap3A_362], %swap3A_365 {strides = array<i32>} : memref<2x4x128xi32, #tpu.memory_space<vmem>>, vector<1x1x16xi32>,
    %add3A_366 = arith.constant 300000 : i32
    %add3A_367 = vector.broadcast %add3A_366 : i32 to vector<16xi32>
    %add3A_368 = arith.addi %get3A_332, %add3A_367 : vector<16xi32>
    %swap3A_369 = arith.constant 0 : i32
    %swap3A_370 = arith.constant 3 : i32
    %swap3A_371 = arith.index_cast %swap3A_369 : i32 to index
    %swap3A_372 = arith.index_cast %swap3A_370 : i32 to index
    %swap3A_373 = arith.constant 112 : index
    %swap3A_374 = tpu.vector_load %arg8[%swap3A_371, %swap3A_372, %swap3A_373] {strides = array<i32>} : memref<2x4x128xi32, #tpu.memory_space<vmem>>, vector<1x1x16xi32>,
    %swap3A_375 = vector.shape_cast %swap3A_374 : vector<1x1x16xi32> to vector<16xi32>
    %swap3A_376 = vector.shape_cast %add3A_368 : vector<16xi32> to vector<1x1x16xi32>
    tpu.vector_store %arg8[%swap3A_371, %swap3A_372, %swap3A_373], %swap3A_376 {strides = array<i32>} : memref<2x4x128xi32, #tpu.memory_space<vmem>>, vector<1x1x16xi32>,
    %dma_start3A = arith.constant 0 : i32
    %dma_start3A_377 = arith.constant 0 : i32
    %dma_start3A_378 = arith.constant 0 : i32
    %dma_start3A_379 = arith.constant 0 : i32
    %dma_start3A_380 = tpu.memref_slice %arg7[%dma_start3A, %dma_start3A_378, %dma_start3A_379] : memref<2x128x128xi32, #tpu.memory_space<vmem>> -> memref<1x128x128xi32, #tpu.memory_space<vmem>>
    %dma_start3A_381 = tpu.memref_squeeze %dma_start3A_380 : memref<1x128x128xi32, #tpu.memory_space<vmem>> -> memref<128x128xi32, #tpu.memory_space<vmem>>
    %dma_start3A_382 = arith.constant 0 : i32
    %dma_start3A_383 = tpu.memref_slice %arg6[%dma_start3A_382] : memref<512xi32, #tpu.memory_space<vmem>> -> memref<128xi32, #tpu.memory_space<vmem>>
    %dma_start3A_384 = arith.constant 0 : i32
    %dma_start3A_385 = arith.constant 0 : i32
    %dma_start3A_386 = tpu.memref_slice %arg3[%dma_start3A_384, %dma_start3A_385] : memref<100000x128xi32, #tpu.memory_space<hbm>> -> memref<100000x128xi32, #tpu.memory_space<hbm>>
    %dma_start3A_387 = tpu.memref_slice %arg11[%dma_start3A_377] : memref<2x!tpu.dma_semaphore, #tpu.memory_space<semaphore_mem>> -> memref<1x!tpu.dma_semaphore, #tpu.memory_space<semaphore_mem>>
    %dma_start3A_388 = tpu.memref_squeeze %dma_start3A_387 : memref<1x!tpu.dma_semaphore, #tpu.memory_space<semaphore_mem>> -> memref<!tpu.dma_semaphore, #tpu.memory_space<semaphore_mem>>
    tpu.enqueue_indirect_dma source(%dma_start3A_386 : memref<100000x128xi32, #tpu.memory_space<hbm>>) target(%dma_start3A_381 : memref<128x128xi32, #tpu.memory_space<vmem>>) offsets(%dma_start3A_383 : memref<128xi32, #tpu.memory_space<vmem>>) semaphore(%dma_start3A_388 : memref<!tpu.dma_semaphore, #tpu.memory_space<semaphore_mem>>)
    %dma_start3A_389 = arith.constant 0 : i32
    %dma_start3A_390 = arith.constant 0 : i32
    %dma_start3A_391 = arith.constant 0 : i32
    %dma_start3A_392 = arith.constant 0 : i32
    %dma_start3A_393 = arith.constant 0 : i32
    %dma_start3A_394 = tpu.memref_slice %arg9[%dma_start3A_391, %dma_start3A_393] : memref<2x512xf32, #tpu.memory_space<vmem>> -> memref<1x128xf32, #tpu.memory_space<vmem>>
    %dma_start3A_395 = tpu.memref_squeeze %dma_start3A_394 : memref<1x128xf32, #tpu.memory_space<vmem>> -> memref<128xf32, #tpu.memory_space<vmem>>
    %dma_start3A_396 = arith.constant 0 : i32
    %dma_start3A_397 = tpu.memref_slice %arg8[%dma_start3A_389, %dma_start3A_390, %dma_start3A_396] : memref<2x4x128xi32, #tpu.memory_space<vmem>> -> memref<1x1x128xi32, #tpu.memory_space<vmem>>
    %dma_start3A_398 = tpu.memref_squeeze %dma_start3A_397 : memref<1x1x128xi32, #tpu.memory_space<vmem>> -> memref<128xi32, #tpu.memory_space<vmem>>
    %dma_start3A_399 = arith.constant 0 : i32
    %dma_start3A_400 = tpu.memref_slice %arg4[%dma_start3A_399] : memref<400000xf32, #tpu.memory_space<hbm>> -> memref<400000xf32, #tpu.memory_space<hbm>>
    %dma_start3A_401 = tpu.memref_slice %arg11[%dma_start3A_392] : memref<2x!tpu.dma_semaphore, #tpu.memory_space<semaphore_mem>> -> memref<1x!tpu.dma_semaphore, #tpu.memory_space<semaphore_mem>>
    %dma_start3A_402 = tpu.memref_squeeze %dma_start3A_401 : memref<1x!tpu.dma_semaphore, #tpu.memory_space<semaphore_mem>> -> memref<!tpu.dma_semaphore, #tpu.memory_space<semaphore_mem>>
    tpu.enqueue_indirect_dma source(%dma_start3A_400 : memref<400000xf32, #tpu.memory_space<hbm>>) target(%dma_start3A_395 : memref<128xf32, #tpu.memory_space<vmem>>) offsets(%dma_start3A_398 : memref<128xi32, #tpu.memory_space<vmem>>) semaphore(%dma_start3A_402 : memref<!tpu.dma_semaphore, #tpu.memory_space<semaphore_mem>>)
    %dma_start3A_403 = arith.constant 0 : i32
    %dma_start3A_404 = arith.constant 1 : i32
    %dma_start3A_405 = arith.constant 0 : i32
    %dma_start3A_406 = arith.constant 0 : i32
    %dma_start3A_407 = arith.constant 128 : i32
    %dma_start3A_408 = tpu.memref_slice %arg9[%dma_start3A_405, %dma_start3A_407] : memref<2x512xf32, #tpu.memory_space<vmem>> -> memref<1x128xf32, #tpu.memory_space<vmem>>
    %dma_start3A_409 = tpu.memref_squeeze %dma_start3A_408 : memref<1x128xf32, #tpu.memory_space<vmem>> -> memref<128xf32, #tpu.memory_space<vmem>>
    %dma_start3A_410 = arith.constant 0 : i32
    %dma_start3A_411 = tpu.memref_slice %arg8[%dma_start3A_403, %dma_start3A_404, %dma_start3A_410] : memref<2x4x128xi32, #tpu.memory_space<vmem>> -> memref<1x1x128xi32, #tpu.memory_space<vmem>>
    %dma_start3A_412 = tpu.memref_squeeze %dma_start3A_411 : memref<1x1x128xi32, #tpu.memory_space<vmem>> -> memref<128xi32, #tpu.memory_space<vmem>>
    %dma_start3A_413 = arith.constant 0 : i32
    %dma_start3A_414 = tpu.memref_slice %arg4[%dma_start3A_413] : memref<400000xf32, #tpu.memory_space<hbm>> -> memref<400000xf32, #tpu.memory_space<hbm>>
    %dma_start3A_415 = tpu.memref_slice %arg11[%dma_start3A_406] : memref<2x!tpu.dma_semaphore, #tpu.memory_space<semaphore_mem>> -> memref<1x!tpu.dma_semaphore, #tpu.memory_space<semaphore_mem>>
    %dma_start3A_416 = tpu.memref_squeeze %dma_start3A_415 : memref<1x!tpu.dma_semaphore, #tpu.memory_space<semaphore_mem>> -> memref<!tpu.dma_semaphore, #tpu.memory_space<semaphore_mem>>
    tpu.enqueue_indirect_dma source(%dma_start3A_414 : memref<400000xf32, #tpu.memory_space<hbm>>) target(%dma_start3A_409 : memref<128xf32, #tpu.memory_space<vmem>>) offsets(%dma_start3A_412 : memref<128xi32, #tpu.memory_space<vmem>>) semaphore(%dma_start3A_416 : memref<!tpu.dma_semaphore, #tpu.memory_space<semaphore_mem>>)
    %dma_start3A_417 = arith.constant 0 : i32
    %dma_start3A_418 = arith.constant 2 : i32
    %dma_start3A_419 = arith.constant 0 : i32
    %dma_start3A_420 = arith.constant 0 : i32
    %dma_start3A_421 = arith.constant 256 : i32
    %dma_start3A_422 = tpu.memref_slice %arg9[%dma_start3A_419, %dma_start3A_421] : memref<2x512xf32, #tpu.memory_space<vmem>> -> memref<1x128xf32, #tpu.memory_space<vmem>>
    %dma_start3A_423 = tpu.memref_squeeze %dma_start3A_422 : memref<1x128xf32, #tpu.memory_space<vmem>> -> memref<128xf32, #tpu.memory_space<vmem>>
    %dma_start3A_424 = arith.constant 0 : i32
    %dma_start3A_425 = tpu.memref_slice %arg8[%dma_start3A_417, %dma_start3A_418, %dma_start3A_424] : memref<2x4x128xi32, #tpu.memory_space<vmem>> -> memref<1x1x128xi32, #tpu.memory_space<vmem>>
    %dma_start3A_426 = tpu.memref_squeeze %dma_start3A_425 : memref<1x1x128xi32, #tpu.memory_space<vmem>> -> memref<128xi32, #tpu.memory_space<vmem>>
    %dma_start3A_427 = arith.constant 0 : i32
    %dma_start3A_428 = tpu.memref_slice %arg4[%dma_start3A_427] : memref<400000xf32, #tpu.memory_space<hbm>> -> memref<400000xf32, #tpu.memory_space<hbm>>
    %dma_start3A_429 = tpu.memref_slice %arg11[%dma_start3A_420] : memref<2x!tpu.dma_semaphore, #tpu.memory_space<semaphore_mem>> -> memref<1x!tpu.dma_semaphore, #tpu.memory_space<semaphore_mem>>
    %dma_start3A_430 = tpu.memref_squeeze %dma_start3A_429 : memref<1x!tpu.dma_semaphore, #tpu.memory_space<semaphore_mem>> -> memref<!tpu.dma_semaphore, #tpu.memory_space<semaphore_mem>>
    tpu.enqueue_indirect_dma source(%dma_start3A_428 : memref<400000xf32, #tpu.memory_space<hbm>>) target(%dma_start3A_423 : memref<128xf32, #tpu.memory_space<vmem>>) offsets(%dma_start3A_426 : memref<128xi32, #tpu.memory_space<vmem>>) semaphore(%dma_start3A_430 : memref<!tpu.dma_semaphore, #tpu.memory_space<semaphore_mem>>)
    %dma_start3A_431 = arith.constant 0 : i32
    %dma_start3A_432 = arith.constant 3 : i32
    %dma_start3A_433 = arith.constant 0 : i32
    %dma_start3A_434 = arith.constant 0 : i32
    %dma_start3A_435 = arith.constant 384 : i32
    %dma_start3A_436 = tpu.memref_slice %arg9[%dma_start3A_433, %dma_start3A_435] : memref<2x512xf32, #tpu.memory_space<vmem>> -> memref<1x128xf32, #tpu.memory_space<vmem>>
    %dma_start3A_437 = tpu.memref_squeeze %dma_start3A_436 : memref<1x128xf32, #tpu.memory_space<vmem>> -> memref<128xf32, #tpu.memory_space<vmem>>
    %dma_start3A_438 = arith.constant 0 : i32
    %dma_start3A_439 = tpu.memref_slice %arg8[%dma_start3A_431, %dma_start3A_432, %dma_start3A_438] : memref<2x4x128xi32, #tpu.memory_space<vmem>> -> memref<1x1x128xi32, #tpu.memory_space<vmem>>
    %dma_start3A_440 = tpu.memref_squeeze %dma_start3A_439 : memref<1x1x128xi32, #tpu.memory_space<vmem>> -> memref<128xi32, #tpu.memory_space<vmem>>
    %dma_start3A_441 = arith.constant 0 : i32
    %dma_start3A_442 = tpu.memref_slice %arg4[%dma_start3A_441] : memref<400000xf32, #tpu.memory_space<hbm>> -> memref<400000xf32, #tpu.memory_space<hbm>>
    %dma_start3A_443 = tpu.memref_slice %arg11[%dma_start3A_434] : memref<2x!tpu.dma_semaphore, #tpu.memory_space<semaphore_mem>> -> memref<1x!tpu.dma_semaphore, #tpu.memory_space<semaphore_mem>>
    %dma_start3A_444 = tpu.memref_squeeze %dma_start3A_443 : memref<1x!tpu.dma_semaphore, #tpu.memory_space<semaphore_mem>> -> memref<!tpu.dma_semaphore, #tpu.memory_space<semaphore_mem>>
    tpu.enqueue_indirect_dma source(%dma_start3A_442 : memref<400000xf32, #tpu.memory_space<hbm>>) target(%dma_start3A_437 : memref<128xf32, #tpu.memory_space<vmem>>) offsets(%dma_start3A_440 : memref<128xi32, #tpu.memory_space<vmem>>) semaphore(%dma_start3A_444 : memref<!tpu.dma_semaphore, #tpu.memory_space<semaphore_mem>>)
    %get3A_445 = arith.constant 128 : index
    %get3A_446 = tpu.vector_load %arg6[%get3A_445] {strides = array<i32>} : memref<512xi32, #tpu.memory_space<vmem>>, vector<16xi32>,
    %get3A_447 = vector.shape_cast %get3A_446 : vector<16xi32> to vector<16xi32>
    %add3A_448 = arith.constant 0 : i32
    %add3A_449 = vector.broadcast %add3A_448 : i32 to vector<16xi32>
    %add3A_450 = arith.addi %get3A_447, %add3A_449 : vector<16xi32>
    %swap3A_451 = arith.constant 1 : i32
    %swap3A_452 = arith.constant 0 : i32
    %swap3A_453 = arith.index_cast %swap3A_451 : i32 to index
    %swap3A_454 = arith.index_cast %swap3A_452 : i32 to index
    %swap3A_455 = arith.constant 0 : index
    %swap3A_456 = tpu.vector_load %arg8[%swap3A_453, %swap3A_454, %swap3A_455] {strides = array<i32>} : memref<2x4x128xi32, #tpu.memory_space<vmem>>, vector<1x1x16xi32>,
    %swap3A_457 = vector.shape_cast %swap3A_456 : vector<1x1x16xi32> to vector<16xi32>
    %swap3A_458 = vector.shape_cast %add3A_450 : vector<16xi32> to vector<1x1x16xi32>
    tpu.vector_store %arg8[%swap3A_453, %swap3A_454, %swap3A_455], %swap3A_458 {strides = array<i32>} : memref<2x4x128xi32, #tpu.memory_space<vmem>>, vector<1x1x16xi32>,
    %add3A_459 = arith.constant 100000 : i32
    %add3A_460 = vector.broadcast %add3A_459 : i32 to vector<16xi32>
    %add3A_461 = arith.addi %get3A_447, %add3A_460 : vector<16xi32>
    %swap3A_462 = arith.constant 1 : i32
    %swap3A_463 = arith.constant 1 : i32
    %swap3A_464 = arith.index_cast %swap3A_462 : i32 to index
    %swap3A_465 = arith.index_cast %swap3A_463 : i32 to index
    %swap3A_466 = arith.constant 0 : index
    %swap3A_467 = tpu.vector_load %arg8[%swap3A_464, %swap3A_465, %swap3A_466] {strides = array<i32>} : memref<2x4x128xi32, #tpu.memory_space<vmem>>, vector<1x1x16xi32>,
    %swap3A_468 = vector.shape_cast %swap3A_467 : vector<1x1x16xi32> to vector<16xi32>
    %swap3A_469 = vector.shape_cast %add3A_461 : vector<16xi32> to vector<1x1x16xi32>
    tpu.vector_store %arg8[%swap3A_464, %swap3A_465, %swap3A_466], %swap3A_469 {strides = array<i32>} : memref<2x4x128xi32, #tpu.memory_space<vmem>>, vector<1x1x16xi32>,
    %add3A_470 = arith.constant 200000 : i32
    %add3A_471 = vector.broadcast %add3A_470 : i32 to vector<16xi32>
    %add3A_472 = arith.addi %get3A_447, %add3A_471 : vector<16xi32>
    %swap3A_473 = arith.constant 1 : i32
    %swap3A_474 = arith.constant 2 : i32
    %swap3A_475 = arith.index_cast %swap3A_473 : i32 to index
    %swap3A_476 = arith.index_cast %swap3A_474 : i32 to index
    %swap3A_477 = arith.constant 0 : index
    %swap3A_478 = tpu.vector_load %arg8[%swap3A_475, %swap3A_476, %swap3A_477] {strides = array<i32>} : memref<2x4x128xi32, #tpu.memory_space<vmem>>, vector<1x1x16xi32>,
    %swap3A_479 = vector.shape_cast %swap3A_478 : vector<1x1x16xi32> to vector<16xi32>
    %swap3A_480 = vector.shape_cast %add3A_472 : vector<16xi32> to vector<1x1x16xi32>
    tpu.vector_store %arg8[%swap3A_475, %swap3A_476, %swap3A_477], %swap3A_480 {strides = array<i32>} : memref<2x4x128xi32, #tpu.memory_space<vmem>>, vector<1x1x16xi32>,
    %add3A_481 = arith.constant 300000 : i32
    %add3A_482 = vector.broadcast %add3A_481 : i32 to vector<16xi32>
    %add3A_483 = arith.addi %get3A_447, %add3A_482 : vector<16xi32>
    %swap3A_484 = arith.constant 1 : i32
    %swap3A_485 = arith.constant 3 : i32
    %swap3A_486 = arith.index_cast %swap3A_484 : i32 to index
    %swap3A_487 = arith.index_cast %swap3A_485 : i32 to index
    %swap3A_488 = arith.constant 0 : index
    %swap3A_489 = tpu.vector_load %arg8[%swap3A_486, %swap3A_487, %swap3A_488] {strides = array<i32>} : memref<2x4x128xi32, #tpu.memory_space<vmem>>, vector<1x1x16xi32>,
    %swap3A_490 = vector.shape_cast %swap3A_489 : vector<1x1x16xi32> to vector<16xi32>
    %swap3A_491 = vector.shape_cast %add3A_483 : vector<16xi32> to vector<1x1x16xi32>
    tpu.vector_store %arg8[%swap3A_486, %swap3A_487, %swap3A_488], %swap3A_491 {strides = array<i32>} : memref<2x4x128xi32, #tpu.memory_space<vmem>>, vector<1x1x16xi32>,
    %get3A_492 = arith.constant 144 : index
    %get3A_493 = tpu.vector_load %arg6[%get3A_492] {strides = array<i32>} : memref<512xi32, #tpu.memory_space<vmem>>, vector<16xi32>,
    %get3A_494 = vector.shape_cast %get3A_493 : vector<16xi32> to vector<16xi32>
    %add3A_495 = arith.constant 0 : i32
    %add3A_496 = vector.broadcast %add3A_495 : i32 to vector<16xi32>
    %add3A_497 = arith.addi %get3A_494, %add3A_496 : vector<16xi32>
    %swap3A_498 = arith.constant 1 : i32
    %swap3A_499 = arith.constant 0 : i32
    %swap3A_500 = arith.index_cast %swap3A_498 : i32 to index
    %swap3A_501 = arith.index_cast %swap3A_499 : i32 to index
    %swap3A_502 = arith.constant 16 : index
    %swap3A_503 = tpu.vector_load %arg8[%swap3A_500, %swap3A_501, %swap3A_502] {strides = array<i32>} : memref<2x4x128xi32, #tpu.memory_space<vmem>>, vector<1x1x16xi32>,
    %swap3A_504 = vector.shape_cast %swap3A_503 : vector<1x1x16xi32> to vector<16xi32>
    %swap3A_505 = vector.shape_cast %add3A_497 : vector<16xi32> to vector<1x1x16xi32>
    tpu.vector_store %arg8[%swap3A_500, %swap3A_501, %swap3A_502], %swap3A_505 {strides = array<i32>} : memref<2x4x128xi32, #tpu.memory_space<vmem>>, vector<1x1x16xi32>,
    %add3A_506 = arith.constant 100000 : i32
    %add3A_507 = vector.broadcast %add3A_506 : i32 to vector<16xi32>
    %add3A_508 = arith.addi %get3A_494, %add3A_507 : vector<16xi32>
    %swap3A_509 = arith.constant 1 : i32
    %swap3A_510 = arith.constant 1 : i32
    %swap3A_511 = arith.index_cast %swap3A_509 : i32 to index
    %swap3A_512 = arith.index_cast %swap3A_510 : i32 to index
    %swap3A_513 = arith.constant 16 : index
    %swap3A_514 = tpu.vector_load %arg8[%swap3A_511, %swap3A_512, %swap3A_513] {strides = array<i32>} : memref<2x4x128xi32, #tpu.memory_space<vmem>>, vector<1x1x16xi32>,
    %swap3A_515 = vector.shape_cast %swap3A_514 : vector<1x1x16xi32> to vector<16xi32>
    %swap3A_516 = vector.shape_cast %add3A_508 : vector<16xi32> to vector<1x1x16xi32>
    tpu.vector_store %arg8[%swap3A_511, %swap3A_512, %swap3A_513], %swap3A_516 {strides = array<i32>} : memref<2x4x128xi32, #tpu.memory_space<vmem>>, vector<1x1x16xi32>,
    %add3A_517 = arith.constant 200000 : i32
    %add3A_518 = vector.broadcast %add3A_517 : i32 to vector<16xi32>
    %add3A_519 = arith.addi %get3A_494, %add3A_518 : vector<16xi32>
    %swap3A_520 = arith.constant 1 : i32
    %swap3A_521 = arith.constant 2 : i32
    %swap3A_522 = arith.index_cast %swap3A_520 : i32 to index
    %swap3A_523 = arith.index_cast %swap3A_521 : i32 to index
    %swap3A_524 = arith.constant 16 : index
    %swap3A_525 = tpu.vector_load %arg8[%swap3A_522, %swap3A_523, %swap3A_524] {strides = array<i32>} : memref<2x4x128xi32, #tpu.memory_space<vmem>>, vector<1x1x16xi32>,
    %swap3A_526 = vector.shape_cast %swap3A_525 : vector<1x1x16xi32> to vector<16xi32>
    %swap3A_527 = vector.shape_cast %add3A_519 : vector<16xi32> to vector<1x1x16xi32>
    tpu.vector_store %arg8[%swap3A_522, %swap3A_523, %swap3A_524], %swap3A_527 {strides = array<i32>} : memref<2x4x128xi32, #tpu.memory_space<vmem>>, vector<1x1x16xi32>,
    %add3A_528 = arith.constant 300000 : i32
    %add3A_529 = vector.broadcast %add3A_528 : i32 to vector<16xi32>
    %add3A_530 = arith.addi %get3A_494, %add3A_529 : vector<16xi32>
    %swap3A_531 = arith.constant 1 : i32
    %swap3A_532 = arith.constant 3 : i32
    %swap3A_533 = arith.index_cast %swap3A_531 : i32 to index
    %swap3A_534 = arith.index_cast %swap3A_532 : i32 to index
    %swap3A_535 = arith.constant 16 : index
    %swap3A_536 = tpu.vector_load %arg8[%swap3A_533, %swap3A_534, %swap3A_535] {strides = array<i32>} : memref<2x4x128xi32, #tpu.memory_space<vmem>>, vector<1x1x16xi32>,
    %swap3A_537 = vector.shape_cast %swap3A_536 : vector<1x1x16xi32> to vector<16xi32>
    %swap3A_538 = vector.shape_cast %add3A_530 : vector<16xi32> to vector<1x1x16xi32>
    tpu.vector_store %arg8[%swap3A_533, %swap3A_534, %swap3A_535], %swap3A_538 {strides = array<i32>} : memref<2x4x128xi32, #tpu.memory_space<vmem>>, vector<1x1x16xi32>,
    %get3A_539 = arith.constant 160 : index
    %get3A_540 = tpu.vector_load %arg6[%get3A_539] {strides = array<i32>} : memref<512xi32, #tpu.memory_space<vmem>>, vector<16xi32>,
    %get3A_541 = vector.shape_cast %get3A_540 : vector<16xi32> to vector<16xi32>
    %add3A_542 = arith.constant 0 : i32
    %add3A_543 = vector.broadcast %add3A_542 : i32 to vector<16xi32>
    %add3A_544 = arith.addi %get3A_541, %add3A_543 : vector<16xi32>
    %swap3A_545 = arith.constant 1 : i32
    %swap3A_546 = arith.constant 0 : i32
    %swap3A_547 = arith.index_cast %swap3A_545 : i32 to index
    %swap3A_548 = arith.index_cast %swap3A_546 : i32 to index
    %swap3A_549 = arith.constant 32 : index
    %swap3A_550 = tpu.vector_load %arg8[%swap3A_547, %swap3A_548, %swap3A_549] {strides = array<i32>} : memref<2x4x128xi32, #tpu.memory_space<vmem>>, vector<1x1x16xi32>,
    %swap3A_551 = vector.shape_cast %swap3A_550 : vector<1x1x16xi32> to vector<16xi32>
    %swap3A_552 = vector.shape_cast %add3A_544 : vector<16xi32> to vector<1x1x16xi32>
    tpu.vector_store %arg8[%swap3A_547, %swap3A_548, %swap3A_549], %swap3A_552 {strides = array<i32>} : memref<2x4x128xi32, #tpu.memory_space<vmem>>, vector<1x1x16xi32>,
    %add3A_553 = arith.constant 100000 : i32
    %add3A_554 = vector.broadcast %add3A_553 : i32 to vector<16xi32>
    %add3A_555 = arith.addi %get3A_541, %add3A_554 : vector<16xi32>
    %swap3A_556 = arith.constant 1 : i32
    %swap3A_557 = arith.constant 1 : i32
    %swap3A_558 = arith.index_cast %swap3A_556 : i32 to index
    %swap3A_559 = arith.index_cast %swap3A_557 : i32 to index
    %swap3A_560 = arith.constant 32 : index
    %swap3A_561 = tpu.vector_load %arg8[%swap3A_558, %swap3A_559, %swap3A_560] {strides = array<i32>} : memref<2x4x128xi32, #tpu.memory_space<vmem>>, vector<1x1x16xi32>,
    %swap3A_562 = vector.shape_cast %swap3A_561 : vector<1x1x16xi32> to vector<16xi32>
    %swap3A_563 = vector.shape_cast %add3A_555 : vector<16xi32> to vector<1x1x16xi32>
    tpu.vector_store %arg8[%swap3A_558, %swap3A_559, %swap3A_560], %swap3A_563 {strides = array<i32>} : memref<2x4x128xi32, #tpu.memory_space<vmem>>, vector<1x1x16xi32>,
    %add3A_564 = arith.constant 200000 : i32
    %add3A_565 = vector.broadcast %add3A_564 : i32 to vector<16xi32>
    %add3A_566 = arith.addi %get3A_541, %add3A_565 : vector<16xi32>
    %swap3A_567 = arith.constant 1 : i32
    %swap3A_568 = arith.constant 2 : i32
    %swap3A_569 = arith.index_cast %swap3A_567 : i32 to index
    %swap3A_570 = arith.index_cast %swap3A_568 : i32 to index
    %swap3A_571 = arith.constant 32 : index
    %swap3A_572 = tpu.vector_load %arg8[%swap3A_569, %swap3A_570, %swap3A_571] {strides = array<i32>} : memref<2x4x128xi32, #tpu.memory_space<vmem>>, vector<1x1x16xi32>,
    %swap3A_573 = vector.shape_cast %swap3A_572 : vector<1x1x16xi32> to vector<16xi32>
    %swap3A_574 = vector.shape_cast %add3A_566 : vector<16xi32> to vector<1x1x16xi32>
    tpu.vector_store %arg8[%swap3A_569, %swap3A_570, %swap3A_571], %swap3A_574 {strides = array<i32>} : memref<2x4x128xi32, #tpu.memory_space<vmem>>, vector<1x1x16xi32>,
    %add3A_575 = arith.constant 300000 : i32
    %add3A_576 = vector.broadcast %add3A_575 : i32 to vector<16xi32>
    %add3A_577 = arith.addi %get3A_541, %add3A_576 : vector<16xi32>
    %swap3A_578 = arith.constant 1 : i32
    %swap3A_579 = arith.constant 3 : i32
    %swap3A_580 = arith.index_cast %swap3A_578 : i32 to index
    %swap3A_581 = arith.index_cast %swap3A_579 : i32 to index
    %swap3A_582 = arith.constant 32 : index
    %swap3A_583 = tpu.vector_load %arg8[%swap3A_580, %swap3A_581, %swap3A_582] {strides = array<i32>} : memref<2x4x128xi32, #tpu.memory_space<vmem>>, vector<1x1x16xi32>,
    %swap3A_584 = vector.shape_cast %swap3A_583 : vector<1x1x16xi32> to vector<16xi32>
    %swap3A_585 = vector.shape_cast %add3A_577 : vector<16xi32> to vector<1x1x16xi32>
    tpu.vector_store %arg8[%swap3A_580, %swap3A_581, %swap3A_582], %swap3A_585 {strides = array<i32>} : memref<2x4x128xi32, #tpu.memory_space<vmem>>, vector<1x1x16xi32>,
    %get3A_586 = arith.constant 176 : index
    %get3A_587 = tpu.vector_load %arg6[%get3A_586] {strides = array<i32>} : memref<512xi32, #tpu.memory_space<vmem>>, vector<16xi32>,
    %get3A_588 = vector.shape_cast %get3A_587 : vector<16xi32> to vector<16xi32>
    %add3A_589 = arith.constant 0 : i32
    %add3A_590 = vector.broadcast %add3A_589 : i32 to vector<16xi32>
    %add3A_591 = arith.addi %get3A_588, %add3A_590 : vector<16xi32>
    %swap3A_592 = arith.constant 1 : i32
    %swap3A_593 = arith.constant 0 : i32
    %swap3A_594 = arith.index_cast %swap3A_592 : i32 to index
    %swap3A_595 = arith.index_cast %swap3A_593 : i32 to index
    %swap3A_596 = arith.constant 48 : index
    %swap3A_597 = tpu.vector_load %arg8[%swap3A_594, %swap3A_595, %swap3A_596] {strides = array<i32>} : memref<2x4x128xi32, #tpu.memory_space<vmem>>, vector<1x1x16xi32>,
    %swap3A_598 = vector.shape_cast %swap3A_597 : vector<1x1x16xi32> to vector<16xi32>
    %swap3A_599 = vector.shape_cast %add3A_591 : vector<16xi32> to vector<1x1x16xi32>
    tpu.vector_store %arg8[%swap3A_594, %swap3A_595, %swap3A_596], %swap3A_599 {strides = array<i32>} : memref<2x4x128xi32, #tpu.memory_space<vmem>>, vector<1x1x16xi32>,
    %add3A_600 = arith.constant 100000 : i32
    %add3A_601 = vector.broadcast %add3A_600 : i32 to vector<16xi32>
    %add3A_602 = arith.addi %get3A_588, %add3A_601 : vector<16xi32>
    %swap3A_603 = arith.constant 1 : i32
    %swap3A_604 = arith.constant 1 : i32
    %swap3A_605 = arith.index_cast %swap3A_603 : i32 to index
    %swap3A_606 = arith.index_cast %swap3A_604 : i32 to index
    %swap3A_607 = arith.constant 48 : index
    %swap3A_608 = tpu.vector_load %arg8[%swap3A_605, %swap3A_606, %swap3A_607] {strides = array<i32>} : memref<2x4x128xi32, #tpu.memory_space<vmem>>, vector<1x1x16xi32>,
    %swap3A_609 = vector.shape_cast %swap3A_608 : vector<1x1x16xi32> to vector<16xi32>
    %swap3A_610 = vector.shape_cast %add3A_602 : vector<16xi32> to vector<1x1x16xi32>
    tpu.vector_store %arg8[%swap3A_605, %swap3A_606, %swap3A_607], %swap3A_610 {strides = array<i32>} : memref<2x4x128xi32, #tpu.memory_space<vmem>>, vector<1x1x16xi32>,
    %add3A_611 = arith.constant 200000 : i32
    %add3A_612 = vector.broadcast %add3A_611 : i32 to vector<16xi32>
    %add3A_613 = arith.addi %get3A_588, %add3A_612 : vector<16xi32>
    %swap3A_614 = arith.constant 1 : i32
    %swap3A_615 = arith.constant 2 : i32
    %swap3A_616 = arith.index_cast %swap3A_614 : i32 to index
    %swap3A_617 = arith.index_cast %swap3A_615 : i32 to index
    %swap3A_618 = arith.constant 48 : index
    %swap3A_619 = tpu.vector_load %arg8[%swap3A_616, %swap3A_617, %swap3A_618] {strides = array<i32>} : memref<2x4x128xi32, #tpu.memory_space<vmem>>, vector<1x1x16xi32>,
    %swap3A_620 = vector.shape_cast %swap3A_619 : vector<1x1x16xi32> to vector<16xi32>
    %swap3A_621 = vector.shape_cast %add3A_613 : vector<16xi32> to vector<1x1x16xi32>
    tpu.vector_store %arg8[%swap3A_616, %swap3A_617, %swap3A_618], %swap3A_621 {strides = array<i32>} : memref<2x4x128xi32, #tpu.memory_space<vmem>>, vector<1x1x16xi32>,
    %add3A_622 = arith.constant 300000 : i32
    %add3A_623 = vector.broadcast %add3A_622 : i32 to vector<16xi32>
    %add3A_624 = arith.addi %get3A_588, %add3A_623 : vector<16xi32>
    %swap3A_625 = arith.constant 1 : i32
    %swap3A_626 = arith.constant 3 : i32
    %swap3A_627 = arith.index_cast %swap3A_625 : i32 to index
    %swap3A_628 = arith.index_cast %swap3A_626 : i32 to index
    %swap3A_629 = arith.constant 48 : index
    %swap3A_630 = tpu.vector_load %arg8[%swap3A_627, %swap3A_628, %swap3A_629] {strides = array<i32>} : memref<2x4x128xi32, #tpu.memory_space<vmem>>, vector<1x1x16xi32>,
    %swap3A_631 = vector.shape_cast %swap3A_630 : vector<1x1x16xi32> to vector<16xi32>
    %swap3A_632 = vector.shape_cast %add3A_624 : vector<16xi32> to vector<1x1x16xi32>
    tpu.vector_store %arg8[%swap3A_627, %swap3A_628, %swap3A_629], %swap3A_632 {strides = array<i32>} : memref<2x4x128xi32, #tpu.memory_space<vmem>>, vector<1x1x16xi32>,
    %get3A_633 = arith.constant 192 : index
    %get3A_634 = tpu.vector_load %arg6[%get3A_633] {strides = array<i32>} : memref<512xi32, #tpu.memory_space<vmem>>, vector<16xi32>,
    %get3A_635 = vector.shape_cast %get3A_634 : vector<16xi32> to vector<16xi32>
    %add3A_636 = arith.constant 0 : i32
    %add3A_637 = vector.broadcast %add3A_636 : i32 to vector<16xi32>
    %add3A_638 = arith.addi %get3A_635, %add3A_637 : vector<16xi32>
    %swap3A_639 = arith.constant 1 : i32
    %swap3A_640 = arith.constant 0 : i32
    %swap3A_641 = arith.index_cast %swap3A_639 : i32 to index
    %swap3A_642 = arith.index_cast %swap3A_640 : i32 to index
    %swap3A_643 = arith.constant 64 : index
    %swap3A_644 = tpu.vector_load %arg8[%swap3A_641, %swap3A_642, %swap3A_643] {strides = array<i32>} : memref<2x4x128xi32, #tpu.memory_space<vmem>>, vector<1x1x16xi32>,
    %swap3A_645 = vector.shape_cast %swap3A_644 : vector<1x1x16xi32> to vector<16xi32>
    %swap3A_646 = vector.shape_cast %add3A_638 : vector<16xi32> to vector<1x1x16xi32>
    tpu.vector_store %arg8[%swap3A_641, %swap3A_642, %swap3A_643], %swap3A_646 {strides = array<i32>} : memref<2x4x128xi32, #tpu.memory_space<vmem>>, vector<1x1x16xi32>,
    %add3A_647 = arith.constant 100000 : i32
    %add3A_648 = vector.broadcast %add3A_647 : i32 to vector<16xi32>
    %add3A_649 = arith.addi %get3A_635, %add3A_648 : vector<16xi32>
    %swap3A_650 = arith.constant 1 : i32
    %swap3A_651 = arith.constant 1 : i32
    %swap3A_652 = arith.index_cast %swap3A_650 : i32 to index
    %swap3A_653 = arith.index_cast %swap3A_651 : i32 to index
    %swap3A_654 = arith.constant 64 : index
    %swap3A_655 = tpu.vector_load %arg8[%swap3A_652, %swap3A_653, %swap3A_654] {strides = array<i32>} : memref<2x4x128xi32, #tpu.memory_space<vmem>>, vector<1x1x16xi32>,
    %swap3A_656 = vector.shape_cast %swap3A_655 : vector<1x1x16xi32> to vector<16xi32>
    %swap3A_657 = vector.shape_cast %add3A_649 : vector<16xi32> to vector<1x1x16xi32>
    tpu.vector_store %arg8[%swap3A_652, %swap3A_653, %swap3A_654], %swap3A_657 {strides = array<i32>} : memref<2x4x128xi32, #tpu.memory_space<vmem>>, vector<1x1x16xi32>,
    %add3A_658 = arith.constant 200000 : i32
    %add3A_659 = vector.broadcast %add3A_658 : i32 to vector<16xi32>
    %add3A_660 = arith.addi %get3A_635, %add3A_659 : vector<16xi32>
    %swap3A_661 = arith.constant 1 : i32
    %swap3A_662 = arith.constant 2 : i32
    %swap3A_663 = arith.index_cast %swap3A_661 : i32 to index
    %swap3A_664 = arith.index_cast %swap3A_662 : i32 to index
    %swap3A_665 = arith.constant 64 : index
    %swap3A_666 = tpu.vector_load %arg8[%swap3A_663, %swap3A_664, %swap3A_665] {strides = array<i32>} : memref<2x4x128xi32, #tpu.memory_space<vmem>>, vector<1x1x16xi32>,
    %swap3A_667 = vector.shape_cast %swap3A_666 : vector<1x1x16xi32> to vector<16xi32>
    %swap3A_668 = vector.shape_cast %add3A_660 : vector<16xi32> to vector<1x1x16xi32>
    tpu.vector_store %arg8[%swap3A_663, %swap3A_664, %swap3A_665], %swap3A_668 {strides = array<i32>} : memref<2x4x128xi32, #tpu.memory_space<vmem>>, vector<1x1x16xi32>,
    %add3A_669 = arith.constant 300000 : i32
    %add3A_670 = vector.broadcast %add3A_669 : i32 to vector<16xi32>
    %add3A_671 = arith.addi %get3A_635, %add3A_670 : vector<16xi32>
    %swap3A_672 = arith.constant 1 : i32
    %swap3A_673 = arith.constant 3 : i32
    %swap3A_674 = arith.index_cast %swap3A_672 : i32 to index
    %swap3A_675 = arith.index_cast %swap3A_673 : i32 to index
    %swap3A_676 = arith.constant 64 : index
    %swap3A_677 = tpu.vector_load %arg8[%swap3A_674, %swap3A_675, %swap3A_676] {strides = array<i32>} : memref<2x4x128xi32, #tpu.memory_space<vmem>>, vector<1x1x16xi32>,
    %swap3A_678 = vector.shape_cast %swap3A_677 : vector<1x1x16xi32> to vector<16xi32>
    %swap3A_679 = vector.shape_cast %add3A_671 : vector<16xi32> to vector<1x1x16xi32>
    tpu.vector_store %arg8[%swap3A_674, %swap3A_675, %swap3A_676], %swap3A_679 {strides = array<i32>} : memref<2x4x128xi32, #tpu.memory_space<vmem>>, vector<1x1x16xi32>,
    %get3A_680 = arith.constant 208 : index
    %get3A_681 = tpu.vector_load %arg6[%get3A_680] {strides = array<i32>} : memref<512xi32, #tpu.memory_space<vmem>>, vector<16xi32>,
    %get3A_682 = vector.shape_cast %get3A_681 : vector<16xi32> to vector<16xi32>
    %add3A_683 = arith.constant 0 : i32
    %add3A_684 = vector.broadcast %add3A_683 : i32 to vector<16xi32>
    %add3A_685 = arith.addi %get3A_682, %add3A_684 : vector<16xi32>
    %swap3A_686 = arith.constant 1 : i32
    %swap3A_687 = arith.constant 0 : i32
    %swap3A_688 = arith.index_cast %swap3A_686 : i32 to index
    %swap3A_689 = arith.index_cast %swap3A_687 : i32 to index
    %swap3A_690 = arith.constant 80 : index
    %swap3A_691 = tpu.vector_load %arg8[%swap3A_688, %swap3A_689, %swap3A_690] {strides = array<i32>} : memref<2x4x128xi32, #tpu.memory_space<vmem>>, vector<1x1x16xi32>,
    %swap3A_692 = vector.shape_cast %swap3A_691 : vector<1x1x16xi32> to vector<16xi32>
    %swap3A_693 = vector.shape_cast %add3A_685 : vector<16xi32> to vector<1x1x16xi32>
    tpu.vector_store %arg8[%swap3A_688, %swap3A_689, %swap3A_690], %swap3A_693 {strides = array<i32>} : memref<2x4x128xi32, #tpu.memory_space<vmem>>, vector<1x1x16xi32>,
    %add3A_694 = arith.constant 100000 : i32
    %add3A_695 = vector.broadcast %add3A_694 : i32 to vector<16xi32>
    %add3A_696 = arith.addi %get3A_682, %add3A_695 : vector<16xi32>
    %swap3A_697 = arith.constant 1 : i32
    %swap3A_698 = arith.constant 1 : i32
    %swap3A_699 = arith.index_cast %swap3A_697 : i32 to index
    %swap3A_700 = arith.index_cast %swap3A_698 : i32 to index
    %swap3A_701 = arith.constant 80 : index
    %swap3A_702 = tpu.vector_load %arg8[%swap3A_699, %swap3A_700, %swap3A_701] {strides = array<i32>} : memref<2x4x128xi32, #tpu.memory_space<vmem>>, vector<1x1x16xi32>,
    %swap3A_703 = vector.shape_cast %swap3A_702 : vector<1x1x16xi32> to vector<16xi32>
    %swap3A_704 = vector.shape_cast %add3A_696 : vector<16xi32> to vector<1x1x16xi32>
    tpu.vector_store %arg8[%swap3A_699, %swap3A_700, %swap3A_701], %swap3A_704 {strides = array<i32>} : memref<2x4x128xi32, #tpu.memory_space<vmem>>, vector<1x1x16xi32>,
    %add3A_705 = arith.constant 200000 : i32
    %add3A_706 = vector.broadcast %add3A_705 : i32 to vector<16xi32>
    %add3A_707 = arith.addi %get3A_682, %add3A_706 : vector<16xi32>
    %swap3A_708 = arith.constant 1 : i32
    %swap3A_709 = arith.constant 2 : i32
    %swap3A_710 = arith.index_cast %swap3A_708 : i32 to index
    %swap3A_711 = arith.index_cast %swap3A_709 : i32 to index
    %swap3A_712 = arith.constant 80 : index
    %swap3A_713 = tpu.vector_load %arg8[%swap3A_710, %swap3A_711, %swap3A_712] {strides = array<i32>} : memref<2x4x128xi32, #tpu.memory_space<vmem>>, vector<1x1x16xi32>,
    %swap3A_714 = vector.shape_cast %swap3A_713 : vector<1x1x16xi32> to vector<16xi32>
    %swap3A_715 = vector.shape_cast %add3A_707 : vector<16xi32> to vector<1x1x16xi32>
    tpu.vector_store %arg8[%swap3A_710, %swap3A_711, %swap3A_712], %swap3A_715 {strides = array<i32>} : memref<2x4x128xi32, #tpu.memory_space<vmem>>, vector<1x1x16xi32>,
    %add3A_716 = arith.constant 300000 : i32
    %add3A_717 = vector.broadcast %add3A_716 : i32 to vector<16xi32>
    %add3A_718 = arith.addi %get3A_682, %add3A_717 : vector<16xi32>
    %swap3A_719 = arith.constant 1 : i32
    %swap3A_720 = arith.constant 3 : i32
    %swap3A_721 = arith.index_cast %swap3A_719 : i32 to index
    %swap3A_722 = arith.index_cast %swap3A_720 : i32 to index
    %swap3A_723 = arith.constant 80 : index
    %swap3A_724 = tpu.vector_load %arg8[%swap3A_721, %swap3A_722, %swap3A_723] {strides = array<i32>} : memref<2x4x128xi32, #tpu.memory_space<vmem>>, vector<1x1x16xi32>,
    %swap3A_725 = vector.shape_cast %swap3A_724 : vector<1x1x16xi32> to vector<16xi32>
    %swap3A_726 = vector.shape_cast %add3A_718 : vector<16xi32> to vector<1x1x16xi32>
    tpu.vector_store %arg8[%swap3A_721, %swap3A_722, %swap3A_723], %swap3A_726 {strides = array<i32>} : memref<2x4x128xi32, #tpu.memory_space<vmem>>, vector<1x1x16xi32>,
    %get3A_727 = arith.constant 224 : index
    %get3A_728 = tpu.vector_load %arg6[%get3A_727] {strides = array<i32>} : memref<512xi32, #tpu.memory_space<vmem>>, vector<16xi32>,
    %get3A_729 = vector.shape_cast %get3A_728 : vector<16xi32> to vector<16xi32>
    %add3A_730 = arith.constant 0 : i32
    %add3A_731 = vector.broadcast %add3A_730 : i32 to vector<16xi32>
    %add3A_732 = arith.addi %get3A_729, %add3A_731 : vector<16xi32>
    %swap3A_733 = arith.constant 1 : i32
    %swap3A_734 = arith.constant 0 : i32
    %swap3A_735 = arith.index_cast %swap3A_733 : i32 to index
    %swap3A_736 = arith.index_cast %swap3A_734 : i32 to index
    %swap3A_737 = arith.constant 96 : index
    %swap3A_738 = tpu.vector_load %arg8[%swap3A_735, %swap3A_736, %swap3A_737] {strides = array<i32>} : memref<2x4x128xi32, #tpu.memory_space<vmem>>, vector<1x1x16xi32>,
    %swap3A_739 = vector.shape_cast %swap3A_738 : vector<1x1x16xi32> to vector<16xi32>
    %swap3A_740 = vector.shape_cast %add3A_732 : vector<16xi32> to vector<1x1x16xi32>
    tpu.vector_store %arg8[%swap3A_735, %swap3A_736, %swap3A_737], %swap3A_740 {strides = array<i32>} : memref<2x4x128xi32, #tpu.memory_space<vmem>>, vector<1x1x16xi32>,
    %add3A_741 = arith.constant 100000 : i32
    %add3A_742 = vector.broadcast %add3A_741 : i32 to vector<16xi32>
    %add3A_743 = arith.addi %get3A_729, %add3A_742 : vector<16xi32>
    %swap3A_744 = arith.constant 1 : i32
    %swap3A_745 = arith.constant 1 : i32
    %swap3A_746 = arith.index_cast %swap3A_744 : i32 to index
    %swap3A_747 = arith.index_cast %swap3A_745 : i32 to index
    %swap3A_748 = arith.constant 96 : index
    %swap3A_749 = tpu.vector_load %arg8[%swap3A_746, %swap3A_747, %swap3A_748] {strides = array<i32>} : memref<2x4x128xi32, #tpu.memory_space<vmem>>, vector<1x1x16xi32>,
    %swap3A_750 = vector.shape_cast %swap3A_749 : vector<1x1x16xi32> to vector<16xi32>
    %swap3A_751 = vector.shape_cast %add3A_743 : vector<16xi32> to vector<1x1x16xi32>
    tpu.vector_store %arg8[%swap3A_746, %swap3A_747, %swap3A_748], %swap3A_751 {strides = array<i32>} : memref<2x4x128xi32, #tpu.memory_space<vmem>>, vector<1x1x16xi32>,
    %add3A_752 = arith.constant 200000 : i32
    %add3A_753 = vector.broadcast %add3A_752 : i32 to vector<16xi32>
    %add3A_754 = arith.addi %get3A_729, %add3A_753 : vector<16xi32>
    %swap3A_755 = arith.constant 1 : i32
    %swap3A_756 = arith.constant 2 : i32
    %swap3A_757 = arith.index_cast %swap3A_755 : i32 to index
    %swap3A_758 = arith.index_cast %swap3A_756 : i32 to index
    %swap3A_759 = arith.constant 96 : index
    %swap3A_760 = tpu.vector_load %arg8[%swap3A_757, %swap3A_758, %swap3A_759] {strides = array<i32>} : memref<2x4x128xi32, #tpu.memory_space<vmem>>, vector<1x1x16xi32>,
    %swap3A_761 = vector.shape_cast %swap3A_760 : vector<1x1x16xi32> to vector<16xi32>
    %swap3A_762 = vector.shape_cast %add3A_754 : vector<16xi32> to vector<1x1x16xi32>
    tpu.vector_store %arg8[%swap3A_757, %swap3A_758, %swap3A_759], %swap3A_762 {strides = array<i32>} : memref<2x4x128xi32, #tpu.memory_space<vmem>>, vector<1x1x16xi32>,
    %add3A_763 = arith.constant 300000 : i32
    %add3A_764 = vector.broadcast %add3A_763 : i32 to vector<16xi32>
    %add3A_765 = arith.addi %get3A_729, %add3A_764 : vector<16xi32>
    %swap3A_766 = arith.constant 1 : i32
    %swap3A_767 = arith.constant 3 : i32
    %swap3A_768 = arith.index_cast %swap3A_766 : i32 to index
    %swap3A_769 = arith.index_cast %swap3A_767 : i32 to index
    %swap3A_770 = arith.constant 96 : index
    %swap3A_771 = tpu.vector_load %arg8[%swap3A_768, %swap3A_769, %swap3A_770] {strides = array<i32>} : memref<2x4x128xi32, #tpu.memory_space<vmem>>, vector<1x1x16xi32>,
    %swap3A_772 = vector.shape_cast %swap3A_771 : vector<1x1x16xi32> to vector<16xi32>
    %swap3A_773 = vector.shape_cast %add3A_765 : vector<16xi32> to vector<1x1x16xi32>
    tpu.vector_store %arg8[%swap3A_768, %swap3A_769, %swap3A_770], %swap3A_773 {strides = array<i32>} : memref<2x4x128xi32, #tpu.memory_space<vmem>>, vector<1x1x16xi32>,
    %get3A_774 = arith.constant 240 : index
    %get3A_775 = tpu.vector_load %arg6[%get3A_774] {strides = array<i32>} : memref<512xi32, #tpu.memory_space<vmem>>, vector<16xi32>,
    %get3A_776 = vector.shape_cast %get3A_775 : vector<16xi32> to vector<16xi32>
    %add3A_777 = arith.constant 0 : i32
    %add3A_778 = vector.broadcast %add3A_777 : i32 to vector<16xi32>
    %add3A_779 = arith.addi %get3A_776, %add3A_778 : vector<16xi32>
    %swap3A_780 = arith.constant 1 : i32
    %swap3A_781 = arith.constant 0 : i32
    %swap3A_782 = arith.index_cast %swap3A_780 : i32 to index
    %swap3A_783 = arith.index_cast %swap3A_781 : i32 to index
    %swap3A_784 = arith.constant 112 : index
    %swap3A_785 = tpu.vector_load %arg8[%swap3A_782, %swap3A_783, %swap3A_784] {strides = array<i32>} : memref<2x4x128xi32, #tpu.memory_space<vmem>>, vector<1x1x16xi32>,
    %swap3A_786 = vector.shape_cast %swap3A_785 : vector<1x1x16xi32> to vector<16xi32>
    %swap3A_787 = vector.shape_cast %add3A_779 : vector<16xi32> to vector<1x1x16xi32>
    tpu.vector_store %arg8[%swap3A_782, %swap3A_783, %swap3A_784], %swap3A_787 {strides = array<i32>} : memref<2x4x128xi32, #tpu.memory_space<vmem>>, vector<1x1x16xi32>,
    %add3A_788 = arith.constant 100000 : i32
    %add3A_789 = vector.broadcast %add3A_788 : i32 to vector<16xi32>
    %add3A_790 = arith.addi %get3A_776, %add3A_789 : vector<16xi32>
    %swap3A_791 = arith.constant 1 : i32
    %swap3A_792 = arith.constant 1 : i32
    %swap3A_793 = arith.index_cast %swap3A_791 : i32 to index
    %swap3A_794 = arith.index_cast %swap3A_792 : i32 to index
    %swap3A_795 = arith.constant 112 : index
    %swap3A_796 = tpu.vector_load %arg8[%swap3A_793, %swap3A_794, %swap3A_795] {strides = array<i32>} : memref<2x4x128xi32, #tpu.memory_space<vmem>>, vector<1x1x16xi32>,
    %swap3A_797 = vector.shape_cast %swap3A_796 : vector<1x1x16xi32> to vector<16xi32>
    %swap3A_798 = vector.shape_cast %add3A_790 : vector<16xi32> to vector<1x1x16xi32>
    tpu.vector_store %arg8[%swap3A_793, %swap3A_794, %swap3A_795], %swap3A_798 {strides = array<i32>} : memref<2x4x128xi32, #tpu.memory_space<vmem>>, vector<1x1x16xi32>,
    %add3A_799 = arith.constant 200000 : i32
    %add3A_800 = vector.broadcast %add3A_799 : i32 to vector<16xi32>
    %add3A_801 = arith.addi %get3A_776, %add3A_800 : vector<16xi32>
    %swap3A_802 = arith.constant 1 : i32
    %swap3A_803 = arith.constant 2 : i32
    %swap3A_804 = arith.index_cast %swap3A_802 : i32 to index
    %swap3A_805 = arith.index_cast %swap3A_803 : i32 to index
    %swap3A_806 = arith.constant 112 : index
    %swap3A_807 = tpu.vector_load %arg8[%swap3A_804, %swap3A_805, %swap3A_806] {strides = array<i32>} : memref<2x4x128xi32, #tpu.memory_space<vmem>>, vector<1x1x16xi32>,
    %swap3A_808 = vector.shape_cast %swap3A_807 : vector<1x1x16xi32> to vector<16xi32>
    %swap3A_809 = vector.shape_cast %add3A_801 : vector<16xi32> to vector<1x1x16xi32>
    tpu.vector_store %arg8[%swap3A_804, %swap3A_805, %swap3A_806], %swap3A_809 {strides = array<i32>} : memref<2x4x128xi32, #tpu.memory_space<vmem>>, vector<1x1x16xi32>,
    %add3A_810 = arith.constant 300000 : i32
    %add3A_811 = vector.broadcast %add3A_810 : i32 to vector<16xi32>
    %add3A_812 = arith.addi %get3A_776, %add3A_811 : vector<16xi32>
    %swap3A_813 = arith.constant 1 : i32
    %swap3A_814 = arith.constant 3 : i32
    %swap3A_815 = arith.index_cast %swap3A_813 : i32 to index
    %swap3A_816 = arith.index_cast %swap3A_814 : i32 to index
    %swap3A_817 = arith.constant 112 : index
    %swap3A_818 = tpu.vector_load %arg8[%swap3A_815, %swap3A_816, %swap3A_817] {strides = array<i32>} : memref<2x4x128xi32, #tpu.memory_space<vmem>>, vector<1x1x16xi32>,
    %swap3A_819 = vector.shape_cast %swap3A_818 : vector<1x1x16xi32> to vector<16xi32>
    %swap3A_820 = vector.shape_cast %add3A_812 : vector<16xi32> to vector<1x1x16xi32>
    tpu.vector_store %arg8[%swap3A_815, %swap3A_816, %swap3A_817], %swap3A_820 {strides = array<i32>} : memref<2x4x128xi32, #tpu.memory_space<vmem>>, vector<1x1x16xi32>,
    %dma_start3A_821 = arith.constant 1 : i32
    %dma_start3A_822 = arith.constant 1 : i32
    %dma_start3A_823 = arith.constant 0 : i32
    %dma_start3A_824 = arith.constant 0 : i32
    %dma_start3A_825 = tpu.memref_slice %arg7[%dma_start3A_821, %dma_start3A_823, %dma_start3A_824] : memref<2x128x128xi32, #tpu.memory_space<vmem>> -> memref<1x128x128xi32, #tpu.memory_space<vmem>>
    %dma_start3A_826 = tpu.memref_squeeze %dma_start3A_825 : memref<1x128x128xi32, #tpu.memory_space<vmem>> -> memref<128x128xi32, #tpu.memory_space<vmem>>
    %dma_start3A_827 = arith.constant 128 : i32
    %dma_start3A_828 = tpu.memref_slice %arg6[%dma_start3A_827] : memref<512xi32, #tpu.memory_space<vmem>> -> memref<128xi32, #tpu.memory_space<vmem>>
    %dma_start3A_829 = arith.constant 0 : i32
    %dma_start3A_830 = arith.constant 0 : i32
    %dma_start3A_831 = tpu.memref_slice %arg3[%dma_start3A_829, %dma_start3A_830] : memref<100000x128xi32, #tpu.memory_space<hbm>> -> memref<100000x128xi32, #tpu.memory_space<hbm>>
    %dma_start3A_832 = tpu.memref_slice %arg11[%dma_start3A_822] : memref<2x!tpu.dma_semaphore, #tpu.memory_space<semaphore_mem>> -> memref<1x!tpu.dma_semaphore, #tpu.memory_space<semaphore_mem>>
    %dma_start3A_833 = tpu.memref_squeeze %dma_start3A_832 : memref<1x!tpu.dma_semaphore, #tpu.memory_space<semaphore_mem>> -> memref<!tpu.dma_semaphore, #tpu.memory_space<semaphore_mem>>
    tpu.enqueue_indirect_dma source(%dma_start3A_831 : memref<100000x128xi32, #tpu.memory_space<hbm>>) target(%dma_start3A_826 : memref<128x128xi32, #tpu.memory_space<vmem>>) offsets(%dma_start3A_828 : memref<128xi32, #tpu.memory_space<vmem>>) semaphore(%dma_start3A_833 : memref<!tpu.dma_semaphore, #tpu.memory_space<semaphore_mem>>)
    %dma_start3A_834 = arith.constant 1 : i32
    %dma_start3A_835 = arith.constant 0 : i32
    %dma_start3A_836 = arith.constant 1 : i32
    %dma_start3A_837 = arith.constant 1 : i32
    %dma_start3A_838 = arith.constant 0 : i32
    %dma_start3A_839 = tpu.memref_slice %arg9[%dma_start3A_836, %dma_start3A_838] : memref<2x512xf32, #tpu.memory_space<vmem>> -> memref<1x128xf32, #tpu.memory_space<vmem>>
    %dma_start3A_840 = tpu.memref_squeeze %dma_start3A_839 : memref<1x128xf32, #tpu.memory_space<vmem>> -> memref<128xf32, #tpu.memory_space<vmem>>
    %dma_start3A_841 = arith.constant 0 : i32
    %dma_start3A_842 = tpu.memref_slice %arg8[%dma_start3A_834, %dma_start3A_835, %dma_start3A_841] : memref<2x4x128xi32, #tpu.memory_space<vmem>> -> memref<1x1x128xi32, #tpu.memory_space<vmem>>
    %dma_start3A_843 = tpu.memref_squeeze %dma_start3A_842 : memref<1x1x128xi32, #tpu.memory_space<vmem>> -> memref<128xi32, #tpu.memory_space<vmem>>
    %dma_start3A_844 = arith.constant 0 : i32
    %dma_start3A_845 = tpu.memref_slice %arg4[%dma_start3A_844] : memref<400000xf32, #tpu.memory_space<hbm>> -> memref<400000xf32, #tpu.memory_space<hbm>>
    %dma_start3A_846 = tpu.memref_slice %arg11[%dma_start3A_837] : memref<2x!tpu.dma_semaphore, #tpu.memory_space<semaphore_mem>> -> memref<1x!tpu.dma_semaphore, #tpu.memory_space<semaphore_mem>>
    %dma_start3A_847 = tpu.memref_squeeze %dma_start3A_846 : memref<1x!tpu.dma_semaphore, #tpu.memory_space<semaphore_mem>> -> memref<!tpu.dma_semaphore, #tpu.memory_space<semaphore_mem>>
    tpu.enqueue_indirect_dma source(%dma_start3A_845 : memref<400000xf32, #tpu.memory_space<hbm>>) target(%dma_start3A_840 : memref<128xf32, #tpu.memory_space<vmem>>) offsets(%dma_start3A_843 : memref<128xi32, #tpu.memory_space<vmem>>) semaphore(%dma_start3A_847 : memref<!tpu.dma_semaphore, #tpu.memory_space<semaphore_mem>>)
    %dma_start3A_848 = arith.constant 1 : i32
    %dma_start3A_849 = arith.constant 1 : i32
    %dma_start3A_850 = arith.constant 1 : i32
    %dma_start3A_851 = arith.constant 1 : i32
    %dma_start3A_852 = arith.constant 128 : i32
    %dma_start3A_853 = tpu.memref_slice %arg9[%dma_start3A_850, %dma_start3A_852] : memref<2x512xf32, #tpu.memory_space<vmem>> -> memref<1x128xf32, #tpu.memory_space<vmem>>
    %dma_start3A_854 = tpu.memref_squeeze %dma_start3A_853 : memref<1x128xf32, #tpu.memory_space<vmem>> -> memref<128xf32, #tpu.memory_space<vmem>>
    %dma_start3A_855 = arith.constant 0 : i32
    %dma_start3A_856 = tpu.memref_slice %arg8[%dma_start3A_848, %dma_start3A_849, %dma_start3A_855] : memref<2x4x128xi32, #tpu.memory_space<vmem>> -> memref<1x1x128xi32, #tpu.memory_space<vmem>>
    %dma_start3A_857 = tpu.memref_squeeze %dma_start3A_856 : memref<1x1x128xi32, #tpu.memory_space<vmem>> -> memref<128xi32, #tpu.memory_space<vmem>>
    %dma_start3A_858 = arith.constant 0 : i32
    %dma_start3A_859 = tpu.memref_slice %arg4[%dma_start3A_858] : memref<400000xf32, #tpu.memory_space<hbm>> -> memref<400000xf32, #tpu.memory_space<hbm>>
    %dma_start3A_860 = tpu.memref_slice %arg11[%dma_start3A_851] : memref<2x!tpu.dma_semaphore, #tpu.memory_space<semaphore_mem>> -> memref<1x!tpu.dma_semaphore, #tpu.memory_space<semaphore_mem>>
    %dma_start3A_861 = tpu.memref_squeeze %dma_start3A_860 : memref<1x!tpu.dma_semaphore, #tpu.memory_space<semaphore_mem>> -> memref<!tpu.dma_semaphore, #tpu.memory_space<semaphore_mem>>
    tpu.enqueue_indirect_dma source(%dma_start3A_859 : memref<400000xf32, #tpu.memory_space<hbm>>) target(%dma_start3A_854 : memref<128xf32, #tpu.memory_space<vmem>>) offsets(%dma_start3A_857 : memref<128xi32, #tpu.memory_space<vmem>>) semaphore(%dma_start3A_861 : memref<!tpu.dma_semaphore, #tpu.memory_space<semaphore_mem>>)
    %dma_start3A_862 = arith.constant 1 : i32
    %dma_start3A_863 = arith.constant 2 : i32
    %dma_start3A_864 = arith.constant 1 : i32
    %dma_start3A_865 = arith.constant 1 : i32
    %dma_start3A_866 = arith.constant 256 : i32
    %dma_start3A_867 = tpu.memref_slice %arg9[%dma_start3A_864, %dma_start3A_866] : memref<2x512xf32, #tpu.memory_space<vmem>> -> memref<1x128xf32, #tpu.memory_space<vmem>>
    %dma_start3A_868 = tpu.memref_squeeze %dma_start3A_867 : memref<1x128xf32, #tpu.memory_space<vmem>> -> memref<128xf32, #tpu.memory_space<vmem>>
    %dma_start3A_869 = arith.constant 0 : i32
    %dma_start3A_870 = tpu.memref_slice %arg8[%dma_start3A_862, %dma_start3A_863, %dma_start3A_869] : memref<2x4x128xi32, #tpu.memory_space<vmem>> -> memref<1x1x128xi32, #tpu.memory_space<vmem>>
    %dma_start3A_871 = tpu.memref_squeeze %dma_start3A_870 : memref<1x1x128xi32, #tpu.memory_space<vmem>> -> memref<128xi32, #tpu.memory_space<vmem>>
    %dma_start3A_872 = arith.constant 0 : i32
    %dma_start3A_873 = tpu.memref_slice %arg4[%dma_start3A_872] : memref<400000xf32, #tpu.memory_space<hbm>> -> memref<400000xf32, #tpu.memory_space<hbm>>
    %dma_start3A_874 = tpu.memref_slice %arg11[%dma_start3A_865] : memref<2x!tpu.dma_semaphore, #tpu.memory_space<semaphore_mem>> -> memref<1x!tpu.dma_semaphore, #tpu.memory_space<semaphore_mem>>
    %dma_start3A_875 = tpu.memref_squeeze %dma_start3A_874 : memref<1x!tpu.dma_semaphore, #tpu.memory_space<semaphore_mem>> -> memref<!tpu.dma_semaphore, #tpu.memory_space<semaphore_mem>>
    tpu.enqueue_indirect_dma source(%dma_start3A_873 : memref<400000xf32, #tpu.memory_space<hbm>>) target(%dma_start3A_868 : memref<128xf32, #tpu.memory_space<vmem>>) offsets(%dma_start3A_871 : memref<128xi32, #tpu.memory_space<vmem>>) semaphore(%dma_start3A_875 : memref<!tpu.dma_semaphore, #tpu.memory_space<semaphore_mem>>)
    %dma_start3A_876 = arith.constant 1 : i32
    %dma_start3A_877 = arith.constant 3 : i32
    %dma_start3A_878 = arith.constant 1 : i32
    %dma_start3A_879 = arith.constant 1 : i32
    %dma_start3A_880 = arith.constant 384 : i32
    %dma_start3A_881 = tpu.memref_slice %arg9[%dma_start3A_878, %dma_start3A_880] : memref<2x512xf32, #tpu.memory_space<vmem>> -> memref<1x128xf32, #tpu.memory_space<vmem>>
    %dma_start3A_882 = tpu.memref_squeeze %dma_start3A_881 : memref<1x128xf32, #tpu.memory_space<vmem>> -> memref<128xf32, #tpu.memory_space<vmem>>
    %dma_start3A_883 = arith.constant 0 : i32
    %dma_start3A_884 = tpu.memref_slice %arg8[%dma_start3A_876, %dma_start3A_877, %dma_start3A_883] : memref<2x4x128xi32, #tpu.memory_space<vmem>> -> memref<1x1x128xi32, #tpu.memory_space<vmem>>
    %dma_start3A_885 = tpu.memref_squeeze %dma_start3A_884 : memref<1x1x128xi32, #tpu.memory_space<vmem>> -> memref<128xi32, #tpu.memory_space<vmem>>
    %dma_start3A_886 = arith.constant 0 : i32
    %dma_start3A_887 = tpu.memref_slice %arg4[%dma_start3A_886] : memref<400000xf32, #tpu.memory_space<hbm>> -> memref<400000xf32, #tpu.memory_space<hbm>>
    %dma_start3A_888 = tpu.memref_slice %arg11[%dma_start3A_879] : memref<2x!tpu.dma_semaphore, #tpu.memory_space<semaphore_mem>> -> memref<1x!tpu.dma_semaphore, #tpu.memory_space<semaphore_mem>>
    %dma_start3A_889 = tpu.memref_squeeze %dma_start3A_888 : memref<1x!tpu.dma_semaphore, #tpu.memory_space<semaphore_mem>> -> memref<!tpu.dma_semaphore, #tpu.memory_space<semaphore_mem>>
    tpu.enqueue_indirect_dma source(%dma_start3A_887 : memref<400000xf32, #tpu.memory_space<hbm>>) target(%dma_start3A_882 : memref<128xf32, #tpu.memory_space<vmem>>) offsets(%dma_start3A_885 : memref<128xi32, #tpu.memory_space<vmem>>) semaphore(%dma_start3A_889 : memref<!tpu.dma_semaphore, #tpu.memory_space<semaphore_mem>>)
    %scan3A = arith.constant 0 : i32
    %scan3A_890 = arith.constant 0 : i32
    %scan3A_891 = arith.constant 4 : i32
    %scan3A_892 = arith.addi %scan3A_890, %scan3A_891 : i32
    %scan3A_893 = arith.constant 1 : i32
    scf.for %scan3A_930 = %scan3A_890 to %scan3A_892 step %scan3A_893  : i32 {
      %rem3A = arith.constant 2 : i32
      %rem3A_931 = arith.remsi %scan3A_930, %rem3A : i32
      %dma_wait3A_932 = arith.constant 0 : i32
      %dma_wait3A_933 = arith.constant 0 : i32
      %dma_wait3A_934 = tpu.memref_slice %arg7[%rem3A_931, %dma_wait3A_932, %dma_wait3A_933] : memref<2x128x128xi32, #tpu.memory_space<vmem>> -> memref<1x128x128xi32, #tpu.memory_space<vmem>>
      %dma_wait3A_935 = tpu.memref_squeeze %dma_wait3A_934 : memref<1x128x128xi32, #tpu.memory_space<vmem>> -> memref<128x128xi32, #tpu.memory_space<vmem>>
      %dma_wait3A_936 = arith.constant 0 : i32
      %dma_wait3A_937 = arith.constant 0 : i32
      %dma_wait3A_938 = tpu.memref_slice %arg3[%dma_wait3A_936, %dma_wait3A_937] : memref<100000x128xi32, #tpu.memory_space<hbm>> -> memref<128x128xi32, #tpu.memory_space<hbm>>
      %dma_wait3A_939 = tpu.memref_slice %arg11[%rem3A_931] : memref<2x!tpu.dma_semaphore, #tpu.memory_space<semaphore_mem>> -> memref<1x!tpu.dma_semaphore, #tpu.memory_space<semaphore_mem>>
      %dma_wait3A_940 = tpu.memref_squeeze %dma_wait3A_939 : memref<1x!tpu.dma_semaphore, #tpu.memory_space<semaphore_mem>> -> memref<!tpu.dma_semaphore, #tpu.memory_space<semaphore_mem>>
      %dma_wait3A_941 = arith.constant 0 : i32
      %dma_wait3A_942 = arith.constant 0 : i32
      %dma_wait3A_943 = tpu.memref_slice %arg7[%rem3A_931, %dma_wait3A_941, %dma_wait3A_942] : memref<2x128x128xi32, #tpu.memory_space<vmem>> -> memref<1x128x128xi32, #tpu.memory_space<vmem>>
      %dma_wait3A_944 = tpu.memref_squeeze %dma_wait3A_943 : memref<1x128x128xi32, #tpu.memory_space<vmem>> -> memref<128x128xi32, #tpu.memory_space<vmem>>
      %dma_wait3A_945 = arith.constant 0 : i32
      %dma_wait3A_946 = arith.constant 0 : i32
      %dma_wait3A_947 = tpu.memref_slice %arg3[%dma_wait3A_945, %dma_wait3A_946] : memref<100000x128xi32, #tpu.memory_space<hbm>> -> memref<128x128xi32, #tpu.memory_space<hbm>>
      tpu.wait_dma2 semaphore(%dma_wait3A_940 : memref<!tpu.dma_semaphore, #tpu.memory_space<semaphore_mem>>) src(%dma_wait3A_947 : memref<128x128xi32, #tpu.memory_space<hbm>>) dst(%dma_wait3A_944 : memref<128x128xi32, #tpu.memory_space<vmem>>)
      %dma_wait3A_948 = arith.constant 0 : i32
      %dma_wait3A_949 = tpu.memref_slice %arg9[%rem3A_931, %dma_wait3A_948] : memref<2x512xf32, #tpu.memory_space<vmem>> -> memref<1x512xf32, #tpu.memory_space<vmem>>
      %dma_wait3A_950 = tpu.memref_squeeze %dma_wait3A_949 : memref<1x512xf32, #tpu.memory_space<vmem>> -> memref<512xf32, #tpu.memory_space<vmem>>
      %dma_wait3A_951 = arith.constant 0 : i32
      %dma_wait3A_952 = tpu.memref_slice %arg4[%dma_wait3A_951] : memref<400000xf32, #tpu.memory_space<hbm>> -> memref<512xf32, #tpu.memory_space<hbm>>
      %dma_wait3A_953 = tpu.memref_slice %arg11[%rem3A_931] : memref<2x!tpu.dma_semaphore, #tpu.memory_space<semaphore_mem>> -> memref<1x!tpu.dma_semaphore, #tpu.memory_space<semaphore_mem>>
      %dma_wait3A_954 = tpu.memref_squeeze %dma_wait3A_953 : memref<1x!tpu.dma_semaphore, #tpu.memory_space<semaphore_mem>> -> memref<!tpu.dma_semaphore, #tpu.memory_space<semaphore_mem>>
      %dma_wait3A_955 = arith.constant 0 : i32
      %dma_wait3A_956 = tpu.memref_slice %arg9[%rem3A_931, %dma_wait3A_955] : memref<2x512xf32, #tpu.memory_space<vmem>> -> memref<1x512xf32, #tpu.memory_space<vmem>>
      %dma_wait3A_957 = tpu.memref_squeeze %dma_wait3A_956 : memref<1x512xf32, #tpu.memory_space<vmem>> -> memref<512xf32, #tpu.memory_space<vmem>>
      %dma_wait3A_958 = arith.constant 0 : i32
      %dma_wait3A_959 = tpu.memref_slice %arg4[%dma_wait3A_958] : memref<400000xf32, #tpu.memory_space<hbm>> -> memref<512xf32, #tpu.memory_space<hbm>>
      tpu.wait_dma2 semaphore(%dma_wait3A_954 : memref<!tpu.dma_semaphore, #tpu.memory_space<semaphore_mem>>) src(%dma_wait3A_959 : memref<512xf32, #tpu.memory_space<hbm>>) dst(%dma_wait3A_957 : memref<512xf32, #tpu.memory_space<vmem>>)
      %ge3A = arith.constant 2 : i32
      %ge3A_960 = arith.cmpi sge, %scan3A_930, %ge3A : i32
      %convert_element_type3A = arith.extui %ge3A_960 : i1 to i32
      %cond3A = arith.constant 0 : i32
      %cond3A_961 = arith.cmpi ne, %convert_element_type3A, %cond3A : i32
      scf.if %cond3A_961 {
        %dma_wait3A_987 = arith.constant 0 : i32
        %dma_wait3A_988 = arith.constant 0 : i32
        %dma_wait3A_989 = tpu.memref_slice %arg10[%rem3A_931, %dma_wait3A_987, %dma_wait3A_988] : memref<2x128x128xf32, #tpu.memory_space<vmem>> -> memref<1x128x128xf32, #tpu.memory_space<vmem>>
        %dma_wait3A_990 = tpu.memref_squeeze %dma_wait3A_989 : memref<1x128x128xf32, #tpu.memory_space<vmem>> -> memref<128x128xf32, #tpu.memory_space<vmem>>
        %dma_wait3A_991 = arith.constant 0 : i32
        %dma_wait3A_992 = arith.constant 0 : i32
        %dma_wait3A_993 = tpu.memref_slice %arg5[%dma_wait3A_991, %dma_wait3A_992] : memref<16384x128xf32, #tpu.memory_space<hbm>> -> memref<128x128xf32, #tpu.memory_space<hbm>>
        %dma_wait3A_994 = tpu.memref_slice %arg12[%rem3A_931] : memref<2x!tpu.dma_semaphore, #tpu.memory_space<semaphore_mem>> -> memref<1x!tpu.dma_semaphore, #tpu.memory_space<semaphore_mem>>
        %dma_wait3A_995 = tpu.memref_squeeze %dma_wait3A_994 : memref<1x!tpu.dma_semaphore, #tpu.memory_space<semaphore_mem>> -> memref<!tpu.dma_semaphore, #tpu.memory_space<semaphore_mem>>
        %dma_wait3A_996 = arith.constant 0 : i32
        %dma_wait3A_997 = arith.constant 0 : i32
        %dma_wait3A_998 = tpu.memref_slice %arg5[%dma_wait3A_996, %dma_wait3A_997] : memref<16384x128xf32, #tpu.memory_space<hbm>> -> memref<128x128xf32, #tpu.memory_space<hbm>>
        %dma_wait3A_999 = arith.constant 0 : i32
        %dma_wait3A_1000 = arith.constant 0 : i32
        %dma_wait3A_1001 = tpu.memref_slice %arg10[%rem3A_931, %dma_wait3A_999, %dma_wait3A_1000] : memref<2x128x128xf32, #tpu.memory_space<vmem>> -> memref<1x128x128xf32, #tpu.memory_space<vmem>>
        %dma_wait3A_1002 = tpu.memref_squeeze %dma_wait3A_1001 : memref<1x128x128xf32, #tpu.memory_space<vmem>> -> memref<128x128xf32, #tpu.memory_space<vmem>>
        tpu.wait_dma2 semaphore(%dma_wait3A_995 : memref<!tpu.dma_semaphore, #tpu.memory_space<semaphore_mem>>) src(%dma_wait3A_1002 : memref<128x128xf32, #tpu.memory_space<vmem>>) dst(%dma_wait3A_998 : memref<128x128xf32, #tpu.memory_space<hbm>>)
      } else {
      }
      %parallel_loop3A = arith.constant 0 : i32
      %parallel_loop3A_962 = arith.constant 8 : i32
      %parallel_loop3A_963 = arith.constant 1 : i32
      scf.for %parallel_loop3A_987 = %parallel_loop3A to %parallel_loop3A_962 step %parallel_loop3A_963  : i32 {
        %parallel_loop3A_988 = arith.constant 16 : i32
        %parallel_loop3A_989 = arith.muli %parallel_loop3A_987, %parallel_loop3A_988 : i32
        %parallel_loop3A_990 = arith.constant 0 : i32
        %parallel_loop3A_991 = arith.addi %parallel_loop3A_990, %parallel_loop3A_989 : i32
        %parallel_loop3A_992 = arith.index_cast %rem3A_931 : i32 to index
        %parallel_loop3A_993 = arith.index_cast %parallel_loop3A_991 : i32 to index
        %parallel_loop3A_994 = tpu.vector_load %arg9[%parallel_loop3A_992, %parallel_loop3A_993] {strides = array<i32>} : memref<2x512xf32, #tpu.memory_space<vmem>>, vector<1x16xf32>,
        %parallel_loop3A_995 = vector.shape_cast %parallel_loop3A_994 : vector<1x16xf32> to vector<16xf32>
        %parallel_loop3A_996 = arith.constant 0 : i32
        %parallel_loop3A_997 = vector.broadcast %parallel_loop3A_996 : i32 to vector<16xi32>
        %parallel_loop3A_998 = vector.shape_cast %parallel_loop3A_997 : vector<16xi32> to vector<16x1xi32>
        %parallel_loop3A_999 = vector.shape_cast %parallel_loop3A_998 : vector<16x1xi32> to vector<16xi32>
        %parallel_loop3A_1000 = tpu.dynamic_gather %parallel_loop3A_995[%parallel_loop3A_999] in [0] : vector<16xf32>, vector<16xi32> -> vector<16xf32>
        %parallel_loop3A_1001 = arith.constant 0 : i32
        %parallel_loop3A_1002 = arith.addi %parallel_loop3A_989, %parallel_loop3A_1001 : i32
        %parallel_loop3A_1003 = arith.index_cast %rem3A_931 : i32 to index
        %parallel_loop3A_1004 = arith.index_cast %parallel_loop3A_1002 : i32 to index
        %parallel_loop3A_1005 = arith.constant 0 : index
        %parallel_loop3A_1006 = tpu.vector_load %arg7[%parallel_loop3A_1003, %parallel_loop3A_1004, %parallel_loop3A_1005] {strides = array<i32>} : memref<2x128x128xi32, #tpu.memory_space<vmem>>, vector<1x1x16xi32>,
        %parallel_loop3A_1007 = vector.shape_cast %parallel_loop3A_1006 : vector<1x1x16xi32> to vector<16xi32>
        %parallel_loop3A_1008 = arith.sitofp %parallel_loop3A_1007 : vector<16xi32> to vector<16xf32>
        %parallel_loop3A_1009 = arith.mulf %parallel_loop3A_1008, %parallel_loop3A_1000 : vector<16xf32>
        %parallel_loop3A_1010 = arith.index_cast %rem3A_931 : i32 to index
        %parallel_loop3A_1011 = arith.index_cast %parallel_loop3A_1002 : i32 to index
        %parallel_loop3A_1012 = arith.constant 0 : index
        %parallel_loop3A_1013 = tpu.vector_load %arg10[%parallel_loop3A_1010, %parallel_loop3A_1011, %parallel_loop3A_1012] {strides = array<i32>} : memref<2x128x128xf32, #tpu.memory_space<vmem>>, vector<1x1x16xf32>,
        %parallel_loop3A_1014 = vector.shape_cast %parallel_loop3A_1013 : vector<1x1x16xf32> to vector<16xf32>
        %parallel_loop3A_1015 = vector.shape_cast %parallel_loop3A_1009 : vector<16xf32> to vector<1x1x16xf32>
        tpu.vector_store %arg10[%parallel_loop3A_1010, %parallel_loop3A_1011, %parallel_loop3A_1012], %parallel_loop3A_1015 {strides = array<i32>} : memref<2x128x128xf32, #tpu.memory_space<vmem>>, vector<1x1x16xf32>,
        %parallel_loop3A_1016 = arith.index_cast %rem3A_931 : i32 to index
        %parallel_loop3A_1017 = arith.index_cast %parallel_loop3A_1002 : i32 to index
        %parallel_loop3A_1018 = arith.constant 16 : index
        %parallel_loop3A_1019 = tpu.vector_load %arg7[%parallel_loop3A_1016, %parallel_loop3A_1017, %parallel_loop3A_1018] {strides = array<i32>} : memref<2x128x128xi32, #tpu.memory_space<vmem>>, vector<1x1x16xi32>,
        %parallel_loop3A_1020 = vector.shape_cast %parallel_loop3A_1019 : vector<1x1x16xi32> to vector<16xi32>
        %parallel_loop3A_1021 = arith.sitofp %parallel_loop3A_1020 : vector<16xi32> to vector<16xf32>
        %parallel_loop3A_1022 = arith.mulf %parallel_loop3A_1021, %parallel_loop3A_1000 : vector<16xf32>
        %parallel_loop3A_1023 = arith.index_cast %rem3A_931 : i32 to index
        %parallel_loop3A_1024 = arith.index_cast %parallel_loop3A_1002 : i32 to index
        %parallel_loop3A_1025 = arith.constant 16 : index
        %parallel_loop3A_1026 = tpu.vector_load %arg10[%parallel_loop3A_1023, %parallel_loop3A_1024, %parallel_loop3A_1025] {strides = array<i32>} : memref<2x128x128xf32, #tpu.memory_space<vmem>>, vector<1x1x16xf32>,
        %parallel_loop3A_1027 = vector.shape_cast %parallel_loop3A_1026 : vector<1x1x16xf32> to vector<16xf32>
        %parallel_loop3A_1028 = vector.shape_cast %parallel_loop3A_1022 : vector<16xf32> to vector<1x1x16xf32>
        tpu.vector_store %arg10[%parallel_loop3A_1023, %parallel_loop3A_1024, %parallel_loop3A_1025], %parallel_loop3A_1028 {strides = array<i32>} : memref<2x128x128xf32, #tpu.memory_space<vmem>>, vector<1x1x16xf32>,
        %parallel_loop3A_1029 = arith.constant 1 : i32
        %parallel_loop3A_1030 = vector.broadcast %parallel_loop3A_1029 : i32 to vector<16xi32>
        %parallel_loop3A_1031 = vector.shape_cast %parallel_loop3A_1030 : vector<16xi32> to vector<16x1xi32>
        %parallel_loop3A_1032 = vector.shape_cast %parallel_loop3A_1031 : vector<16x1xi32> to vector<16xi32>
        %parallel_loop3A_1033 = tpu.dynamic_gather %parallel_loop3A_995[%parallel_loop3A_1032] in [0] : vector<16xf32>, vector<16xi32> -> vector<16xf32>
        %parallel_loop3A_1034 = arith.constant 1 : i32
        %parallel_loop3A_1035 = arith.addi %parallel_loop3A_989, %parallel_loop3A_1034 : i32
        %parallel_loop3A_1036 = arith.index_cast %rem3A_931 : i32 to index
        %parallel_loop3A_1037 = arith.index_cast %parallel_loop3A_1035 : i32 to index
        %parallel_loop3A_1038 = arith.constant 0 : index
        %parallel_loop3A_1039 = tpu.vector_load %arg7[%parallel_loop3A_1036, %parallel_loop3A_1037, %parallel_loop3A_1038] {strides = array<i32>} : memref<2x128x128xi32, #tpu.memory_space<vmem>>, vector<1x1x16xi32>,
        %parallel_loop3A_1040 = vector.shape_cast %parallel_loop3A_1039 : vector<1x1x16xi32> to vector<16xi32>
        %parallel_loop3A_1041 = arith.sitofp %parallel_loop3A_1040 : vector<16xi32> to vector<16xf32>
        %parallel_loop3A_1042 = arith.mulf %parallel_loop3A_1041, %parallel_loop3A_1033 : vector<16xf32>
        %parallel_loop3A_1043 = arith.index_cast %rem3A_931 : i32 to index
        %parallel_loop3A_1044 = arith.index_cast %parallel_loop3A_1035 : i32 to index
        %parallel_loop3A_1045 = arith.constant 0 : index
        %parallel_loop3A_1046 = tpu.vector_load %arg10[%parallel_loop3A_1043, %parallel_loop3A_1044, %parallel_loop3A_1045] {strides = array<i32>} : memref<2x128x128xf32, #tpu.memory_space<vmem>>, vector<1x1x16xf32>,
        %parallel_loop3A_1047 = vector.shape_cast %parallel_loop3A_1046 : vector<1x1x16xf32> to vector<16xf32>
        %parallel_loop3A_1048 = vector.shape_cast %parallel_loop3A_1042 : vector<16xf32> to vector<1x1x16xf32>
        tpu.vector_store %arg10[%parallel_loop3A_1043, %parallel_loop3A_1044, %parallel_loop3A_1045], %parallel_loop3A_1048 {strides = array<i32>} : memref<2x128x128xf32, #tpu.memory_space<vmem>>, vector<1x1x16xf32>,
        %parallel_loop3A_1049 = arith.index_cast %rem3A_931 : i32 to index
        %parallel_loop3A_1050 = arith.index_cast %parallel_loop3A_1035 : i32 to index
        %parallel_loop3A_1051 = arith.constant 16 : index
        %parallel_loop3A_1052 = tpu.vector_load %arg7[%parallel_loop3A_1049, %parallel_loop3A_1050, %parallel_loop3A_1051] {strides = array<i32>} : memref<2x128x128xi32, #tpu.memory_space<vmem>>, vector<1x1x16xi32>,
        %parallel_loop3A_1053 = vector.shape_cast %parallel_loop3A_1052 : vector<1x1x16xi32> to vector<16xi32>
        %parallel_loop3A_1054 = arith.sitofp %parallel_loop3A_1053 : vector<16xi32> to vector<16xf32>
        %parallel_loop3A_1055 = arith.mulf %parallel_loop3A_1054, %parallel_loop3A_1033 : vector<16xf32>
        %parallel_loop3A_1056 = arith.index_cast %rem3A_931 : i32 to index
        %parallel_loop3A_1057 = arith.index_cast %parallel_loop3A_1035 : i32 to index
        %parallel_loop3A_1058 = arith.constant 16 : index
        %parallel_loop3A_1059 = tpu.vector_load %arg10[%parallel_loop3A_1056, %parallel_loop3A_1057, %parallel_loop3A_1058] {strides = array<i32>} : memref<2x128x128xf32, #tpu.memory_space<vmem>>, vector<1x1x16xf32>,
        %parallel_loop3A_1060 = vector.shape_cast %parallel_loop3A_1059 : vector<1x1x16xf32> to vector<16xf32>
        %parallel_loop3A_1061 = vector.shape_cast %parallel_loop3A_1055 : vector<16xf32> to vector<1x1x16xf32>
        tpu.vector_store %arg10[%parallel_loop3A_1056, %parallel_loop3A_1057, %parallel_loop3A_1058], %parallel_loop3A_1061 {strides = array<i32>} : memref<2x128x128xf32, #tpu.memory_space<vmem>>, vector<1x1x16xf32>,
        %parallel_loop3A_1062 = arith.constant 2 : i32
        %parallel_loop3A_1063 = vector.broadcast %parallel_loop3A_1062 : i32 to vector<16xi32>
        %parallel_loop3A_1064 = vector.shape_cast %parallel_loop3A_1063 : vector<16xi32> to vector<16x1xi32>
        %parallel_loop3A_1065 = vector.shape_cast %parallel_loop3A_1064 : vector<16x1xi32> to vector<16xi32>
        %parallel_loop3A_1066 = tpu.dynamic_gather %parallel_loop3A_995[%parallel_loop3A_1065] in [0] : vector<16xf32>, vector<16xi32> -> vector<16xf32>
        %parallel_loop3A_1067 = arith.constant 2 : i32
        %parallel_loop3A_1068 = arith.addi %parallel_loop3A_989, %parallel_loop3A_1067 : i32
        %parallel_loop3A_1069 = arith.index_cast %rem3A_931 : i32 to index
        %parallel_loop3A_1070 = arith.index_cast %parallel_loop3A_1068 : i32 to index
        %parallel_loop3A_1071 = arith.constant 0 : index
        %parallel_loop3A_1072 = tpu.vector_load %arg7[%parallel_loop3A_1069, %parallel_loop3A_1070, %parallel_loop3A_1071] {strides = array<i32>} : memref<2x128x128xi32, #tpu.memory_space<vmem>>, vector<1x1x16xi32>,
        %parallel_loop3A_1073 = vector.shape_cast %parallel_loop3A_1072 : vector<1x1x16xi32> to vector<16xi32>
        %parallel_loop3A_1074 = arith.sitofp %parallel_loop3A_1073 : vector<16xi32> to vector<16xf32>
        %parallel_loop3A_1075 = arith.mulf %parallel_loop3A_1074, %parallel_loop3A_1066 : vector<16xf32>
        %parallel_loop3A_1076 = arith.index_cast %rem3A_931 : i32 to index
        %parallel_loop3A_1077 = arith.index_cast %parallel_loop3A_1068 : i32 to index
        %parallel_loop3A_1078 = arith.constant 0 : index
        %parallel_loop3A_1079 = tpu.vector_load %arg10[%parallel_loop3A_1076, %parallel_loop3A_1077, %parallel_loop3A_1078] {strides = array<i32>} : memref<2x128x128xf32, #tpu.memory_space<vmem>>, vector<1x1x16xf32>,
        %parallel_loop3A_1080 = vector.shape_cast %parallel_loop3A_1079 : vector<1x1x16xf32> to vector<16xf32>
        %parallel_loop3A_1081 = vector.shape_cast %parallel_loop3A_1075 : vector<16xf32> to vector<1x1x16xf32>
        tpu.vector_store %arg10[%parallel_loop3A_1076, %parallel_loop3A_1077, %parallel_loop3A_1078], %parallel_loop3A_1081 {strides = array<i32>} : memref<2x128x128xf32, #tpu.memory_space<vmem>>, vector<1x1x16xf32>,
        %parallel_loop3A_1082 = arith.index_cast %rem3A_931 : i32 to index
        %parallel_loop3A_1083 = arith.index_cast %parallel_loop3A_1068 : i32 to index
        %parallel_loop3A_1084 = arith.constant 16 : index
        %parallel_loop3A_1085 = tpu.vector_load %arg7[%parallel_loop3A_1082, %parallel_loop3A_1083, %parallel_loop3A_1084] {strides = array<i32>} : memref<2x128x128xi32, #tpu.memory_space<vmem>>, vector<1x1x16xi32>,
        %parallel_loop3A_1086 = vector.shape_cast %parallel_loop3A_1085 : vector<1x1x16xi32> to vector<16xi32>
        %parallel_loop3A_1087 = arith.sitofp %parallel_loop3A_1086 : vector<16xi32> to vector<16xf32>
        %parallel_loop3A_1088 = arith.mulf %parallel_loop3A_1087, %parallel_loop3A_1066 : vector<16xf32>
        %parallel_loop3A_1089 = arith.index_cast %rem3A_931 : i32 to index
        %parallel_loop3A_1090 = arith.index_cast %parallel_loop3A_1068 : i32 to index
        %parallel_loop3A_1091 = arith.constant 16 : index
        %parallel_loop3A_1092 = tpu.vector_load %arg10[%parallel_loop3A_1089, %parallel_loop3A_1090, %parallel_loop3A_1091] {strides = array<i32>} : memref<2x128x128xf32, #tpu.memory_space<vmem>>, vector<1x1x16xf32>,
        %parallel_loop3A_1093 = vector.shape_cast %parallel_loop3A_1092 : vector<1x1x16xf32> to vector<16xf32>
        %parallel_loop3A_1094 = vector.shape_cast %parallel_loop3A_1088 : vector<16xf32> to vector<1x1x16xf32>
        tpu.vector_store %arg10[%parallel_loop3A_1089, %parallel_loop3A_1090, %parallel_loop3A_1091], %parallel_loop3A_1094 {strides = array<i32>} : memref<2x128x128xf32, #tpu.memory_space<vmem>>, vector<1x1x16xf32>,
        %parallel_loop3A_1095 = arith.constant 3 : i32
        %parallel_loop3A_1096 = vector.broadcast %parallel_loop3A_1095 : i32 to vector<16xi32>
        %parallel_loop3A_1097 = vector.shape_cast %parallel_loop3A_1096 : vector<16xi32> to vector<16x1xi32>
        %parallel_loop3A_1098 = vector.shape_cast %parallel_loop3A_1097 : vector<16x1xi32> to vector<16xi32>
        %parallel_loop3A_1099 = tpu.dynamic_gather %parallel_loop3A_995[%parallel_loop3A_1098] in [0] : vector<16xf32>, vector<16xi32> -> vector<16xf32>
        %parallel_loop3A_1100 = arith.constant 3 : i32
        %parallel_loop3A_1101 = arith.addi %parallel_loop3A_989, %parallel_loop3A_1100 : i32
        %parallel_loop3A_1102 = arith.index_cast %rem3A_931 : i32 to index
        %parallel_loop3A_1103 = arith.index_cast %parallel_loop3A_1101 : i32 to index
        %parallel_loop3A_1104 = arith.constant 0 : index
        %parallel_loop3A_1105 = tpu.vector_load %arg7[%parallel_loop3A_1102, %parallel_loop3A_1103, %parallel_loop3A_1104] {strides = array<i32>} : memref<2x128x128xi32, #tpu.memory_space<vmem>>, vector<1x1x16xi32>,
        %parallel_loop3A_1106 = vector.shape_cast %parallel_loop3A_1105 : vector<1x1x16xi32> to vector<16xi32>
        %parallel_loop3A_1107 = arith.sitofp %parallel_loop3A_1106 : vector<16xi32> to vector<16xf32>
        %parallel_loop3A_1108 = arith.mulf %parallel_loop3A_1107, %parallel_loop3A_1099 : vector<16xf32>
        %parallel_loop3A_1109 = arith.index_cast %rem3A_931 : i32 to index
        %parallel_loop3A_1110 = arith.index_cast %parallel_loop3A_1101 : i32 to index
        %parallel_loop3A_1111 = arith.constant 0 : index
        %parallel_loop3A_1112 = tpu.vector_load %arg10[%parallel_loop3A_1109, %parallel_loop3A_1110, %parallel_loop3A_1111] {strides = array<i32>} : memref<2x128x128xf32, #tpu.memory_space<vmem>>, vector<1x1x16xf32>,
        %parallel_loop3A_1113 = vector.shape_cast %parallel_loop3A_1112 : vector<1x1x16xf32> to vector<16xf32>
        %parallel_loop3A_1114 = vector.shape_cast %parallel_loop3A_1108 : vector<16xf32> to vector<1x1x16xf32>
        tpu.vector_store %arg10[%parallel_loop3A_1109, %parallel_loop3A_1110, %parallel_loop3A_1111], %parallel_loop3A_1114 {strides = array<i32>} : memref<2x128x128xf32, #tpu.memory_space<vmem>>, vector<1x1x16xf32>,
        %parallel_loop3A_1115 = arith.index_cast %rem3A_931 : i32 to index
        %parallel_loop3A_1116 = arith.index_cast %parallel_loop3A_1101 : i32 to index
        %parallel_loop3A_1117 = arith.constant 16 : index
        %parallel_loop3A_1118 = tpu.vector_load %arg7[%parallel_loop3A_1115, %parallel_loop3A_1116, %parallel_loop3A_1117] {strides = array<i32>} : memref<2x128x128xi32, #tpu.memory_space<vmem>>, vector<1x1x16xi32>,
        %parallel_loop3A_1119 = vector.shape_cast %parallel_loop3A_1118 : vector<1x1x16xi32> to vector<16xi32>
        %parallel_loop3A_1120 = arith.sitofp %parallel_loop3A_1119 : vector<16xi32> to vector<16xf32>
        %parallel_loop3A_1121 = arith.mulf %parallel_loop3A_1120, %parallel_loop3A_1099 : vector<16xf32>
        %parallel_loop3A_1122 = arith.index_cast %rem3A_931 : i32 to index
        %parallel_loop3A_1123 = arith.index_cast %parallel_loop3A_1101 : i32 to index
        %parallel_loop3A_1124 = arith.constant 16 : index
        %parallel_loop3A_1125 = tpu.vector_load %arg10[%parallel_loop3A_1122, %parallel_loop3A_1123, %parallel_loop3A_1124] {strides = array<i32>} : memref<2x128x128xf32, #tpu.memory_space<vmem>>, vector<1x1x16xf32>,
        %parallel_loop3A_1126 = vector.shape_cast %parallel_loop3A_1125 : vector<1x1x16xf32> to vector<16xf32>
        %parallel_loop3A_1127 = vector.shape_cast %parallel_loop3A_1121 : vector<16xf32> to vector<1x1x16xf32>
        tpu.vector_store %arg10[%parallel_loop3A_1122, %parallel_loop3A_1123, %parallel_loop3A_1124], %parallel_loop3A_1127 {strides = array<i32>} : memref<2x128x128xf32, #tpu.memory_space<vmem>>, vector<1x1x16xf32>,
        %parallel_loop3A_1128 = arith.constant 4 : i32
        %parallel_loop3A_1129 = vector.broadcast %parallel_loop3A_1128 : i32 to vector<16xi32>
        %parallel_loop3A_1130 = vector.shape_cast %parallel_loop3A_1129 : vector<16xi32> to vector<16x1xi32>
        %parallel_loop3A_1131 = vector.shape_cast %parallel_loop3A_1130 : vector<16x1xi32> to vector<16xi32>
        %parallel_loop3A_1132 = tpu.dynamic_gather %parallel_loop3A_995[%parallel_loop3A_1131] in [0] : vector<16xf32>, vector<16xi32> -> vector<16xf32>
        %parallel_loop3A_1133 = arith.constant 4 : i32
        %parallel_loop3A_1134 = arith.addi %parallel_loop3A_989, %parallel_loop3A_1133 : i32
        %parallel_loop3A_1135 = arith.index_cast %rem3A_931 : i32 to index
        %parallel_loop3A_1136 = arith.index_cast %parallel_loop3A_1134 : i32 to index
        %parallel_loop3A_1137 = arith.constant 0 : index
        %parallel_loop3A_1138 = tpu.vector_load %arg7[%parallel_loop3A_1135, %parallel_loop3A_1136, %parallel_loop3A_1137] {strides = array<i32>} : memref<2x128x128xi32, #tpu.memory_space<vmem>>, vector<1x1x16xi32>,
        %parallel_loop3A_1139 = vector.shape_cast %parallel_loop3A_1138 : vector<1x1x16xi32> to vector<16xi32>
        %parallel_loop3A_1140 = arith.sitofp %parallel_loop3A_1139 : vector<16xi32> to vector<16xf32>
        %parallel_loop3A_1141 = arith.mulf %parallel_loop3A_1140, %parallel_loop3A_1132 : vector<16xf32>
        %parallel_loop3A_1142 = arith.index_cast %rem3A_931 : i32 to index
        %parallel_loop3A_1143 = arith.index_cast %parallel_loop3A_1134 : i32 to index
        %parallel_loop3A_1144 = arith.constant 0 : index
        %parallel_loop3A_1145 = tpu.vector_load %arg10[%parallel_loop3A_1142, %parallel_loop3A_1143, %parallel_loop3A_1144] {strides = array<i32>} : memref<2x128x128xf32, #tpu.memory_space<vmem>>, vector<1x1x16xf32>,
        %parallel_loop3A_1146 = vector.shape_cast %parallel_loop3A_1145 : vector<1x1x16xf32> to vector<16xf32>
        %parallel_loop3A_1147 = vector.shape_cast %parallel_loop3A_1141 : vector<16xf32> to vector<1x1x16xf32>
        tpu.vector_store %arg10[%parallel_loop3A_1142, %parallel_loop3A_1143, %parallel_loop3A_1144], %parallel_loop3A_1147 {strides = array<i32>} : memref<2x128x128xf32, #tpu.memory_space<vmem>>, vector<1x1x16xf32>,
        %parallel_loop3A_1148 = arith.index_cast %rem3A_931 : i32 to index
        %parallel_loop3A_1149 = arith.index_cast %parallel_loop3A_1134 : i32 to index
        %parallel_loop3A_1150 = arith.constant 16 : index
        %parallel_loop3A_1151 = tpu.vector_load %arg7[%parallel_loop3A_1148, %parallel_loop3A_1149, %parallel_loop3A_1150] {strides = array<i32>} : memref<2x128x128xi32, #tpu.memory_space<vmem>>, vector<1x1x16xi32>,
        %parallel_loop3A_1152 = vector.shape_cast %parallel_loop3A_1151 : vector<1x1x16xi32> to vector<16xi32>
        %parallel_loop3A_1153 = arith.sitofp %parallel_loop3A_1152 : vector<16xi32> to vector<16xf32>
        %parallel_loop3A_1154 = arith.mulf %parallel_loop3A_1153, %parallel_loop3A_1132 : vector<16xf32>
        %parallel_loop3A_1155 = arith.index_cast %rem3A_931 : i32 to index
        %parallel_loop3A_1156 = arith.index_cast %parallel_loop3A_1134 : i32 to index
        %parallel_loop3A_1157 = arith.constant 16 : index
        %parallel_loop3A_1158 = tpu.vector_load %arg10[%parallel_loop3A_1155, %parallel_loop3A_1156, %parallel_loop3A_1157] {strides = array<i32>} : memref<2x128x128xf32, #tpu.memory_space<vmem>>, vector<1x1x16xf32>,
        %parallel_loop3A_1159 = vector.shape_cast %parallel_loop3A_1158 : vector<1x1x16xf32> to vector<16xf32>
        %parallel_loop3A_1160 = vector.shape_cast %parallel_loop3A_1154 : vector<16xf32> to vector<1x1x16xf32>
        tpu.vector_store %arg10[%parallel_loop3A_1155, %parallel_loop3A_1156, %parallel_loop3A_1157], %parallel_loop3A_1160 {strides = array<i32>} : memref<2x128x128xf32, #tpu.memory_space<vmem>>, vector<1x1x16xf32>,
        %parallel_loop3A_1161 = arith.constant 5 : i32
        %parallel_loop3A_1162 = vector.broadcast %parallel_loop3A_1161 : i32 to vector<16xi32>
        %parallel_loop3A_1163 = vector.shape_cast %parallel_loop3A_1162 : vector<16xi32> to vector<16x1xi32>
        %parallel_loop3A_1164 = vector.shape_cast %parallel_loop3A_1163 : vector<16x1xi32> to vector<16xi32>
        %parallel_loop3A_1165 = tpu.dynamic_gather %parallel_loop3A_995[%parallel_loop3A_1164] in [0] : vector<16xf32>, vector<16xi32> -> vector<16xf32>
        %parallel_loop3A_1166 = arith.constant 5 : i32
        %parallel_loop3A_1167 = arith.addi %parallel_loop3A_989, %parallel_loop3A_1166 : i32
        %parallel_loop3A_1168 = arith.index_cast %rem3A_931 : i32 to index
        %parallel_loop3A_1169 = arith.index_cast %parallel_loop3A_1167 : i32 to index
        %parallel_loop3A_1170 = arith.constant 0 : index
        %parallel_loop3A_1171 = tpu.vector_load %arg7[%parallel_loop3A_1168, %parallel_loop3A_1169, %parallel_loop3A_1170] {strides = array<i32>} : memref<2x128x128xi32, #tpu.memory_space<vmem>>, vector<1x1x16xi32>,
        %parallel_loop3A_1172 = vector.shape_cast %parallel_loop3A_1171 : vector<1x1x16xi32> to vector<16xi32>
        %parallel_loop3A_1173 = arith.sitofp %parallel_loop3A_1172 : vector<16xi32> to vector<16xf32>
        %parallel_loop3A_1174 = arith.mulf %parallel_loop3A_1173, %parallel_loop3A_1165 : vector<16xf32>
        %parallel_loop3A_1175 = arith.index_cast %rem3A_931 : i32 to index
        %parallel_loop3A_1176 = arith.index_cast %parallel_loop3A_1167 : i32 to index
        %parallel_loop3A_1177 = arith.constant 0 : index
        %parallel_loop3A_1178 = tpu.vector_load %arg10[%parallel_loop3A_1175, %parallel_loop3A_1176, %parallel_loop3A_1177] {strides = array<i32>} : memref<2x128x128xf32, #tpu.memory_space<vmem>>, vector<1x1x16xf32>,
        %parallel_loop3A_1179 = vector.shape_cast %parallel_loop3A_1178 : vector<1x1x16xf32> to vector<16xf32>
        %parallel_loop3A_1180 = vector.shape_cast %parallel_loop3A_1174 : vector<16xf32> to vector<1x1x16xf32>
        tpu.vector_store %arg10[%parallel_loop3A_1175, %parallel_loop3A_1176, %parallel_loop3A_1177], %parallel_loop3A_1180 {strides = array<i32>} : memref<2x128x128xf32, #tpu.memory_space<vmem>>, vector<1x1x16xf32>,
        %parallel_loop3A_1181 = arith.index_cast %rem3A_931 : i32 to index
        %parallel_loop3A_1182 = arith.index_cast %parallel_loop3A_1167 : i32 to index
        %parallel_loop3A_1183 = arith.constant 16 : index
        %parallel_loop3A_1184 = tpu.vector_load %arg7[%parallel_loop3A_1181, %parallel_loop3A_1182, %parallel_loop3A_1183] {strides = array<i32>} : memref<2x128x128xi32, #tpu.memory_space<vmem>>, vector<1x1x16xi32>,
        %parallel_loop3A_1185 = vector.shape_cast %parallel_loop3A_1184 : vector<1x1x16xi32> to vector<16xi32>
        %parallel_loop3A_1186 = arith.sitofp %parallel_loop3A_1185 : vector<16xi32> to vector<16xf32>
        %parallel_loop3A_1187 = arith.mulf %parallel_loop3A_1186, %parallel_loop3A_1165 : vector<16xf32>
        %parallel_loop3A_1188 = arith.index_cast %rem3A_931 : i32 to index
        %parallel_loop3A_1189 = arith.index_cast %parallel_loop3A_1167 : i32 to index
        %parallel_loop3A_1190 = arith.constant 16 : index
        %parallel_loop3A_1191 = tpu.vector_load %arg10[%parallel_loop3A_1188, %parallel_loop3A_1189, %parallel_loop3A_1190] {strides = array<i32>} : memref<2x128x128xf32, #tpu.memory_space<vmem>>, vector<1x1x16xf32>,
        %parallel_loop3A_1192 = vector.shape_cast %parallel_loop3A_1191 : vector<1x1x16xf32> to vector<16xf32>
        %parallel_loop3A_1193 = vector.shape_cast %parallel_loop3A_1187 : vector<16xf32> to vector<1x1x16xf32>
        tpu.vector_store %arg10[%parallel_loop3A_1188, %parallel_loop3A_1189, %parallel_loop3A_1190], %parallel_loop3A_1193 {strides = array<i32>} : memref<2x128x128xf32, #tpu.memory_space<vmem>>, vector<1x1x16xf32>,
        %parallel_loop3A_1194 = arith.constant 6 : i32
        %parallel_loop3A_1195 = vector.broadcast %parallel_loop3A_1194 : i32 to vector<16xi32>
        %parallel_loop3A_1196 = vector.shape_cast %parallel_loop3A_1195 : vector<16xi32> to vector<16x1xi32>
        %parallel_loop3A_1197 = vector.shape_cast %parallel_loop3A_1196 : vector<16x1xi32> to vector<16xi32>
        %parallel_loop3A_1198 = tpu.dynamic_gather %parallel_loop3A_995[%parallel_loop3A_1197] in [0] : vector<16xf32>, vector<16xi32> -> vector<16xf32>
        %parallel_loop3A_1199 = arith.constant 6 : i32
        %parallel_loop3A_1200 = arith.addi %parallel_loop3A_989, %parallel_loop3A_1199 : i32
        %parallel_loop3A_1201 = arith.index_cast %rem3A_931 : i32 to index
        %parallel_loop3A_1202 = arith.index_cast %parallel_loop3A_1200 : i32 to index
        %parallel_loop3A_1203 = arith.constant 0 : index
        %parallel_loop3A_1204 = tpu.vector_load %arg7[%parallel_loop3A_1201, %parallel_loop3A_1202, %parallel_loop3A_1203] {strides = array<i32>} : memref<2x128x128xi32, #tpu.memory_space<vmem>>, vector<1x1x16xi32>,
        %parallel_loop3A_1205 = vector.shape_cast %parallel_loop3A_1204 : vector<1x1x16xi32> to vector<16xi32>
        %parallel_loop3A_1206 = arith.sitofp %parallel_loop3A_1205 : vector<16xi32> to vector<16xf32>
        %parallel_loop3A_1207 = arith.mulf %parallel_loop3A_1206, %parallel_loop3A_1198 : vector<16xf32>
        %parallel_loop3A_1208 = arith.index_cast %rem3A_931 : i32 to index
        %parallel_loop3A_1209 = arith.index_cast %parallel_loop3A_1200 : i32 to index
        %parallel_loop3A_1210 = arith.constant 0 : index
        %parallel_loop3A_1211 = tpu.vector_load %arg10[%parallel_loop3A_1208, %parallel_loop3A_1209, %parallel_loop3A_1210] {strides = array<i32>} : memref<2x128x128xf32, #tpu.memory_space<vmem>>, vector<1x1x16xf32>,
        %parallel_loop3A_1212 = vector.shape_cast %parallel_loop3A_1211 : vector<1x1x16xf32> to vector<16xf32>
        %parallel_loop3A_1213 = vector.shape_cast %parallel_loop3A_1207 : vector<16xf32> to vector<1x1x16xf32>
        tpu.vector_store %arg10[%parallel_loop3A_1208, %parallel_loop3A_1209, %parallel_loop3A_1210], %parallel_loop3A_1213 {strides = array<i32>} : memref<2x128x128xf32, #tpu.memory_space<vmem>>, vector<1x1x16xf32>,
        %parallel_loop3A_1214 = arith.index_cast %rem3A_931 : i32 to index
        %parallel_loop3A_1215 = arith.index_cast %parallel_loop3A_1200 : i32 to index
        %parallel_loop3A_1216 = arith.constant 16 : index
        %parallel_loop3A_1217 = tpu.vector_load %arg7[%parallel_loop3A_1214, %parallel_loop3A_1215, %parallel_loop3A_1216] {strides = array<i32>} : memref<2x128x128xi32, #tpu.memory_space<vmem>>, vector<1x1x16xi32>,
        %parallel_loop3A_1218 = vector.shape_cast %parallel_loop3A_1217 : vector<1x1x16xi32> to vector<16xi32>
        %parallel_loop3A_1219 = arith.sitofp %parallel_loop3A_1218 : vector<16xi32> to vector<16xf32>
        %parallel_loop3A_1220 = arith.mulf %parallel_loop3A_1219, %parallel_loop3A_1198 : vector<16xf32>
        %parallel_loop3A_1221 = arith.index_cast %rem3A_931 : i32 to index
        %parallel_loop3A_1222 = arith.index_cast %parallel_loop3A_1200 : i32 to index
        %parallel_loop3A_1223 = arith.constant 16 : index
        %parallel_loop3A_1224 = tpu.vector_load %arg10[%parallel_loop3A_1221, %parallel_loop3A_1222, %parallel_loop3A_1223] {strides = array<i32>} : memref<2x128x128xf32, #tpu.memory_space<vmem>>, vector<1x1x16xf32>,
        %parallel_loop3A_1225 = vector.shape_cast %parallel_loop3A_1224 : vector<1x1x16xf32> to vector<16xf32>
        %parallel_loop3A_1226 = vector.shape_cast %parallel_loop3A_1220 : vector<16xf32> to vector<1x1x16xf32>
        tpu.vector_store %arg10[%parallel_loop3A_1221, %parallel_loop3A_1222, %parallel_loop3A_1223], %parallel_loop3A_1226 {strides = array<i32>} : memref<2x128x128xf32, #tpu.memory_space<vmem>>, vector<1x1x16xf32>,
        %parallel_loop3A_1227 = arith.constant 7 : i32
        %parallel_loop3A_1228 = vector.broadcast %parallel_loop3A_1227 : i32 to vector<16xi32>
        %parallel_loop3A_1229 = vector.shape_cast %parallel_loop3A_1228 : vector<16xi32> to vector<16x1xi32>
        %parallel_loop3A_1230 = vector.shape_cast %parallel_loop3A_1229 : vector<16x1xi32> to vector<16xi32>
        %parallel_loop3A_1231 = tpu.dynamic_gather %parallel_loop3A_995[%parallel_loop3A_1230] in [0] : vector<16xf32>, vector<16xi32> -> vector<16xf32>
        %parallel_loop3A_1232 = arith.constant 7 : i32
        %parallel_loop3A_1233 = arith.addi %parallel_loop3A_989, %parallel_loop3A_1232 : i32
        %parallel_loop3A_1234 = arith.index_cast %rem3A_931 : i32 to index
        %parallel_loop3A_1235 = arith.index_cast %parallel_loop3A_1233 : i32 to index
        %parallel_loop3A_1236 = arith.constant 0 : index
        %parallel_loop3A_1237 = tpu.vector_load %arg7[%parallel_loop3A_1234, %parallel_loop3A_1235, %parallel_loop3A_1236] {strides = array<i32>} : memref<2x128x128xi32, #tpu.memory_space<vmem>>, vector<1x1x16xi32>,
        %parallel_loop3A_1238 = vector.shape_cast %parallel_loop3A_1237 : vector<1x1x16xi32> to vector<16xi32>
        %parallel_loop3A_1239 = arith.sitofp %parallel_loop3A_1238 : vector<16xi32> to vector<16xf32>
        %parallel_loop3A_1240 = arith.mulf %parallel_loop3A_1239, %parallel_loop3A_1231 : vector<16xf32>
        %parallel_loop3A_1241 = arith.index_cast %rem3A_931 : i32 to index
        %parallel_loop3A_1242 = arith.index_cast %parallel_loop3A_1233 : i32 to index
        %parallel_loop3A_1243 = arith.constant 0 : index
        %parallel_loop3A_1244 = tpu.vector_load %arg10[%parallel_loop3A_1241, %parallel_loop3A_1242, %parallel_loop3A_1243] {strides = array<i32>} : memref<2x128x128xf32, #tpu.memory_space<vmem>>, vector<1x1x16xf32>,
        %parallel_loop3A_1245 = vector.shape_cast %parallel_loop3A_1244 : vector<1x1x16xf32> to vector<16xf32>
        %parallel_loop3A_1246 = vector.shape_cast %parallel_loop3A_1240 : vector<16xf32> to vector<1x1x16xf32>
        tpu.vector_store %arg10[%parallel_loop3A_1241, %parallel_loop3A_1242, %parallel_loop3A_1243], %parallel_loop3A_1246 {strides = array<i32>} : memref<2x128x128xf32, #tpu.memory_space<vmem>>, vector<1x1x16xf32>,
        %parallel_loop3A_1247 = arith.index_cast %rem3A_931 : i32 to index
        %parallel_loop3A_1248 = arith.index_cast %parallel_loop3A_1233 : i32 to index
        %parallel_loop3A_1249 = arith.constant 16 : index
        %parallel_loop3A_1250 = tpu.vector_load %arg7[%parallel_loop3A_1247, %parallel_loop3A_1248, %parallel_loop3A_1249] {strides = array<i32>} : memref<2x128x128xi32, #tpu.memory_space<vmem>>, vector<1x1x16xi32>,
        %parallel_loop3A_1251 = vector.shape_cast %parallel_loop3A_1250 : vector<1x1x16xi32> to vector<16xi32>
        %parallel_loop3A_1252 = arith.sitofp %parallel_loop3A_1251 : vector<16xi32> to vector<16xf32>
        %parallel_loop3A_1253 = arith.mulf %parallel_loop3A_1252, %parallel_loop3A_1231 : vector<16xf32>
        %parallel_loop3A_1254 = arith.index_cast %rem3A_931 : i32 to index
        %parallel_loop3A_1255 = arith.index_cast %parallel_loop3A_1233 : i32 to index
        %parallel_loop3A_1256 = arith.constant 16 : index
        %parallel_loop3A_1257 = tpu.vector_load %arg10[%parallel_loop3A_1254, %parallel_loop3A_1255, %parallel_loop3A_1256] {strides = array<i32>} : memref<2x128x128xf32, #tpu.memory_space<vmem>>, vector<1x1x16xf32>,
        %parallel_loop3A_1258 = vector.shape_cast %parallel_loop3A_1257 : vector<1x1x16xf32> to vector<16xf32>
        %parallel_loop3A_1259 = vector.shape_cast %parallel_loop3A_1253 : vector<16xf32> to vector<1x1x16xf32>
        tpu.vector_store %arg10[%parallel_loop3A_1254, %parallel_loop3A_1255, %parallel_loop3A_1256], %parallel_loop3A_1259 {strides = array<i32>} : memref<2x128x128xf32, #tpu.memory_space<vmem>>, vector<1x1x16xf32>,
        %parallel_loop3A_1260 = arith.constant 8 : i32
        %parallel_loop3A_1261 = vector.broadcast %parallel_loop3A_1260 : i32 to vector<16xi32>
        %parallel_loop3A_1262 = vector.shape_cast %parallel_loop3A_1261 : vector<16xi32> to vector<16x1xi32>
        %parallel_loop3A_1263 = vector.shape_cast %parallel_loop3A_1262 : vector<16x1xi32> to vector<16xi32>
        %parallel_loop3A_1264 = tpu.dynamic_gather %parallel_loop3A_995[%parallel_loop3A_1263] in [0] : vector<16xf32>, vector<16xi32> -> vector<16xf32>
        %parallel_loop3A_1265 = arith.constant 8 : i32
        %parallel_loop3A_1266 = arith.addi %parallel_loop3A_989, %parallel_loop3A_1265 : i32
        %parallel_loop3A_1267 = arith.index_cast %rem3A_931 : i32 to index
        %parallel_loop3A_1268 = arith.index_cast %parallel_loop3A_1266 : i32 to index
        %parallel_loop3A_1269 = arith.constant 0 : index
        %parallel_loop3A_1270 = tpu.vector_load %arg7[%parallel_loop3A_1267, %parallel_loop3A_1268, %parallel_loop3A_1269] {strides = array<i32>} : memref<2x128x128xi32, #tpu.memory_space<vmem>>, vector<1x1x16xi32>,
        %parallel_loop3A_1271 = vector.shape_cast %parallel_loop3A_1270 : vector<1x1x16xi32> to vector<16xi32>
        %parallel_loop3A_1272 = arith.sitofp %parallel_loop3A_1271 : vector<16xi32> to vector<16xf32>
        %parallel_loop3A_1273 = arith.mulf %parallel_loop3A_1272, %parallel_loop3A_1264 : vector<16xf32>
        %parallel_loop3A_1274 = arith.index_cast %rem3A_931 : i32 to index
        %parallel_loop3A_1275 = arith.index_cast %parallel_loop3A_1266 : i32 to index
        %parallel_loop3A_1276 = arith.constant 0 : index
        %parallel_loop3A_1277 = tpu.vector_load %arg10[%parallel_loop3A_1274, %parallel_loop3A_1275, %parallel_loop3A_1276] {strides = array<i32>} : memref<2x128x128xf32, #tpu.memory_space<vmem>>, vector<1x1x16xf32>,
        %parallel_loop3A_1278 = vector.shape_cast %parallel_loop3A_1277 : vector<1x1x16xf32> to vector<16xf32>
        %parallel_loop3A_1279 = vector.shape_cast %parallel_loop3A_1273 : vector<16xf32> to vector<1x1x16xf32>
        tpu.vector_store %arg10[%parallel_loop3A_1274, %parallel_loop3A_1275, %parallel_loop3A_1276], %parallel_loop3A_1279 {strides = array<i32>} : memref<2x128x128xf32, #tpu.memory_space<vmem>>, vector<1x1x16xf32>,
        %parallel_loop3A_1280 = arith.index_cast %rem3A_931 : i32 to index
        %parallel_loop3A_1281 = arith.index_cast %parallel_loop3A_1266 : i32 to index
        %parallel_loop3A_1282 = arith.constant 16 : index
        %parallel_loop3A_1283 = tpu.vector_load %arg7[%parallel_loop3A_1280, %parallel_loop3A_1281, %parallel_loop3A_1282] {strides = array<i32>} : memref<2x128x128xi32, #tpu.memory_space<vmem>>, vector<1x1x16xi32>,
        %parallel_loop3A_1284 = vector.shape_cast %parallel_loop3A_1283 : vector<1x1x16xi32> to vector<16xi32>
        %parallel_loop3A_1285 = arith.sitofp %parallel_loop3A_1284 : vector<16xi32> to vector<16xf32>
        %parallel_loop3A_1286 = arith.mulf %parallel_loop3A_1285, %parallel_loop3A_1264 : vector<16xf32>
        %parallel_loop3A_1287 = arith.index_cast %rem3A_931 : i32 to index
        %parallel_loop3A_1288 = arith.index_cast %parallel_loop3A_1266 : i32 to index
        %parallel_loop3A_1289 = arith.constant 16 : index
        %parallel_loop3A_1290 = tpu.vector_load %arg10[%parallel_loop3A_1287, %parallel_loop3A_1288, %parallel_loop3A_1289] {strides = array<i32>} : memref<2x128x128xf32, #tpu.memory_space<vmem>>, vector<1x1x16xf32>,
        %parallel_loop3A_1291 = vector.shape_cast %parallel_loop3A_1290 : vector<1x1x16xf32> to vector<16xf32>
        %parallel_loop3A_1292 = vector.shape_cast %parallel_loop3A_1286 : vector<16xf32> to vector<1x1x16xf32>
        tpu.vector_store %arg10[%parallel_loop3A_1287, %parallel_loop3A_1288, %parallel_loop3A_1289], %parallel_loop3A_1292 {strides = array<i32>} : memref<2x128x128xf32, #tpu.memory_space<vmem>>, vector<1x1x16xf32>,
        %parallel_loop3A_1293 = arith.constant 9 : i32
        %parallel_loop3A_1294 = vector.broadcast %parallel_loop3A_1293 : i32 to vector<16xi32>
        %parallel_loop3A_1295 = vector.shape_cast %parallel_loop3A_1294 : vector<16xi32> to vector<16x1xi32>
        %parallel_loop3A_1296 = vector.shape_cast %parallel_loop3A_1295 : vector<16x1xi32> to vector<16xi32>
        %parallel_loop3A_1297 = tpu.dynamic_gather %parallel_loop3A_995[%parallel_loop3A_1296] in [0] : vector<16xf32>, vector<16xi32> -> vector<16xf32>
        %parallel_loop3A_1298 = arith.constant 9 : i32
        %parallel_loop3A_1299 = arith.addi %parallel_loop3A_989, %parallel_loop3A_1298 : i32
        %parallel_loop3A_1300 = arith.index_cast %rem3A_931 : i32 to index
        %parallel_loop3A_1301 = arith.index_cast %parallel_loop3A_1299 : i32 to index
        %parallel_loop3A_1302 = arith.constant 0 : index
        %parallel_loop3A_1303 = tpu.vector_load %arg7[%parallel_loop3A_1300, %parallel_loop3A_1301, %parallel_loop3A_1302] {strides = array<i32>} : memref<2x128x128xi32, #tpu.memory_space<vmem>>, vector<1x1x16xi32>,
        %parallel_loop3A_1304 = vector.shape_cast %parallel_loop3A_1303 : vector<1x1x16xi32> to vector<16xi32>
        %parallel_loop3A_1305 = arith.sitofp %parallel_loop3A_1304 : vector<16xi32> to vector<16xf32>
        %parallel_loop3A_1306 = arith.mulf %parallel_loop3A_1305, %parallel_loop3A_1297 : vector<16xf32>
        %parallel_loop3A_1307 = arith.index_cast %rem3A_931 : i32 to index
        %parallel_loop3A_1308 = arith.index_cast %parallel_loop3A_1299 : i32 to index
        %parallel_loop3A_1309 = arith.constant 0 : index
        %parallel_loop3A_1310 = tpu.vector_load %arg10[%parallel_loop3A_1307, %parallel_loop3A_1308, %parallel_loop3A_1309] {strides = array<i32>} : memref<2x128x128xf32, #tpu.memory_space<vmem>>, vector<1x1x16xf32>,
        %parallel_loop3A_1311 = vector.shape_cast %parallel_loop3A_1310 : vector<1x1x16xf32> to vector<16xf32>
        %parallel_loop3A_1312 = vector.shape_cast %parallel_loop3A_1306 : vector<16xf32> to vector<1x1x16xf32>
        tpu.vector_store %arg10[%parallel_loop3A_1307, %parallel_loop3A_1308, %parallel_loop3A_1309], %parallel_loop3A_1312 {strides = array<i32>} : memref<2x128x128xf32, #tpu.memory_space<vmem>>, vector<1x1x16xf32>,
        %parallel_loop3A_1313 = arith.index_cast %rem3A_931 : i32 to index
        %parallel_loop3A_1314 = arith.index_cast %parallel_loop3A_1299 : i32 to index
        %parallel_loop3A_1315 = arith.constant 16 : index
        %parallel_loop3A_1316 = tpu.vector_load %arg7[%parallel_loop3A_1313, %parallel_loop3A_1314, %parallel_loop3A_1315] {strides = array<i32>} : memref<2x128x128xi32, #tpu.memory_space<vmem>>, vector<1x1x16xi32>,
        %parallel_loop3A_1317 = vector.shape_cast %parallel_loop3A_1316 : vector<1x1x16xi32> to vector<16xi32>
        %parallel_loop3A_1318 = arith.sitofp %parallel_loop3A_1317 : vector<16xi32> to vector<16xf32>
        %parallel_loop3A_1319 = arith.mulf %parallel_loop3A_1318, %parallel_loop3A_1297 : vector<16xf32>
        %parallel_loop3A_1320 = arith.index_cast %rem3A_931 : i32 to index
        %parallel_loop3A_1321 = arith.index_cast %parallel_loop3A_1299 : i32 to index
        %parallel_loop3A_1322 = arith.constant 16 : index
        %parallel_loop3A_1323 = tpu.vector_load %arg10[%parallel_loop3A_1320, %parallel_loop3A_1321, %parallel_loop3A_1322] {strides = array<i32>} : memref<2x128x128xf32, #tpu.memory_space<vmem>>, vector<1x1x16xf32>,
        %parallel_loop3A_1324 = vector.shape_cast %parallel_loop3A_1323 : vector<1x1x16xf32> to vector<16xf32>
        %parallel_loop3A_1325 = vector.shape_cast %parallel_loop3A_1319 : vector<16xf32> to vector<1x1x16xf32>
        tpu.vector_store %arg10[%parallel_loop3A_1320, %parallel_loop3A_1321, %parallel_loop3A_1322], %parallel_loop3A_1325 {strides = array<i32>} : memref<2x128x128xf32, #tpu.memory_space<vmem>>, vector<1x1x16xf32>,
        %parallel_loop3A_1326 = arith.constant 10 : i32
        %parallel_loop3A_1327 = vector.broadcast %parallel_loop3A_1326 : i32 to vector<16xi32>
        %parallel_loop3A_1328 = vector.shape_cast %parallel_loop3A_1327 : vector<16xi32> to vector<16x1xi32>
        %parallel_loop3A_1329 = vector.shape_cast %parallel_loop3A_1328 : vector<16x1xi32> to vector<16xi32>
        %parallel_loop3A_1330 = tpu.dynamic_gather %parallel_loop3A_995[%parallel_loop3A_1329] in [0] : vector<16xf32>, vector<16xi32> -> vector<16xf32>
        %parallel_loop3A_1331 = arith.constant 10 : i32
        %parallel_loop3A_1332 = arith.addi %parallel_loop3A_989, %parallel_loop3A_1331 : i32
        %parallel_loop3A_1333 = arith.index_cast %rem3A_931 : i32 to index
        %parallel_loop3A_1334 = arith.index_cast %parallel_loop3A_1332 : i32 to index
        %parallel_loop3A_1335 = arith.constant 0 : index
        %parallel_loop3A_1336 = tpu.vector_load %arg7[%parallel_loop3A_1333, %parallel_loop3A_1334, %parallel_loop3A_1335] {strides = array<i32>} : memref<2x128x128xi32, #tpu.memory_space<vmem>>, vector<1x1x16xi32>,
        %parallel_loop3A_1337 = vector.shape_cast %parallel_loop3A_1336 : vector<1x1x16xi32> to vector<16xi32>
        %parallel_loop3A_1338 = arith.sitofp %parallel_loop3A_1337 : vector<16xi32> to vector<16xf32>
        %parallel_loop3A_1339 = arith.mulf %parallel_loop3A_1338, %parallel_loop3A_1330 : vector<16xf32>
        %parallel_loop3A_1340 = arith.index_cast %rem3A_931 : i32 to index
        %parallel_loop3A_1341 = arith.index_cast %parallel_loop3A_1332 : i32 to index
        %parallel_loop3A_1342 = arith.constant 0 : index
        %parallel_loop3A_1343 = tpu.vector_load %arg10[%parallel_loop3A_1340, %parallel_loop3A_1341, %parallel_loop3A_1342] {strides = array<i32>} : memref<2x128x128xf32, #tpu.memory_space<vmem>>, vector<1x1x16xf32>,
        %parallel_loop3A_1344 = vector.shape_cast %parallel_loop3A_1343 : vector<1x1x16xf32> to vector<16xf32>
        %parallel_loop3A_1345 = vector.shape_cast %parallel_loop3A_1339 : vector<16xf32> to vector<1x1x16xf32>
        tpu.vector_store %arg10[%parallel_loop3A_1340, %parallel_loop3A_1341, %parallel_loop3A_1342], %parallel_loop3A_1345 {strides = array<i32>} : memref<2x128x128xf32, #tpu.memory_space<vmem>>, vector<1x1x16xf32>,
        %parallel_loop3A_1346 = arith.index_cast %rem3A_931 : i32 to index
        %parallel_loop3A_1347 = arith.index_cast %parallel_loop3A_1332 : i32 to index
        %parallel_loop3A_1348 = arith.constant 16 : index
        %parallel_loop3A_1349 = tpu.vector_load %arg7[%parallel_loop3A_1346, %parallel_loop3A_1347, %parallel_loop3A_1348] {strides = array<i32>} : memref<2x128x128xi32, #tpu.memory_space<vmem>>, vector<1x1x16xi32>,
        %parallel_loop3A_1350 = vector.shape_cast %parallel_loop3A_1349 : vector<1x1x16xi32> to vector<16xi32>
        %parallel_loop3A_1351 = arith.sitofp %parallel_loop3A_1350 : vector<16xi32> to vector<16xf32>
        %parallel_loop3A_1352 = arith.mulf %parallel_loop3A_1351, %parallel_loop3A_1330 : vector<16xf32>
        %parallel_loop3A_1353 = arith.index_cast %rem3A_931 : i32 to index
        %parallel_loop3A_1354 = arith.index_cast %parallel_loop3A_1332 : i32 to index
        %parallel_loop3A_1355 = arith.constant 16 : index
        %parallel_loop3A_1356 = tpu.vector_load %arg10[%parallel_loop3A_1353, %parallel_loop3A_1354, %parallel_loop3A_1355] {strides = array<i32>} : memref<2x128x128xf32, #tpu.memory_space<vmem>>, vector<1x1x16xf32>,
        %parallel_loop3A_1357 = vector.shape_cast %parallel_loop3A_1356 : vector<1x1x16xf32> to vector<16xf32>
        %parallel_loop3A_1358 = vector.shape_cast %parallel_loop3A_1352 : vector<16xf32> to vector<1x1x16xf32>
        tpu.vector_store %arg10[%parallel_loop3A_1353, %parallel_loop3A_1354, %parallel_loop3A_1355], %parallel_loop3A_1358 {strides = array<i32>} : memref<2x128x128xf32, #tpu.memory_space<vmem>>, vector<1x1x16xf32>,
        %parallel_loop3A_1359 = arith.constant 11 : i32
        %parallel_loop3A_1360 = vector.broadcast %parallel_loop3A_1359 : i32 to vector<16xi32>
        %parallel_loop3A_1361 = vector.shape_cast %parallel_loop3A_1360 : vector<16xi32> to vector<16x1xi32>
        %parallel_loop3A_1362 = vector.shape_cast %parallel_loop3A_1361 : vector<16x1xi32> to vector<16xi32>
        %parallel_loop3A_1363 = tpu.dynamic_gather %parallel_loop3A_995[%parallel_loop3A_1362] in [0] : vector<16xf32>, vector<16xi32> -> vector<16xf32>
        %parallel_loop3A_1364 = arith.constant 11 : i32
        %parallel_loop3A_1365 = arith.addi %parallel_loop3A_989, %parallel_loop3A_1364 : i32
        %parallel_loop3A_1366 = arith.index_cast %rem3A_931 : i32 to index
        %parallel_loop3A_1367 = arith.index_cast %parallel_loop3A_1365 : i32 to index
        %parallel_loop3A_1368 = arith.constant 0 : index
        %parallel_loop3A_1369 = tpu.vector_load %arg7[%parallel_loop3A_1366, %parallel_loop3A_1367, %parallel_loop3A_1368] {strides = array<i32>} : memref<2x128x128xi32, #tpu.memory_space<vmem>>, vector<1x1x16xi32>,
        %parallel_loop3A_1370 = vector.shape_cast %parallel_loop3A_1369 : vector<1x1x16xi32> to vector<16xi32>
        %parallel_loop3A_1371 = arith.sitofp %parallel_loop3A_1370 : vector<16xi32> to vector<16xf32>
        %parallel_loop3A_1372 = arith.mulf %parallel_loop3A_1371, %parallel_loop3A_1363 : vector<16xf32>
        %parallel_loop3A_1373 = arith.index_cast %rem3A_931 : i32 to index
        %parallel_loop3A_1374 = arith.index_cast %parallel_loop3A_1365 : i32 to index
        %parallel_loop3A_1375 = arith.constant 0 : index
        %parallel_loop3A_1376 = tpu.vector_load %arg10[%parallel_loop3A_1373, %parallel_loop3A_1374, %parallel_loop3A_1375] {strides = array<i32>} : memref<2x128x128xf32, #tpu.memory_space<vmem>>, vector<1x1x16xf32>,
        %parallel_loop3A_1377 = vector.shape_cast %parallel_loop3A_1376 : vector<1x1x16xf32> to vector<16xf32>
        %parallel_loop3A_1378 = vector.shape_cast %parallel_loop3A_1372 : vector<16xf32> to vector<1x1x16xf32>
        tpu.vector_store %arg10[%parallel_loop3A_1373, %parallel_loop3A_1374, %parallel_loop3A_1375], %parallel_loop3A_1378 {strides = array<i32>} : memref<2x128x128xf32, #tpu.memory_space<vmem>>, vector<1x1x16xf32>,
        %parallel_loop3A_1379 = arith.index_cast %rem3A_931 : i32 to index
        %parallel_loop3A_1380 = arith.index_cast %parallel_loop3A_1365 : i32 to index
        %parallel_loop3A_1381 = arith.constant 16 : index
        %parallel_loop3A_1382 = tpu.vector_load %arg7[%parallel_loop3A_1379, %parallel_loop3A_1380, %parallel_loop3A_1381] {strides = array<i32>} : memref<2x128x128xi32, #tpu.memory_space<vmem>>, vector<1x1x16xi32>,
        %parallel_loop3A_1383 = vector.shape_cast %parallel_loop3A_1382 : vector<1x1x16xi32> to vector<16xi32>
        %parallel_loop3A_1384 = arith.sitofp %parallel_loop3A_1383 : vector<16xi32> to vector<16xf32>
        %parallel_loop3A_1385 = arith.mulf %parallel_loop3A_1384, %parallel_loop3A_1363 : vector<16xf32>
        %parallel_loop3A_1386 = arith.index_cast %rem3A_931 : i32 to index
        %parallel_loop3A_1387 = arith.index_cast %parallel_loop3A_1365 : i32 to index
        %parallel_loop3A_1388 = arith.constant 16 : index
        %parallel_loop3A_1389 = tpu.vector_load %arg10[%parallel_loop3A_1386, %parallel_loop3A_1387, %parallel_loop3A_1388] {strides = array<i32>} : memref<2x128x128xf32, #tpu.memory_space<vmem>>, vector<1x1x16xf32>,
        %parallel_loop3A_1390 = vector.shape_cast %parallel_loop3A_1389 : vector<1x1x16xf32> to vector<16xf32>
        %parallel_loop3A_1391 = vector.shape_cast %parallel_loop3A_1385 : vector<16xf32> to vector<1x1x16xf32>
        tpu.vector_store %arg10[%parallel_loop3A_1386, %parallel_loop3A_1387, %parallel_loop3A_1388], %parallel_loop3A_1391 {strides = array<i32>} : memref<2x128x128xf32, #tpu.memory_space<vmem>>, vector<1x1x16xf32>,
        %parallel_loop3A_1392 = arith.constant 12 : i32
        %parallel_loop3A_1393 = vector.broadcast %parallel_loop3A_1392 : i32 to vector<16xi32>
        %parallel_loop3A_1394 = vector.shape_cast %parallel_loop3A_1393 : vector<16xi32> to vector<16x1xi32>
        %parallel_loop3A_1395 = vector.shape_cast %parallel_loop3A_1394 : vector<16x1xi32> to vector<16xi32>
        %parallel_loop3A_1396 = tpu.dynamic_gather %parallel_loop3A_995[%parallel_loop3A_1395] in [0] : vector<16xf32>, vector<16xi32> -> vector<16xf32>
        %parallel_loop3A_1397 = arith.constant 12 : i32
        %parallel_loop3A_1398 = arith.addi %parallel_loop3A_989, %parallel_loop3A_1397 : i32
        %parallel_loop3A_1399 = arith.index_cast %rem3A_931 : i32 to index
        %parallel_loop3A_1400 = arith.index_cast %parallel_loop3A_1398 : i32 to index
        %parallel_loop3A_1401 = arith.constant 0 : index
        %parallel_loop3A_1402 = tpu.vector_load %arg7[%parallel_loop3A_1399, %parallel_loop3A_1400, %parallel_loop3A_1401] {strides = array<i32>} : memref<2x128x128xi32, #tpu.memory_space<vmem>>, vector<1x1x16xi32>,
        %parallel_loop3A_1403 = vector.shape_cast %parallel_loop3A_1402 : vector<1x1x16xi32> to vector<16xi32>
        %parallel_loop3A_1404 = arith.sitofp %parallel_loop3A_1403 : vector<16xi32> to vector<16xf32>
        %parallel_loop3A_1405 = arith.mulf %parallel_loop3A_1404, %parallel_loop3A_1396 : vector<16xf32>
        %parallel_loop3A_1406 = arith.index_cast %rem3A_931 : i32 to index
        %parallel_loop3A_1407 = arith.index_cast %parallel_loop3A_1398 : i32 to index
        %parallel_loop3A_1408 = arith.constant 0 : index
        %parallel_loop3A_1409 = tpu.vector_load %arg10[%parallel_loop3A_1406, %parallel_loop3A_1407, %parallel_loop3A_1408] {strides = array<i32>} : memref<2x128x128xf32, #tpu.memory_space<vmem>>, vector<1x1x16xf32>,
        %parallel_loop3A_1410 = vector.shape_cast %parallel_loop3A_1409 : vector<1x1x16xf32> to vector<16xf32>
        %parallel_loop3A_1411 = vector.shape_cast %parallel_loop3A_1405 : vector<16xf32> to vector<1x1x16xf32>
        tpu.vector_store %arg10[%parallel_loop3A_1406, %parallel_loop3A_1407, %parallel_loop3A_1408], %parallel_loop3A_1411 {strides = array<i32>} : memref<2x128x128xf32, #tpu.memory_space<vmem>>, vector<1x1x16xf32>,
        %parallel_loop3A_1412 = arith.index_cast %rem3A_931 : i32 to index
        %parallel_loop3A_1413 = arith.index_cast %parallel_loop3A_1398 : i32 to index
        %parallel_loop3A_1414 = arith.constant 16 : index
        %parallel_loop3A_1415 = tpu.vector_load %arg7[%parallel_loop3A_1412, %parallel_loop3A_1413, %parallel_loop3A_1414] {strides = array<i32>} : memref<2x128x128xi32, #tpu.memory_space<vmem>>, vector<1x1x16xi32>,
        %parallel_loop3A_1416 = vector.shape_cast %parallel_loop3A_1415 : vector<1x1x16xi32> to vector<16xi32>
        %parallel_loop3A_1417 = arith.sitofp %parallel_loop3A_1416 : vector<16xi32> to vector<16xf32>
        %parallel_loop3A_1418 = arith.mulf %parallel_loop3A_1417, %parallel_loop3A_1396 : vector<16xf32>
        %parallel_loop3A_1419 = arith.index_cast %rem3A_931 : i32 to index
        %parallel_loop3A_1420 = arith.index_cast %parallel_loop3A_1398 : i32 to index
        %parallel_loop3A_1421 = arith.constant 16 : index
        %parallel_loop3A_1422 = tpu.vector_load %arg10[%parallel_loop3A_1419, %parallel_loop3A_1420, %parallel_loop3A_1421] {strides = array<i32>} : memref<2x128x128xf32, #tpu.memory_space<vmem>>, vector<1x1x16xf32>,
        %parallel_loop3A_1423 = vector.shape_cast %parallel_loop3A_1422 : vector<1x1x16xf32> to vector<16xf32>
        %parallel_loop3A_1424 = vector.shape_cast %parallel_loop3A_1418 : vector<16xf32> to vector<1x1x16xf32>
        tpu.vector_store %arg10[%parallel_loop3A_1419, %parallel_loop3A_1420, %parallel_loop3A_1421], %parallel_loop3A_1424 {strides = array<i32>} : memref<2x128x128xf32, #tpu.memory_space<vmem>>, vector<1x1x16xf32>,
        %parallel_loop3A_1425 = arith.constant 13 : i32
        %parallel_loop3A_1426 = vector.broadcast %parallel_loop3A_1425 : i32 to vector<16xi32>
        %parallel_loop3A_1427 = vector.shape_cast %parallel_loop3A_1426 : vector<16xi32> to vector<16x1xi32>
        %parallel_loop3A_1428 = vector.shape_cast %parallel_loop3A_1427 : vector<16x1xi32> to vector<16xi32>
        %parallel_loop3A_1429 = tpu.dynamic_gather %parallel_loop3A_995[%parallel_loop3A_1428] in [0] : vector<16xf32>, vector<16xi32> -> vector<16xf32>
        %parallel_loop3A_1430 = arith.constant 13 : i32
        %parallel_loop3A_1431 = arith.addi %parallel_loop3A_989, %parallel_loop3A_1430 : i32
        %parallel_loop3A_1432 = arith.index_cast %rem3A_931 : i32 to index
        %parallel_loop3A_1433 = arith.index_cast %parallel_loop3A_1431 : i32 to index
        %parallel_loop3A_1434 = arith.constant 0 : index
        %parallel_loop3A_1435 = tpu.vector_load %arg7[%parallel_loop3A_1432, %parallel_loop3A_1433, %parallel_loop3A_1434] {strides = array<i32>} : memref<2x128x128xi32, #tpu.memory_space<vmem>>, vector<1x1x16xi32>,
        %parallel_loop3A_1436 = vector.shape_cast %parallel_loop3A_1435 : vector<1x1x16xi32> to vector<16xi32>
        %parallel_loop3A_1437 = arith.sitofp %parallel_loop3A_1436 : vector<16xi32> to vector<16xf32>
        %parallel_loop3A_1438 = arith.mulf %parallel_loop3A_1437, %parallel_loop3A_1429 : vector<16xf32>
        %parallel_loop3A_1439 = arith.index_cast %rem3A_931 : i32 to index
        %parallel_loop3A_1440 = arith.index_cast %parallel_loop3A_1431 : i32 to index
        %parallel_loop3A_1441 = arith.constant 0 : index
        %parallel_loop3A_1442 = tpu.vector_load %arg10[%parallel_loop3A_1439, %parallel_loop3A_1440, %parallel_loop3A_1441] {strides = array<i32>} : memref<2x128x128xf32, #tpu.memory_space<vmem>>, vector<1x1x16xf32>,
        %parallel_loop3A_1443 = vector.shape_cast %parallel_loop3A_1442 : vector<1x1x16xf32> to vector<16xf32>
        %parallel_loop3A_1444 = vector.shape_cast %parallel_loop3A_1438 : vector<16xf32> to vector<1x1x16xf32>
        tpu.vector_store %arg10[%parallel_loop3A_1439, %parallel_loop3A_1440, %parallel_loop3A_1441], %parallel_loop3A_1444 {strides = array<i32>} : memref<2x128x128xf32, #tpu.memory_space<vmem>>, vector<1x1x16xf32>,
        %parallel_loop3A_1445 = arith.index_cast %rem3A_931 : i32 to index
        %parallel_loop3A_1446 = arith.index_cast %parallel_loop3A_1431 : i32 to index
        %parallel_loop3A_1447 = arith.constant 16 : index
        %parallel_loop3A_1448 = tpu.vector_load %arg7[%parallel_loop3A_1445, %parallel_loop3A_1446, %parallel_loop3A_1447] {strides = array<i32>} : memref<2x128x128xi32, #tpu.memory_space<vmem>>, vector<1x1x16xi32>,
        %parallel_loop3A_1449 = vector.shape_cast %parallel_loop3A_1448 : vector<1x1x16xi32> to vector<16xi32>
        %parallel_loop3A_1450 = arith.sitofp %parallel_loop3A_1449 : vector<16xi32> to vector<16xf32>
        %parallel_loop3A_1451 = arith.mulf %parallel_loop3A_1450, %parallel_loop3A_1429 : vector<16xf32>
        %parallel_loop3A_1452 = arith.index_cast %rem3A_931 : i32 to index
        %parallel_loop3A_1453 = arith.index_cast %parallel_loop3A_1431 : i32 to index
        %parallel_loop3A_1454 = arith.constant 16 : index
        %parallel_loop3A_1455 = tpu.vector_load %arg10[%parallel_loop3A_1452, %parallel_loop3A_1453, %parallel_loop3A_1454] {strides = array<i32>} : memref<2x128x128xf32, #tpu.memory_space<vmem>>, vector<1x1x16xf32>,
        %parallel_loop3A_1456 = vector.shape_cast %parallel_loop3A_1455 : vector<1x1x16xf32> to vector<16xf32>
        %parallel_loop3A_1457 = vector.shape_cast %parallel_loop3A_1451 : vector<16xf32> to vector<1x1x16xf32>
        tpu.vector_store %arg10[%parallel_loop3A_1452, %parallel_loop3A_1453, %parallel_loop3A_1454], %parallel_loop3A_1457 {strides = array<i32>} : memref<2x128x128xf32, #tpu.memory_space<vmem>>, vector<1x1x16xf32>,
        %parallel_loop3A_1458 = arith.constant 14 : i32
        %parallel_loop3A_1459 = vector.broadcast %parallel_loop3A_1458 : i32 to vector<16xi32>
        %parallel_loop3A_1460 = vector.shape_cast %parallel_loop3A_1459 : vector<16xi32> to vector<16x1xi32>
        %parallel_loop3A_1461 = vector.shape_cast %parallel_loop3A_1460 : vector<16x1xi32> to vector<16xi32>
        %parallel_loop3A_1462 = tpu.dynamic_gather %parallel_loop3A_995[%parallel_loop3A_1461] in [0] : vector<16xf32>, vector<16xi32> -> vector<16xf32>
        %parallel_loop3A_1463 = arith.constant 14 : i32
        %parallel_loop3A_1464 = arith.addi %parallel_loop3A_989, %parallel_loop3A_1463 : i32
        %parallel_loop3A_1465 = arith.index_cast %rem3A_931 : i32 to index
        %parallel_loop3A_1466 = arith.index_cast %parallel_loop3A_1464 : i32 to index
        %parallel_loop3A_1467 = arith.constant 0 : index
        %parallel_loop3A_1468 = tpu.vector_load %arg7[%parallel_loop3A_1465, %parallel_loop3A_1466, %parallel_loop3A_1467] {strides = array<i32>} : memref<2x128x128xi32, #tpu.memory_space<vmem>>, vector<1x1x16xi32>,
        %parallel_loop3A_1469 = vector.shape_cast %parallel_loop3A_1468 : vector<1x1x16xi32> to vector<16xi32>
        %parallel_loop3A_1470 = arith.sitofp %parallel_loop3A_1469 : vector<16xi32> to vector<16xf32>
        %parallel_loop3A_1471 = arith.mulf %parallel_loop3A_1470, %parallel_loop3A_1462 : vector<16xf32>
        %parallel_loop3A_1472 = arith.index_cast %rem3A_931 : i32 to index
        %parallel_loop3A_1473 = arith.index_cast %parallel_loop3A_1464 : i32 to index
        %parallel_loop3A_1474 = arith.constant 0 : index
        %parallel_loop3A_1475 = tpu.vector_load %arg10[%parallel_loop3A_1472, %parallel_loop3A_1473, %parallel_loop3A_1474] {strides = array<i32>} : memref<2x128x128xf32, #tpu.memory_space<vmem>>, vector<1x1x16xf32>,
        %parallel_loop3A_1476 = vector.shape_cast %parallel_loop3A_1475 : vector<1x1x16xf32> to vector<16xf32>
        %parallel_loop3A_1477 = vector.shape_cast %parallel_loop3A_1471 : vector<16xf32> to vector<1x1x16xf32>
        tpu.vector_store %arg10[%parallel_loop3A_1472, %parallel_loop3A_1473, %parallel_loop3A_1474], %parallel_loop3A_1477 {strides = array<i32>} : memref<2x128x128xf32, #tpu.memory_space<vmem>>, vector<1x1x16xf32>,
        %parallel_loop3A_1478 = arith.index_cast %rem3A_931 : i32 to index
        %parallel_loop3A_1479 = arith.index_cast %parallel_loop3A_1464 : i32 to index
        %parallel_loop3A_1480 = arith.constant 16 : index
        %parallel_loop3A_1481 = tpu.vector_load %arg7[%parallel_loop3A_1478, %parallel_loop3A_1479, %parallel_loop3A_1480] {strides = array<i32>} : memref<2x128x128xi32, #tpu.memory_space<vmem>>, vector<1x1x16xi32>,
        %parallel_loop3A_1482 = vector.shape_cast %parallel_loop3A_1481 : vector<1x1x16xi32> to vector<16xi32>
        %parallel_loop3A_1483 = arith.sitofp %parallel_loop3A_1482 : vector<16xi32> to vector<16xf32>
        %parallel_loop3A_1484 = arith.mulf %parallel_loop3A_1483, %parallel_loop3A_1462 : vector<16xf32>
        %parallel_loop3A_1485 = arith.index_cast %rem3A_931 : i32 to index
        %parallel_loop3A_1486 = arith.index_cast %parallel_loop3A_1464 : i32 to index
        %parallel_loop3A_1487 = arith.constant 16 : index
        %parallel_loop3A_1488 = tpu.vector_load %arg10[%parallel_loop3A_1485, %parallel_loop3A_1486, %parallel_loop3A_1487] {strides = array<i32>} : memref<2x128x128xf32, #tpu.memory_space<vmem>>, vector<1x1x16xf32>,
        %parallel_loop3A_1489 = vector.shape_cast %parallel_loop3A_1488 : vector<1x1x16xf32> to vector<16xf32>
        %parallel_loop3A_1490 = vector.shape_cast %parallel_loop3A_1484 : vector<16xf32> to vector<1x1x16xf32>
        tpu.vector_store %arg10[%parallel_loop3A_1485, %parallel_loop3A_1486, %parallel_loop3A_1487], %parallel_loop3A_1490 {strides = array<i32>} : memref<2x128x128xf32, #tpu.memory_space<vmem>>, vector<1x1x16xf32>,
        %parallel_loop3A_1491 = arith.constant 15 : i32
        %parallel_loop3A_1492 = vector.broadcast %parallel_loop3A_1491 : i32 to vector<16xi32>
        %parallel_loop3A_1493 = vector.shape_cast %parallel_loop3A_1492 : vector<16xi32> to vector<16x1xi32>
        %parallel_loop3A_1494 = vector.shape_cast %parallel_loop3A_1493 : vector<16x1xi32> to vector<16xi32>
        %parallel_loop3A_1495 = tpu.dynamic_gather %parallel_loop3A_995[%parallel_loop3A_1494] in [0] : vector<16xf32>, vector<16xi32> -> vector<16xf32>
        %parallel_loop3A_1496 = arith.constant 15 : i32
        %parallel_loop3A_1497 = arith.addi %parallel_loop3A_989, %parallel_loop3A_1496 : i32
        %parallel_loop3A_1498 = arith.index_cast %rem3A_931 : i32 to index
        %parallel_loop3A_1499 = arith.index_cast %parallel_loop3A_1497 : i32 to index
        %parallel_loop3A_1500 = arith.constant 0 : index
        %parallel_loop3A_1501 = tpu.vector_load %arg7[%parallel_loop3A_1498, %parallel_loop3A_1499, %parallel_loop3A_1500] {strides = array<i32>} : memref<2x128x128xi32, #tpu.memory_space<vmem>>, vector<1x1x16xi32>,
        %parallel_loop3A_1502 = vector.shape_cast %parallel_loop3A_1501 : vector<1x1x16xi32> to vector<16xi32>
        %parallel_loop3A_1503 = arith.sitofp %parallel_loop3A_1502 : vector<16xi32> to vector<16xf32>
        %parallel_loop3A_1504 = arith.mulf %parallel_loop3A_1503, %parallel_loop3A_1495 : vector<16xf32>
        %parallel_loop3A_1505 = arith.index_cast %rem3A_931 : i32 to index
        %parallel_loop3A_1506 = arith.index_cast %parallel_loop3A_1497 : i32 to index
        %parallel_loop3A_1507 = arith.constant 0 : index
        %parallel_loop3A_1508 = tpu.vector_load %arg10[%parallel_loop3A_1505, %parallel_loop3A_1506, %parallel_loop3A_1507] {strides = array<i32>} : memref<2x128x128xf32, #tpu.memory_space<vmem>>, vector<1x1x16xf32>,
        %parallel_loop3A_1509 = vector.shape_cast %parallel_loop3A_1508 : vector<1x1x16xf32> to vector<16xf32>
        %parallel_loop3A_1510 = vector.shape_cast %parallel_loop3A_1504 : vector<16xf32> to vector<1x1x16xf32>
        tpu.vector_store %arg10[%parallel_loop3A_1505, %parallel_loop3A_1506, %parallel_loop3A_1507], %parallel_loop3A_1510 {strides = array<i32>} : memref<2x128x128xf32, #tpu.memory_space<vmem>>, vector<1x1x16xf32>,
        %parallel_loop3A_1511 = arith.index_cast %rem3A_931 : i32 to index
        %parallel_loop3A_1512 = arith.index_cast %parallel_loop3A_1497 : i32 to index
        %parallel_loop3A_1513 = arith.constant 16 : index
        %parallel_loop3A_1514 = tpu.vector_load %arg7[%parallel_loop3A_1511, %parallel_loop3A_1512, %parallel_loop3A_1513] {strides = array<i32>} : memref<2x128x128xi32, #tpu.memory_space<vmem>>, vector<1x1x16xi32>,
        %parallel_loop3A_1515 = vector.shape_cast %parallel_loop3A_1514 : vector<1x1x16xi32> to vector<16xi32>
        %parallel_loop3A_1516 = arith.sitofp %parallel_loop3A_1515 : vector<16xi32> to vector<16xf32>
        %parallel_loop3A_1517 = arith.mulf %parallel_loop3A_1516, %parallel_loop3A_1495 : vector<16xf32>
        %parallel_loop3A_1518 = arith.index_cast %rem3A_931 : i32 to index
        %parallel_loop3A_1519 = arith.index_cast %parallel_loop3A_1497 : i32 to index
        %parallel_loop3A_1520 = arith.constant 16 : index
        %parallel_loop3A_1521 = tpu.vector_load %arg10[%parallel_loop3A_1518, %parallel_loop3A_1519, %parallel_loop3A_1520] {strides = array<i32>} : memref<2x128x128xf32, #tpu.memory_space<vmem>>, vector<1x1x16xf32>,
        %parallel_loop3A_1522 = vector.shape_cast %parallel_loop3A_1521 : vector<1x1x16xf32> to vector<16xf32>
        %parallel_loop3A_1523 = vector.shape_cast %parallel_loop3A_1517 : vector<16xf32> to vector<1x1x16xf32>
        tpu.vector_store %arg10[%parallel_loop3A_1518, %parallel_loop3A_1519, %parallel_loop3A_1520], %parallel_loop3A_1523 {strides = array<i32>} : memref<2x128x128xf32, #tpu.memory_space<vmem>>, vector<1x1x16xf32>,
        %parallel_loop3A_1524 = arith.constant 128 : i32
        %parallel_loop3A_1525 = arith.addi %parallel_loop3A_1524, %parallel_loop3A_989 : i32
        %parallel_loop3A_1526 = arith.index_cast %rem3A_931 : i32 to index
        %parallel_loop3A_1527 = arith.index_cast %parallel_loop3A_1525 : i32 to index
        %parallel_loop3A_1528 = tpu.vector_load %arg9[%parallel_loop3A_1526, %parallel_loop3A_1527] {strides = array<i32>} : memref<2x512xf32, #tpu.memory_space<vmem>>, vector<1x16xf32>,
        %parallel_loop3A_1529 = vector.shape_cast %parallel_loop3A_1528 : vector<1x16xf32> to vector<16xf32>
        %parallel_loop3A_1530 = arith.constant 0 : i32
        %parallel_loop3A_1531 = vector.broadcast %parallel_loop3A_1530 : i32 to vector<16xi32>
        %parallel_loop3A_1532 = vector.shape_cast %parallel_loop3A_1531 : vector<16xi32> to vector<16x1xi32>
        %parallel_loop3A_1533 = vector.shape_cast %parallel_loop3A_1532 : vector<16x1xi32> to vector<16xi32>
        %parallel_loop3A_1534 = tpu.dynamic_gather %parallel_loop3A_1529[%parallel_loop3A_1533] in [0] : vector<16xf32>, vector<16xi32> -> vector<16xf32>
        %parallel_loop3A_1535 = arith.constant 0 : i32
        %parallel_loop3A_1536 = arith.addi %parallel_loop3A_989, %parallel_loop3A_1535 : i32
        %parallel_loop3A_1537 = arith.index_cast %rem3A_931 : i32 to index
        %parallel_loop3A_1538 = arith.index_cast %parallel_loop3A_1536 : i32 to index
        %parallel_loop3A_1539 = arith.constant 32 : index
        %parallel_loop3A_1540 = tpu.vector_load %arg7[%parallel_loop3A_1537, %parallel_loop3A_1538, %parallel_loop3A_1539] {strides = array<i32>} : memref<2x128x128xi32, #tpu.memory_space<vmem>>, vector<1x1x16xi32>,
        %parallel_loop3A_1541 = vector.shape_cast %parallel_loop3A_1540 : vector<1x1x16xi32> to vector<16xi32>
        %parallel_loop3A_1542 = arith.sitofp %parallel_loop3A_1541 : vector<16xi32> to vector<16xf32>
        %parallel_loop3A_1543 = arith.mulf %parallel_loop3A_1542, %parallel_loop3A_1534 : vector<16xf32>
        %parallel_loop3A_1544 = arith.index_cast %rem3A_931 : i32 to index
        %parallel_loop3A_1545 = arith.index_cast %parallel_loop3A_1536 : i32 to index
        %parallel_loop3A_1546 = arith.constant 32 : index
        %parallel_loop3A_1547 = tpu.vector_load %arg10[%parallel_loop3A_1544, %parallel_loop3A_1545, %parallel_loop3A_1546] {strides = array<i32>} : memref<2x128x128xf32, #tpu.memory_space<vmem>>, vector<1x1x16xf32>,
        %parallel_loop3A_1548 = vector.shape_cast %parallel_loop3A_1547 : vector<1x1x16xf32> to vector<16xf32>
        %parallel_loop3A_1549 = vector.shape_cast %parallel_loop3A_1543 : vector<16xf32> to vector<1x1x16xf32>
        tpu.vector_store %arg10[%parallel_loop3A_1544, %parallel_loop3A_1545, %parallel_loop3A_1546], %parallel_loop3A_1549 {strides = array<i32>} : memref<2x128x128xf32, #tpu.memory_space<vmem>>, vector<1x1x16xf32>,
        %parallel_loop3A_1550 = arith.index_cast %rem3A_931 : i32 to index
        %parallel_loop3A_1551 = arith.index_cast %parallel_loop3A_1536 : i32 to index
        %parallel_loop3A_1552 = arith.constant 48 : index
        %parallel_loop3A_1553 = tpu.vector_load %arg7[%parallel_loop3A_1550, %parallel_loop3A_1551, %parallel_loop3A_1552] {strides = array<i32>} : memref<2x128x128xi32, #tpu.memory_space<vmem>>, vector<1x1x16xi32>,
        %parallel_loop3A_1554 = vector.shape_cast %parallel_loop3A_1553 : vector<1x1x16xi32> to vector<16xi32>
        %parallel_loop3A_1555 = arith.sitofp %parallel_loop3A_1554 : vector<16xi32> to vector<16xf32>
        %parallel_loop3A_1556 = arith.mulf %parallel_loop3A_1555, %parallel_loop3A_1534 : vector<16xf32>
        %parallel_loop3A_1557 = arith.index_cast %rem3A_931 : i32 to index
        %parallel_loop3A_1558 = arith.index_cast %parallel_loop3A_1536 : i32 to index
        %parallel_loop3A_1559 = arith.constant 48 : index
        %parallel_loop3A_1560 = tpu.vector_load %arg10[%parallel_loop3A_1557, %parallel_loop3A_1558, %parallel_loop3A_1559] {strides = array<i32>} : memref<2x128x128xf32, #tpu.memory_space<vmem>>, vector<1x1x16xf32>,
        %parallel_loop3A_1561 = vector.shape_cast %parallel_loop3A_1560 : vector<1x1x16xf32> to vector<16xf32>
        %parallel_loop3A_1562 = vector.shape_cast %parallel_loop3A_1556 : vector<16xf32> to vector<1x1x16xf32>
        tpu.vector_store %arg10[%parallel_loop3A_1557, %parallel_loop3A_1558, %parallel_loop3A_1559], %parallel_loop3A_1562 {strides = array<i32>} : memref<2x128x128xf32, #tpu.memory_space<vmem>>, vector<1x1x16xf32>,
        %parallel_loop3A_1563 = arith.constant 1 : i32
        %parallel_loop3A_1564 = vector.broadcast %parallel_loop3A_1563 : i32 to vector<16xi32>
        %parallel_loop3A_1565 = vector.shape_cast %parallel_loop3A_1564 : vector<16xi32> to vector<16x1xi32>
        %parallel_loop3A_1566 = vector.shape_cast %parallel_loop3A_1565 : vector<16x1xi32> to vector<16xi32>
        %parallel_loop3A_1567 = tpu.dynamic_gather %parallel_loop3A_1529[%parallel_loop3A_1566] in [0] : vector<16xf32>, vector<16xi32> -> vector<16xf32>
        %parallel_loop3A_1568 = arith.constant 1 : i32
        %parallel_loop3A_1569 = arith.addi %parallel_loop3A_989, %parallel_loop3A_1568 : i32
        %parallel_loop3A_1570 = arith.index_cast %rem3A_931 : i32 to index
        %parallel_loop3A_1571 = arith.index_cast %parallel_loop3A_1569 : i32 to index
        %parallel_loop3A_1572 = arith.constant 32 : index
        %parallel_loop3A_1573 = tpu.vector_load %arg7[%parallel_loop3A_1570, %parallel_loop3A_1571, %parallel_loop3A_1572] {strides = array<i32>} : memref<2x128x128xi32, #tpu.memory_space<vmem>>, vector<1x1x16xi32>,
        %parallel_loop3A_1574 = vector.shape_cast %parallel_loop3A_1573 : vector<1x1x16xi32> to vector<16xi32>
        %parallel_loop3A_1575 = arith.sitofp %parallel_loop3A_1574 : vector<16xi32> to vector<16xf32>
        %parallel_loop3A_1576 = arith.mulf %parallel_loop3A_1575, %parallel_loop3A_1567 : vector<16xf32>
        %parallel_loop3A_1577 = arith.index_cast %rem3A_931 : i32 to index
        %parallel_loop3A_1578 = arith.index_cast %parallel_loop3A_1569 : i32 to index
        %parallel_loop3A_1579 = arith.constant 32 : index
        %parallel_loop3A_1580 = tpu.vector_load %arg10[%parallel_loop3A_1577, %parallel_loop3A_1578, %parallel_loop3A_1579] {strides = array<i32>} : memref<2x128x128xf32, #tpu.memory_space<vmem>>, vector<1x1x16xf32>,
        %parallel_loop3A_1581 = vector.shape_cast %parallel_loop3A_1580 : vector<1x1x16xf32> to vector<16xf32>
        %parallel_loop3A_1582 = vector.shape_cast %parallel_loop3A_1576 : vector<16xf32> to vector<1x1x16xf32>
        tpu.vector_store %arg10[%parallel_loop3A_1577, %parallel_loop3A_1578, %parallel_loop3A_1579], %parallel_loop3A_1582 {strides = array<i32>} : memref<2x128x128xf32, #tpu.memory_space<vmem>>, vector<1x1x16xf32>,
        %parallel_loop3A_1583 = arith.index_cast %rem3A_931 : i32 to index
        %parallel_loop3A_1584 = arith.index_cast %parallel_loop3A_1569 : i32 to index
        %parallel_loop3A_1585 = arith.constant 48 : index
        %parallel_loop3A_1586 = tpu.vector_load %arg7[%parallel_loop3A_1583, %parallel_loop3A_1584, %parallel_loop3A_1585] {strides = array<i32>} : memref<2x128x128xi32, #tpu.memory_space<vmem>>, vector<1x1x16xi32>,
        %parallel_loop3A_1587 = vector.shape_cast %parallel_loop3A_1586 : vector<1x1x16xi32> to vector<16xi32>
        %parallel_loop3A_1588 = arith.sitofp %parallel_loop3A_1587 : vector<16xi32> to vector<16xf32>
        %parallel_loop3A_1589 = arith.mulf %parallel_loop3A_1588, %parallel_loop3A_1567 : vector<16xf32>
        %parallel_loop3A_1590 = arith.index_cast %rem3A_931 : i32 to index
        %parallel_loop3A_1591 = arith.index_cast %parallel_loop3A_1569 : i32 to index
        %parallel_loop3A_1592 = arith.constant 48 : index
        %parallel_loop3A_1593 = tpu.vector_load %arg10[%parallel_loop3A_1590, %parallel_loop3A_1591, %parallel_loop3A_1592] {strides = array<i32>} : memref<2x128x128xf32, #tpu.memory_space<vmem>>, vector<1x1x16xf32>,
        %parallel_loop3A_1594 = vector.shape_cast %parallel_loop3A_1593 : vector<1x1x16xf32> to vector<16xf32>
        %parallel_loop3A_1595 = vector.shape_cast %parallel_loop3A_1589 : vector<16xf32> to vector<1x1x16xf32>
        tpu.vector_store %arg10[%parallel_loop3A_1590, %parallel_loop3A_1591, %parallel_loop3A_1592], %parallel_loop3A_1595 {strides = array<i32>} : memref<2x128x128xf32, #tpu.memory_space<vmem>>, vector<1x1x16xf32>,
        %parallel_loop3A_1596 = arith.constant 2 : i32
        %parallel_loop3A_1597 = vector.broadcast %parallel_loop3A_1596 : i32 to vector<16xi32>
        %parallel_loop3A_1598 = vector.shape_cast %parallel_loop3A_1597 : vector<16xi32> to vector<16x1xi32>
        %parallel_loop3A_1599 = vector.shape_cast %parallel_loop3A_1598 : vector<16x1xi32> to vector<16xi32>
        %parallel_loop3A_1600 = tpu.dynamic_gather %parallel_loop3A_1529[%parallel_loop3A_1599] in [0] : vector<16xf32>, vector<16xi32> -> vector<16xf32>
        %parallel_loop3A_1601 = arith.constant 2 : i32
        %parallel_loop3A_1602 = arith.addi %parallel_loop3A_989, %parallel_loop3A_1601 : i32
        %parallel_loop3A_1603 = arith.index_cast %rem3A_931 : i32 to index
        %parallel_loop3A_1604 = arith.index_cast %parallel_loop3A_1602 : i32 to index
        %parallel_loop3A_1605 = arith.constant 32 : index
        %parallel_loop3A_1606 = tpu.vector_load %arg7[%parallel_loop3A_1603, %parallel_loop3A_1604, %parallel_loop3A_1605] {strides = array<i32>} : memref<2x128x128xi32, #tpu.memory_space<vmem>>, vector<1x1x16xi32>,
        %parallel_loop3A_1607 = vector.shape_cast %parallel_loop3A_1606 : vector<1x1x16xi32> to vector<16xi32>
        %parallel_loop3A_1608 = arith.sitofp %parallel_loop3A_1607 : vector<16xi32> to vector<16xf32>
        %parallel_loop3A_1609 = arith.mulf %parallel_loop3A_1608, %parallel_loop3A_1600 : vector<16xf32>
        %parallel_loop3A_1610 = arith.index_cast %rem3A_931 : i32 to index
        %parallel_loop3A_1611 = arith.index_cast %parallel_loop3A_1602 : i32 to index
        %parallel_loop3A_1612 = arith.constant 32 : index
        %parallel_loop3A_1613 = tpu.vector_load %arg10[%parallel_loop3A_1610, %parallel_loop3A_1611, %parallel_loop3A_1612] {strides = array<i32>} : memref<2x128x128xf32, #tpu.memory_space<vmem>>, vector<1x1x16xf32>,
        %parallel_loop3A_1614 = vector.shape_cast %parallel_loop3A_1613 : vector<1x1x16xf32> to vector<16xf32>
        %parallel_loop3A_1615 = vector.shape_cast %parallel_loop3A_1609 : vector<16xf32> to vector<1x1x16xf32>
        tpu.vector_store %arg10[%parallel_loop3A_1610, %parallel_loop3A_1611, %parallel_loop3A_1612], %parallel_loop3A_1615 {strides = array<i32>} : memref<2x128x128xf32, #tpu.memory_space<vmem>>, vector<1x1x16xf32>,
        %parallel_loop3A_1616 = arith.index_cast %rem3A_931 : i32 to index
        %parallel_loop3A_1617 = arith.index_cast %parallel_loop3A_1602 : i32 to index
        %parallel_loop3A_1618 = arith.constant 48 : index
        %parallel_loop3A_1619 = tpu.vector_load %arg7[%parallel_loop3A_1616, %parallel_loop3A_1617, %parallel_loop3A_1618] {strides = array<i32>} : memref<2x128x128xi32, #tpu.memory_space<vmem>>, vector<1x1x16xi32>,
        %parallel_loop3A_1620 = vector.shape_cast %parallel_loop3A_1619 : vector<1x1x16xi32> to vector<16xi32>
        %parallel_loop3A_1621 = arith.sitofp %parallel_loop3A_1620 : vector<16xi32> to vector<16xf32>
        %parallel_loop3A_1622 = arith.mulf %parallel_loop3A_1621, %parallel_loop3A_1600 : vector<16xf32>
        %parallel_loop3A_1623 = arith.index_cast %rem3A_931 : i32 to index
        %parallel_loop3A_1624 = arith.index_cast %parallel_loop3A_1602 : i32 to index
        %parallel_loop3A_1625 = arith.constant 48 : index
        %parallel_loop3A_1626 = tpu.vector_load %arg10[%parallel_loop3A_1623, %parallel_loop3A_1624, %parallel_loop3A_1625] {strides = array<i32>} : memref<2x128x128xf32, #tpu.memory_space<vmem>>, vector<1x1x16xf32>,
        %parallel_loop3A_1627 = vector.shape_cast %parallel_loop3A_1626 : vector<1x1x16xf32> to vector<16xf32>
        %parallel_loop3A_1628 = vector.shape_cast %parallel_loop3A_1622 : vector<16xf32> to vector<1x1x16xf32>
        tpu.vector_store %arg10[%parallel_loop3A_1623, %parallel_loop3A_1624, %parallel_loop3A_1625], %parallel_loop3A_1628 {strides = array<i32>} : memref<2x128x128xf32, #tpu.memory_space<vmem>>, vector<1x1x16xf32>,
        %parallel_loop3A_1629 = arith.constant 3 : i32
        %parallel_loop3A_1630 = vector.broadcast %parallel_loop3A_1629 : i32 to vector<16xi32>
        %parallel_loop3A_1631 = vector.shape_cast %parallel_loop3A_1630 : vector<16xi32> to vector<16x1xi32>
        %parallel_loop3A_1632 = vector.shape_cast %parallel_loop3A_1631 : vector<16x1xi32> to vector<16xi32>
        %parallel_loop3A_1633 = tpu.dynamic_gather %parallel_loop3A_1529[%parallel_loop3A_1632] in [0] : vector<16xf32>, vector<16xi32> -> vector<16xf32>
        %parallel_loop3A_1634 = arith.constant 3 : i32
        %parallel_loop3A_1635 = arith.addi %parallel_loop3A_989, %parallel_loop3A_1634 : i32
        %parallel_loop3A_1636 = arith.index_cast %rem3A_931 : i32 to index
        %parallel_loop3A_1637 = arith.index_cast %parallel_loop3A_1635 : i32 to index
        %parallel_loop3A_1638 = arith.constant 32 : index
        %parallel_loop3A_1639 = tpu.vector_load %arg7[%parallel_loop3A_1636, %parallel_loop3A_1637, %parallel_loop3A_1638] {strides = array<i32>} : memref<2x128x128xi32, #tpu.memory_space<vmem>>, vector<1x1x16xi32>,
        %parallel_loop3A_1640 = vector.shape_cast %parallel_loop3A_1639 : vector<1x1x16xi32> to vector<16xi32>
        %parallel_loop3A_1641 = arith.sitofp %parallel_loop3A_1640 : vector<16xi32> to vector<16xf32>
        %parallel_loop3A_1642 = arith.mulf %parallel_loop3A_1641, %parallel_loop3A_1633 : vector<16xf32>
        %parallel_loop3A_1643 = arith.index_cast %rem3A_931 : i32 to index
        %parallel_loop3A_1644 = arith.index_cast %parallel_loop3A_1635 : i32 to index
        %parallel_loop3A_1645 = arith.constant 32 : index
        %parallel_loop3A_1646 = tpu.vector_load %arg10[%parallel_loop3A_1643, %parallel_loop3A_1644, %parallel_loop3A_1645] {strides = array<i32>} : memref<2x128x128xf32, #tpu.memory_space<vmem>>, vector<1x1x16xf32>,
        %parallel_loop3A_1647 = vector.shape_cast %parallel_loop3A_1646 : vector<1x1x16xf32> to vector<16xf32>
        %parallel_loop3A_1648 = vector.shape_cast %parallel_loop3A_1642 : vector<16xf32> to vector<1x1x16xf32>
        tpu.vector_store %arg10[%parallel_loop3A_1643, %parallel_loop3A_1644, %parallel_loop3A_1645], %parallel_loop3A_1648 {strides = array<i32>} : memref<2x128x128xf32, #tpu.memory_space<vmem>>, vector<1x1x16xf32>,
        %parallel_loop3A_1649 = arith.index_cast %rem3A_931 : i32 to index
        %parallel_loop3A_1650 = arith.index_cast %parallel_loop3A_1635 : i32 to index
        %parallel_loop3A_1651 = arith.constant 48 : index
        %parallel_loop3A_1652 = tpu.vector_load %arg7[%parallel_loop3A_1649, %parallel_loop3A_1650, %parallel_loop3A_1651] {strides = array<i32>} : memref<2x128x128xi32, #tpu.memory_space<vmem>>, vector<1x1x16xi32>,
        %parallel_loop3A_1653 = vector.shape_cast %parallel_loop3A_1652 : vector<1x1x16xi32> to vector<16xi32>
        %parallel_loop3A_1654 = arith.sitofp %parallel_loop3A_1653 : vector<16xi32> to vector<16xf32>
        %parallel_loop3A_1655 = arith.mulf %parallel_loop3A_1654, %parallel_loop3A_1633 : vector<16xf32>
        %parallel_loop3A_1656 = arith.index_cast %rem3A_931 : i32 to index
        %parallel_loop3A_1657 = arith.index_cast %parallel_loop3A_1635 : i32 to index
        %parallel_loop3A_1658 = arith.constant 48 : index
        %parallel_loop3A_1659 = tpu.vector_load %arg10[%parallel_loop3A_1656, %parallel_loop3A_1657, %parallel_loop3A_1658] {strides = array<i32>} : memref<2x128x128xf32, #tpu.memory_space<vmem>>, vector<1x1x16xf32>,
        %parallel_loop3A_1660 = vector.shape_cast %parallel_loop3A_1659 : vector<1x1x16xf32> to vector<16xf32>
        %parallel_loop3A_1661 = vector.shape_cast %parallel_loop3A_1655 : vector<16xf32> to vector<1x1x16xf32>
        tpu.vector_store %arg10[%parallel_loop3A_1656, %parallel_loop3A_1657, %parallel_loop3A_1658], %parallel_loop3A_1661 {strides = array<i32>} : memref<2x128x128xf32, #tpu.memory_space<vmem>>, vector<1x1x16xf32>,
        %parallel_loop3A_1662 = arith.constant 4 : i32
        %parallel_loop3A_1663 = vector.broadcast %parallel_loop3A_1662 : i32 to vector<16xi32>
        %parallel_loop3A_1664 = vector.shape_cast %parallel_loop3A_1663 : vector<16xi32> to vector<16x1xi32>
        %parallel_loop3A_1665 = vector.shape_cast %parallel_loop3A_1664 : vector<16x1xi32> to vector<16xi32>
        %parallel_loop3A_1666 = tpu.dynamic_gather %parallel_loop3A_1529[%parallel_loop3A_1665] in [0] : vector<16xf32>, vector<16xi32> -> vector<16xf32>
        %parallel_loop3A_1667 = arith.constant 4 : i32
        %parallel_loop3A_1668 = arith.addi %parallel_loop3A_989, %parallel_loop3A_1667 : i32
        %parallel_loop3A_1669 = arith.index_cast %rem3A_931 : i32 to index
        %parallel_loop3A_1670 = arith.index_cast %parallel_loop3A_1668 : i32 to index
        %parallel_loop3A_1671 = arith.constant 32 : index
        %parallel_loop3A_1672 = tpu.vector_load %arg7[%parallel_loop3A_1669, %parallel_loop3A_1670, %parallel_loop3A_1671] {strides = array<i32>} : memref<2x128x128xi32, #tpu.memory_space<vmem>>, vector<1x1x16xi32>,
        %parallel_loop3A_1673 = vector.shape_cast %parallel_loop3A_1672 : vector<1x1x16xi32> to vector<16xi32>
        %parallel_loop3A_1674 = arith.sitofp %parallel_loop3A_1673 : vector<16xi32> to vector<16xf32>
        %parallel_loop3A_1675 = arith.mulf %parallel_loop3A_1674, %parallel_loop3A_1666 : vector<16xf32>
        %parallel_loop3A_1676 = arith.index_cast %rem3A_931 : i32 to index
        %parallel_loop3A_1677 = arith.index_cast %parallel_loop3A_1668 : i32 to index
        %parallel_loop3A_1678 = arith.constant 32 : index
        %parallel_loop3A_1679 = tpu.vector_load %arg10[%parallel_loop3A_1676, %parallel_loop3A_1677, %parallel_loop3A_1678] {strides = array<i32>} : memref<2x128x128xf32, #tpu.memory_space<vmem>>, vector<1x1x16xf32>,
        %parallel_loop3A_1680 = vector.shape_cast %parallel_loop3A_1679 : vector<1x1x16xf32> to vector<16xf32>
        %parallel_loop3A_1681 = vector.shape_cast %parallel_loop3A_1675 : vector<16xf32> to vector<1x1x16xf32>
        tpu.vector_store %arg10[%parallel_loop3A_1676, %parallel_loop3A_1677, %parallel_loop3A_1678], %parallel_loop3A_1681 {strides = array<i32>} : memref<2x128x128xf32, #tpu.memory_space<vmem>>, vector<1x1x16xf32>,
        %parallel_loop3A_1682 = arith.index_cast %rem3A_931 : i32 to index
        %parallel_loop3A_1683 = arith.index_cast %parallel_loop3A_1668 : i32 to index
        %parallel_loop3A_1684 = arith.constant 48 : index
        %parallel_loop3A_1685 = tpu.vector_load %arg7[%parallel_loop3A_1682, %parallel_loop3A_1683, %parallel_loop3A_1684] {strides = array<i32>} : memref<2x128x128xi32, #tpu.memory_space<vmem>>, vector<1x1x16xi32>,
        %parallel_loop3A_1686 = vector.shape_cast %parallel_loop3A_1685 : vector<1x1x16xi32> to vector<16xi32>
        %parallel_loop3A_1687 = arith.sitofp %parallel_loop3A_1686 : vector<16xi32> to vector<16xf32>
        %parallel_loop3A_1688 = arith.mulf %parallel_loop3A_1687, %parallel_loop3A_1666 : vector<16xf32>
        %parallel_loop3A_1689 = arith.index_cast %rem3A_931 : i32 to index
        %parallel_loop3A_1690 = arith.index_cast %parallel_loop3A_1668 : i32 to index
        %parallel_loop3A_1691 = arith.constant 48 : index
        %parallel_loop3A_1692 = tpu.vector_load %arg10[%parallel_loop3A_1689, %parallel_loop3A_1690, %parallel_loop3A_1691] {strides = array<i32>} : memref<2x128x128xf32, #tpu.memory_space<vmem>>, vector<1x1x16xf32>,
        %parallel_loop3A_1693 = vector.shape_cast %parallel_loop3A_1692 : vector<1x1x16xf32> to vector<16xf32>
        %parallel_loop3A_1694 = vector.shape_cast %parallel_loop3A_1688 : vector<16xf32> to vector<1x1x16xf32>
        tpu.vector_store %arg10[%parallel_loop3A_1689, %parallel_loop3A_1690, %parallel_loop3A_1691], %parallel_loop3A_1694 {strides = array<i32>} : memref<2x128x128xf32, #tpu.memory_space<vmem>>, vector<1x1x16xf32>,
        %parallel_loop3A_1695 = arith.constant 5 : i32
        %parallel_loop3A_1696 = vector.broadcast %parallel_loop3A_1695 : i32 to vector<16xi32>
        %parallel_loop3A_1697 = vector.shape_cast %parallel_loop3A_1696 : vector<16xi32> to vector<16x1xi32>
        %parallel_loop3A_1698 = vector.shape_cast %parallel_loop3A_1697 : vector<16x1xi32> to vector<16xi32>
        %parallel_loop3A_1699 = tpu.dynamic_gather %parallel_loop3A_1529[%parallel_loop3A_1698] in [0] : vector<16xf32>, vector<16xi32> -> vector<16xf32>
        %parallel_loop3A_1700 = arith.constant 5 : i32
        %parallel_loop3A_1701 = arith.addi %parallel_loop3A_989, %parallel_loop3A_1700 : i32
        %parallel_loop3A_1702 = arith.index_cast %rem3A_931 : i32 to index
        %parallel_loop3A_1703 = arith.index_cast %parallel_loop3A_1701 : i32 to index
        %parallel_loop3A_1704 = arith.constant 32 : index
        %parallel_loop3A_1705 = tpu.vector_load %arg7[%parallel_loop3A_1702, %parallel_loop3A_1703, %parallel_loop3A_1704] {strides = array<i32>} : memref<2x128x128xi32, #tpu.memory_space<vmem>>, vector<1x1x16xi32>,
        %parallel_loop3A_1706 = vector.shape_cast %parallel_loop3A_1705 : vector<1x1x16xi32> to vector<16xi32>
        %parallel_loop3A_1707 = arith.sitofp %parallel_loop3A_1706 : vector<16xi32> to vector<16xf32>
        %parallel_loop3A_1708 = arith.mulf %parallel_loop3A_1707, %parallel_loop3A_1699 : vector<16xf32>
        %parallel_loop3A_1709 = arith.index_cast %rem3A_931 : i32 to index
        %parallel_loop3A_1710 = arith.index_cast %parallel_loop3A_1701 : i32 to index
        %parallel_loop3A_1711 = arith.constant 32 : index
        %parallel_loop3A_1712 = tpu.vector_load %arg10[%parallel_loop3A_1709, %parallel_loop3A_1710, %parallel_loop3A_1711] {strides = array<i32>} : memref<2x128x128xf32, #tpu.memory_space<vmem>>, vector<1x1x16xf32>,
        %parallel_loop3A_1713 = vector.shape_cast %parallel_loop3A_1712 : vector<1x1x16xf32> to vector<16xf32>
        %parallel_loop3A_1714 = vector.shape_cast %parallel_loop3A_1708 : vector<16xf32> to vector<1x1x16xf32>
        tpu.vector_store %arg10[%parallel_loop3A_1709, %parallel_loop3A_1710, %parallel_loop3A_1711], %parallel_loop3A_1714 {strides = array<i32>} : memref<2x128x128xf32, #tpu.memory_space<vmem>>, vector<1x1x16xf32>,
        %parallel_loop3A_1715 = arith.index_cast %rem3A_931 : i32 to index
        %parallel_loop3A_1716 = arith.index_cast %parallel_loop3A_1701 : i32 to index
        %parallel_loop3A_1717 = arith.constant 48 : index
        %parallel_loop3A_1718 = tpu.vector_load %arg7[%parallel_loop3A_1715, %parallel_loop3A_1716, %parallel_loop3A_1717] {strides = array<i32>} : memref<2x128x128xi32, #tpu.memory_space<vmem>>, vector<1x1x16xi32>,
        %parallel_loop3A_1719 = vector.shape_cast %parallel_loop3A_1718 : vector<1x1x16xi32> to vector<16xi32>
        %parallel_loop3A_1720 = arith.sitofp %parallel_loop3A_1719 : vector<16xi32> to vector<16xf32>
        %parallel_loop3A_1721 = arith.mulf %parallel_loop3A_1720, %parallel_loop3A_1699 : vector<16xf32>
        %parallel_loop3A_1722 = arith.index_cast %rem3A_931 : i32 to index
        %parallel_loop3A_1723 = arith.index_cast %parallel_loop3A_1701 : i32 to index
        %parallel_loop3A_1724 = arith.constant 48 : index
        %parallel_loop3A_1725 = tpu.vector_load %arg10[%parallel_loop3A_1722, %parallel_loop3A_1723, %parallel_loop3A_1724] {strides = array<i32>} : memref<2x128x128xf32, #tpu.memory_space<vmem>>, vector<1x1x16xf32>,
        %parallel_loop3A_1726 = vector.shape_cast %parallel_loop3A_1725 : vector<1x1x16xf32> to vector<16xf32>
        %parallel_loop3A_1727 = vector.shape_cast %parallel_loop3A_1721 : vector<16xf32> to vector<1x1x16xf32>
        tpu.vector_store %arg10[%parallel_loop3A_1722, %parallel_loop3A_1723, %parallel_loop3A_1724], %parallel_loop3A_1727 {strides = array<i32>} : memref<2x128x128xf32, #tpu.memory_space<vmem>>, vector<1x1x16xf32>,
        %parallel_loop3A_1728 = arith.constant 6 : i32
        %parallel_loop3A_1729 = vector.broadcast %parallel_loop3A_1728 : i32 to vector<16xi32>
        %parallel_loop3A_1730 = vector.shape_cast %parallel_loop3A_1729 : vector<16xi32> to vector<16x1xi32>
        %parallel_loop3A_1731 = vector.shape_cast %parallel_loop3A_1730 : vector<16x1xi32> to vector<16xi32>
        %parallel_loop3A_1732 = tpu.dynamic_gather %parallel_loop3A_1529[%parallel_loop3A_1731] in [0] : vector<16xf32>, vector<16xi32> -> vector<16xf32>
        %parallel_loop3A_1733 = arith.constant 6 : i32
        %parallel_loop3A_1734 = arith.addi %parallel_loop3A_989, %parallel_loop3A_1733 : i32
        %parallel_loop3A_1735 = arith.index_cast %rem3A_931 : i32 to index
        %parallel_loop3A_1736 = arith.index_cast %parallel_loop3A_1734 : i32 to index
        %parallel_loop3A_1737 = arith.constant 32 : index
        %parallel_loop3A_1738 = tpu.vector_load %arg7[%parallel_loop3A_1735, %parallel_loop3A_1736, %parallel_loop3A_1737] {strides = array<i32>} : memref<2x128x128xi32, #tpu.memory_space<vmem>>, vector<1x1x16xi32>,
        %parallel_loop3A_1739 = vector.shape_cast %parallel_loop3A_1738 : vector<1x1x16xi32> to vector<16xi32>
        %parallel_loop3A_1740 = arith.sitofp %parallel_loop3A_1739 : vector<16xi32> to vector<16xf32>
        %parallel_loop3A_1741 = arith.mulf %parallel_loop3A_1740, %parallel_loop3A_1732 : vector<16xf32>
        %parallel_loop3A_1742 = arith.index_cast %rem3A_931 : i32 to index
        %parallel_loop3A_1743 = arith.index_cast %parallel_loop3A_1734 : i32 to index
        %parallel_loop3A_1744 = arith.constant 32 : index
        %parallel_loop3A_1745 = tpu.vector_load %arg10[%parallel_loop3A_1742, %parallel_loop3A_1743, %parallel_loop3A_1744] {strides = array<i32>} : memref<2x128x128xf32, #tpu.memory_space<vmem>>, vector<1x1x16xf32>,
        %parallel_loop3A_1746 = vector.shape_cast %parallel_loop3A_1745 : vector<1x1x16xf32> to vector<16xf32>
        %parallel_loop3A_1747 = vector.shape_cast %parallel_loop3A_1741 : vector<16xf32> to vector<1x1x16xf32>
        tpu.vector_store %arg10[%parallel_loop3A_1742, %parallel_loop3A_1743, %parallel_loop3A_1744], %parallel_loop3A_1747 {strides = array<i32>} : memref<2x128x128xf32, #tpu.memory_space<vmem>>, vector<1x1x16xf32>,
        %parallel_loop3A_1748 = arith.index_cast %rem3A_931 : i32 to index
        %parallel_loop3A_1749 = arith.index_cast %parallel_loop3A_1734 : i32 to index
        %parallel_loop3A_1750 = arith.constant 48 : index
        %parallel_loop3A_1751 = tpu.vector_load %arg7[%parallel_loop3A_1748, %parallel_loop3A_1749, %parallel_loop3A_1750] {strides = array<i32>} : memref<2x128x128xi32, #tpu.memory_space<vmem>>, vector<1x1x16xi32>,
        %parallel_loop3A_1752 = vector.shape_cast %parallel_loop3A_1751 : vector<1x1x16xi32> to vector<16xi32>
        %parallel_loop3A_1753 = arith.sitofp %parallel_loop3A_1752 : vector<16xi32> to vector<16xf32>
        %parallel_loop3A_1754 = arith.mulf %parallel_loop3A_1753, %parallel_loop3A_1732 : vector<16xf32>
        %parallel_loop3A_1755 = arith.index_cast %rem3A_931 : i32 to index
        %parallel_loop3A_1756 = arith.index_cast %parallel_loop3A_1734 : i32 to index
        %parallel_loop3A_1757 = arith.constant 48 : index
        %parallel_loop3A_1758 = tpu.vector_load %arg10[%parallel_loop3A_1755, %parallel_loop3A_1756, %parallel_loop3A_1757] {strides = array<i32>} : memref<2x128x128xf32, #tpu.memory_space<vmem>>, vector<1x1x16xf32>,
        %parallel_loop3A_1759 = vector.shape_cast %parallel_loop3A_1758 : vector<1x1x16xf32> to vector<16xf32>
        %parallel_loop3A_1760 = vector.shape_cast %parallel_loop3A_1754 : vector<16xf32> to vector<1x1x16xf32>
        tpu.vector_store %arg10[%parallel_loop3A_1755, %parallel_loop3A_1756, %parallel_loop3A_1757], %parallel_loop3A_1760 {strides = array<i32>} : memref<2x128x128xf32, #tpu.memory_space<vmem>>, vector<1x1x16xf32>,
        %parallel_loop3A_1761 = arith.constant 7 : i32
        %parallel_loop3A_1762 = vector.broadcast %parallel_loop3A_1761 : i32 to vector<16xi32>
        %parallel_loop3A_1763 = vector.shape_cast %parallel_loop3A_1762 : vector<16xi32> to vector<16x1xi32>
        %parallel_loop3A_1764 = vector.shape_cast %parallel_loop3A_1763 : vector<16x1xi32> to vector<16xi32>
        %parallel_loop3A_1765 = tpu.dynamic_gather %parallel_loop3A_1529[%parallel_loop3A_1764] in [0] : vector<16xf32>, vector<16xi32> -> vector<16xf32>
        %parallel_loop3A_1766 = arith.constant 7 : i32
        %parallel_loop3A_1767 = arith.addi %parallel_loop3A_989, %parallel_loop3A_1766 : i32
        %parallel_loop3A_1768 = arith.index_cast %rem3A_931 : i32 to index
        %parallel_loop3A_1769 = arith.index_cast %parallel_loop3A_1767 : i32 to index
        %parallel_loop3A_1770 = arith.constant 32 : index
        %parallel_loop3A_1771 = tpu.vector_load %arg7[%parallel_loop3A_1768, %parallel_loop3A_1769, %parallel_loop3A_1770] {strides = array<i32>} : memref<2x128x128xi32, #tpu.memory_space<vmem>>, vector<1x1x16xi32>,
        %parallel_loop3A_1772 = vector.shape_cast %parallel_loop3A_1771 : vector<1x1x16xi32> to vector<16xi32>
        %parallel_loop3A_1773 = arith.sitofp %parallel_loop3A_1772 : vector<16xi32> to vector<16xf32>
        %parallel_loop3A_1774 = arith.mulf %parallel_loop3A_1773, %parallel_loop3A_1765 : vector<16xf32>
        %parallel_loop3A_1775 = arith.index_cast %rem3A_931 : i32 to index
        %parallel_loop3A_1776 = arith.index_cast %parallel_loop3A_1767 : i32 to index
        %parallel_loop3A_1777 = arith.constant 32 : index
        %parallel_loop3A_1778 = tpu.vector_load %arg10[%parallel_loop3A_1775, %parallel_loop3A_1776, %parallel_loop3A_1777] {strides = array<i32>} : memref<2x128x128xf32, #tpu.memory_space<vmem>>, vector<1x1x16xf32>,
        %parallel_loop3A_1779 = vector.shape_cast %parallel_loop3A_1778 : vector<1x1x16xf32> to vector<16xf32>
        %parallel_loop3A_1780 = vector.shape_cast %parallel_loop3A_1774 : vector<16xf32> to vector<1x1x16xf32>
        tpu.vector_store %arg10[%parallel_loop3A_1775, %parallel_loop3A_1776, %parallel_loop3A_1777], %parallel_loop3A_1780 {strides = array<i32>} : memref<2x128x128xf32, #tpu.memory_space<vmem>>, vector<1x1x16xf32>,
        %parallel_loop3A_1781 = arith.index_cast %rem3A_931 : i32 to index
        %parallel_loop3A_1782 = arith.index_cast %parallel_loop3A_1767 : i32 to index
        %parallel_loop3A_1783 = arith.constant 48 : index
        %parallel_loop3A_1784 = tpu.vector_load %arg7[%parallel_loop3A_1781, %parallel_loop3A_1782, %parallel_loop3A_1783] {strides = array<i32>} : memref<2x128x128xi32, #tpu.memory_space<vmem>>, vector<1x1x16xi32>,
        %parallel_loop3A_1785 = vector.shape_cast %parallel_loop3A_1784 : vector<1x1x16xi32> to vector<16xi32>
        %parallel_loop3A_1786 = arith.sitofp %parallel_loop3A_1785 : vector<16xi32> to vector<16xf32>
        %parallel_loop3A_1787 = arith.mulf %parallel_loop3A_1786, %parallel_loop3A_1765 : vector<16xf32>
        %parallel_loop3A_1788 = arith.index_cast %rem3A_931 : i32 to index
        %parallel_loop3A_1789 = arith.index_cast %parallel_loop3A_1767 : i32 to index
        %parallel_loop3A_1790 = arith.constant 48 : index
        %parallel_loop3A_1791 = tpu.vector_load %arg10[%parallel_loop3A_1788, %parallel_loop3A_1789, %parallel_loop3A_1790] {strides = array<i32>} : memref<2x128x128xf32, #tpu.memory_space<vmem>>, vector<1x1x16xf32>,
        %parallel_loop3A_1792 = vector.shape_cast %parallel_loop3A_1791 : vector<1x1x16xf32> to vector<16xf32>
        %parallel_loop3A_1793 = vector.shape_cast %parallel_loop3A_1787 : vector<16xf32> to vector<1x1x16xf32>
        tpu.vector_store %arg10[%parallel_loop3A_1788, %parallel_loop3A_1789, %parallel_loop3A_1790], %parallel_loop3A_1793 {strides = array<i32>} : memref<2x128x128xf32, #tpu.memory_space<vmem>>, vector<1x1x16xf32>,
        %parallel_loop3A_1794 = arith.constant 8 : i32
        %parallel_loop3A_1795 = vector.broadcast %parallel_loop3A_1794 : i32 to vector<16xi32>
        %parallel_loop3A_1796 = vector.shape_cast %parallel_loop3A_1795 : vector<16xi32> to vector<16x1xi32>
        %parallel_loop3A_1797 = vector.shape_cast %parallel_loop3A_1796 : vector<16x1xi32> to vector<16xi32>
        %parallel_loop3A_1798 = tpu.dynamic_gather %parallel_loop3A_1529[%parallel_loop3A_1797] in [0] : vector<16xf32>, vector<16xi32> -> vector<16xf32>
        %parallel_loop3A_1799 = arith.constant 8 : i32
        %parallel_loop3A_1800 = arith.addi %parallel_loop3A_989, %parallel_loop3A_1799 : i32
        %parallel_loop3A_1801 = arith.index_cast %rem3A_931 : i32 to index
        %parallel_loop3A_1802 = arith.index_cast %parallel_loop3A_1800 : i32 to index
        %parallel_loop3A_1803 = arith.constant 32 : index
        %parallel_loop3A_1804 = tpu.vector_load %arg7[%parallel_loop3A_1801, %parallel_loop3A_1802, %parallel_loop3A_1803] {strides = array<i32>} : memref<2x128x128xi32, #tpu.memory_space<vmem>>, vector<1x1x16xi32>,
        %parallel_loop3A_1805 = vector.shape_cast %parallel_loop3A_1804 : vector<1x1x16xi32> to vector<16xi32>
        %parallel_loop3A_1806 = arith.sitofp %parallel_loop3A_1805 : vector<16xi32> to vector<16xf32>
        %parallel_loop3A_1807 = arith.mulf %parallel_loop3A_1806, %parallel_loop3A_1798 : vector<16xf32>
        %parallel_loop3A_1808 = arith.index_cast %rem3A_931 : i32 to index
        %parallel_loop3A_1809 = arith.index_cast %parallel_loop3A_1800 : i32 to index
        %parallel_loop3A_1810 = arith.constant 32 : index
        %parallel_loop3A_1811 = tpu.vector_load %arg10[%parallel_loop3A_1808, %parallel_loop3A_1809, %parallel_loop3A_1810] {strides = array<i32>} : memref<2x128x128xf32, #tpu.memory_space<vmem>>, vector<1x1x16xf32>,
        %parallel_loop3A_1812 = vector.shape_cast %parallel_loop3A_1811 : vector<1x1x16xf32> to vector<16xf32>
        %parallel_loop3A_1813 = vector.shape_cast %parallel_loop3A_1807 : vector<16xf32> to vector<1x1x16xf32>
        tpu.vector_store %arg10[%parallel_loop3A_1808, %parallel_loop3A_1809, %parallel_loop3A_1810], %parallel_loop3A_1813 {strides = array<i32>} : memref<2x128x128xf32, #tpu.memory_space<vmem>>, vector<1x1x16xf32>,
        %parallel_loop3A_1814 = arith.index_cast %rem3A_931 : i32 to index
        %parallel_loop3A_1815 = arith.index_cast %parallel_loop3A_1800 : i32 to index
        %parallel_loop3A_1816 = arith.constant 48 : index
        %parallel_loop3A_1817 = tpu.vector_load %arg7[%parallel_loop3A_1814, %parallel_loop3A_1815, %parallel_loop3A_1816] {strides = array<i32>} : memref<2x128x128xi32, #tpu.memory_space<vmem>>, vector<1x1x16xi32>,
        %parallel_loop3A_1818 = vector.shape_cast %parallel_loop3A_1817 : vector<1x1x16xi32> to vector<16xi32>
        %parallel_loop3A_1819 = arith.sitofp %parallel_loop3A_1818 : vector<16xi32> to vector<16xf32>
        %parallel_loop3A_1820 = arith.mulf %parallel_loop3A_1819, %parallel_loop3A_1798 : vector<16xf32>
        %parallel_loop3A_1821 = arith.index_cast %rem3A_931 : i32 to index
        %parallel_loop3A_1822 = arith.index_cast %parallel_loop3A_1800 : i32 to index
        %parallel_loop3A_1823 = arith.constant 48 : index
        %parallel_loop3A_1824 = tpu.vector_load %arg10[%parallel_loop3A_1821, %parallel_loop3A_1822, %parallel_loop3A_1823] {strides = array<i32>} : memref<2x128x128xf32, #tpu.memory_space<vmem>>, vector<1x1x16xf32>,
        %parallel_loop3A_1825 = vector.shape_cast %parallel_loop3A_1824 : vector<1x1x16xf32> to vector<16xf32>
        %parallel_loop3A_1826 = vector.shape_cast %parallel_loop3A_1820 : vector<16xf32> to vector<1x1x16xf32>
        tpu.vector_store %arg10[%parallel_loop3A_1821, %parallel_loop3A_1822, %parallel_loop3A_1823], %parallel_loop3A_1826 {strides = array<i32>} : memref<2x128x128xf32, #tpu.memory_space<vmem>>, vector<1x1x16xf32>,
        %parallel_loop3A_1827 = arith.constant 9 : i32
        %parallel_loop3A_1828 = vector.broadcast %parallel_loop3A_1827 : i32 to vector<16xi32>
        %parallel_loop3A_1829 = vector.shape_cast %parallel_loop3A_1828 : vector<16xi32> to vector<16x1xi32>
        %parallel_loop3A_1830 = vector.shape_cast %parallel_loop3A_1829 : vector<16x1xi32> to vector<16xi32>
        %parallel_loop3A_1831 = tpu.dynamic_gather %parallel_loop3A_1529[%parallel_loop3A_1830] in [0] : vector<16xf32>, vector<16xi32> -> vector<16xf32>
        %parallel_loop3A_1832 = arith.constant 9 : i32
        %parallel_loop3A_1833 = arith.addi %parallel_loop3A_989, %parallel_loop3A_1832 : i32
        %parallel_loop3A_1834 = arith.index_cast %rem3A_931 : i32 to index
        %parallel_loop3A_1835 = arith.index_cast %parallel_loop3A_1833 : i32 to index
        %parallel_loop3A_1836 = arith.constant 32 : index
        %parallel_loop3A_1837 = tpu.vector_load %arg7[%parallel_loop3A_1834, %parallel_loop3A_1835, %parallel_loop3A_1836] {strides = array<i32>} : memref<2x128x128xi32, #tpu.memory_space<vmem>>, vector<1x1x16xi32>,
        %parallel_loop3A_1838 = vector.shape_cast %parallel_loop3A_1837 : vector<1x1x16xi32> to vector<16xi32>
        %parallel_loop3A_1839 = arith.sitofp %parallel_loop3A_1838 : vector<16xi32> to vector<16xf32>
        %parallel_loop3A_1840 = arith.mulf %parallel_loop3A_1839, %parallel_loop3A_1831 : vector<16xf32>
        %parallel_loop3A_1841 = arith.index_cast %rem3A_931 : i32 to index
        %parallel_loop3A_1842 = arith.index_cast %parallel_loop3A_1833 : i32 to index
        %parallel_loop3A_1843 = arith.constant 32 : index
        %parallel_loop3A_1844 = tpu.vector_load %arg10[%parallel_loop3A_1841, %parallel_loop3A_1842, %parallel_loop3A_1843] {strides = array<i32>} : memref<2x128x128xf32, #tpu.memory_space<vmem>>, vector<1x1x16xf32>,
        %parallel_loop3A_1845 = vector.shape_cast %parallel_loop3A_1844 : vector<1x1x16xf32> to vector<16xf32>
        %parallel_loop3A_1846 = vector.shape_cast %parallel_loop3A_1840 : vector<16xf32> to vector<1x1x16xf32>
        tpu.vector_store %arg10[%parallel_loop3A_1841, %parallel_loop3A_1842, %parallel_loop3A_1843], %parallel_loop3A_1846 {strides = array<i32>} : memref<2x128x128xf32, #tpu.memory_space<vmem>>, vector<1x1x16xf32>,
        %parallel_loop3A_1847 = arith.index_cast %rem3A_931 : i32 to index
        %parallel_loop3A_1848 = arith.index_cast %parallel_loop3A_1833 : i32 to index
        %parallel_loop3A_1849 = arith.constant 48 : index
        %parallel_loop3A_1850 = tpu.vector_load %arg7[%parallel_loop3A_1847, %parallel_loop3A_1848, %parallel_loop3A_1849] {strides = array<i32>} : memref<2x128x128xi32, #tpu.memory_space<vmem>>, vector<1x1x16xi32>,
        %parallel_loop3A_1851 = vector.shape_cast %parallel_loop3A_1850 : vector<1x1x16xi32> to vector<16xi32>
        %parallel_loop3A_1852 = arith.sitofp %parallel_loop3A_1851 : vector<16xi32> to vector<16xf32>
        %parallel_loop3A_1853 = arith.mulf %parallel_loop3A_1852, %parallel_loop3A_1831 : vector<16xf32>
        %parallel_loop3A_1854 = arith.index_cast %rem3A_931 : i32 to index
        %parallel_loop3A_1855 = arith.index_cast %parallel_loop3A_1833 : i32 to index
        %parallel_loop3A_1856 = arith.constant 48 : index
        %parallel_loop3A_1857 = tpu.vector_load %arg10[%parallel_loop3A_1854, %parallel_loop3A_1855, %parallel_loop3A_1856] {strides = array<i32>} : memref<2x128x128xf32, #tpu.memory_space<vmem>>, vector<1x1x16xf32>,
        %parallel_loop3A_1858 = vector.shape_cast %parallel_loop3A_1857 : vector<1x1x16xf32> to vector<16xf32>
        %parallel_loop3A_1859 = vector.shape_cast %parallel_loop3A_1853 : vector<16xf32> to vector<1x1x16xf32>
        tpu.vector_store %arg10[%parallel_loop3A_1854, %parallel_loop3A_1855, %parallel_loop3A_1856], %parallel_loop3A_1859 {strides = array<i32>} : memref<2x128x128xf32, #tpu.memory_space<vmem>>, vector<1x1x16xf32>,
        %parallel_loop3A_1860 = arith.constant 10 : i32
        %parallel_loop3A_1861 = vector.broadcast %parallel_loop3A_1860 : i32 to vector<16xi32>
        %parallel_loop3A_1862 = vector.shape_cast %parallel_loop3A_1861 : vector<16xi32> to vector<16x1xi32>
        %parallel_loop3A_1863 = vector.shape_cast %parallel_loop3A_1862 : vector<16x1xi32> to vector<16xi32>
        %parallel_loop3A_1864 = tpu.dynamic_gather %parallel_loop3A_1529[%parallel_loop3A_1863] in [0] : vector<16xf32>, vector<16xi32> -> vector<16xf32>
        %parallel_loop3A_1865 = arith.constant 10 : i32
        %parallel_loop3A_1866 = arith.addi %parallel_loop3A_989, %parallel_loop3A_1865 : i32
        %parallel_loop3A_1867 = arith.index_cast %rem3A_931 : i32 to index
        %parallel_loop3A_1868 = arith.index_cast %parallel_loop3A_1866 : i32 to index
        %parallel_loop3A_1869 = arith.constant 32 : index
        %parallel_loop3A_1870 = tpu.vector_load %arg7[%parallel_loop3A_1867, %parallel_loop3A_1868, %parallel_loop3A_1869] {strides = array<i32>} : memref<2x128x128xi32, #tpu.memory_space<vmem>>, vector<1x1x16xi32>,
        %parallel_loop3A_1871 = vector.shape_cast %parallel_loop3A_1870 : vector<1x1x16xi32> to vector<16xi32>
        %parallel_loop3A_1872 = arith.sitofp %parallel_loop3A_1871 : vector<16xi32> to vector<16xf32>
        %parallel_loop3A_1873 = arith.mulf %parallel_loop3A_1872, %parallel_loop3A_1864 : vector<16xf32>
        %parallel_loop3A_1874 = arith.index_cast %rem3A_931 : i32 to index
        %parallel_loop3A_1875 = arith.index_cast %parallel_loop3A_1866 : i32 to index
        %parallel_loop3A_1876 = arith.constant 32 : index
        %parallel_loop3A_1877 = tpu.vector_load %arg10[%parallel_loop3A_1874, %parallel_loop3A_1875, %parallel_loop3A_1876] {strides = array<i32>} : memref<2x128x128xf32, #tpu.memory_space<vmem>>, vector<1x1x16xf32>,
        %parallel_loop3A_1878 = vector.shape_cast %parallel_loop3A_1877 : vector<1x1x16xf32> to vector<16xf32>
        %parallel_loop3A_1879 = vector.shape_cast %parallel_loop3A_1873 : vector<16xf32> to vector<1x1x16xf32>
        tpu.vector_store %arg10[%parallel_loop3A_1874, %parallel_loop3A_1875, %parallel_loop3A_1876], %parallel_loop3A_1879 {strides = array<i32>} : memref<2x128x128xf32, #tpu.memory_space<vmem>>, vector<1x1x16xf32>,
        %parallel_loop3A_1880 = arith.index_cast %rem3A_931 : i32 to index
        %parallel_loop3A_1881 = arith.index_cast %parallel_loop3A_1866 : i32 to index
        %parallel_loop3A_1882 = arith.constant 48 : index
        %parallel_loop3A_1883 = tpu.vector_load %arg7[%parallel_loop3A_1880, %parallel_loop3A_1881, %parallel_loop3A_1882] {strides = array<i32>} : memref<2x128x128xi32, #tpu.memory_space<vmem>>, vector<1x1x16xi32>,
        %parallel_loop3A_1884 = vector.shape_cast %parallel_loop3A_1883 : vector<1x1x16xi32> to vector<16xi32>
        %parallel_loop3A_1885 = arith.sitofp %parallel_loop3A_1884 : vector<16xi32> to vector<16xf32>
        %parallel_loop3A_1886 = arith.mulf %parallel_loop3A_1885, %parallel_loop3A_1864 : vector<16xf32>
        %parallel_loop3A_1887 = arith.index_cast %rem3A_931 : i32 to index
        %parallel_loop3A_1888 = arith.index_cast %parallel_loop3A_1866 : i32 to index
        %parallel_loop3A_1889 = arith.constant 48 : index
        %parallel_loop3A_1890 = tpu.vector_load %arg10[%parallel_loop3A_1887, %parallel_loop3A_1888, %parallel_loop3A_1889] {strides = array<i32>} : memref<2x128x128xf32, #tpu.memory_space<vmem>>, vector<1x1x16xf32>,
        %parallel_loop3A_1891 = vector.shape_cast %parallel_loop3A_1890 : vector<1x1x16xf32> to vector<16xf32>
        %parallel_loop3A_1892 = vector.shape_cast %parallel_loop3A_1886 : vector<16xf32> to vector<1x1x16xf32>
        tpu.vector_store %arg10[%parallel_loop3A_1887, %parallel_loop3A_1888, %parallel_loop3A_1889], %parallel_loop3A_1892 {strides = array<i32>} : memref<2x128x128xf32, #tpu.memory_space<vmem>>, vector<1x1x16xf32>,
        %parallel_loop3A_1893 = arith.constant 11 : i32
        %parallel_loop3A_1894 = vector.broadcast %parallel_loop3A_1893 : i32 to vector<16xi32>
        %parallel_loop3A_1895 = vector.shape_cast %parallel_loop3A_1894 : vector<16xi32> to vector<16x1xi32>
        %parallel_loop3A_1896 = vector.shape_cast %parallel_loop3A_1895 : vector<16x1xi32> to vector<16xi32>
        %parallel_loop3A_1897 = tpu.dynamic_gather %parallel_loop3A_1529[%parallel_loop3A_1896] in [0] : vector<16xf32>, vector<16xi32> -> vector<16xf32>
        %parallel_loop3A_1898 = arith.constant 11 : i32
        %parallel_loop3A_1899 = arith.addi %parallel_loop3A_989, %parallel_loop3A_1898 : i32
        %parallel_loop3A_1900 = arith.index_cast %rem3A_931 : i32 to index
        %parallel_loop3A_1901 = arith.index_cast %parallel_loop3A_1899 : i32 to index
        %parallel_loop3A_1902 = arith.constant 32 : index
        %parallel_loop3A_1903 = tpu.vector_load %arg7[%parallel_loop3A_1900, %parallel_loop3A_1901, %parallel_loop3A_1902] {strides = array<i32>} : memref<2x128x128xi32, #tpu.memory_space<vmem>>, vector<1x1x16xi32>,
        %parallel_loop3A_1904 = vector.shape_cast %parallel_loop3A_1903 : vector<1x1x16xi32> to vector<16xi32>
        %parallel_loop3A_1905 = arith.sitofp %parallel_loop3A_1904 : vector<16xi32> to vector<16xf32>
        %parallel_loop3A_1906 = arith.mulf %parallel_loop3A_1905, %parallel_loop3A_1897 : vector<16xf32>
        %parallel_loop3A_1907 = arith.index_cast %rem3A_931 : i32 to index
        %parallel_loop3A_1908 = arith.index_cast %parallel_loop3A_1899 : i32 to index
        %parallel_loop3A_1909 = arith.constant 32 : index
        %parallel_loop3A_1910 = tpu.vector_load %arg10[%parallel_loop3A_1907, %parallel_loop3A_1908, %parallel_loop3A_1909] {strides = array<i32>} : memref<2x128x128xf32, #tpu.memory_space<vmem>>, vector<1x1x16xf32>,
        %parallel_loop3A_1911 = vector.shape_cast %parallel_loop3A_1910 : vector<1x1x16xf32> to vector<16xf32>
        %parallel_loop3A_1912 = vector.shape_cast %parallel_loop3A_1906 : vector<16xf32> to vector<1x1x16xf32>
        tpu.vector_store %arg10[%parallel_loop3A_1907, %parallel_loop3A_1908, %parallel_loop3A_1909], %parallel_loop3A_1912 {strides = array<i32>} : memref<2x128x128xf32, #tpu.memory_space<vmem>>, vector<1x1x16xf32>,
        %parallel_loop3A_1913 = arith.index_cast %rem3A_931 : i32 to index
        %parallel_loop3A_1914 = arith.index_cast %parallel_loop3A_1899 : i32 to index
        %parallel_loop3A_1915 = arith.constant 48 : index
        %parallel_loop3A_1916 = tpu.vector_load %arg7[%parallel_loop3A_1913, %parallel_loop3A_1914, %parallel_loop3A_1915] {strides = array<i32>} : memref<2x128x128xi32, #tpu.memory_space<vmem>>, vector<1x1x16xi32>,
        %parallel_loop3A_1917 = vector.shape_cast %parallel_loop3A_1916 : vector<1x1x16xi32> to vector<16xi32>
        %parallel_loop3A_1918 = arith.sitofp %parallel_loop3A_1917 : vector<16xi32> to vector<16xf32>
        %parallel_loop3A_1919 = arith.mulf %parallel_loop3A_1918, %parallel_loop3A_1897 : vector<16xf32>
        %parallel_loop3A_1920 = arith.index_cast %rem3A_931 : i32 to index
        %parallel_loop3A_1921 = arith.index_cast %parallel_loop3A_1899 : i32 to index
        %parallel_loop3A_1922 = arith.constant 48 : index
        %parallel_loop3A_1923 = tpu.vector_load %arg10[%parallel_loop3A_1920, %parallel_loop3A_1921, %parallel_loop3A_1922] {strides = array<i32>} : memref<2x128x128xf32, #tpu.memory_space<vmem>>, vector<1x1x16xf32>,
        %parallel_loop3A_1924 = vector.shape_cast %parallel_loop3A_1923 : vector<1x1x16xf32> to vector<16xf32>
        %parallel_loop3A_1925 = vector.shape_cast %parallel_loop3A_1919 : vector<16xf32> to vector<1x1x16xf32>
        tpu.vector_store %arg10[%parallel_loop3A_1920, %parallel_loop3A_1921, %parallel_loop3A_1922], %parallel_loop3A_1925 {strides = array<i32>} : memref<2x128x128xf32, #tpu.memory_space<vmem>>, vector<1x1x16xf32>,
        %parallel_loop3A_1926 = arith.constant 12 : i32
        %parallel_loop3A_1927 = vector.broadcast %parallel_loop3A_1926 : i32 to vector<16xi32>
        %parallel_loop3A_1928 = vector.shape_cast %parallel_loop3A_1927 : vector<16xi32> to vector<16x1xi32>
        %parallel_loop3A_1929 = vector.shape_cast %parallel_loop3A_1928 : vector<16x1xi32> to vector<16xi32>
        %parallel_loop3A_1930 = tpu.dynamic_gather %parallel_loop3A_1529[%parallel_loop3A_1929] in [0] : vector<16xf32>, vector<16xi32> -> vector<16xf32>
        %parallel_loop3A_1931 = arith.constant 12 : i32
        %parallel_loop3A_1932 = arith.addi %parallel_loop3A_989, %parallel_loop3A_1931 : i32
        %parallel_loop3A_1933 = arith.index_cast %rem3A_931 : i32 to index
        %parallel_loop3A_1934 = arith.index_cast %parallel_loop3A_1932 : i32 to index
        %parallel_loop3A_1935 = arith.constant 32 : index
        %parallel_loop3A_1936 = tpu.vector_load %arg7[%parallel_loop3A_1933, %parallel_loop3A_1934, %parallel_loop3A_1935] {strides = array<i32>} : memref<2x128x128xi32, #tpu.memory_space<vmem>>, vector<1x1x16xi32>,
        %parallel_loop3A_1937 = vector.shape_cast %parallel_loop3A_1936 : vector<1x1x16xi32> to vector<16xi32>
        %parallel_loop3A_1938 = arith.sitofp %parallel_loop3A_1937 : vector<16xi32> to vector<16xf32>
        %parallel_loop3A_1939 = arith.mulf %parallel_loop3A_1938, %parallel_loop3A_1930 : vector<16xf32>
        %parallel_loop3A_1940 = arith.index_cast %rem3A_931 : i32 to index
        %parallel_loop3A_1941 = arith.index_cast %parallel_loop3A_1932 : i32 to index
        %parallel_loop3A_1942 = arith.constant 32 : index
        %parallel_loop3A_1943 = tpu.vector_load %arg10[%parallel_loop3A_1940, %parallel_loop3A_1941, %parallel_loop3A_1942] {strides = array<i32>} : memref<2x128x128xf32, #tpu.memory_space<vmem>>, vector<1x1x16xf32>,
        %parallel_loop3A_1944 = vector.shape_cast %parallel_loop3A_1943 : vector<1x1x16xf32> to vector<16xf32>
        %parallel_loop3A_1945 = vector.shape_cast %parallel_loop3A_1939 : vector<16xf32> to vector<1x1x16xf32>
        tpu.vector_store %arg10[%parallel_loop3A_1940, %parallel_loop3A_1941, %parallel_loop3A_1942], %parallel_loop3A_1945 {strides = array<i32>} : memref<2x128x128xf32, #tpu.memory_space<vmem>>, vector<1x1x16xf32>,
        %parallel_loop3A_1946 = arith.index_cast %rem3A_931 : i32 to index
        %parallel_loop3A_1947 = arith.index_cast %parallel_loop3A_1932 : i32 to index
        %parallel_loop3A_1948 = arith.constant 48 : index
        %parallel_loop3A_1949 = tpu.vector_load %arg7[%parallel_loop3A_1946, %parallel_loop3A_1947, %parallel_loop3A_1948] {strides = array<i32>} : memref<2x128x128xi32, #tpu.memory_space<vmem>>, vector<1x1x16xi32>,
        %parallel_loop3A_1950 = vector.shape_cast %parallel_loop3A_1949 : vector<1x1x16xi32> to vector<16xi32>
        %parallel_loop3A_1951 = arith.sitofp %parallel_loop3A_1950 : vector<16xi32> to vector<16xf32>
        %parallel_loop3A_1952 = arith.mulf %parallel_loop3A_1951, %parallel_loop3A_1930 : vector<16xf32>
        %parallel_loop3A_1953 = arith.index_cast %rem3A_931 : i32 to index
        %parallel_loop3A_1954 = arith.index_cast %parallel_loop3A_1932 : i32 to index
        %parallel_loop3A_1955 = arith.constant 48 : index
        %parallel_loop3A_1956 = tpu.vector_load %arg10[%parallel_loop3A_1953, %parallel_loop3A_1954, %parallel_loop3A_1955] {strides = array<i32>} : memref<2x128x128xf32, #tpu.memory_space<vmem>>, vector<1x1x16xf32>,
        %parallel_loop3A_1957 = vector.shape_cast %parallel_loop3A_1956 : vector<1x1x16xf32> to vector<16xf32>
        %parallel_loop3A_1958 = vector.shape_cast %parallel_loop3A_1952 : vector<16xf32> to vector<1x1x16xf32>
        tpu.vector_store %arg10[%parallel_loop3A_1953, %parallel_loop3A_1954, %parallel_loop3A_1955], %parallel_loop3A_1958 {strides = array<i32>} : memref<2x128x128xf32, #tpu.memory_space<vmem>>, vector<1x1x16xf32>,
        %parallel_loop3A_1959 = arith.constant 13 : i32
        %parallel_loop3A_1960 = vector.broadcast %parallel_loop3A_1959 : i32 to vector<16xi32>
        %parallel_loop3A_1961 = vector.shape_cast %parallel_loop3A_1960 : vector<16xi32> to vector<16x1xi32>
        %parallel_loop3A_1962 = vector.shape_cast %parallel_loop3A_1961 : vector<16x1xi32> to vector<16xi32>
        %parallel_loop3A_1963 = tpu.dynamic_gather %parallel_loop3A_1529[%parallel_loop3A_1962] in [0] : vector<16xf32>, vector<16xi32> -> vector<16xf32>
        %parallel_loop3A_1964 = arith.constant 13 : i32
        %parallel_loop3A_1965 = arith.addi %parallel_loop3A_989, %parallel_loop3A_1964 : i32
        %parallel_loop3A_1966 = arith.index_cast %rem3A_931 : i32 to index
        %parallel_loop3A_1967 = arith.index_cast %parallel_loop3A_1965 : i32 to index
        %parallel_loop3A_1968 = arith.constant 32 : index
        %parallel_loop3A_1969 = tpu.vector_load %arg7[%parallel_loop3A_1966, %parallel_loop3A_1967, %parallel_loop3A_1968] {strides = array<i32>} : memref<2x128x128xi32, #tpu.memory_space<vmem>>, vector<1x1x16xi32>,
        %parallel_loop3A_1970 = vector.shape_cast %parallel_loop3A_1969 : vector<1x1x16xi32> to vector<16xi32>
        %parallel_loop3A_1971 = arith.sitofp %parallel_loop3A_1970 : vector<16xi32> to vector<16xf32>
        %parallel_loop3A_1972 = arith.mulf %parallel_loop3A_1971, %parallel_loop3A_1963 : vector<16xf32>
        %parallel_loop3A_1973 = arith.index_cast %rem3A_931 : i32 to index
        %parallel_loop3A_1974 = arith.index_cast %parallel_loop3A_1965 : i32 to index
        %parallel_loop3A_1975 = arith.constant 32 : index
        %parallel_loop3A_1976 = tpu.vector_load %arg10[%parallel_loop3A_1973, %parallel_loop3A_1974, %parallel_loop3A_1975] {strides = array<i32>} : memref<2x128x128xf32, #tpu.memory_space<vmem>>, vector<1x1x16xf32>,
        %parallel_loop3A_1977 = vector.shape_cast %parallel_loop3A_1976 : vector<1x1x16xf32> to vector<16xf32>
        %parallel_loop3A_1978 = vector.shape_cast %parallel_loop3A_1972 : vector<16xf32> to vector<1x1x16xf32>
        tpu.vector_store %arg10[%parallel_loop3A_1973, %parallel_loop3A_1974, %parallel_loop3A_1975], %parallel_loop3A_1978 {strides = array<i32>} : memref<2x128x128xf32, #tpu.memory_space<vmem>>, vector<1x1x16xf32>,
        %parallel_loop3A_1979 = arith.index_cast %rem3A_931 : i32 to index
        %parallel_loop3A_1980 = arith.index_cast %parallel_loop3A_1965 : i32 to index
        %parallel_loop3A_1981 = arith.constant 48 : index
        %parallel_loop3A_1982 = tpu.vector_load %arg7[%parallel_loop3A_1979, %parallel_loop3A_1980, %parallel_loop3A_1981] {strides = array<i32>} : memref<2x128x128xi32, #tpu.memory_space<vmem>>, vector<1x1x16xi32>,
        %parallel_loop3A_1983 = vector.shape_cast %parallel_loop3A_1982 : vector<1x1x16xi32> to vector<16xi32>
        %parallel_loop3A_1984 = arith.sitofp %parallel_loop3A_1983 : vector<16xi32> to vector<16xf32>
        %parallel_loop3A_1985 = arith.mulf %parallel_loop3A_1984, %parallel_loop3A_1963 : vector<16xf32>
        %parallel_loop3A_1986 = arith.index_cast %rem3A_931 : i32 to index
        %parallel_loop3A_1987 = arith.index_cast %parallel_loop3A_1965 : i32 to index
        %parallel_loop3A_1988 = arith.constant 48 : index
        %parallel_loop3A_1989 = tpu.vector_load %arg10[%parallel_loop3A_1986, %parallel_loop3A_1987, %parallel_loop3A_1988] {strides = array<i32>} : memref<2x128x128xf32, #tpu.memory_space<vmem>>, vector<1x1x16xf32>,
        %parallel_loop3A_1990 = vector.shape_cast %parallel_loop3A_1989 : vector<1x1x16xf32> to vector<16xf32>
        %parallel_loop3A_1991 = vector.shape_cast %parallel_loop3A_1985 : vector<16xf32> to vector<1x1x16xf32>
        tpu.vector_store %arg10[%parallel_loop3A_1986, %parallel_loop3A_1987, %parallel_loop3A_1988], %parallel_loop3A_1991 {strides = array<i32>} : memref<2x128x128xf32, #tpu.memory_space<vmem>>, vector<1x1x16xf32>,
        %parallel_loop3A_1992 = arith.constant 14 : i32
        %parallel_loop3A_1993 = vector.broadcast %parallel_loop3A_1992 : i32 to vector<16xi32>
        %parallel_loop3A_1994 = vector.shape_cast %parallel_loop3A_1993 : vector<16xi32> to vector<16x1xi32>
        %parallel_loop3A_1995 = vector.shape_cast %parallel_loop3A_1994 : vector<16x1xi32> to vector<16xi32>
        %parallel_loop3A_1996 = tpu.dynamic_gather %parallel_loop3A_1529[%parallel_loop3A_1995] in [0] : vector<16xf32>, vector<16xi32> -> vector<16xf32>
        %parallel_loop3A_1997 = arith.constant 14 : i32
        %parallel_loop3A_1998 = arith.addi %parallel_loop3A_989, %parallel_loop3A_1997 : i32
        %parallel_loop3A_1999 = arith.index_cast %rem3A_931 : i32 to index
        %parallel_loop3A_2000 = arith.index_cast %parallel_loop3A_1998 : i32 to index
        %parallel_loop3A_2001 = arith.constant 32 : index
        %parallel_loop3A_2002 = tpu.vector_load %arg7[%parallel_loop3A_1999, %parallel_loop3A_2000, %parallel_loop3A_2001] {strides = array<i32>} : memref<2x128x128xi32, #tpu.memory_space<vmem>>, vector<1x1x16xi32>,
        %parallel_loop3A_2003 = vector.shape_cast %parallel_loop3A_2002 : vector<1x1x16xi32> to vector<16xi32>
        %parallel_loop3A_2004 = arith.sitofp %parallel_loop3A_2003 : vector<16xi32> to vector<16xf32>
        %parallel_loop3A_2005 = arith.mulf %parallel_loop3A_2004, %parallel_loop3A_1996 : vector<16xf32>
        %parallel_loop3A_2006 = arith.index_cast %rem3A_931 : i32 to index
        %parallel_loop3A_2007 = arith.index_cast %parallel_loop3A_1998 : i32 to index
        %parallel_loop3A_2008 = arith.constant 32 : index
        %parallel_loop3A_2009 = tpu.vector_load %arg10[%parallel_loop3A_2006, %parallel_loop3A_2007, %parallel_loop3A_2008] {strides = array<i32>} : memref<2x128x128xf32, #tpu.memory_space<vmem>>, vector<1x1x16xf32>,
        %parallel_loop3A_2010 = vector.shape_cast %parallel_loop3A_2009 : vector<1x1x16xf32> to vector<16xf32>
        %parallel_loop3A_2011 = vector.shape_cast %parallel_loop3A_2005 : vector<16xf32> to vector<1x1x16xf32>
        tpu.vector_store %arg10[%parallel_loop3A_2006, %parallel_loop3A_2007, %parallel_loop3A_2008], %parallel_loop3A_2011 {strides = array<i32>} : memref<2x128x128xf32, #tpu.memory_space<vmem>>, vector<1x1x16xf32>,
        %parallel_loop3A_2012 = arith.index_cast %rem3A_931 : i32 to index
        %parallel_loop3A_2013 = arith.index_cast %parallel_loop3A_1998 : i32 to index
        %parallel_loop3A_2014 = arith.constant 48 : index
        %parallel_loop3A_2015 = tpu.vector_load %arg7[%parallel_loop3A_2012, %parallel_loop3A_2013, %parallel_loop3A_2014] {strides = array<i32>} : memref<2x128x128xi32, #tpu.memory_space<vmem>>, vector<1x1x16xi32>,
        %parallel_loop3A_2016 = vector.shape_cast %parallel_loop3A_2015 : vector<1x1x16xi32> to vector<16xi32>
        %parallel_loop3A_2017 = arith.sitofp %parallel_loop3A_2016 : vector<16xi32> to vector<16xf32>
        %parallel_loop3A_2018 = arith.mulf %parallel_loop3A_2017, %parallel_loop3A_1996 : vector<16xf32>
        %parallel_loop3A_2019 = arith.index_cast %rem3A_931 : i32 to index
        %parallel_loop3A_2020 = arith.index_cast %parallel_loop3A_1998 : i32 to index
        %parallel_loop3A_2021 = arith.constant 48 : index
        %parallel_loop3A_2022 = tpu.vector_load %arg10[%parallel_loop3A_2019, %parallel_loop3A_2020, %parallel_loop3A_2021] {strides = array<i32>} : memref<2x128x128xf32, #tpu.memory_space<vmem>>, vector<1x1x16xf32>,
        %parallel_loop3A_2023 = vector.shape_cast %parallel_loop3A_2022 : vector<1x1x16xf32> to vector<16xf32>
        %parallel_loop3A_2024 = vector.shape_cast %parallel_loop3A_2018 : vector<16xf32> to vector<1x1x16xf32>
        tpu.vector_store %arg10[%parallel_loop3A_2019, %parallel_loop3A_2020, %parallel_loop3A_2021], %parallel_loop3A_2024 {strides = array<i32>} : memref<2x128x128xf32, #tpu.memory_space<vmem>>, vector<1x1x16xf32>,
        %parallel_loop3A_2025 = arith.constant 15 : i32
        %parallel_loop3A_2026 = vector.broadcast %parallel_loop3A_2025 : i32 to vector<16xi32>
        %parallel_loop3A_2027 = vector.shape_cast %parallel_loop3A_2026 : vector<16xi32> to vector<16x1xi32>
        %parallel_loop3A_2028 = vector.shape_cast %parallel_loop3A_2027 : vector<16x1xi32> to vector<16xi32>
        %parallel_loop3A_2029 = tpu.dynamic_gather %parallel_loop3A_1529[%parallel_loop3A_2028] in [0] : vector<16xf32>, vector<16xi32> -> vector<16xf32>
        %parallel_loop3A_2030 = arith.constant 15 : i32
        %parallel_loop3A_2031 = arith.addi %parallel_loop3A_989, %parallel_loop3A_2030 : i32
        %parallel_loop3A_2032 = arith.index_cast %rem3A_931 : i32 to index
        %parallel_loop3A_2033 = arith.index_cast %parallel_loop3A_2031 : i32 to index
        %parallel_loop3A_2034 = arith.constant 32 : index
        %parallel_loop3A_2035 = tpu.vector_load %arg7[%parallel_loop3A_2032, %parallel_loop3A_2033, %parallel_loop3A_2034] {strides = array<i32>} : memref<2x128x128xi32, #tpu.memory_space<vmem>>, vector<1x1x16xi32>,
        %parallel_loop3A_2036 = vector.shape_cast %parallel_loop3A_2035 : vector<1x1x16xi32> to vector<16xi32>
        %parallel_loop3A_2037 = arith.sitofp %parallel_loop3A_2036 : vector<16xi32> to vector<16xf32>
        %parallel_loop3A_2038 = arith.mulf %parallel_loop3A_2037, %parallel_loop3A_2029 : vector<16xf32>
        %parallel_loop3A_2039 = arith.index_cast %rem3A_931 : i32 to index
        %parallel_loop3A_2040 = arith.index_cast %parallel_loop3A_2031 : i32 to index
        %parallel_loop3A_2041 = arith.constant 32 : index
        %parallel_loop3A_2042 = tpu.vector_load %arg10[%parallel_loop3A_2039, %parallel_loop3A_2040, %parallel_loop3A_2041] {strides = array<i32>} : memref<2x128x128xf32, #tpu.memory_space<vmem>>, vector<1x1x16xf32>,
        %parallel_loop3A_2043 = vector.shape_cast %parallel_loop3A_2042 : vector<1x1x16xf32> to vector<16xf32>
        %parallel_loop3A_2044 = vector.shape_cast %parallel_loop3A_2038 : vector<16xf32> to vector<1x1x16xf32>
        tpu.vector_store %arg10[%parallel_loop3A_2039, %parallel_loop3A_2040, %parallel_loop3A_2041], %parallel_loop3A_2044 {strides = array<i32>} : memref<2x128x128xf32, #tpu.memory_space<vmem>>, vector<1x1x16xf32>,
        %parallel_loop3A_2045 = arith.index_cast %rem3A_931 : i32 to index
        %parallel_loop3A_2046 = arith.index_cast %parallel_loop3A_2031 : i32 to index
        %parallel_loop3A_2047 = arith.constant 48 : index
        %parallel_loop3A_2048 = tpu.vector_load %arg7[%parallel_loop3A_2045, %parallel_loop3A_2046, %parallel_loop3A_2047] {strides = array<i32>} : memref<2x128x128xi32, #tpu.memory_space<vmem>>, vector<1x1x16xi32>,
        %parallel_loop3A_2049 = vector.shape_cast %parallel_loop3A_2048 : vector<1x1x16xi32> to vector<16xi32>
        %parallel_loop3A_2050 = arith.sitofp %parallel_loop3A_2049 : vector<16xi32> to vector<16xf32>
        %parallel_loop3A_2051 = arith.mulf %parallel_loop3A_2050, %parallel_loop3A_2029 : vector<16xf32>
        %parallel_loop3A_2052 = arith.index_cast %rem3A_931 : i32 to index
        %parallel_loop3A_2053 = arith.index_cast %parallel_loop3A_2031 : i32 to index
        %parallel_loop3A_2054 = arith.constant 48 : index
        %parallel_loop3A_2055 = tpu.vector_load %arg10[%parallel_loop3A_2052, %parallel_loop3A_2053, %parallel_loop3A_2054] {strides = array<i32>} : memref<2x128x128xf32, #tpu.memory_space<vmem>>, vector<1x1x16xf32>,
        %parallel_loop3A_2056 = vector.shape_cast %parallel_loop3A_2055 : vector<1x1x16xf32> to vector<16xf32>
        %parallel_loop3A_2057 = vector.shape_cast %parallel_loop3A_2051 : vector<16xf32> to vector<1x1x16xf32>
        tpu.vector_store %arg10[%parallel_loop3A_2052, %parallel_loop3A_2053, %parallel_loop3A_2054], %parallel_loop3A_2057 {strides = array<i32>} : memref<2x128x128xf32, #tpu.memory_space<vmem>>, vector<1x1x16xf32>,
        %parallel_loop3A_2058 = arith.constant 256 : i32
        %parallel_loop3A_2059 = arith.addi %parallel_loop3A_2058, %parallel_loop3A_989 : i32
        %parallel_loop3A_2060 = arith.index_cast %rem3A_931 : i32 to index
        %parallel_loop3A_2061 = arith.index_cast %parallel_loop3A_2059 : i32 to index
        %parallel_loop3A_2062 = tpu.vector_load %arg9[%parallel_loop3A_2060, %parallel_loop3A_2061] {strides = array<i32>} : memref<2x512xf32, #tpu.memory_space<vmem>>, vector<1x16xf32>,
        %parallel_loop3A_2063 = vector.shape_cast %parallel_loop3A_2062 : vector<1x16xf32> to vector<16xf32>
        %parallel_loop3A_2064 = arith.constant 0 : i32
        %parallel_loop3A_2065 = vector.broadcast %parallel_loop3A_2064 : i32 to vector<16xi32>
        %parallel_loop3A_2066 = vector.shape_cast %parallel_loop3A_2065 : vector<16xi32> to vector<16x1xi32>
        %parallel_loop3A_2067 = vector.shape_cast %parallel_loop3A_2066 : vector<16x1xi32> to vector<16xi32>
        %parallel_loop3A_2068 = tpu.dynamic_gather %parallel_loop3A_2063[%parallel_loop3A_2067] in [0] : vector<16xf32>, vector<16xi32> -> vector<16xf32>
        %parallel_loop3A_2069 = arith.constant 0 : i32
        %parallel_loop3A_2070 = arith.addi %parallel_loop3A_989, %parallel_loop3A_2069 : i32
        %parallel_loop3A_2071 = arith.index_cast %rem3A_931 : i32 to index
        %parallel_loop3A_2072 = arith.index_cast %parallel_loop3A_2070 : i32 to index
        %parallel_loop3A_2073 = arith.constant 64 : index
        %parallel_loop3A_2074 = tpu.vector_load %arg7[%parallel_loop3A_2071, %parallel_loop3A_2072, %parallel_loop3A_2073] {strides = array<i32>} : memref<2x128x128xi32, #tpu.memory_space<vmem>>, vector<1x1x16xi32>,
        %parallel_loop3A_2075 = vector.shape_cast %parallel_loop3A_2074 : vector<1x1x16xi32> to vector<16xi32>
        %parallel_loop3A_2076 = arith.sitofp %parallel_loop3A_2075 : vector<16xi32> to vector<16xf32>
        %parallel_loop3A_2077 = arith.mulf %parallel_loop3A_2076, %parallel_loop3A_2068 : vector<16xf32>
        %parallel_loop3A_2078 = arith.index_cast %rem3A_931 : i32 to index
        %parallel_loop3A_2079 = arith.index_cast %parallel_loop3A_2070 : i32 to index
        %parallel_loop3A_2080 = arith.constant 64 : index
        %parallel_loop3A_2081 = tpu.vector_load %arg10[%parallel_loop3A_2078, %parallel_loop3A_2079, %parallel_loop3A_2080] {strides = array<i32>} : memref<2x128x128xf32, #tpu.memory_space<vmem>>, vector<1x1x16xf32>,
        %parallel_loop3A_2082 = vector.shape_cast %parallel_loop3A_2081 : vector<1x1x16xf32> to vector<16xf32>
        %parallel_loop3A_2083 = vector.shape_cast %parallel_loop3A_2077 : vector<16xf32> to vector<1x1x16xf32>
        tpu.vector_store %arg10[%parallel_loop3A_2078, %parallel_loop3A_2079, %parallel_loop3A_2080], %parallel_loop3A_2083 {strides = array<i32>} : memref<2x128x128xf32, #tpu.memory_space<vmem>>, vector<1x1x16xf32>,
        %parallel_loop3A_2084 = arith.index_cast %rem3A_931 : i32 to index
        %parallel_loop3A_2085 = arith.index_cast %parallel_loop3A_2070 : i32 to index
        %parallel_loop3A_2086 = arith.constant 80 : index
        %parallel_loop3A_2087 = tpu.vector_load %arg7[%parallel_loop3A_2084, %parallel_loop3A_2085, %parallel_loop3A_2086] {strides = array<i32>} : memref<2x128x128xi32, #tpu.memory_space<vmem>>, vector<1x1x16xi32>,
        %parallel_loop3A_2088 = vector.shape_cast %parallel_loop3A_2087 : vector<1x1x16xi32> to vector<16xi32>
        %parallel_loop3A_2089 = arith.sitofp %parallel_loop3A_2088 : vector<16xi32> to vector<16xf32>
        %parallel_loop3A_2090 = arith.mulf %parallel_loop3A_2089, %parallel_loop3A_2068 : vector<16xf32>
        %parallel_loop3A_2091 = arith.index_cast %rem3A_931 : i32 to index
        %parallel_loop3A_2092 = arith.index_cast %parallel_loop3A_2070 : i32 to index
        %parallel_loop3A_2093 = arith.constant 80 : index
        %parallel_loop3A_2094 = tpu.vector_load %arg10[%parallel_loop3A_2091, %parallel_loop3A_2092, %parallel_loop3A_2093] {strides = array<i32>} : memref<2x128x128xf32, #tpu.memory_space<vmem>>, vector<1x1x16xf32>,
        %parallel_loop3A_2095 = vector.shape_cast %parallel_loop3A_2094 : vector<1x1x16xf32> to vector<16xf32>
        %parallel_loop3A_2096 = vector.shape_cast %parallel_loop3A_2090 : vector<16xf32> to vector<1x1x16xf32>
        tpu.vector_store %arg10[%parallel_loop3A_2091, %parallel_loop3A_2092, %parallel_loop3A_2093], %parallel_loop3A_2096 {strides = array<i32>} : memref<2x128x128xf32, #tpu.memory_space<vmem>>, vector<1x1x16xf32>,
        %parallel_loop3A_2097 = arith.constant 1 : i32
        %parallel_loop3A_2098 = vector.broadcast %parallel_loop3A_2097 : i32 to vector<16xi32>
        %parallel_loop3A_2099 = vector.shape_cast %parallel_loop3A_2098 : vector<16xi32> to vector<16x1xi32>
        %parallel_loop3A_2100 = vector.shape_cast %parallel_loop3A_2099 : vector<16x1xi32> to vector<16xi32>
        %parallel_loop3A_2101 = tpu.dynamic_gather %parallel_loop3A_2063[%parallel_loop3A_2100] in [0] : vector<16xf32>, vector<16xi32> -> vector<16xf32>
        %parallel_loop3A_2102 = arith.constant 1 : i32
        %parallel_loop3A_2103 = arith.addi %parallel_loop3A_989, %parallel_loop3A_2102 : i32
        %parallel_loop3A_2104 = arith.index_cast %rem3A_931 : i32 to index
        %parallel_loop3A_2105 = arith.index_cast %parallel_loop3A_2103 : i32 to index
        %parallel_loop3A_2106 = arith.constant 64 : index
        %parallel_loop3A_2107 = tpu.vector_load %arg7[%parallel_loop3A_2104, %parallel_loop3A_2105, %parallel_loop3A_2106] {strides = array<i32>} : memref<2x128x128xi32, #tpu.memory_space<vmem>>, vector<1x1x16xi32>,
        %parallel_loop3A_2108 = vector.shape_cast %parallel_loop3A_2107 : vector<1x1x16xi32> to vector<16xi32>
        %parallel_loop3A_2109 = arith.sitofp %parallel_loop3A_2108 : vector<16xi32> to vector<16xf32>
        %parallel_loop3A_2110 = arith.mulf %parallel_loop3A_2109, %parallel_loop3A_2101 : vector<16xf32>
        %parallel_loop3A_2111 = arith.index_cast %rem3A_931 : i32 to index
        %parallel_loop3A_2112 = arith.index_cast %parallel_loop3A_2103 : i32 to index
        %parallel_loop3A_2113 = arith.constant 64 : index
        %parallel_loop3A_2114 = tpu.vector_load %arg10[%parallel_loop3A_2111, %parallel_loop3A_2112, %parallel_loop3A_2113] {strides = array<i32>} : memref<2x128x128xf32, #tpu.memory_space<vmem>>, vector<1x1x16xf32>,
        %parallel_loop3A_2115 = vector.shape_cast %parallel_loop3A_2114 : vector<1x1x16xf32> to vector<16xf32>
        %parallel_loop3A_2116 = vector.shape_cast %parallel_loop3A_2110 : vector<16xf32> to vector<1x1x16xf32>
        tpu.vector_store %arg10[%parallel_loop3A_2111, %parallel_loop3A_2112, %parallel_loop3A_2113], %parallel_loop3A_2116 {strides = array<i32>} : memref<2x128x128xf32, #tpu.memory_space<vmem>>, vector<1x1x16xf32>,
        %parallel_loop3A_2117 = arith.index_cast %rem3A_931 : i32 to index
        %parallel_loop3A_2118 = arith.index_cast %parallel_loop3A_2103 : i32 to index
        %parallel_loop3A_2119 = arith.constant 80 : index
        %parallel_loop3A_2120 = tpu.vector_load %arg7[%parallel_loop3A_2117, %parallel_loop3A_2118, %parallel_loop3A_2119] {strides = array<i32>} : memref<2x128x128xi32, #tpu.memory_space<vmem>>, vector<1x1x16xi32>,
        %parallel_loop3A_2121 = vector.shape_cast %parallel_loop3A_2120 : vector<1x1x16xi32> to vector<16xi32>
        %parallel_loop3A_2122 = arith.sitofp %parallel_loop3A_2121 : vector<16xi32> to vector<16xf32>
        %parallel_loop3A_2123 = arith.mulf %parallel_loop3A_2122, %parallel_loop3A_2101 : vector<16xf32>
        %parallel_loop3A_2124 = arith.index_cast %rem3A_931 : i32 to index
        %parallel_loop3A_2125 = arith.index_cast %parallel_loop3A_2103 : i32 to index
        %parallel_loop3A_2126 = arith.constant 80 : index
        %parallel_loop3A_2127 = tpu.vector_load %arg10[%parallel_loop3A_2124, %parallel_loop3A_2125, %parallel_loop3A_2126] {strides = array<i32>} : memref<2x128x128xf32, #tpu.memory_space<vmem>>, vector<1x1x16xf32>,
        %parallel_loop3A_2128 = vector.shape_cast %parallel_loop3A_2127 : vector<1x1x16xf32> to vector<16xf32>
        %parallel_loop3A_2129 = vector.shape_cast %parallel_loop3A_2123 : vector<16xf32> to vector<1x1x16xf32>
        tpu.vector_store %arg10[%parallel_loop3A_2124, %parallel_loop3A_2125, %parallel_loop3A_2126], %parallel_loop3A_2129 {strides = array<i32>} : memref<2x128x128xf32, #tpu.memory_space<vmem>>, vector<1x1x16xf32>,
        %parallel_loop3A_2130 = arith.constant 2 : i32
        %parallel_loop3A_2131 = vector.broadcast %parallel_loop3A_2130 : i32 to vector<16xi32>
        %parallel_loop3A_2132 = vector.shape_cast %parallel_loop3A_2131 : vector<16xi32> to vector<16x1xi32>
        %parallel_loop3A_2133 = vector.shape_cast %parallel_loop3A_2132 : vector<16x1xi32> to vector<16xi32>
        %parallel_loop3A_2134 = tpu.dynamic_gather %parallel_loop3A_2063[%parallel_loop3A_2133] in [0] : vector<16xf32>, vector<16xi32> -> vector<16xf32>
        %parallel_loop3A_2135 = arith.constant 2 : i32
        %parallel_loop3A_2136 = arith.addi %parallel_loop3A_989, %parallel_loop3A_2135 : i32
        %parallel_loop3A_2137 = arith.index_cast %rem3A_931 : i32 to index
        %parallel_loop3A_2138 = arith.index_cast %parallel_loop3A_2136 : i32 to index
        %parallel_loop3A_2139 = arith.constant 64 : index
        %parallel_loop3A_2140 = tpu.vector_load %arg7[%parallel_loop3A_2137, %parallel_loop3A_2138, %parallel_loop3A_2139] {strides = array<i32>} : memref<2x128x128xi32, #tpu.memory_space<vmem>>, vector<1x1x16xi32>,
        %parallel_loop3A_2141 = vector.shape_cast %parallel_loop3A_2140 : vector<1x1x16xi32> to vector<16xi32>
        %parallel_loop3A_2142 = arith.sitofp %parallel_loop3A_2141 : vector<16xi32> to vector<16xf32>
        %parallel_loop3A_2143 = arith.mulf %parallel_loop3A_2142, %parallel_loop3A_2134 : vector<16xf32>
        %parallel_loop3A_2144 = arith.index_cast %rem3A_931 : i32 to index
        %parallel_loop3A_2145 = arith.index_cast %parallel_loop3A_2136 : i32 to index
        %parallel_loop3A_2146 = arith.constant 64 : index
        %parallel_loop3A_2147 = tpu.vector_load %arg10[%parallel_loop3A_2144, %parallel_loop3A_2145, %parallel_loop3A_2146] {strides = array<i32>} : memref<2x128x128xf32, #tpu.memory_space<vmem>>, vector<1x1x16xf32>,
        %parallel_loop3A_2148 = vector.shape_cast %parallel_loop3A_2147 : vector<1x1x16xf32> to vector<16xf32>
        %parallel_loop3A_2149 = vector.shape_cast %parallel_loop3A_2143 : vector<16xf32> to vector<1x1x16xf32>
        tpu.vector_store %arg10[%parallel_loop3A_2144, %parallel_loop3A_2145, %parallel_loop3A_2146], %parallel_loop3A_2149 {strides = array<i32>} : memref<2x128x128xf32, #tpu.memory_space<vmem>>, vector<1x1x16xf32>,
        %parallel_loop3A_2150 = arith.index_cast %rem3A_931 : i32 to index
        %parallel_loop3A_2151 = arith.index_cast %parallel_loop3A_2136 : i32 to index
        %parallel_loop3A_2152 = arith.constant 80 : index
        %parallel_loop3A_2153 = tpu.vector_load %arg7[%parallel_loop3A_2150, %parallel_loop3A_2151, %parallel_loop3A_2152] {strides = array<i32>} : memref<2x128x128xi32, #tpu.memory_space<vmem>>, vector<1x1x16xi32>,
        %parallel_loop3A_2154 = vector.shape_cast %parallel_loop3A_2153 : vector<1x1x16xi32> to vector<16xi32>
        %parallel_loop3A_2155 = arith.sitofp %parallel_loop3A_2154 : vector<16xi32> to vector<16xf32>
        %parallel_loop3A_2156 = arith.mulf %parallel_loop3A_2155, %parallel_loop3A_2134 : vector<16xf32>
        %parallel_loop3A_2157 = arith.index_cast %rem3A_931 : i32 to index
        %parallel_loop3A_2158 = arith.index_cast %parallel_loop3A_2136 : i32 to index
        %parallel_loop3A_2159 = arith.constant 80 : index
        %parallel_loop3A_2160 = tpu.vector_load %arg10[%parallel_loop3A_2157, %parallel_loop3A_2158, %parallel_loop3A_2159] {strides = array<i32>} : memref<2x128x128xf32, #tpu.memory_space<vmem>>, vector<1x1x16xf32>,
        %parallel_loop3A_2161 = vector.shape_cast %parallel_loop3A_2160 : vector<1x1x16xf32> to vector<16xf32>
        %parallel_loop3A_2162 = vector.shape_cast %parallel_loop3A_2156 : vector<16xf32> to vector<1x1x16xf32>
        tpu.vector_store %arg10[%parallel_loop3A_2157, %parallel_loop3A_2158, %parallel_loop3A_2159], %parallel_loop3A_2162 {strides = array<i32>} : memref<2x128x128xf32, #tpu.memory_space<vmem>>, vector<1x1x16xf32>,
        %parallel_loop3A_2163 = arith.constant 3 : i32
        %parallel_loop3A_2164 = vector.broadcast %parallel_loop3A_2163 : i32 to vector<16xi32>
        %parallel_loop3A_2165 = vector.shape_cast %parallel_loop3A_2164 : vector<16xi32> to vector<16x1xi32>
        %parallel_loop3A_2166 = vector.shape_cast %parallel_loop3A_2165 : vector<16x1xi32> to vector<16xi32>
        %parallel_loop3A_2167 = tpu.dynamic_gather %parallel_loop3A_2063[%parallel_loop3A_2166] in [0] : vector<16xf32>, vector<16xi32> -> vector<16xf32>
        %parallel_loop3A_2168 = arith.constant 3 : i32
        %parallel_loop3A_2169 = arith.addi %parallel_loop3A_989, %parallel_loop3A_2168 : i32
        %parallel_loop3A_2170 = arith.index_cast %rem3A_931 : i32 to index
        %parallel_loop3A_2171 = arith.index_cast %parallel_loop3A_2169 : i32 to index
        %parallel_loop3A_2172 = arith.constant 64 : index
        %parallel_loop3A_2173 = tpu.vector_load %arg7[%parallel_loop3A_2170, %parallel_loop3A_2171, %parallel_loop3A_2172] {strides = array<i32>} : memref<2x128x128xi32, #tpu.memory_space<vmem>>, vector<1x1x16xi32>,
        %parallel_loop3A_2174 = vector.shape_cast %parallel_loop3A_2173 : vector<1x1x16xi32> to vector<16xi32>
        %parallel_loop3A_2175 = arith.sitofp %parallel_loop3A_2174 : vector<16xi32> to vector<16xf32>
        %parallel_loop3A_2176 = arith.mulf %parallel_loop3A_2175, %parallel_loop3A_2167 : vector<16xf32>
        %parallel_loop3A_2177 = arith.index_cast %rem3A_931 : i32 to index
        %parallel_loop3A_2178 = arith.index_cast %parallel_loop3A_2169 : i32 to index
        %parallel_loop3A_2179 = arith.constant 64 : index
        %parallel_loop3A_2180 = tpu.vector_load %arg10[%parallel_loop3A_2177, %parallel_loop3A_2178, %parallel_loop3A_2179] {strides = array<i32>} : memref<2x128x128xf32, #tpu.memory_space<vmem>>, vector<1x1x16xf32>,
        %parallel_loop3A_2181 = vector.shape_cast %parallel_loop3A_2180 : vector<1x1x16xf32> to vector<16xf32>
        %parallel_loop3A_2182 = vector.shape_cast %parallel_loop3A_2176 : vector<16xf32> to vector<1x1x16xf32>
        tpu.vector_store %arg10[%parallel_loop3A_2177, %parallel_loop3A_2178, %parallel_loop3A_2179], %parallel_loop3A_2182 {strides = array<i32>} : memref<2x128x128xf32, #tpu.memory_space<vmem>>, vector<1x1x16xf32>,
        %parallel_loop3A_2183 = arith.index_cast %rem3A_931 : i32 to index
        %parallel_loop3A_2184 = arith.index_cast %parallel_loop3A_2169 : i32 to index
        %parallel_loop3A_2185 = arith.constant 80 : index
        %parallel_loop3A_2186 = tpu.vector_load %arg7[%parallel_loop3A_2183, %parallel_loop3A_2184, %parallel_loop3A_2185] {strides = array<i32>} : memref<2x128x128xi32, #tpu.memory_space<vmem>>, vector<1x1x16xi32>,
        %parallel_loop3A_2187 = vector.shape_cast %parallel_loop3A_2186 : vector<1x1x16xi32> to vector<16xi32>
        %parallel_loop3A_2188 = arith.sitofp %parallel_loop3A_2187 : vector<16xi32> to vector<16xf32>
        %parallel_loop3A_2189 = arith.mulf %parallel_loop3A_2188, %parallel_loop3A_2167 : vector<16xf32>
        %parallel_loop3A_2190 = arith.index_cast %rem3A_931 : i32 to index
        %parallel_loop3A_2191 = arith.index_cast %parallel_loop3A_2169 : i32 to index
        %parallel_loop3A_2192 = arith.constant 80 : index
        %parallel_loop3A_2193 = tpu.vector_load %arg10[%parallel_loop3A_2190, %parallel_loop3A_2191, %parallel_loop3A_2192] {strides = array<i32>} : memref<2x128x128xf32, #tpu.memory_space<vmem>>, vector<1x1x16xf32>,
        %parallel_loop3A_2194 = vector.shape_cast %parallel_loop3A_2193 : vector<1x1x16xf32> to vector<16xf32>
        %parallel_loop3A_2195 = vector.shape_cast %parallel_loop3A_2189 : vector<16xf32> to vector<1x1x16xf32>
        tpu.vector_store %arg10[%parallel_loop3A_2190, %parallel_loop3A_2191, %parallel_loop3A_2192], %parallel_loop3A_2195 {strides = array<i32>} : memref<2x128x128xf32, #tpu.memory_space<vmem>>, vector<1x1x16xf32>,
        %parallel_loop3A_2196 = arith.constant 4 : i32
        %parallel_loop3A_2197 = vector.broadcast %parallel_loop3A_2196 : i32 to vector<16xi32>
        %parallel_loop3A_2198 = vector.shape_cast %parallel_loop3A_2197 : vector<16xi32> to vector<16x1xi32>
        %parallel_loop3A_2199 = vector.shape_cast %parallel_loop3A_2198 : vector<16x1xi32> to vector<16xi32>
        %parallel_loop3A_2200 = tpu.dynamic_gather %parallel_loop3A_2063[%parallel_loop3A_2199] in [0] : vector<16xf32>, vector<16xi32> -> vector<16xf32>
        %parallel_loop3A_2201 = arith.constant 4 : i32
        %parallel_loop3A_2202 = arith.addi %parallel_loop3A_989, %parallel_loop3A_2201 : i32
        %parallel_loop3A_2203 = arith.index_cast %rem3A_931 : i32 to index
        %parallel_loop3A_2204 = arith.index_cast %parallel_loop3A_2202 : i32 to index
        %parallel_loop3A_2205 = arith.constant 64 : index
        %parallel_loop3A_2206 = tpu.vector_load %arg7[%parallel_loop3A_2203, %parallel_loop3A_2204, %parallel_loop3A_2205] {strides = array<i32>} : memref<2x128x128xi32, #tpu.memory_space<vmem>>, vector<1x1x16xi32>,
        %parallel_loop3A_2207 = vector.shape_cast %parallel_loop3A_2206 : vector<1x1x16xi32> to vector<16xi32>
        %parallel_loop3A_2208 = arith.sitofp %parallel_loop3A_2207 : vector<16xi32> to vector<16xf32>
        %parallel_loop3A_2209 = arith.mulf %parallel_loop3A_2208, %parallel_loop3A_2200 : vector<16xf32>
        %parallel_loop3A_2210 = arith.index_cast %rem3A_931 : i32 to index
        %parallel_loop3A_2211 = arith.index_cast %parallel_loop3A_2202 : i32 to index
        %parallel_loop3A_2212 = arith.constant 64 : index
        %parallel_loop3A_2213 = tpu.vector_load %arg10[%parallel_loop3A_2210, %parallel_loop3A_2211, %parallel_loop3A_2212] {strides = array<i32>} : memref<2x128x128xf32, #tpu.memory_space<vmem>>, vector<1x1x16xf32>,
        %parallel_loop3A_2214 = vector.shape_cast %parallel_loop3A_2213 : vector<1x1x16xf32> to vector<16xf32>
        %parallel_loop3A_2215 = vector.shape_cast %parallel_loop3A_2209 : vector<16xf32> to vector<1x1x16xf32>
        tpu.vector_store %arg10[%parallel_loop3A_2210, %parallel_loop3A_2211, %parallel_loop3A_2212], %parallel_loop3A_2215 {strides = array<i32>} : memref<2x128x128xf32, #tpu.memory_space<vmem>>, vector<1x1x16xf32>,
        %parallel_loop3A_2216 = arith.index_cast %rem3A_931 : i32 to index
        %parallel_loop3A_2217 = arith.index_cast %parallel_loop3A_2202 : i32 to index
        %parallel_loop3A_2218 = arith.constant 80 : index
        %parallel_loop3A_2219 = tpu.vector_load %arg7[%parallel_loop3A_2216, %parallel_loop3A_2217, %parallel_loop3A_2218] {strides = array<i32>} : memref<2x128x128xi32, #tpu.memory_space<vmem>>, vector<1x1x16xi32>,
        %parallel_loop3A_2220 = vector.shape_cast %parallel_loop3A_2219 : vector<1x1x16xi32> to vector<16xi32>
        %parallel_loop3A_2221 = arith.sitofp %parallel_loop3A_2220 : vector<16xi32> to vector<16xf32>
        %parallel_loop3A_2222 = arith.mulf %parallel_loop3A_2221, %parallel_loop3A_2200 : vector<16xf32>
        %parallel_loop3A_2223 = arith.index_cast %rem3A_931 : i32 to index
        %parallel_loop3A_2224 = arith.index_cast %parallel_loop3A_2202 : i32 to index
        %parallel_loop3A_2225 = arith.constant 80 : index
        %parallel_loop3A_2226 = tpu.vector_load %arg10[%parallel_loop3A_2223, %parallel_loop3A_2224, %parallel_loop3A_2225] {strides = array<i32>} : memref<2x128x128xf32, #tpu.memory_space<vmem>>, vector<1x1x16xf32>,
        %parallel_loop3A_2227 = vector.shape_cast %parallel_loop3A_2226 : vector<1x1x16xf32> to vector<16xf32>
        %parallel_loop3A_2228 = vector.shape_cast %parallel_loop3A_2222 : vector<16xf32> to vector<1x1x16xf32>
        tpu.vector_store %arg10[%parallel_loop3A_2223, %parallel_loop3A_2224, %parallel_loop3A_2225], %parallel_loop3A_2228 {strides = array<i32>} : memref<2x128x128xf32, #tpu.memory_space<vmem>>, vector<1x1x16xf32>,
        %parallel_loop3A_2229 = arith.constant 5 : i32
        %parallel_loop3A_2230 = vector.broadcast %parallel_loop3A_2229 : i32 to vector<16xi32>
        %parallel_loop3A_2231 = vector.shape_cast %parallel_loop3A_2230 : vector<16xi32> to vector<16x1xi32>
        %parallel_loop3A_2232 = vector.shape_cast %parallel_loop3A_2231 : vector<16x1xi32> to vector<16xi32>
        %parallel_loop3A_2233 = tpu.dynamic_gather %parallel_loop3A_2063[%parallel_loop3A_2232] in [0] : vector<16xf32>, vector<16xi32> -> vector<16xf32>
        %parallel_loop3A_2234 = arith.constant 5 : i32
        %parallel_loop3A_2235 = arith.addi %parallel_loop3A_989, %parallel_loop3A_2234 : i32
        %parallel_loop3A_2236 = arith.index_cast %rem3A_931 : i32 to index
        %parallel_loop3A_2237 = arith.index_cast %parallel_loop3A_2235 : i32 to index
        %parallel_loop3A_2238 = arith.constant 64 : index
        %parallel_loop3A_2239 = tpu.vector_load %arg7[%parallel_loop3A_2236, %parallel_loop3A_2237, %parallel_loop3A_2238] {strides = array<i32>} : memref<2x128x128xi32, #tpu.memory_space<vmem>>, vector<1x1x16xi32>,
        %parallel_loop3A_2240 = vector.shape_cast %parallel_loop3A_2239 : vector<1x1x16xi32> to vector<16xi32>
        %parallel_loop3A_2241 = arith.sitofp %parallel_loop3A_2240 : vector<16xi32> to vector<16xf32>
        %parallel_loop3A_2242 = arith.mulf %parallel_loop3A_2241, %parallel_loop3A_2233 : vector<16xf32>
        %parallel_loop3A_2243 = arith.index_cast %rem3A_931 : i32 to index
        %parallel_loop3A_2244 = arith.index_cast %parallel_loop3A_2235 : i32 to index
        %parallel_loop3A_2245 = arith.constant 64 : index
        %parallel_loop3A_2246 = tpu.vector_load %arg10[%parallel_loop3A_2243, %parallel_loop3A_2244, %parallel_loop3A_2245] {strides = array<i32>} : memref<2x128x128xf32, #tpu.memory_space<vmem>>, vector<1x1x16xf32>,
        %parallel_loop3A_2247 = vector.shape_cast %parallel_loop3A_2246 : vector<1x1x16xf32> to vector<16xf32>
        %parallel_loop3A_2248 = vector.shape_cast %parallel_loop3A_2242 : vector<16xf32> to vector<1x1x16xf32>
        tpu.vector_store %arg10[%parallel_loop3A_2243, %parallel_loop3A_2244, %parallel_loop3A_2245], %parallel_loop3A_2248 {strides = array<i32>} : memref<2x128x128xf32, #tpu.memory_space<vmem>>, vector<1x1x16xf32>,
        %parallel_loop3A_2249 = arith.index_cast %rem3A_931 : i32 to index
        %parallel_loop3A_2250 = arith.index_cast %parallel_loop3A_2235 : i32 to index
        %parallel_loop3A_2251 = arith.constant 80 : index
        %parallel_loop3A_2252 = tpu.vector_load %arg7[%parallel_loop3A_2249, %parallel_loop3A_2250, %parallel_loop3A_2251] {strides = array<i32>} : memref<2x128x128xi32, #tpu.memory_space<vmem>>, vector<1x1x16xi32>,
        %parallel_loop3A_2253 = vector.shape_cast %parallel_loop3A_2252 : vector<1x1x16xi32> to vector<16xi32>
        %parallel_loop3A_2254 = arith.sitofp %parallel_loop3A_2253 : vector<16xi32> to vector<16xf32>
        %parallel_loop3A_2255 = arith.mulf %parallel_loop3A_2254, %parallel_loop3A_2233 : vector<16xf32>
        %parallel_loop3A_2256 = arith.index_cast %rem3A_931 : i32 to index
        %parallel_loop3A_2257 = arith.index_cast %parallel_loop3A_2235 : i32 to index
        %parallel_loop3A_2258 = arith.constant 80 : index
        %parallel_loop3A_2259 = tpu.vector_load %arg10[%parallel_loop3A_2256, %parallel_loop3A_2257, %parallel_loop3A_2258] {strides = array<i32>} : memref<2x128x128xf32, #tpu.memory_space<vmem>>, vector<1x1x16xf32>,
        %parallel_loop3A_2260 = vector.shape_cast %parallel_loop3A_2259 : vector<1x1x16xf32> to vector<16xf32>
        %parallel_loop3A_2261 = vector.shape_cast %parallel_loop3A_2255 : vector<16xf32> to vector<1x1x16xf32>
        tpu.vector_store %arg10[%parallel_loop3A_2256, %parallel_loop3A_2257, %parallel_loop3A_2258], %parallel_loop3A_2261 {strides = array<i32>} : memref<2x128x128xf32, #tpu.memory_space<vmem>>, vector<1x1x16xf32>,
        %parallel_loop3A_2262 = arith.constant 6 : i32
        %parallel_loop3A_2263 = vector.broadcast %parallel_loop3A_2262 : i32 to vector<16xi32>
        %parallel_loop3A_2264 = vector.shape_cast %parallel_loop3A_2263 : vector<16xi32> to vector<16x1xi32>
        %parallel_loop3A_2265 = vector.shape_cast %parallel_loop3A_2264 : vector<16x1xi32> to vector<16xi32>
        %parallel_loop3A_2266 = tpu.dynamic_gather %parallel_loop3A_2063[%parallel_loop3A_2265] in [0] : vector<16xf32>, vector<16xi32> -> vector<16xf32>
        %parallel_loop3A_2267 = arith.constant 6 : i32
        %parallel_loop3A_2268 = arith.addi %parallel_loop3A_989, %parallel_loop3A_2267 : i32
        %parallel_loop3A_2269 = arith.index_cast %rem3A_931 : i32 to index
        %parallel_loop3A_2270 = arith.index_cast %parallel_loop3A_2268 : i32 to index
        %parallel_loop3A_2271 = arith.constant 64 : index
        %parallel_loop3A_2272 = tpu.vector_load %arg7[%parallel_loop3A_2269, %parallel_loop3A_2270, %parallel_loop3A_2271] {strides = array<i32>} : memref<2x128x128xi32, #tpu.memory_space<vmem>>, vector<1x1x16xi32>,
        %parallel_loop3A_2273 = vector.shape_cast %parallel_loop3A_2272 : vector<1x1x16xi32> to vector<16xi32>
        %parallel_loop3A_2274 = arith.sitofp %parallel_loop3A_2273 : vector<16xi32> to vector<16xf32>
        %parallel_loop3A_2275 = arith.mulf %parallel_loop3A_2274, %parallel_loop3A_2266 : vector<16xf32>
        %parallel_loop3A_2276 = arith.index_cast %rem3A_931 : i32 to index
        %parallel_loop3A_2277 = arith.index_cast %parallel_loop3A_2268 : i32 to index
        %parallel_loop3A_2278 = arith.constant 64 : index
        %parallel_loop3A_2279 = tpu.vector_load %arg10[%parallel_loop3A_2276, %parallel_loop3A_2277, %parallel_loop3A_2278] {strides = array<i32>} : memref<2x128x128xf32, #tpu.memory_space<vmem>>, vector<1x1x16xf32>,
        %parallel_loop3A_2280 = vector.shape_cast %parallel_loop3A_2279 : vector<1x1x16xf32> to vector<16xf32>
        %parallel_loop3A_2281 = vector.shape_cast %parallel_loop3A_2275 : vector<16xf32> to vector<1x1x16xf32>
        tpu.vector_store %arg10[%parallel_loop3A_2276, %parallel_loop3A_2277, %parallel_loop3A_2278], %parallel_loop3A_2281 {strides = array<i32>} : memref<2x128x128xf32, #tpu.memory_space<vmem>>, vector<1x1x16xf32>,
        %parallel_loop3A_2282 = arith.index_cast %rem3A_931 : i32 to index
        %parallel_loop3A_2283 = arith.index_cast %parallel_loop3A_2268 : i32 to index
        %parallel_loop3A_2284 = arith.constant 80 : index
        %parallel_loop3A_2285 = tpu.vector_load %arg7[%parallel_loop3A_2282, %parallel_loop3A_2283, %parallel_loop3A_2284] {strides = array<i32>} : memref<2x128x128xi32, #tpu.memory_space<vmem>>, vector<1x1x16xi32>,
        %parallel_loop3A_2286 = vector.shape_cast %parallel_loop3A_2285 : vector<1x1x16xi32> to vector<16xi32>
        %parallel_loop3A_2287 = arith.sitofp %parallel_loop3A_2286 : vector<16xi32> to vector<16xf32>
        %parallel_loop3A_2288 = arith.mulf %parallel_loop3A_2287, %parallel_loop3A_2266 : vector<16xf32>
        %parallel_loop3A_2289 = arith.index_cast %rem3A_931 : i32 to index
        %parallel_loop3A_2290 = arith.index_cast %parallel_loop3A_2268 : i32 to index
        %parallel_loop3A_2291 = arith.constant 80 : index
        %parallel_loop3A_2292 = tpu.vector_load %arg10[%parallel_loop3A_2289, %parallel_loop3A_2290, %parallel_loop3A_2291] {strides = array<i32>} : memref<2x128x128xf32, #tpu.memory_space<vmem>>, vector<1x1x16xf32>,
        %parallel_loop3A_2293 = vector.shape_cast %parallel_loop3A_2292 : vector<1x1x16xf32> to vector<16xf32>
        %parallel_loop3A_2294 = vector.shape_cast %parallel_loop3A_2288 : vector<16xf32> to vector<1x1x16xf32>
        tpu.vector_store %arg10[%parallel_loop3A_2289, %parallel_loop3A_2290, %parallel_loop3A_2291], %parallel_loop3A_2294 {strides = array<i32>} : memref<2x128x128xf32, #tpu.memory_space<vmem>>, vector<1x1x16xf32>,
        %parallel_loop3A_2295 = arith.constant 7 : i32
        %parallel_loop3A_2296 = vector.broadcast %parallel_loop3A_2295 : i32 to vector<16xi32>
        %parallel_loop3A_2297 = vector.shape_cast %parallel_loop3A_2296 : vector<16xi32> to vector<16x1xi32>
        %parallel_loop3A_2298 = vector.shape_cast %parallel_loop3A_2297 : vector<16x1xi32> to vector<16xi32>
        %parallel_loop3A_2299 = tpu.dynamic_gather %parallel_loop3A_2063[%parallel_loop3A_2298] in [0] : vector<16xf32>, vector<16xi32> -> vector<16xf32>
        %parallel_loop3A_2300 = arith.constant 7 : i32
        %parallel_loop3A_2301 = arith.addi %parallel_loop3A_989, %parallel_loop3A_2300 : i32
        %parallel_loop3A_2302 = arith.index_cast %rem3A_931 : i32 to index
        %parallel_loop3A_2303 = arith.index_cast %parallel_loop3A_2301 : i32 to index
        %parallel_loop3A_2304 = arith.constant 64 : index
        %parallel_loop3A_2305 = tpu.vector_load %arg7[%parallel_loop3A_2302, %parallel_loop3A_2303, %parallel_loop3A_2304] {strides = array<i32>} : memref<2x128x128xi32, #tpu.memory_space<vmem>>, vector<1x1x16xi32>,
        %parallel_loop3A_2306 = vector.shape_cast %parallel_loop3A_2305 : vector<1x1x16xi32> to vector<16xi32>
        %parallel_loop3A_2307 = arith.sitofp %parallel_loop3A_2306 : vector<16xi32> to vector<16xf32>
        %parallel_loop3A_2308 = arith.mulf %parallel_loop3A_2307, %parallel_loop3A_2299 : vector<16xf32>
        %parallel_loop3A_2309 = arith.index_cast %rem3A_931 : i32 to index
        %parallel_loop3A_2310 = arith.index_cast %parallel_loop3A_2301 : i32 to index
        %parallel_loop3A_2311 = arith.constant 64 : index
        %parallel_loop3A_2312 = tpu.vector_load %arg10[%parallel_loop3A_2309, %parallel_loop3A_2310, %parallel_loop3A_2311] {strides = array<i32>} : memref<2x128x128xf32, #tpu.memory_space<vmem>>, vector<1x1x16xf32>,
        %parallel_loop3A_2313 = vector.shape_cast %parallel_loop3A_2312 : vector<1x1x16xf32> to vector<16xf32>
        %parallel_loop3A_2314 = vector.shape_cast %parallel_loop3A_2308 : vector<16xf32> to vector<1x1x16xf32>
        tpu.vector_store %arg10[%parallel_loop3A_2309, %parallel_loop3A_2310, %parallel_loop3A_2311], %parallel_loop3A_2314 {strides = array<i32>} : memref<2x128x128xf32, #tpu.memory_space<vmem>>, vector<1x1x16xf32>,
        %parallel_loop3A_2315 = arith.index_cast %rem3A_931 : i32 to index
        %parallel_loop3A_2316 = arith.index_cast %parallel_loop3A_2301 : i32 to index
        %parallel_loop3A_2317 = arith.constant 80 : index
        %parallel_loop3A_2318 = tpu.vector_load %arg7[%parallel_loop3A_2315, %parallel_loop3A_2316, %parallel_loop3A_2317] {strides = array<i32>} : memref<2x128x128xi32, #tpu.memory_space<vmem>>, vector<1x1x16xi32>,
        %parallel_loop3A_2319 = vector.shape_cast %parallel_loop3A_2318 : vector<1x1x16xi32> to vector<16xi32>
        %parallel_loop3A_2320 = arith.sitofp %parallel_loop3A_2319 : vector<16xi32> to vector<16xf32>
        %parallel_loop3A_2321 = arith.mulf %parallel_loop3A_2320, %parallel_loop3A_2299 : vector<16xf32>
        %parallel_loop3A_2322 = arith.index_cast %rem3A_931 : i32 to index
        %parallel_loop3A_2323 = arith.index_cast %parallel_loop3A_2301 : i32 to index
        %parallel_loop3A_2324 = arith.constant 80 : index
        %parallel_loop3A_2325 = tpu.vector_load %arg10[%parallel_loop3A_2322, %parallel_loop3A_2323, %parallel_loop3A_2324] {strides = array<i32>} : memref<2x128x128xf32, #tpu.memory_space<vmem>>, vector<1x1x16xf32>,
        %parallel_loop3A_2326 = vector.shape_cast %parallel_loop3A_2325 : vector<1x1x16xf32> to vector<16xf32>
        %parallel_loop3A_2327 = vector.shape_cast %parallel_loop3A_2321 : vector<16xf32> to vector<1x1x16xf32>
        tpu.vector_store %arg10[%parallel_loop3A_2322, %parallel_loop3A_2323, %parallel_loop3A_2324], %parallel_loop3A_2327 {strides = array<i32>} : memref<2x128x128xf32, #tpu.memory_space<vmem>>, vector<1x1x16xf32>,
        %parallel_loop3A_2328 = arith.constant 8 : i32
        %parallel_loop3A_2329 = vector.broadcast %parallel_loop3A_2328 : i32 to vector<16xi32>
        %parallel_loop3A_2330 = vector.shape_cast %parallel_loop3A_2329 : vector<16xi32> to vector<16x1xi32>
        %parallel_loop3A_2331 = vector.shape_cast %parallel_loop3A_2330 : vector<16x1xi32> to vector<16xi32>
        %parallel_loop3A_2332 = tpu.dynamic_gather %parallel_loop3A_2063[%parallel_loop3A_2331] in [0] : vector<16xf32>, vector<16xi32> -> vector<16xf32>
        %parallel_loop3A_2333 = arith.constant 8 : i32
        %parallel_loop3A_2334 = arith.addi %parallel_loop3A_989, %parallel_loop3A_2333 : i32
        %parallel_loop3A_2335 = arith.index_cast %rem3A_931 : i32 to index
        %parallel_loop3A_2336 = arith.index_cast %parallel_loop3A_2334 : i32 to index
        %parallel_loop3A_2337 = arith.constant 64 : index
        %parallel_loop3A_2338 = tpu.vector_load %arg7[%parallel_loop3A_2335, %parallel_loop3A_2336, %parallel_loop3A_2337] {strides = array<i32>} : memref<2x128x128xi32, #tpu.memory_space<vmem>>, vector<1x1x16xi32>,
        %parallel_loop3A_2339 = vector.shape_cast %parallel_loop3A_2338 : vector<1x1x16xi32> to vector<16xi32>
        %parallel_loop3A_2340 = arith.sitofp %parallel_loop3A_2339 : vector<16xi32> to vector<16xf32>
        %parallel_loop3A_2341 = arith.mulf %parallel_loop3A_2340, %parallel_loop3A_2332 : vector<16xf32>
        %parallel_loop3A_2342 = arith.index_cast %rem3A_931 : i32 to index
        %parallel_loop3A_2343 = arith.index_cast %parallel_loop3A_2334 : i32 to index
        %parallel_loop3A_2344 = arith.constant 64 : index
        %parallel_loop3A_2345 = tpu.vector_load %arg10[%parallel_loop3A_2342, %parallel_loop3A_2343, %parallel_loop3A_2344] {strides = array<i32>} : memref<2x128x128xf32, #tpu.memory_space<vmem>>, vector<1x1x16xf32>,
        %parallel_loop3A_2346 = vector.shape_cast %parallel_loop3A_2345 : vector<1x1x16xf32> to vector<16xf32>
        %parallel_loop3A_2347 = vector.shape_cast %parallel_loop3A_2341 : vector<16xf32> to vector<1x1x16xf32>
        tpu.vector_store %arg10[%parallel_loop3A_2342, %parallel_loop3A_2343, %parallel_loop3A_2344], %parallel_loop3A_2347 {strides = array<i32>} : memref<2x128x128xf32, #tpu.memory_space<vmem>>, vector<1x1x16xf32>,
        %parallel_loop3A_2348 = arith.index_cast %rem3A_931 : i32 to index
        %parallel_loop3A_2349 = arith.index_cast %parallel_loop3A_2334 : i32 to index
        %parallel_loop3A_2350 = arith.constant 80 : index
        %parallel_loop3A_2351 = tpu.vector_load %arg7[%parallel_loop3A_2348, %parallel_loop3A_2349, %parallel_loop3A_2350] {strides = array<i32>} : memref<2x128x128xi32, #tpu.memory_space<vmem>>, vector<1x1x16xi32>,
        %parallel_loop3A_2352 = vector.shape_cast %parallel_loop3A_2351 : vector<1x1x16xi32> to vector<16xi32>
        %parallel_loop3A_2353 = arith.sitofp %parallel_loop3A_2352 : vector<16xi32> to vector<16xf32>
        %parallel_loop3A_2354 = arith.mulf %parallel_loop3A_2353, %parallel_loop3A_2332 : vector<16xf32>
        %parallel_loop3A_2355 = arith.index_cast %rem3A_931 : i32 to index
        %parallel_loop3A_2356 = arith.index_cast %parallel_loop3A_2334 : i32 to index
        %parallel_loop3A_2357 = arith.constant 80 : index
        %parallel_loop3A_2358 = tpu.vector_load %arg10[%parallel_loop3A_2355, %parallel_loop3A_2356, %parallel_loop3A_2357] {strides = array<i32>} : memref<2x128x128xf32, #tpu.memory_space<vmem>>, vector<1x1x16xf32>,
        %parallel_loop3A_2359 = vector.shape_cast %parallel_loop3A_2358 : vector<1x1x16xf32> to vector<16xf32>
        %parallel_loop3A_2360 = vector.shape_cast %parallel_loop3A_2354 : vector<16xf32> to vector<1x1x16xf32>
        tpu.vector_store %arg10[%parallel_loop3A_2355, %parallel_loop3A_2356, %parallel_loop3A_2357], %parallel_loop3A_2360 {strides = array<i32>} : memref<2x128x128xf32, #tpu.memory_space<vmem>>, vector<1x1x16xf32>,
        %parallel_loop3A_2361 = arith.constant 9 : i32
        %parallel_loop3A_2362 = vector.broadcast %parallel_loop3A_2361 : i32 to vector<16xi32>
        %parallel_loop3A_2363 = vector.shape_cast %parallel_loop3A_2362 : vector<16xi32> to vector<16x1xi32>
        %parallel_loop3A_2364 = vector.shape_cast %parallel_loop3A_2363 : vector<16x1xi32> to vector<16xi32>
        %parallel_loop3A_2365 = tpu.dynamic_gather %parallel_loop3A_2063[%parallel_loop3A_2364] in [0] : vector<16xf32>, vector<16xi32> -> vector<16xf32>
        %parallel_loop3A_2366 = arith.constant 9 : i32
        %parallel_loop3A_2367 = arith.addi %parallel_loop3A_989, %parallel_loop3A_2366 : i32
        %parallel_loop3A_2368 = arith.index_cast %rem3A_931 : i32 to index
        %parallel_loop3A_2369 = arith.index_cast %parallel_loop3A_2367 : i32 to index
        %parallel_loop3A_2370 = arith.constant 64 : index
        %parallel_loop3A_2371 = tpu.vector_load %arg7[%parallel_loop3A_2368, %parallel_loop3A_2369, %parallel_loop3A_2370] {strides = array<i32>} : memref<2x128x128xi32, #tpu.memory_space<vmem>>, vector<1x1x16xi32>,
        %parallel_loop3A_2372 = vector.shape_cast %parallel_loop3A_2371 : vector<1x1x16xi32> to vector<16xi32>
        %parallel_loop3A_2373 = arith.sitofp %parallel_loop3A_2372 : vector<16xi32> to vector<16xf32>
        %parallel_loop3A_2374 = arith.mulf %parallel_loop3A_2373, %parallel_loop3A_2365 : vector<16xf32>
        %parallel_loop3A_2375 = arith.index_cast %rem3A_931 : i32 to index
        %parallel_loop3A_2376 = arith.index_cast %parallel_loop3A_2367 : i32 to index
        %parallel_loop3A_2377 = arith.constant 64 : index
        %parallel_loop3A_2378 = tpu.vector_load %arg10[%parallel_loop3A_2375, %parallel_loop3A_2376, %parallel_loop3A_2377] {strides = array<i32>} : memref<2x128x128xf32, #tpu.memory_space<vmem>>, vector<1x1x16xf32>,
        %parallel_loop3A_2379 = vector.shape_cast %parallel_loop3A_2378 : vector<1x1x16xf32> to vector<16xf32>
        %parallel_loop3A_2380 = vector.shape_cast %parallel_loop3A_2374 : vector<16xf32> to vector<1x1x16xf32>
        tpu.vector_store %arg10[%parallel_loop3A_2375, %parallel_loop3A_2376, %parallel_loop3A_2377], %parallel_loop3A_2380 {strides = array<i32>} : memref<2x128x128xf32, #tpu.memory_space<vmem>>, vector<1x1x16xf32>,
        %parallel_loop3A_2381 = arith.index_cast %rem3A_931 : i32 to index
        %parallel_loop3A_2382 = arith.index_cast %parallel_loop3A_2367 : i32 to index
        %parallel_loop3A_2383 = arith.constant 80 : index
        %parallel_loop3A_2384 = tpu.vector_load %arg7[%parallel_loop3A_2381, %parallel_loop3A_2382, %parallel_loop3A_2383] {strides = array<i32>} : memref<2x128x128xi32, #tpu.memory_space<vmem>>, vector<1x1x16xi32>,
        %parallel_loop3A_2385 = vector.shape_cast %parallel_loop3A_2384 : vector<1x1x16xi32> to vector<16xi32>
        %parallel_loop3A_2386 = arith.sitofp %parallel_loop3A_2385 : vector<16xi32> to vector<16xf32>
        %parallel_loop3A_2387 = arith.mulf %parallel_loop3A_2386, %parallel_loop3A_2365 : vector<16xf32>
        %parallel_loop3A_2388 = arith.index_cast %rem3A_931 : i32 to index
        %parallel_loop3A_2389 = arith.index_cast %parallel_loop3A_2367 : i32 to index
        %parallel_loop3A_2390 = arith.constant 80 : index
        %parallel_loop3A_2391 = tpu.vector_load %arg10[%parallel_loop3A_2388, %parallel_loop3A_2389, %parallel_loop3A_2390] {strides = array<i32>} : memref<2x128x128xf32, #tpu.memory_space<vmem>>, vector<1x1x16xf32>,
        %parallel_loop3A_2392 = vector.shape_cast %parallel_loop3A_2391 : vector<1x1x16xf32> to vector<16xf32>
        %parallel_loop3A_2393 = vector.shape_cast %parallel_loop3A_2387 : vector<16xf32> to vector<1x1x16xf32>
        tpu.vector_store %arg10[%parallel_loop3A_2388, %parallel_loop3A_2389, %parallel_loop3A_2390], %parallel_loop3A_2393 {strides = array<i32>} : memref<2x128x128xf32, #tpu.memory_space<vmem>>, vector<1x1x16xf32>,
        %parallel_loop3A_2394 = arith.constant 10 : i32
        %parallel_loop3A_2395 = vector.broadcast %parallel_loop3A_2394 : i32 to vector<16xi32>
        %parallel_loop3A_2396 = vector.shape_cast %parallel_loop3A_2395 : vector<16xi32> to vector<16x1xi32>
        %parallel_loop3A_2397 = vector.shape_cast %parallel_loop3A_2396 : vector<16x1xi32> to vector<16xi32>
        %parallel_loop3A_2398 = tpu.dynamic_gather %parallel_loop3A_2063[%parallel_loop3A_2397] in [0] : vector<16xf32>, vector<16xi32> -> vector<16xf32>
        %parallel_loop3A_2399 = arith.constant 10 : i32
        %parallel_loop3A_2400 = arith.addi %parallel_loop3A_989, %parallel_loop3A_2399 : i32
        %parallel_loop3A_2401 = arith.index_cast %rem3A_931 : i32 to index
        %parallel_loop3A_2402 = arith.index_cast %parallel_loop3A_2400 : i32 to index
        %parallel_loop3A_2403 = arith.constant 64 : index
        %parallel_loop3A_2404 = tpu.vector_load %arg7[%parallel_loop3A_2401, %parallel_loop3A_2402, %parallel_loop3A_2403] {strides = array<i32>} : memref<2x128x128xi32, #tpu.memory_space<vmem>>, vector<1x1x16xi32>,
        %parallel_loop3A_2405 = vector.shape_cast %parallel_loop3A_2404 : vector<1x1x16xi32> to vector<16xi32>
        %parallel_loop3A_2406 = arith.sitofp %parallel_loop3A_2405 : vector<16xi32> to vector<16xf32>
        %parallel_loop3A_2407 = arith.mulf %parallel_loop3A_2406, %parallel_loop3A_2398 : vector<16xf32>
        %parallel_loop3A_2408 = arith.index_cast %rem3A_931 : i32 to index
        %parallel_loop3A_2409 = arith.index_cast %parallel_loop3A_2400 : i32 to index
        %parallel_loop3A_2410 = arith.constant 64 : index
        %parallel_loop3A_2411 = tpu.vector_load %arg10[%parallel_loop3A_2408, %parallel_loop3A_2409, %parallel_loop3A_2410] {strides = array<i32>} : memref<2x128x128xf32, #tpu.memory_space<vmem>>, vector<1x1x16xf32>,
        %parallel_loop3A_2412 = vector.shape_cast %parallel_loop3A_2411 : vector<1x1x16xf32> to vector<16xf32>
        %parallel_loop3A_2413 = vector.shape_cast %parallel_loop3A_2407 : vector<16xf32> to vector<1x1x16xf32>
        tpu.vector_store %arg10[%parallel_loop3A_2408, %parallel_loop3A_2409, %parallel_loop3A_2410], %parallel_loop3A_2413 {strides = array<i32>} : memref<2x128x128xf32, #tpu.memory_space<vmem>>, vector<1x1x16xf32>,
        %parallel_loop3A_2414 = arith.index_cast %rem3A_931 : i32 to index
        %parallel_loop3A_2415 = arith.index_cast %parallel_loop3A_2400 : i32 to index
        %parallel_loop3A_2416 = arith.constant 80 : index
        %parallel_loop3A_2417 = tpu.vector_load %arg7[%parallel_loop3A_2414, %parallel_loop3A_2415, %parallel_loop3A_2416] {strides = array<i32>} : memref<2x128x128xi32, #tpu.memory_space<vmem>>, vector<1x1x16xi32>,
        %parallel_loop3A_2418 = vector.shape_cast %parallel_loop3A_2417 : vector<1x1x16xi32> to vector<16xi32>
        %parallel_loop3A_2419 = arith.sitofp %parallel_loop3A_2418 : vector<16xi32> to vector<16xf32>
        %parallel_loop3A_2420 = arith.mulf %parallel_loop3A_2419, %parallel_loop3A_2398 : vector<16xf32>
        %parallel_loop3A_2421 = arith.index_cast %rem3A_931 : i32 to index
        %parallel_loop3A_2422 = arith.index_cast %parallel_loop3A_2400 : i32 to index
        %parallel_loop3A_2423 = arith.constant 80 : index
        %parallel_loop3A_2424 = tpu.vector_load %arg10[%parallel_loop3A_2421, %parallel_loop3A_2422, %parallel_loop3A_2423] {strides = array<i32>} : memref<2x128x128xf32, #tpu.memory_space<vmem>>, vector<1x1x16xf32>,
        %parallel_loop3A_2425 = vector.shape_cast %parallel_loop3A_2424 : vector<1x1x16xf32> to vector<16xf32>
        %parallel_loop3A_2426 = vector.shape_cast %parallel_loop3A_2420 : vector<16xf32> to vector<1x1x16xf32>
        tpu.vector_store %arg10[%parallel_loop3A_2421, %parallel_loop3A_2422, %parallel_loop3A_2423], %parallel_loop3A_2426 {strides = array<i32>} : memref<2x128x128xf32, #tpu.memory_space<vmem>>, vector<1x1x16xf32>,
        %parallel_loop3A_2427 = arith.constant 11 : i32
        %parallel_loop3A_2428 = vector.broadcast %parallel_loop3A_2427 : i32 to vector<16xi32>
        %parallel_loop3A_2429 = vector.shape_cast %parallel_loop3A_2428 : vector<16xi32> to vector<16x1xi32>
        %parallel_loop3A_2430 = vector.shape_cast %parallel_loop3A_2429 : vector<16x1xi32> to vector<16xi32>
        %parallel_loop3A_2431 = tpu.dynamic_gather %parallel_loop3A_2063[%parallel_loop3A_2430] in [0] : vector<16xf32>, vector<16xi32> -> vector<16xf32>
        %parallel_loop3A_2432 = arith.constant 11 : i32
        %parallel_loop3A_2433 = arith.addi %parallel_loop3A_989, %parallel_loop3A_2432 : i32
        %parallel_loop3A_2434 = arith.index_cast %rem3A_931 : i32 to index
        %parallel_loop3A_2435 = arith.index_cast %parallel_loop3A_2433 : i32 to index
        %parallel_loop3A_2436 = arith.constant 64 : index
        %parallel_loop3A_2437 = tpu.vector_load %arg7[%parallel_loop3A_2434, %parallel_loop3A_2435, %parallel_loop3A_2436] {strides = array<i32>} : memref<2x128x128xi32, #tpu.memory_space<vmem>>, vector<1x1x16xi32>,
        %parallel_loop3A_2438 = vector.shape_cast %parallel_loop3A_2437 : vector<1x1x16xi32> to vector<16xi32>
        %parallel_loop3A_2439 = arith.sitofp %parallel_loop3A_2438 : vector<16xi32> to vector<16xf32>
        %parallel_loop3A_2440 = arith.mulf %parallel_loop3A_2439, %parallel_loop3A_2431 : vector<16xf32>
        %parallel_loop3A_2441 = arith.index_cast %rem3A_931 : i32 to index
        %parallel_loop3A_2442 = arith.index_cast %parallel_loop3A_2433 : i32 to index
        %parallel_loop3A_2443 = arith.constant 64 : index
        %parallel_loop3A_2444 = tpu.vector_load %arg10[%parallel_loop3A_2441, %parallel_loop3A_2442, %parallel_loop3A_2443] {strides = array<i32>} : memref<2x128x128xf32, #tpu.memory_space<vmem>>, vector<1x1x16xf32>,
        %parallel_loop3A_2445 = vector.shape_cast %parallel_loop3A_2444 : vector<1x1x16xf32> to vector<16xf32>
        %parallel_loop3A_2446 = vector.shape_cast %parallel_loop3A_2440 : vector<16xf32> to vector<1x1x16xf32>
        tpu.vector_store %arg10[%parallel_loop3A_2441, %parallel_loop3A_2442, %parallel_loop3A_2443], %parallel_loop3A_2446 {strides = array<i32>} : memref<2x128x128xf32, #tpu.memory_space<vmem>>, vector<1x1x16xf32>,
        %parallel_loop3A_2447 = arith.index_cast %rem3A_931 : i32 to index
        %parallel_loop3A_2448 = arith.index_cast %parallel_loop3A_2433 : i32 to index
        %parallel_loop3A_2449 = arith.constant 80 : index
        %parallel_loop3A_2450 = tpu.vector_load %arg7[%parallel_loop3A_2447, %parallel_loop3A_2448, %parallel_loop3A_2449] {strides = array<i32>} : memref<2x128x128xi32, #tpu.memory_space<vmem>>, vector<1x1x16xi32>,
        %parallel_loop3A_2451 = vector.shape_cast %parallel_loop3A_2450 : vector<1x1x16xi32> to vector<16xi32>
        %parallel_loop3A_2452 = arith.sitofp %parallel_loop3A_2451 : vector<16xi32> to vector<16xf32>
        %parallel_loop3A_2453 = arith.mulf %parallel_loop3A_2452, %parallel_loop3A_2431 : vector<16xf32>
        %parallel_loop3A_2454 = arith.index_cast %rem3A_931 : i32 to index
        %parallel_loop3A_2455 = arith.index_cast %parallel_loop3A_2433 : i32 to index
        %parallel_loop3A_2456 = arith.constant 80 : index
        %parallel_loop3A_2457 = tpu.vector_load %arg10[%parallel_loop3A_2454, %parallel_loop3A_2455, %parallel_loop3A_2456] {strides = array<i32>} : memref<2x128x128xf32, #tpu.memory_space<vmem>>, vector<1x1x16xf32>,
        %parallel_loop3A_2458 = vector.shape_cast %parallel_loop3A_2457 : vector<1x1x16xf32> to vector<16xf32>
        %parallel_loop3A_2459 = vector.shape_cast %parallel_loop3A_2453 : vector<16xf32> to vector<1x1x16xf32>
        tpu.vector_store %arg10[%parallel_loop3A_2454, %parallel_loop3A_2455, %parallel_loop3A_2456], %parallel_loop3A_2459 {strides = array<i32>} : memref<2x128x128xf32, #tpu.memory_space<vmem>>, vector<1x1x16xf32>,
        %parallel_loop3A_2460 = arith.constant 12 : i32
        %parallel_loop3A_2461 = vector.broadcast %parallel_loop3A_2460 : i32 to vector<16xi32>
        %parallel_loop3A_2462 = vector.shape_cast %parallel_loop3A_2461 : vector<16xi32> to vector<16x1xi32>
        %parallel_loop3A_2463 = vector.shape_cast %parallel_loop3A_2462 : vector<16x1xi32> to vector<16xi32>
        %parallel_loop3A_2464 = tpu.dynamic_gather %parallel_loop3A_2063[%parallel_loop3A_2463] in [0] : vector<16xf32>, vector<16xi32> -> vector<16xf32>
        %parallel_loop3A_2465 = arith.constant 12 : i32
        %parallel_loop3A_2466 = arith.addi %parallel_loop3A_989, %parallel_loop3A_2465 : i32
        %parallel_loop3A_2467 = arith.index_cast %rem3A_931 : i32 to index
        %parallel_loop3A_2468 = arith.index_cast %parallel_loop3A_2466 : i32 to index
        %parallel_loop3A_2469 = arith.constant 64 : index
        %parallel_loop3A_2470 = tpu.vector_load %arg7[%parallel_loop3A_2467, %parallel_loop3A_2468, %parallel_loop3A_2469] {strides = array<i32>} : memref<2x128x128xi32, #tpu.memory_space<vmem>>, vector<1x1x16xi32>,
        %parallel_loop3A_2471 = vector.shape_cast %parallel_loop3A_2470 : vector<1x1x16xi32> to vector<16xi32>
        %parallel_loop3A_2472 = arith.sitofp %parallel_loop3A_2471 : vector<16xi32> to vector<16xf32>
        %parallel_loop3A_2473 = arith.mulf %parallel_loop3A_2472, %parallel_loop3A_2464 : vector<16xf32>
        %parallel_loop3A_2474 = arith.index_cast %rem3A_931 : i32 to index
        %parallel_loop3A_2475 = arith.index_cast %parallel_loop3A_2466 : i32 to index
        %parallel_loop3A_2476 = arith.constant 64 : index
        %parallel_loop3A_2477 = tpu.vector_load %arg10[%parallel_loop3A_2474, %parallel_loop3A_2475, %parallel_loop3A_2476] {strides = array<i32>} : memref<2x128x128xf32, #tpu.memory_space<vmem>>, vector<1x1x16xf32>,
        %parallel_loop3A_2478 = vector.shape_cast %parallel_loop3A_2477 : vector<1x1x16xf32> to vector<16xf32>
        %parallel_loop3A_2479 = vector.shape_cast %parallel_loop3A_2473 : vector<16xf32> to vector<1x1x16xf32>
        tpu.vector_store %arg10[%parallel_loop3A_2474, %parallel_loop3A_2475, %parallel_loop3A_2476], %parallel_loop3A_2479 {strides = array<i32>} : memref<2x128x128xf32, #tpu.memory_space<vmem>>, vector<1x1x16xf32>,
        %parallel_loop3A_2480 = arith.index_cast %rem3A_931 : i32 to index
        %parallel_loop3A_2481 = arith.index_cast %parallel_loop3A_2466 : i32 to index
        %parallel_loop3A_2482 = arith.constant 80 : index
        %parallel_loop3A_2483 = tpu.vector_load %arg7[%parallel_loop3A_2480, %parallel_loop3A_2481, %parallel_loop3A_2482] {strides = array<i32>} : memref<2x128x128xi32, #tpu.memory_space<vmem>>, vector<1x1x16xi32>,
        %parallel_loop3A_2484 = vector.shape_cast %parallel_loop3A_2483 : vector<1x1x16xi32> to vector<16xi32>
        %parallel_loop3A_2485 = arith.sitofp %parallel_loop3A_2484 : vector<16xi32> to vector<16xf32>
        %parallel_loop3A_2486 = arith.mulf %parallel_loop3A_2485, %parallel_loop3A_2464 : vector<16xf32>
        %parallel_loop3A_2487 = arith.index_cast %rem3A_931 : i32 to index
        %parallel_loop3A_2488 = arith.index_cast %parallel_loop3A_2466 : i32 to index
        %parallel_loop3A_2489 = arith.constant 80 : index
        %parallel_loop3A_2490 = tpu.vector_load %arg10[%parallel_loop3A_2487, %parallel_loop3A_2488, %parallel_loop3A_2489] {strides = array<i32>} : memref<2x128x128xf32, #tpu.memory_space<vmem>>, vector<1x1x16xf32>,
        %parallel_loop3A_2491 = vector.shape_cast %parallel_loop3A_2490 : vector<1x1x16xf32> to vector<16xf32>
        %parallel_loop3A_2492 = vector.shape_cast %parallel_loop3A_2486 : vector<16xf32> to vector<1x1x16xf32>
        tpu.vector_store %arg10[%parallel_loop3A_2487, %parallel_loop3A_2488, %parallel_loop3A_2489], %parallel_loop3A_2492 {strides = array<i32>} : memref<2x128x128xf32, #tpu.memory_space<vmem>>, vector<1x1x16xf32>,
        %parallel_loop3A_2493 = arith.constant 13 : i32
        %parallel_loop3A_2494 = vector.broadcast %parallel_loop3A_2493 : i32 to vector<16xi32>
        %parallel_loop3A_2495 = vector.shape_cast %parallel_loop3A_2494 : vector<16xi32> to vector<16x1xi32>
        %parallel_loop3A_2496 = vector.shape_cast %parallel_loop3A_2495 : vector<16x1xi32> to vector<16xi32>
        %parallel_loop3A_2497 = tpu.dynamic_gather %parallel_loop3A_2063[%parallel_loop3A_2496] in [0] : vector<16xf32>, vector<16xi32> -> vector<16xf32>
        %parallel_loop3A_2498 = arith.constant 13 : i32
        %parallel_loop3A_2499 = arith.addi %parallel_loop3A_989, %parallel_loop3A_2498 : i32
        %parallel_loop3A_2500 = arith.index_cast %rem3A_931 : i32 to index
        %parallel_loop3A_2501 = arith.index_cast %parallel_loop3A_2499 : i32 to index
        %parallel_loop3A_2502 = arith.constant 64 : index
        %parallel_loop3A_2503 = tpu.vector_load %arg7[%parallel_loop3A_2500, %parallel_loop3A_2501, %parallel_loop3A_2502] {strides = array<i32>} : memref<2x128x128xi32, #tpu.memory_space<vmem>>, vector<1x1x16xi32>,
        %parallel_loop3A_2504 = vector.shape_cast %parallel_loop3A_2503 : vector<1x1x16xi32> to vector<16xi32>
        %parallel_loop3A_2505 = arith.sitofp %parallel_loop3A_2504 : vector<16xi32> to vector<16xf32>
        %parallel_loop3A_2506 = arith.mulf %parallel_loop3A_2505, %parallel_loop3A_2497 : vector<16xf32>
        %parallel_loop3A_2507 = arith.index_cast %rem3A_931 : i32 to index
        %parallel_loop3A_2508 = arith.index_cast %parallel_loop3A_2499 : i32 to index
        %parallel_loop3A_2509 = arith.constant 64 : index
        %parallel_loop3A_2510 = tpu.vector_load %arg10[%parallel_loop3A_2507, %parallel_loop3A_2508, %parallel_loop3A_2509] {strides = array<i32>} : memref<2x128x128xf32, #tpu.memory_space<vmem>>, vector<1x1x16xf32>,
        %parallel_loop3A_2511 = vector.shape_cast %parallel_loop3A_2510 : vector<1x1x16xf32> to vector<16xf32>
        %parallel_loop3A_2512 = vector.shape_cast %parallel_loop3A_2506 : vector<16xf32> to vector<1x1x16xf32>
        tpu.vector_store %arg10[%parallel_loop3A_2507, %parallel_loop3A_2508, %parallel_loop3A_2509], %parallel_loop3A_2512 {strides = array<i32>} : memref<2x128x128xf32, #tpu.memory_space<vmem>>, vector<1x1x16xf32>,
        %parallel_loop3A_2513 = arith.index_cast %rem3A_931 : i32 to index
        %parallel_loop3A_2514 = arith.index_cast %parallel_loop3A_2499 : i32 to index
        %parallel_loop3A_2515 = arith.constant 80 : index
        %parallel_loop3A_2516 = tpu.vector_load %arg7[%parallel_loop3A_2513, %parallel_loop3A_2514, %parallel_loop3A_2515] {strides = array<i32>} : memref<2x128x128xi32, #tpu.memory_space<vmem>>, vector<1x1x16xi32>,
        %parallel_loop3A_2517 = vector.shape_cast %parallel_loop3A_2516 : vector<1x1x16xi32> to vector<16xi32>
        %parallel_loop3A_2518 = arith.sitofp %parallel_loop3A_2517 : vector<16xi32> to vector<16xf32>
        %parallel_loop3A_2519 = arith.mulf %parallel_loop3A_2518, %parallel_loop3A_2497 : vector<16xf32>
        %parallel_loop3A_2520 = arith.index_cast %rem3A_931 : i32 to index
        %parallel_loop3A_2521 = arith.index_cast %parallel_loop3A_2499 : i32 to index
        %parallel_loop3A_2522 = arith.constant 80 : index
        %parallel_loop3A_2523 = tpu.vector_load %arg10[%parallel_loop3A_2520, %parallel_loop3A_2521, %parallel_loop3A_2522] {strides = array<i32>} : memref<2x128x128xf32, #tpu.memory_space<vmem>>, vector<1x1x16xf32>,
        %parallel_loop3A_2524 = vector.shape_cast %parallel_loop3A_2523 : vector<1x1x16xf32> to vector<16xf32>
        %parallel_loop3A_2525 = vector.shape_cast %parallel_loop3A_2519 : vector<16xf32> to vector<1x1x16xf32>
        tpu.vector_store %arg10[%parallel_loop3A_2520, %parallel_loop3A_2521, %parallel_loop3A_2522], %parallel_loop3A_2525 {strides = array<i32>} : memref<2x128x128xf32, #tpu.memory_space<vmem>>, vector<1x1x16xf32>,
        %parallel_loop3A_2526 = arith.constant 14 : i32
        %parallel_loop3A_2527 = vector.broadcast %parallel_loop3A_2526 : i32 to vector<16xi32>
        %parallel_loop3A_2528 = vector.shape_cast %parallel_loop3A_2527 : vector<16xi32> to vector<16x1xi32>
        %parallel_loop3A_2529 = vector.shape_cast %parallel_loop3A_2528 : vector<16x1xi32> to vector<16xi32>
        %parallel_loop3A_2530 = tpu.dynamic_gather %parallel_loop3A_2063[%parallel_loop3A_2529] in [0] : vector<16xf32>, vector<16xi32> -> vector<16xf32>
        %parallel_loop3A_2531 = arith.constant 14 : i32
        %parallel_loop3A_2532 = arith.addi %parallel_loop3A_989, %parallel_loop3A_2531 : i32
        %parallel_loop3A_2533 = arith.index_cast %rem3A_931 : i32 to index
        %parallel_loop3A_2534 = arith.index_cast %parallel_loop3A_2532 : i32 to index
        %parallel_loop3A_2535 = arith.constant 64 : index
        %parallel_loop3A_2536 = tpu.vector_load %arg7[%parallel_loop3A_2533, %parallel_loop3A_2534, %parallel_loop3A_2535] {strides = array<i32>} : memref<2x128x128xi32, #tpu.memory_space<vmem>>, vector<1x1x16xi32>,
        %parallel_loop3A_2537 = vector.shape_cast %parallel_loop3A_2536 : vector<1x1x16xi32> to vector<16xi32>
        %parallel_loop3A_2538 = arith.sitofp %parallel_loop3A_2537 : vector<16xi32> to vector<16xf32>
        %parallel_loop3A_2539 = arith.mulf %parallel_loop3A_2538, %parallel_loop3A_2530 : vector<16xf32>
        %parallel_loop3A_2540 = arith.index_cast %rem3A_931 : i32 to index
        %parallel_loop3A_2541 = arith.index_cast %parallel_loop3A_2532 : i32 to index
        %parallel_loop3A_2542 = arith.constant 64 : index
        %parallel_loop3A_2543 = tpu.vector_load %arg10[%parallel_loop3A_2540, %parallel_loop3A_2541, %parallel_loop3A_2542] {strides = array<i32>} : memref<2x128x128xf32, #tpu.memory_space<vmem>>, vector<1x1x16xf32>,
        %parallel_loop3A_2544 = vector.shape_cast %parallel_loop3A_2543 : vector<1x1x16xf32> to vector<16xf32>
        %parallel_loop3A_2545 = vector.shape_cast %parallel_loop3A_2539 : vector<16xf32> to vector<1x1x16xf32>
        tpu.vector_store %arg10[%parallel_loop3A_2540, %parallel_loop3A_2541, %parallel_loop3A_2542], %parallel_loop3A_2545 {strides = array<i32>} : memref<2x128x128xf32, #tpu.memory_space<vmem>>, vector<1x1x16xf32>,
        %parallel_loop3A_2546 = arith.index_cast %rem3A_931 : i32 to index
        %parallel_loop3A_2547 = arith.index_cast %parallel_loop3A_2532 : i32 to index
        %parallel_loop3A_2548 = arith.constant 80 : index
        %parallel_loop3A_2549 = tpu.vector_load %arg7[%parallel_loop3A_2546, %parallel_loop3A_2547, %parallel_loop3A_2548] {strides = array<i32>} : memref<2x128x128xi32, #tpu.memory_space<vmem>>, vector<1x1x16xi32>,
        %parallel_loop3A_2550 = vector.shape_cast %parallel_loop3A_2549 : vector<1x1x16xi32> to vector<16xi32>
        %parallel_loop3A_2551 = arith.sitofp %parallel_loop3A_2550 : vector<16xi32> to vector<16xf32>
        %parallel_loop3A_2552 = arith.mulf %parallel_loop3A_2551, %parallel_loop3A_2530 : vector<16xf32>
        %parallel_loop3A_2553 = arith.index_cast %rem3A_931 : i32 to index
        %parallel_loop3A_2554 = arith.index_cast %parallel_loop3A_2532 : i32 to index
        %parallel_loop3A_2555 = arith.constant 80 : index
        %parallel_loop3A_2556 = tpu.vector_load %arg10[%parallel_loop3A_2553, %parallel_loop3A_2554, %parallel_loop3A_2555] {strides = array<i32>} : memref<2x128x128xf32, #tpu.memory_space<vmem>>, vector<1x1x16xf32>,
        %parallel_loop3A_2557 = vector.shape_cast %parallel_loop3A_2556 : vector<1x1x16xf32> to vector<16xf32>
        %parallel_loop3A_2558 = vector.shape_cast %parallel_loop3A_2552 : vector<16xf32> to vector<1x1x16xf32>
        tpu.vector_store %arg10[%parallel_loop3A_2553, %parallel_loop3A_2554, %parallel_loop3A_2555], %parallel_loop3A_2558 {strides = array<i32>} : memref<2x128x128xf32, #tpu.memory_space<vmem>>, vector<1x1x16xf32>,
        %parallel_loop3A_2559 = arith.constant 15 : i32
        %parallel_loop3A_2560 = vector.broadcast %parallel_loop3A_2559 : i32 to vector<16xi32>
        %parallel_loop3A_2561 = vector.shape_cast %parallel_loop3A_2560 : vector<16xi32> to vector<16x1xi32>
        %parallel_loop3A_2562 = vector.shape_cast %parallel_loop3A_2561 : vector<16x1xi32> to vector<16xi32>
        %parallel_loop3A_2563 = tpu.dynamic_gather %parallel_loop3A_2063[%parallel_loop3A_2562] in [0] : vector<16xf32>, vector<16xi32> -> vector<16xf32>
        %parallel_loop3A_2564 = arith.constant 15 : i32
        %parallel_loop3A_2565 = arith.addi %parallel_loop3A_989, %parallel_loop3A_2564 : i32
        %parallel_loop3A_2566 = arith.index_cast %rem3A_931 : i32 to index
        %parallel_loop3A_2567 = arith.index_cast %parallel_loop3A_2565 : i32 to index
        %parallel_loop3A_2568 = arith.constant 64 : index
        %parallel_loop3A_2569 = tpu.vector_load %arg7[%parallel_loop3A_2566, %parallel_loop3A_2567, %parallel_loop3A_2568] {strides = array<i32>} : memref<2x128x128xi32, #tpu.memory_space<vmem>>, vector<1x1x16xi32>,
        %parallel_loop3A_2570 = vector.shape_cast %parallel_loop3A_2569 : vector<1x1x16xi32> to vector<16xi32>
        %parallel_loop3A_2571 = arith.sitofp %parallel_loop3A_2570 : vector<16xi32> to vector<16xf32>
        %parallel_loop3A_2572 = arith.mulf %parallel_loop3A_2571, %parallel_loop3A_2563 : vector<16xf32>
        %parallel_loop3A_2573 = arith.index_cast %rem3A_931 : i32 to index
        %parallel_loop3A_2574 = arith.index_cast %parallel_loop3A_2565 : i32 to index
        %parallel_loop3A_2575 = arith.constant 64 : index
        %parallel_loop3A_2576 = tpu.vector_load %arg10[%parallel_loop3A_2573, %parallel_loop3A_2574, %parallel_loop3A_2575] {strides = array<i32>} : memref<2x128x128xf32, #tpu.memory_space<vmem>>, vector<1x1x16xf32>,
        %parallel_loop3A_2577 = vector.shape_cast %parallel_loop3A_2576 : vector<1x1x16xf32> to vector<16xf32>
        %parallel_loop3A_2578 = vector.shape_cast %parallel_loop3A_2572 : vector<16xf32> to vector<1x1x16xf32>
        tpu.vector_store %arg10[%parallel_loop3A_2573, %parallel_loop3A_2574, %parallel_loop3A_2575], %parallel_loop3A_2578 {strides = array<i32>} : memref<2x128x128xf32, #tpu.memory_space<vmem>>, vector<1x1x16xf32>,
        %parallel_loop3A_2579 = arith.index_cast %rem3A_931 : i32 to index
        %parallel_loop3A_2580 = arith.index_cast %parallel_loop3A_2565 : i32 to index
        %parallel_loop3A_2581 = arith.constant 80 : index
        %parallel_loop3A_2582 = tpu.vector_load %arg7[%parallel_loop3A_2579, %parallel_loop3A_2580, %parallel_loop3A_2581] {strides = array<i32>} : memref<2x128x128xi32, #tpu.memory_space<vmem>>, vector<1x1x16xi32>,
        %parallel_loop3A_2583 = vector.shape_cast %parallel_loop3A_2582 : vector<1x1x16xi32> to vector<16xi32>
        %parallel_loop3A_2584 = arith.sitofp %parallel_loop3A_2583 : vector<16xi32> to vector<16xf32>
        %parallel_loop3A_2585 = arith.mulf %parallel_loop3A_2584, %parallel_loop3A_2563 : vector<16xf32>
        %parallel_loop3A_2586 = arith.index_cast %rem3A_931 : i32 to index
        %parallel_loop3A_2587 = arith.index_cast %parallel_loop3A_2565 : i32 to index
        %parallel_loop3A_2588 = arith.constant 80 : index
        %parallel_loop3A_2589 = tpu.vector_load %arg10[%parallel_loop3A_2586, %parallel_loop3A_2587, %parallel_loop3A_2588] {strides = array<i32>} : memref<2x128x128xf32, #tpu.memory_space<vmem>>, vector<1x1x16xf32>,
        %parallel_loop3A_2590 = vector.shape_cast %parallel_loop3A_2589 : vector<1x1x16xf32> to vector<16xf32>
        %parallel_loop3A_2591 = vector.shape_cast %parallel_loop3A_2585 : vector<16xf32> to vector<1x1x16xf32>
        tpu.vector_store %arg10[%parallel_loop3A_2586, %parallel_loop3A_2587, %parallel_loop3A_2588], %parallel_loop3A_2591 {strides = array<i32>} : memref<2x128x128xf32, #tpu.memory_space<vmem>>, vector<1x1x16xf32>,
        %parallel_loop3A_2592 = arith.constant 384 : i32
        %parallel_loop3A_2593 = arith.addi %parallel_loop3A_2592, %parallel_loop3A_989 : i32
        %parallel_loop3A_2594 = arith.index_cast %rem3A_931 : i32 to index
        %parallel_loop3A_2595 = arith.index_cast %parallel_loop3A_2593 : i32 to index
        %parallel_loop3A_2596 = tpu.vector_load %arg9[%parallel_loop3A_2594, %parallel_loop3A_2595] {strides = array<i32>} : memref<2x512xf32, #tpu.memory_space<vmem>>, vector<1x16xf32>,
        %parallel_loop3A_2597 = vector.shape_cast %parallel_loop3A_2596 : vector<1x16xf32> to vector<16xf32>
        %parallel_loop3A_2598 = arith.constant 0 : i32
        %parallel_loop3A_2599 = vector.broadcast %parallel_loop3A_2598 : i32 to vector<16xi32>
        %parallel_loop3A_2600 = vector.shape_cast %parallel_loop3A_2599 : vector<16xi32> to vector<16x1xi32>
        %parallel_loop3A_2601 = vector.shape_cast %parallel_loop3A_2600 : vector<16x1xi32> to vector<16xi32>
        %parallel_loop3A_2602 = tpu.dynamic_gather %parallel_loop3A_2597[%parallel_loop3A_2601] in [0] : vector<16xf32>, vector<16xi32> -> vector<16xf32>
        %parallel_loop3A_2603 = arith.constant 0 : i32
        %parallel_loop3A_2604 = arith.addi %parallel_loop3A_989, %parallel_loop3A_2603 : i32
        %parallel_loop3A_2605 = arith.index_cast %rem3A_931 : i32 to index
        %parallel_loop3A_2606 = arith.index_cast %parallel_loop3A_2604 : i32 to index
        %parallel_loop3A_2607 = arith.constant 96 : index
        %parallel_loop3A_2608 = tpu.vector_load %arg7[%parallel_loop3A_2605, %parallel_loop3A_2606, %parallel_loop3A_2607] {strides = array<i32>} : memref<2x128x128xi32, #tpu.memory_space<vmem>>, vector<1x1x16xi32>,
        %parallel_loop3A_2609 = vector.shape_cast %parallel_loop3A_2608 : vector<1x1x16xi32> to vector<16xi32>
        %parallel_loop3A_2610 = arith.sitofp %parallel_loop3A_2609 : vector<16xi32> to vector<16xf32>
        %parallel_loop3A_2611 = arith.mulf %parallel_loop3A_2610, %parallel_loop3A_2602 : vector<16xf32>
        %parallel_loop3A_2612 = arith.index_cast %rem3A_931 : i32 to index
        %parallel_loop3A_2613 = arith.index_cast %parallel_loop3A_2604 : i32 to index
        %parallel_loop3A_2614 = arith.constant 96 : index
        %parallel_loop3A_2615 = tpu.vector_load %arg10[%parallel_loop3A_2612, %parallel_loop3A_2613, %parallel_loop3A_2614] {strides = array<i32>} : memref<2x128x128xf32, #tpu.memory_space<vmem>>, vector<1x1x16xf32>,
        %parallel_loop3A_2616 = vector.shape_cast %parallel_loop3A_2615 : vector<1x1x16xf32> to vector<16xf32>
        %parallel_loop3A_2617 = vector.shape_cast %parallel_loop3A_2611 : vector<16xf32> to vector<1x1x16xf32>
        tpu.vector_store %arg10[%parallel_loop3A_2612, %parallel_loop3A_2613, %parallel_loop3A_2614], %parallel_loop3A_2617 {strides = array<i32>} : memref<2x128x128xf32, #tpu.memory_space<vmem>>, vector<1x1x16xf32>,
        %parallel_loop3A_2618 = arith.index_cast %rem3A_931 : i32 to index
        %parallel_loop3A_2619 = arith.index_cast %parallel_loop3A_2604 : i32 to index
        %parallel_loop3A_2620 = arith.constant 112 : index
        %parallel_loop3A_2621 = tpu.vector_load %arg7[%parallel_loop3A_2618, %parallel_loop3A_2619, %parallel_loop3A_2620] {strides = array<i32>} : memref<2x128x128xi32, #tpu.memory_space<vmem>>, vector<1x1x16xi32>,
        %parallel_loop3A_2622 = vector.shape_cast %parallel_loop3A_2621 : vector<1x1x16xi32> to vector<16xi32>
        %parallel_loop3A_2623 = arith.sitofp %parallel_loop3A_2622 : vector<16xi32> to vector<16xf32>
        %parallel_loop3A_2624 = arith.mulf %parallel_loop3A_2623, %parallel_loop3A_2602 : vector<16xf32>
        %parallel_loop3A_2625 = arith.index_cast %rem3A_931 : i32 to index
        %parallel_loop3A_2626 = arith.index_cast %parallel_loop3A_2604 : i32 to index
        %parallel_loop3A_2627 = arith.constant 112 : index
        %parallel_loop3A_2628 = tpu.vector_load %arg10[%parallel_loop3A_2625, %parallel_loop3A_2626, %parallel_loop3A_2627] {strides = array<i32>} : memref<2x128x128xf32, #tpu.memory_space<vmem>>, vector<1x1x16xf32>,
        %parallel_loop3A_2629 = vector.shape_cast %parallel_loop3A_2628 : vector<1x1x16xf32> to vector<16xf32>
        %parallel_loop3A_2630 = vector.shape_cast %parallel_loop3A_2624 : vector<16xf32> to vector<1x1x16xf32>
        tpu.vector_store %arg10[%parallel_loop3A_2625, %parallel_loop3A_2626, %parallel_loop3A_2627], %parallel_loop3A_2630 {strides = array<i32>} : memref<2x128x128xf32, #tpu.memory_space<vmem>>, vector<1x1x16xf32>,
        %parallel_loop3A_2631 = arith.constant 1 : i32
        %parallel_loop3A_2632 = vector.broadcast %parallel_loop3A_2631 : i32 to vector<16xi32>
        %parallel_loop3A_2633 = vector.shape_cast %parallel_loop3A_2632 : vector<16xi32> to vector<16x1xi32>
        %parallel_loop3A_2634 = vector.shape_cast %parallel_loop3A_2633 : vector<16x1xi32> to vector<16xi32>
        %parallel_loop3A_2635 = tpu.dynamic_gather %parallel_loop3A_2597[%parallel_loop3A_2634] in [0] : vector<16xf32>, vector<16xi32> -> vector<16xf32>
        %parallel_loop3A_2636 = arith.constant 1 : i32
        %parallel_loop3A_2637 = arith.addi %parallel_loop3A_989, %parallel_loop3A_2636 : i32
        %parallel_loop3A_2638 = arith.index_cast %rem3A_931 : i32 to index
        %parallel_loop3A_2639 = arith.index_cast %parallel_loop3A_2637 : i32 to index
        %parallel_loop3A_2640 = arith.constant 96 : index
        %parallel_loop3A_2641 = tpu.vector_load %arg7[%parallel_loop3A_2638, %parallel_loop3A_2639, %parallel_loop3A_2640] {strides = array<i32>} : memref<2x128x128xi32, #tpu.memory_space<vmem>>, vector<1x1x16xi32>,
        %parallel_loop3A_2642 = vector.shape_cast %parallel_loop3A_2641 : vector<1x1x16xi32> to vector<16xi32>
        %parallel_loop3A_2643 = arith.sitofp %parallel_loop3A_2642 : vector<16xi32> to vector<16xf32>
        %parallel_loop3A_2644 = arith.mulf %parallel_loop3A_2643, %parallel_loop3A_2635 : vector<16xf32>
        %parallel_loop3A_2645 = arith.index_cast %rem3A_931 : i32 to index
        %parallel_loop3A_2646 = arith.index_cast %parallel_loop3A_2637 : i32 to index
        %parallel_loop3A_2647 = arith.constant 96 : index
        %parallel_loop3A_2648 = tpu.vector_load %arg10[%parallel_loop3A_2645, %parallel_loop3A_2646, %parallel_loop3A_2647] {strides = array<i32>} : memref<2x128x128xf32, #tpu.memory_space<vmem>>, vector<1x1x16xf32>,
        %parallel_loop3A_2649 = vector.shape_cast %parallel_loop3A_2648 : vector<1x1x16xf32> to vector<16xf32>
        %parallel_loop3A_2650 = vector.shape_cast %parallel_loop3A_2644 : vector<16xf32> to vector<1x1x16xf32>
        tpu.vector_store %arg10[%parallel_loop3A_2645, %parallel_loop3A_2646, %parallel_loop3A_2647], %parallel_loop3A_2650 {strides = array<i32>} : memref<2x128x128xf32, #tpu.memory_space<vmem>>, vector<1x1x16xf32>,
        %parallel_loop3A_2651 = arith.index_cast %rem3A_931 : i32 to index
        %parallel_loop3A_2652 = arith.index_cast %parallel_loop3A_2637 : i32 to index
        %parallel_loop3A_2653 = arith.constant 112 : index
        %parallel_loop3A_2654 = tpu.vector_load %arg7[%parallel_loop3A_2651, %parallel_loop3A_2652, %parallel_loop3A_2653] {strides = array<i32>} : memref<2x128x128xi32, #tpu.memory_space<vmem>>, vector<1x1x16xi32>,
        %parallel_loop3A_2655 = vector.shape_cast %parallel_loop3A_2654 : vector<1x1x16xi32> to vector<16xi32>
        %parallel_loop3A_2656 = arith.sitofp %parallel_loop3A_2655 : vector<16xi32> to vector<16xf32>
        %parallel_loop3A_2657 = arith.mulf %parallel_loop3A_2656, %parallel_loop3A_2635 : vector<16xf32>
        %parallel_loop3A_2658 = arith.index_cast %rem3A_931 : i32 to index
        %parallel_loop3A_2659 = arith.index_cast %parallel_loop3A_2637 : i32 to index
        %parallel_loop3A_2660 = arith.constant 112 : index
        %parallel_loop3A_2661 = tpu.vector_load %arg10[%parallel_loop3A_2658, %parallel_loop3A_2659, %parallel_loop3A_2660] {strides = array<i32>} : memref<2x128x128xf32, #tpu.memory_space<vmem>>, vector<1x1x16xf32>,
        %parallel_loop3A_2662 = vector.shape_cast %parallel_loop3A_2661 : vector<1x1x16xf32> to vector<16xf32>
        %parallel_loop3A_2663 = vector.shape_cast %parallel_loop3A_2657 : vector<16xf32> to vector<1x1x16xf32>
        tpu.vector_store %arg10[%parallel_loop3A_2658, %parallel_loop3A_2659, %parallel_loop3A_2660], %parallel_loop3A_2663 {strides = array<i32>} : memref<2x128x128xf32, #tpu.memory_space<vmem>>, vector<1x1x16xf32>,
        %parallel_loop3A_2664 = arith.constant 2 : i32
        %parallel_loop3A_2665 = vector.broadcast %parallel_loop3A_2664 : i32 to vector<16xi32>
        %parallel_loop3A_2666 = vector.shape_cast %parallel_loop3A_2665 : vector<16xi32> to vector<16x1xi32>
        %parallel_loop3A_2667 = vector.shape_cast %parallel_loop3A_2666 : vector<16x1xi32> to vector<16xi32>
        %parallel_loop3A_2668 = tpu.dynamic_gather %parallel_loop3A_2597[%parallel_loop3A_2667] in [0] : vector<16xf32>, vector<16xi32> -> vector<16xf32>
        %parallel_loop3A_2669 = arith.constant 2 : i32
        %parallel_loop3A_2670 = arith.addi %parallel_loop3A_989, %parallel_loop3A_2669 : i32
        %parallel_loop3A_2671 = arith.index_cast %rem3A_931 : i32 to index
        %parallel_loop3A_2672 = arith.index_cast %parallel_loop3A_2670 : i32 to index
        %parallel_loop3A_2673 = arith.constant 96 : index
        %parallel_loop3A_2674 = tpu.vector_load %arg7[%parallel_loop3A_2671, %parallel_loop3A_2672, %parallel_loop3A_2673] {strides = array<i32>} : memref<2x128x128xi32, #tpu.memory_space<vmem>>, vector<1x1x16xi32>,
        %parallel_loop3A_2675 = vector.shape_cast %parallel_loop3A_2674 : vector<1x1x16xi32> to vector<16xi32>
        %parallel_loop3A_2676 = arith.sitofp %parallel_loop3A_2675 : vector<16xi32> to vector<16xf32>
        %parallel_loop3A_2677 = arith.mulf %parallel_loop3A_2676, %parallel_loop3A_2668 : vector<16xf32>
        %parallel_loop3A_2678 = arith.index_cast %rem3A_931 : i32 to index
        %parallel_loop3A_2679 = arith.index_cast %parallel_loop3A_2670 : i32 to index
        %parallel_loop3A_2680 = arith.constant 96 : index
        %parallel_loop3A_2681 = tpu.vector_load %arg10[%parallel_loop3A_2678, %parallel_loop3A_2679, %parallel_loop3A_2680] {strides = array<i32>} : memref<2x128x128xf32, #tpu.memory_space<vmem>>, vector<1x1x16xf32>,
        %parallel_loop3A_2682 = vector.shape_cast %parallel_loop3A_2681 : vector<1x1x16xf32> to vector<16xf32>
        %parallel_loop3A_2683 = vector.shape_cast %parallel_loop3A_2677 : vector<16xf32> to vector<1x1x16xf32>
        tpu.vector_store %arg10[%parallel_loop3A_2678, %parallel_loop3A_2679, %parallel_loop3A_2680], %parallel_loop3A_2683 {strides = array<i32>} : memref<2x128x128xf32, #tpu.memory_space<vmem>>, vector<1x1x16xf32>,
        %parallel_loop3A_2684 = arith.index_cast %rem3A_931 : i32 to index
        %parallel_loop3A_2685 = arith.index_cast %parallel_loop3A_2670 : i32 to index
        %parallel_loop3A_2686 = arith.constant 112 : index
        %parallel_loop3A_2687 = tpu.vector_load %arg7[%parallel_loop3A_2684, %parallel_loop3A_2685, %parallel_loop3A_2686] {strides = array<i32>} : memref<2x128x128xi32, #tpu.memory_space<vmem>>, vector<1x1x16xi32>,
        %parallel_loop3A_2688 = vector.shape_cast %parallel_loop3A_2687 : vector<1x1x16xi32> to vector<16xi32>
        %parallel_loop3A_2689 = arith.sitofp %parallel_loop3A_2688 : vector<16xi32> to vector<16xf32>
        %parallel_loop3A_2690 = arith.mulf %parallel_loop3A_2689, %parallel_loop3A_2668 : vector<16xf32>
        %parallel_loop3A_2691 = arith.index_cast %rem3A_931 : i32 to index
        %parallel_loop3A_2692 = arith.index_cast %parallel_loop3A_2670 : i32 to index
        %parallel_loop3A_2693 = arith.constant 112 : index
        %parallel_loop3A_2694 = tpu.vector_load %arg10[%parallel_loop3A_2691, %parallel_loop3A_2692, %parallel_loop3A_2693] {strides = array<i32>} : memref<2x128x128xf32, #tpu.memory_space<vmem>>, vector<1x1x16xf32>,
        %parallel_loop3A_2695 = vector.shape_cast %parallel_loop3A_2694 : vector<1x1x16xf32> to vector<16xf32>
        %parallel_loop3A_2696 = vector.shape_cast %parallel_loop3A_2690 : vector<16xf32> to vector<1x1x16xf32>
        tpu.vector_store %arg10[%parallel_loop3A_2691, %parallel_loop3A_2692, %parallel_loop3A_2693], %parallel_loop3A_2696 {strides = array<i32>} : memref<2x128x128xf32, #tpu.memory_space<vmem>>, vector<1x1x16xf32>,
        %parallel_loop3A_2697 = arith.constant 3 : i32
        %parallel_loop3A_2698 = vector.broadcast %parallel_loop3A_2697 : i32 to vector<16xi32>
        %parallel_loop3A_2699 = vector.shape_cast %parallel_loop3A_2698 : vector<16xi32> to vector<16x1xi32>
        %parallel_loop3A_2700 = vector.shape_cast %parallel_loop3A_2699 : vector<16x1xi32> to vector<16xi32>
        %parallel_loop3A_2701 = tpu.dynamic_gather %parallel_loop3A_2597[%parallel_loop3A_2700] in [0] : vector<16xf32>, vector<16xi32> -> vector<16xf32>
        %parallel_loop3A_2702 = arith.constant 3 : i32
        %parallel_loop3A_2703 = arith.addi %parallel_loop3A_989, %parallel_loop3A_2702 : i32
        %parallel_loop3A_2704 = arith.index_cast %rem3A_931 : i32 to index
        %parallel_loop3A_2705 = arith.index_cast %parallel_loop3A_2703 : i32 to index
        %parallel_loop3A_2706 = arith.constant 96 : index
        %parallel_loop3A_2707 = tpu.vector_load %arg7[%parallel_loop3A_2704, %parallel_loop3A_2705, %parallel_loop3A_2706] {strides = array<i32>} : memref<2x128x128xi32, #tpu.memory_space<vmem>>, vector<1x1x16xi32>,
        %parallel_loop3A_2708 = vector.shape_cast %parallel_loop3A_2707 : vector<1x1x16xi32> to vector<16xi32>
        %parallel_loop3A_2709 = arith.sitofp %parallel_loop3A_2708 : vector<16xi32> to vector<16xf32>
        %parallel_loop3A_2710 = arith.mulf %parallel_loop3A_2709, %parallel_loop3A_2701 : vector<16xf32>
        %parallel_loop3A_2711 = arith.index_cast %rem3A_931 : i32 to index
        %parallel_loop3A_2712 = arith.index_cast %parallel_loop3A_2703 : i32 to index
        %parallel_loop3A_2713 = arith.constant 96 : index
        %parallel_loop3A_2714 = tpu.vector_load %arg10[%parallel_loop3A_2711, %parallel_loop3A_2712, %parallel_loop3A_2713] {strides = array<i32>} : memref<2x128x128xf32, #tpu.memory_space<vmem>>, vector<1x1x16xf32>,
        %parallel_loop3A_2715 = vector.shape_cast %parallel_loop3A_2714 : vector<1x1x16xf32> to vector<16xf32>
        %parallel_loop3A_2716 = vector.shape_cast %parallel_loop3A_2710 : vector<16xf32> to vector<1x1x16xf32>
        tpu.vector_store %arg10[%parallel_loop3A_2711, %parallel_loop3A_2712, %parallel_loop3A_2713], %parallel_loop3A_2716 {strides = array<i32>} : memref<2x128x128xf32, #tpu.memory_space<vmem>>, vector<1x1x16xf32>,
        %parallel_loop3A_2717 = arith.index_cast %rem3A_931 : i32 to index
        %parallel_loop3A_2718 = arith.index_cast %parallel_loop3A_2703 : i32 to index
        %parallel_loop3A_2719 = arith.constant 112 : index
        %parallel_loop3A_2720 = tpu.vector_load %arg7[%parallel_loop3A_2717, %parallel_loop3A_2718, %parallel_loop3A_2719] {strides = array<i32>} : memref<2x128x128xi32, #tpu.memory_space<vmem>>, vector<1x1x16xi32>,
        %parallel_loop3A_2721 = vector.shape_cast %parallel_loop3A_2720 : vector<1x1x16xi32> to vector<16xi32>
        %parallel_loop3A_2722 = arith.sitofp %parallel_loop3A_2721 : vector<16xi32> to vector<16xf32>
        %parallel_loop3A_2723 = arith.mulf %parallel_loop3A_2722, %parallel_loop3A_2701 : vector<16xf32>
        %parallel_loop3A_2724 = arith.index_cast %rem3A_931 : i32 to index
        %parallel_loop3A_2725 = arith.index_cast %parallel_loop3A_2703 : i32 to index
        %parallel_loop3A_2726 = arith.constant 112 : index
        %parallel_loop3A_2727 = tpu.vector_load %arg10[%parallel_loop3A_2724, %parallel_loop3A_2725, %parallel_loop3A_2726] {strides = array<i32>} : memref<2x128x128xf32, #tpu.memory_space<vmem>>, vector<1x1x16xf32>,
        %parallel_loop3A_2728 = vector.shape_cast %parallel_loop3A_2727 : vector<1x1x16xf32> to vector<16xf32>
        %parallel_loop3A_2729 = vector.shape_cast %parallel_loop3A_2723 : vector<16xf32> to vector<1x1x16xf32>
        tpu.vector_store %arg10[%parallel_loop3A_2724, %parallel_loop3A_2725, %parallel_loop3A_2726], %parallel_loop3A_2729 {strides = array<i32>} : memref<2x128x128xf32, #tpu.memory_space<vmem>>, vector<1x1x16xf32>,
        %parallel_loop3A_2730 = arith.constant 4 : i32
        %parallel_loop3A_2731 = vector.broadcast %parallel_loop3A_2730 : i32 to vector<16xi32>
        %parallel_loop3A_2732 = vector.shape_cast %parallel_loop3A_2731 : vector<16xi32> to vector<16x1xi32>
        %parallel_loop3A_2733 = vector.shape_cast %parallel_loop3A_2732 : vector<16x1xi32> to vector<16xi32>
        %parallel_loop3A_2734 = tpu.dynamic_gather %parallel_loop3A_2597[%parallel_loop3A_2733] in [0] : vector<16xf32>, vector<16xi32> -> vector<16xf32>
        %parallel_loop3A_2735 = arith.constant 4 : i32
        %parallel_loop3A_2736 = arith.addi %parallel_loop3A_989, %parallel_loop3A_2735 : i32
        %parallel_loop3A_2737 = arith.index_cast %rem3A_931 : i32 to index
        %parallel_loop3A_2738 = arith.index_cast %parallel_loop3A_2736 : i32 to index
        %parallel_loop3A_2739 = arith.constant 96 : index
        %parallel_loop3A_2740 = tpu.vector_load %arg7[%parallel_loop3A_2737, %parallel_loop3A_2738, %parallel_loop3A_2739] {strides = array<i32>} : memref<2x128x128xi32, #tpu.memory_space<vmem>>, vector<1x1x16xi32>,
        %parallel_loop3A_2741 = vector.shape_cast %parallel_loop3A_2740 : vector<1x1x16xi32> to vector<16xi32>
        %parallel_loop3A_2742 = arith.sitofp %parallel_loop3A_2741 : vector<16xi32> to vector<16xf32>
        %parallel_loop3A_2743 = arith.mulf %parallel_loop3A_2742, %parallel_loop3A_2734 : vector<16xf32>
        %parallel_loop3A_2744 = arith.index_cast %rem3A_931 : i32 to index
        %parallel_loop3A_2745 = arith.index_cast %parallel_loop3A_2736 : i32 to index
        %parallel_loop3A_2746 = arith.constant 96 : index
        %parallel_loop3A_2747 = tpu.vector_load %arg10[%parallel_loop3A_2744, %parallel_loop3A_2745, %parallel_loop3A_2746] {strides = array<i32>} : memref<2x128x128xf32, #tpu.memory_space<vmem>>, vector<1x1x16xf32>,
        %parallel_loop3A_2748 = vector.shape_cast %parallel_loop3A_2747 : vector<1x1x16xf32> to vector<16xf32>
        %parallel_loop3A_2749 = vector.shape_cast %parallel_loop3A_2743 : vector<16xf32> to vector<1x1x16xf32>
        tpu.vector_store %arg10[%parallel_loop3A_2744, %parallel_loop3A_2745, %parallel_loop3A_2746], %parallel_loop3A_2749 {strides = array<i32>} : memref<2x128x128xf32, #tpu.memory_space<vmem>>, vector<1x1x16xf32>,
        %parallel_loop3A_2750 = arith.index_cast %rem3A_931 : i32 to index
        %parallel_loop3A_2751 = arith.index_cast %parallel_loop3A_2736 : i32 to index
        %parallel_loop3A_2752 = arith.constant 112 : index
        %parallel_loop3A_2753 = tpu.vector_load %arg7[%parallel_loop3A_2750, %parallel_loop3A_2751, %parallel_loop3A_2752] {strides = array<i32>} : memref<2x128x128xi32, #tpu.memory_space<vmem>>, vector<1x1x16xi32>,
        %parallel_loop3A_2754 = vector.shape_cast %parallel_loop3A_2753 : vector<1x1x16xi32> to vector<16xi32>
        %parallel_loop3A_2755 = arith.sitofp %parallel_loop3A_2754 : vector<16xi32> to vector<16xf32>
        %parallel_loop3A_2756 = arith.mulf %parallel_loop3A_2755, %parallel_loop3A_2734 : vector<16xf32>
        %parallel_loop3A_2757 = arith.index_cast %rem3A_931 : i32 to index
        %parallel_loop3A_2758 = arith.index_cast %parallel_loop3A_2736 : i32 to index
        %parallel_loop3A_2759 = arith.constant 112 : index
        %parallel_loop3A_2760 = tpu.vector_load %arg10[%parallel_loop3A_2757, %parallel_loop3A_2758, %parallel_loop3A_2759] {strides = array<i32>} : memref<2x128x128xf32, #tpu.memory_space<vmem>>, vector<1x1x16xf32>,
        %parallel_loop3A_2761 = vector.shape_cast %parallel_loop3A_2760 : vector<1x1x16xf32> to vector<16xf32>
        %parallel_loop3A_2762 = vector.shape_cast %parallel_loop3A_2756 : vector<16xf32> to vector<1x1x16xf32>
        tpu.vector_store %arg10[%parallel_loop3A_2757, %parallel_loop3A_2758, %parallel_loop3A_2759], %parallel_loop3A_2762 {strides = array<i32>} : memref<2x128x128xf32, #tpu.memory_space<vmem>>, vector<1x1x16xf32>,
        %parallel_loop3A_2763 = arith.constant 5 : i32
        %parallel_loop3A_2764 = vector.broadcast %parallel_loop3A_2763 : i32 to vector<16xi32>
        %parallel_loop3A_2765 = vector.shape_cast %parallel_loop3A_2764 : vector<16xi32> to vector<16x1xi32>
        %parallel_loop3A_2766 = vector.shape_cast %parallel_loop3A_2765 : vector<16x1xi32> to vector<16xi32>
        %parallel_loop3A_2767 = tpu.dynamic_gather %parallel_loop3A_2597[%parallel_loop3A_2766] in [0] : vector<16xf32>, vector<16xi32> -> vector<16xf32>
        %parallel_loop3A_2768 = arith.constant 5 : i32
        %parallel_loop3A_2769 = arith.addi %parallel_loop3A_989, %parallel_loop3A_2768 : i32
        %parallel_loop3A_2770 = arith.index_cast %rem3A_931 : i32 to index
        %parallel_loop3A_2771 = arith.index_cast %parallel_loop3A_2769 : i32 to index
        %parallel_loop3A_2772 = arith.constant 96 : index
        %parallel_loop3A_2773 = tpu.vector_load %arg7[%parallel_loop3A_2770, %parallel_loop3A_2771, %parallel_loop3A_2772] {strides = array<i32>} : memref<2x128x128xi32, #tpu.memory_space<vmem>>, vector<1x1x16xi32>,
        %parallel_loop3A_2774 = vector.shape_cast %parallel_loop3A_2773 : vector<1x1x16xi32> to vector<16xi32>
        %parallel_loop3A_2775 = arith.sitofp %parallel_loop3A_2774 : vector<16xi32> to vector<16xf32>
        %parallel_loop3A_2776 = arith.mulf %parallel_loop3A_2775, %parallel_loop3A_2767 : vector<16xf32>
        %parallel_loop3A_2777 = arith.index_cast %rem3A_931 : i32 to index
        %parallel_loop3A_2778 = arith.index_cast %parallel_loop3A_2769 : i32 to index
        %parallel_loop3A_2779 = arith.constant 96 : index
        %parallel_loop3A_2780 = tpu.vector_load %arg10[%parallel_loop3A_2777, %parallel_loop3A_2778, %parallel_loop3A_2779] {strides = array<i32>} : memref<2x128x128xf32, #tpu.memory_space<vmem>>, vector<1x1x16xf32>,
        %parallel_loop3A_2781 = vector.shape_cast %parallel_loop3A_2780 : vector<1x1x16xf32> to vector<16xf32>
        %parallel_loop3A_2782 = vector.shape_cast %parallel_loop3A_2776 : vector<16xf32> to vector<1x1x16xf32>
        tpu.vector_store %arg10[%parallel_loop3A_2777, %parallel_loop3A_2778, %parallel_loop3A_2779], %parallel_loop3A_2782 {strides = array<i32>} : memref<2x128x128xf32, #tpu.memory_space<vmem>>, vector<1x1x16xf32>,
        %parallel_loop3A_2783 = arith.index_cast %rem3A_931 : i32 to index
        %parallel_loop3A_2784 = arith.index_cast %parallel_loop3A_2769 : i32 to index
        %parallel_loop3A_2785 = arith.constant 112 : index
        %parallel_loop3A_2786 = tpu.vector_load %arg7[%parallel_loop3A_2783, %parallel_loop3A_2784, %parallel_loop3A_2785] {strides = array<i32>} : memref<2x128x128xi32, #tpu.memory_space<vmem>>, vector<1x1x16xi32>,
        %parallel_loop3A_2787 = vector.shape_cast %parallel_loop3A_2786 : vector<1x1x16xi32> to vector<16xi32>
        %parallel_loop3A_2788 = arith.sitofp %parallel_loop3A_2787 : vector<16xi32> to vector<16xf32>
        %parallel_loop3A_2789 = arith.mulf %parallel_loop3A_2788, %parallel_loop3A_2767 : vector<16xf32>
        %parallel_loop3A_2790 = arith.index_cast %rem3A_931 : i32 to index
        %parallel_loop3A_2791 = arith.index_cast %parallel_loop3A_2769 : i32 to index
        %parallel_loop3A_2792 = arith.constant 112 : index
        %parallel_loop3A_2793 = tpu.vector_load %arg10[%parallel_loop3A_2790, %parallel_loop3A_2791, %parallel_loop3A_2792] {strides = array<i32>} : memref<2x128x128xf32, #tpu.memory_space<vmem>>, vector<1x1x16xf32>,
        %parallel_loop3A_2794 = vector.shape_cast %parallel_loop3A_2793 : vector<1x1x16xf32> to vector<16xf32>
        %parallel_loop3A_2795 = vector.shape_cast %parallel_loop3A_2789 : vector<16xf32> to vector<1x1x16xf32>
        tpu.vector_store %arg10[%parallel_loop3A_2790, %parallel_loop3A_2791, %parallel_loop3A_2792], %parallel_loop3A_2795 {strides = array<i32>} : memref<2x128x128xf32, #tpu.memory_space<vmem>>, vector<1x1x16xf32>,
        %parallel_loop3A_2796 = arith.constant 6 : i32
        %parallel_loop3A_2797 = vector.broadcast %parallel_loop3A_2796 : i32 to vector<16xi32>
        %parallel_loop3A_2798 = vector.shape_cast %parallel_loop3A_2797 : vector<16xi32> to vector<16x1xi32>
        %parallel_loop3A_2799 = vector.shape_cast %parallel_loop3A_2798 : vector<16x1xi32> to vector<16xi32>
        %parallel_loop3A_2800 = tpu.dynamic_gather %parallel_loop3A_2597[%parallel_loop3A_2799] in [0] : vector<16xf32>, vector<16xi32> -> vector<16xf32>
        %parallel_loop3A_2801 = arith.constant 6 : i32
        %parallel_loop3A_2802 = arith.addi %parallel_loop3A_989, %parallel_loop3A_2801 : i32
        %parallel_loop3A_2803 = arith.index_cast %rem3A_931 : i32 to index
        %parallel_loop3A_2804 = arith.index_cast %parallel_loop3A_2802 : i32 to index
        %parallel_loop3A_2805 = arith.constant 96 : index
        %parallel_loop3A_2806 = tpu.vector_load %arg7[%parallel_loop3A_2803, %parallel_loop3A_2804, %parallel_loop3A_2805] {strides = array<i32>} : memref<2x128x128xi32, #tpu.memory_space<vmem>>, vector<1x1x16xi32>,
        %parallel_loop3A_2807 = vector.shape_cast %parallel_loop3A_2806 : vector<1x1x16xi32> to vector<16xi32>
        %parallel_loop3A_2808 = arith.sitofp %parallel_loop3A_2807 : vector<16xi32> to vector<16xf32>
        %parallel_loop3A_2809 = arith.mulf %parallel_loop3A_2808, %parallel_loop3A_2800 : vector<16xf32>
        %parallel_loop3A_2810 = arith.index_cast %rem3A_931 : i32 to index
        %parallel_loop3A_2811 = arith.index_cast %parallel_loop3A_2802 : i32 to index
        %parallel_loop3A_2812 = arith.constant 96 : index
        %parallel_loop3A_2813 = tpu.vector_load %arg10[%parallel_loop3A_2810, %parallel_loop3A_2811, %parallel_loop3A_2812] {strides = array<i32>} : memref<2x128x128xf32, #tpu.memory_space<vmem>>, vector<1x1x16xf32>,
        %parallel_loop3A_2814 = vector.shape_cast %parallel_loop3A_2813 : vector<1x1x16xf32> to vector<16xf32>
        %parallel_loop3A_2815 = vector.shape_cast %parallel_loop3A_2809 : vector<16xf32> to vector<1x1x16xf32>
        tpu.vector_store %arg10[%parallel_loop3A_2810, %parallel_loop3A_2811, %parallel_loop3A_2812], %parallel_loop3A_2815 {strides = array<i32>} : memref<2x128x128xf32, #tpu.memory_space<vmem>>, vector<1x1x16xf32>,
        %parallel_loop3A_2816 = arith.index_cast %rem3A_931 : i32 to index
        %parallel_loop3A_2817 = arith.index_cast %parallel_loop3A_2802 : i32 to index
        %parallel_loop3A_2818 = arith.constant 112 : index
        %parallel_loop3A_2819 = tpu.vector_load %arg7[%parallel_loop3A_2816, %parallel_loop3A_2817, %parallel_loop3A_2818] {strides = array<i32>} : memref<2x128x128xi32, #tpu.memory_space<vmem>>, vector<1x1x16xi32>,
        %parallel_loop3A_2820 = vector.shape_cast %parallel_loop3A_2819 : vector<1x1x16xi32> to vector<16xi32>
        %parallel_loop3A_2821 = arith.sitofp %parallel_loop3A_2820 : vector<16xi32> to vector<16xf32>
        %parallel_loop3A_2822 = arith.mulf %parallel_loop3A_2821, %parallel_loop3A_2800 : vector<16xf32>
        %parallel_loop3A_2823 = arith.index_cast %rem3A_931 : i32 to index
        %parallel_loop3A_2824 = arith.index_cast %parallel_loop3A_2802 : i32 to index
        %parallel_loop3A_2825 = arith.constant 112 : index
        %parallel_loop3A_2826 = tpu.vector_load %arg10[%parallel_loop3A_2823, %parallel_loop3A_2824, %parallel_loop3A_2825] {strides = array<i32>} : memref<2x128x128xf32, #tpu.memory_space<vmem>>, vector<1x1x16xf32>,
        %parallel_loop3A_2827 = vector.shape_cast %parallel_loop3A_2826 : vector<1x1x16xf32> to vector<16xf32>
        %parallel_loop3A_2828 = vector.shape_cast %parallel_loop3A_2822 : vector<16xf32> to vector<1x1x16xf32>
        tpu.vector_store %arg10[%parallel_loop3A_2823, %parallel_loop3A_2824, %parallel_loop3A_2825], %parallel_loop3A_2828 {strides = array<i32>} : memref<2x128x128xf32, #tpu.memory_space<vmem>>, vector<1x1x16xf32>,
        %parallel_loop3A_2829 = arith.constant 7 : i32
        %parallel_loop3A_2830 = vector.broadcast %parallel_loop3A_2829 : i32 to vector<16xi32>
        %parallel_loop3A_2831 = vector.shape_cast %parallel_loop3A_2830 : vector<16xi32> to vector<16x1xi32>
        %parallel_loop3A_2832 = vector.shape_cast %parallel_loop3A_2831 : vector<16x1xi32> to vector<16xi32>
        %parallel_loop3A_2833 = tpu.dynamic_gather %parallel_loop3A_2597[%parallel_loop3A_2832] in [0] : vector<16xf32>, vector<16xi32> -> vector<16xf32>
        %parallel_loop3A_2834 = arith.constant 7 : i32
        %parallel_loop3A_2835 = arith.addi %parallel_loop3A_989, %parallel_loop3A_2834 : i32
        %parallel_loop3A_2836 = arith.index_cast %rem3A_931 : i32 to index
        %parallel_loop3A_2837 = arith.index_cast %parallel_loop3A_2835 : i32 to index
        %parallel_loop3A_2838 = arith.constant 96 : index
        %parallel_loop3A_2839 = tpu.vector_load %arg7[%parallel_loop3A_2836, %parallel_loop3A_2837, %parallel_loop3A_2838] {strides = array<i32>} : memref<2x128x128xi32, #tpu.memory_space<vmem>>, vector<1x1x16xi32>,
        %parallel_loop3A_2840 = vector.shape_cast %parallel_loop3A_2839 : vector<1x1x16xi32> to vector<16xi32>
        %parallel_loop3A_2841 = arith.sitofp %parallel_loop3A_2840 : vector<16xi32> to vector<16xf32>
        %parallel_loop3A_2842 = arith.mulf %parallel_loop3A_2841, %parallel_loop3A_2833 : vector<16xf32>
        %parallel_loop3A_2843 = arith.index_cast %rem3A_931 : i32 to index
        %parallel_loop3A_2844 = arith.index_cast %parallel_loop3A_2835 : i32 to index
        %parallel_loop3A_2845 = arith.constant 96 : index
        %parallel_loop3A_2846 = tpu.vector_load %arg10[%parallel_loop3A_2843, %parallel_loop3A_2844, %parallel_loop3A_2845] {strides = array<i32>} : memref<2x128x128xf32, #tpu.memory_space<vmem>>, vector<1x1x16xf32>,
        %parallel_loop3A_2847 = vector.shape_cast %parallel_loop3A_2846 : vector<1x1x16xf32> to vector<16xf32>
        %parallel_loop3A_2848 = vector.shape_cast %parallel_loop3A_2842 : vector<16xf32> to vector<1x1x16xf32>
        tpu.vector_store %arg10[%parallel_loop3A_2843, %parallel_loop3A_2844, %parallel_loop3A_2845], %parallel_loop3A_2848 {strides = array<i32>} : memref<2x128x128xf32, #tpu.memory_space<vmem>>, vector<1x1x16xf32>,
        %parallel_loop3A_2849 = arith.index_cast %rem3A_931 : i32 to index
        %parallel_loop3A_2850 = arith.index_cast %parallel_loop3A_2835 : i32 to index
        %parallel_loop3A_2851 = arith.constant 112 : index
        %parallel_loop3A_2852 = tpu.vector_load %arg7[%parallel_loop3A_2849, %parallel_loop3A_2850, %parallel_loop3A_2851] {strides = array<i32>} : memref<2x128x128xi32, #tpu.memory_space<vmem>>, vector<1x1x16xi32>,
        %parallel_loop3A_2853 = vector.shape_cast %parallel_loop3A_2852 : vector<1x1x16xi32> to vector<16xi32>
        %parallel_loop3A_2854 = arith.sitofp %parallel_loop3A_2853 : vector<16xi32> to vector<16xf32>
        %parallel_loop3A_2855 = arith.mulf %parallel_loop3A_2854, %parallel_loop3A_2833 : vector<16xf32>
        %parallel_loop3A_2856 = arith.index_cast %rem3A_931 : i32 to index
        %parallel_loop3A_2857 = arith.index_cast %parallel_loop3A_2835 : i32 to index
        %parallel_loop3A_2858 = arith.constant 112 : index
        %parallel_loop3A_2859 = tpu.vector_load %arg10[%parallel_loop3A_2856, %parallel_loop3A_2857, %parallel_loop3A_2858] {strides = array<i32>} : memref<2x128x128xf32, #tpu.memory_space<vmem>>, vector<1x1x16xf32>,
        %parallel_loop3A_2860 = vector.shape_cast %parallel_loop3A_2859 : vector<1x1x16xf32> to vector<16xf32>
        %parallel_loop3A_2861 = vector.shape_cast %parallel_loop3A_2855 : vector<16xf32> to vector<1x1x16xf32>
        tpu.vector_store %arg10[%parallel_loop3A_2856, %parallel_loop3A_2857, %parallel_loop3A_2858], %parallel_loop3A_2861 {strides = array<i32>} : memref<2x128x128xf32, #tpu.memory_space<vmem>>, vector<1x1x16xf32>,
        %parallel_loop3A_2862 = arith.constant 8 : i32
        %parallel_loop3A_2863 = vector.broadcast %parallel_loop3A_2862 : i32 to vector<16xi32>
        %parallel_loop3A_2864 = vector.shape_cast %parallel_loop3A_2863 : vector<16xi32> to vector<16x1xi32>
        %parallel_loop3A_2865 = vector.shape_cast %parallel_loop3A_2864 : vector<16x1xi32> to vector<16xi32>
        %parallel_loop3A_2866 = tpu.dynamic_gather %parallel_loop3A_2597[%parallel_loop3A_2865] in [0] : vector<16xf32>, vector<16xi32> -> vector<16xf32>
        %parallel_loop3A_2867 = arith.constant 8 : i32
        %parallel_loop3A_2868 = arith.addi %parallel_loop3A_989, %parallel_loop3A_2867 : i32
        %parallel_loop3A_2869 = arith.index_cast %rem3A_931 : i32 to index
        %parallel_loop3A_2870 = arith.index_cast %parallel_loop3A_2868 : i32 to index
        %parallel_loop3A_2871 = arith.constant 96 : index
        %parallel_loop3A_2872 = tpu.vector_load %arg7[%parallel_loop3A_2869, %parallel_loop3A_2870, %parallel_loop3A_2871] {strides = array<i32>} : memref<2x128x128xi32, #tpu.memory_space<vmem>>, vector<1x1x16xi32>,
        %parallel_loop3A_2873 = vector.shape_cast %parallel_loop3A_2872 : vector<1x1x16xi32> to vector<16xi32>
        %parallel_loop3A_2874 = arith.sitofp %parallel_loop3A_2873 : vector<16xi32> to vector<16xf32>
        %parallel_loop3A_2875 = arith.mulf %parallel_loop3A_2874, %parallel_loop3A_2866 : vector<16xf32>
        %parallel_loop3A_2876 = arith.index_cast %rem3A_931 : i32 to index
        %parallel_loop3A_2877 = arith.index_cast %parallel_loop3A_2868 : i32 to index
        %parallel_loop3A_2878 = arith.constant 96 : index
        %parallel_loop3A_2879 = tpu.vector_load %arg10[%parallel_loop3A_2876, %parallel_loop3A_2877, %parallel_loop3A_2878] {strides = array<i32>} : memref<2x128x128xf32, #tpu.memory_space<vmem>>, vector<1x1x16xf32>,
        %parallel_loop3A_2880 = vector.shape_cast %parallel_loop3A_2879 : vector<1x1x16xf32> to vector<16xf32>
        %parallel_loop3A_2881 = vector.shape_cast %parallel_loop3A_2875 : vector<16xf32> to vector<1x1x16xf32>
        tpu.vector_store %arg10[%parallel_loop3A_2876, %parallel_loop3A_2877, %parallel_loop3A_2878], %parallel_loop3A_2881 {strides = array<i32>} : memref<2x128x128xf32, #tpu.memory_space<vmem>>, vector<1x1x16xf32>,
        %parallel_loop3A_2882 = arith.index_cast %rem3A_931 : i32 to index
        %parallel_loop3A_2883 = arith.index_cast %parallel_loop3A_2868 : i32 to index
        %parallel_loop3A_2884 = arith.constant 112 : index
        %parallel_loop3A_2885 = tpu.vector_load %arg7[%parallel_loop3A_2882, %parallel_loop3A_2883, %parallel_loop3A_2884] {strides = array<i32>} : memref<2x128x128xi32, #tpu.memory_space<vmem>>, vector<1x1x16xi32>,
        %parallel_loop3A_2886 = vector.shape_cast %parallel_loop3A_2885 : vector<1x1x16xi32> to vector<16xi32>
        %parallel_loop3A_2887 = arith.sitofp %parallel_loop3A_2886 : vector<16xi32> to vector<16xf32>
        %parallel_loop3A_2888 = arith.mulf %parallel_loop3A_2887, %parallel_loop3A_2866 : vector<16xf32>
        %parallel_loop3A_2889 = arith.index_cast %rem3A_931 : i32 to index
        %parallel_loop3A_2890 = arith.index_cast %parallel_loop3A_2868 : i32 to index
        %parallel_loop3A_2891 = arith.constant 112 : index
        %parallel_loop3A_2892 = tpu.vector_load %arg10[%parallel_loop3A_2889, %parallel_loop3A_2890, %parallel_loop3A_2891] {strides = array<i32>} : memref<2x128x128xf32, #tpu.memory_space<vmem>>, vector<1x1x16xf32>,
        %parallel_loop3A_2893 = vector.shape_cast %parallel_loop3A_2892 : vector<1x1x16xf32> to vector<16xf32>
        %parallel_loop3A_2894 = vector.shape_cast %parallel_loop3A_2888 : vector<16xf32> to vector<1x1x16xf32>
        tpu.vector_store %arg10[%parallel_loop3A_2889, %parallel_loop3A_2890, %parallel_loop3A_2891], %parallel_loop3A_2894 {strides = array<i32>} : memref<2x128x128xf32, #tpu.memory_space<vmem>>, vector<1x1x16xf32>,
        %parallel_loop3A_2895 = arith.constant 9 : i32
        %parallel_loop3A_2896 = vector.broadcast %parallel_loop3A_2895 : i32 to vector<16xi32>
        %parallel_loop3A_2897 = vector.shape_cast %parallel_loop3A_2896 : vector<16xi32> to vector<16x1xi32>
        %parallel_loop3A_2898 = vector.shape_cast %parallel_loop3A_2897 : vector<16x1xi32> to vector<16xi32>
        %parallel_loop3A_2899 = tpu.dynamic_gather %parallel_loop3A_2597[%parallel_loop3A_2898] in [0] : vector<16xf32>, vector<16xi32> -> vector<16xf32>
        %parallel_loop3A_2900 = arith.constant 9 : i32
        %parallel_loop3A_2901 = arith.addi %parallel_loop3A_989, %parallel_loop3A_2900 : i32
        %parallel_loop3A_2902 = arith.index_cast %rem3A_931 : i32 to index
        %parallel_loop3A_2903 = arith.index_cast %parallel_loop3A_2901 : i32 to index
        %parallel_loop3A_2904 = arith.constant 96 : index
        %parallel_loop3A_2905 = tpu.vector_load %arg7[%parallel_loop3A_2902, %parallel_loop3A_2903, %parallel_loop3A_2904] {strides = array<i32>} : memref<2x128x128xi32, #tpu.memory_space<vmem>>, vector<1x1x16xi32>,
        %parallel_loop3A_2906 = vector.shape_cast %parallel_loop3A_2905 : vector<1x1x16xi32> to vector<16xi32>
        %parallel_loop3A_2907 = arith.sitofp %parallel_loop3A_2906 : vector<16xi32> to vector<16xf32>
        %parallel_loop3A_2908 = arith.mulf %parallel_loop3A_2907, %parallel_loop3A_2899 : vector<16xf32>
        %parallel_loop3A_2909 = arith.index_cast %rem3A_931 : i32 to index
        %parallel_loop3A_2910 = arith.index_cast %parallel_loop3A_2901 : i32 to index
        %parallel_loop3A_2911 = arith.constant 96 : index
        %parallel_loop3A_2912 = tpu.vector_load %arg10[%parallel_loop3A_2909, %parallel_loop3A_2910, %parallel_loop3A_2911] {strides = array<i32>} : memref<2x128x128xf32, #tpu.memory_space<vmem>>, vector<1x1x16xf32>,
        %parallel_loop3A_2913 = vector.shape_cast %parallel_loop3A_2912 : vector<1x1x16xf32> to vector<16xf32>
        %parallel_loop3A_2914 = vector.shape_cast %parallel_loop3A_2908 : vector<16xf32> to vector<1x1x16xf32>
        tpu.vector_store %arg10[%parallel_loop3A_2909, %parallel_loop3A_2910, %parallel_loop3A_2911], %parallel_loop3A_2914 {strides = array<i32>} : memref<2x128x128xf32, #tpu.memory_space<vmem>>, vector<1x1x16xf32>,
        %parallel_loop3A_2915 = arith.index_cast %rem3A_931 : i32 to index
        %parallel_loop3A_2916 = arith.index_cast %parallel_loop3A_2901 : i32 to index
        %parallel_loop3A_2917 = arith.constant 112 : index
        %parallel_loop3A_2918 = tpu.vector_load %arg7[%parallel_loop3A_2915, %parallel_loop3A_2916, %parallel_loop3A_2917] {strides = array<i32>} : memref<2x128x128xi32, #tpu.memory_space<vmem>>, vector<1x1x16xi32>,
        %parallel_loop3A_2919 = vector.shape_cast %parallel_loop3A_2918 : vector<1x1x16xi32> to vector<16xi32>
        %parallel_loop3A_2920 = arith.sitofp %parallel_loop3A_2919 : vector<16xi32> to vector<16xf32>
        %parallel_loop3A_2921 = arith.mulf %parallel_loop3A_2920, %parallel_loop3A_2899 : vector<16xf32>
        %parallel_loop3A_2922 = arith.index_cast %rem3A_931 : i32 to index
        %parallel_loop3A_2923 = arith.index_cast %parallel_loop3A_2901 : i32 to index
        %parallel_loop3A_2924 = arith.constant 112 : index
        %parallel_loop3A_2925 = tpu.vector_load %arg10[%parallel_loop3A_2922, %parallel_loop3A_2923, %parallel_loop3A_2924] {strides = array<i32>} : memref<2x128x128xf32, #tpu.memory_space<vmem>>, vector<1x1x16xf32>,
        %parallel_loop3A_2926 = vector.shape_cast %parallel_loop3A_2925 : vector<1x1x16xf32> to vector<16xf32>
        %parallel_loop3A_2927 = vector.shape_cast %parallel_loop3A_2921 : vector<16xf32> to vector<1x1x16xf32>
        tpu.vector_store %arg10[%parallel_loop3A_2922, %parallel_loop3A_2923, %parallel_loop3A_2924], %parallel_loop3A_2927 {strides = array<i32>} : memref<2x128x128xf32, #tpu.memory_space<vmem>>, vector<1x1x16xf32>,
        %parallel_loop3A_2928 = arith.constant 10 : i32
        %parallel_loop3A_2929 = vector.broadcast %parallel_loop3A_2928 : i32 to vector<16xi32>
        %parallel_loop3A_2930 = vector.shape_cast %parallel_loop3A_2929 : vector<16xi32> to vector<16x1xi32>
        %parallel_loop3A_2931 = vector.shape_cast %parallel_loop3A_2930 : vector<16x1xi32> to vector<16xi32>
        %parallel_loop3A_2932 = tpu.dynamic_gather %parallel_loop3A_2597[%parallel_loop3A_2931] in [0] : vector<16xf32>, vector<16xi32> -> vector<16xf32>
        %parallel_loop3A_2933 = arith.constant 10 : i32
        %parallel_loop3A_2934 = arith.addi %parallel_loop3A_989, %parallel_loop3A_2933 : i32
        %parallel_loop3A_2935 = arith.index_cast %rem3A_931 : i32 to index
        %parallel_loop3A_2936 = arith.index_cast %parallel_loop3A_2934 : i32 to index
        %parallel_loop3A_2937 = arith.constant 96 : index
        %parallel_loop3A_2938 = tpu.vector_load %arg7[%parallel_loop3A_2935, %parallel_loop3A_2936, %parallel_loop3A_2937] {strides = array<i32>} : memref<2x128x128xi32, #tpu.memory_space<vmem>>, vector<1x1x16xi32>,
        %parallel_loop3A_2939 = vector.shape_cast %parallel_loop3A_2938 : vector<1x1x16xi32> to vector<16xi32>
        %parallel_loop3A_2940 = arith.sitofp %parallel_loop3A_2939 : vector<16xi32> to vector<16xf32>
        %parallel_loop3A_2941 = arith.mulf %parallel_loop3A_2940, %parallel_loop3A_2932 : vector<16xf32>
        %parallel_loop3A_2942 = arith.index_cast %rem3A_931 : i32 to index
        %parallel_loop3A_2943 = arith.index_cast %parallel_loop3A_2934 : i32 to index
        %parallel_loop3A_2944 = arith.constant 96 : index
        %parallel_loop3A_2945 = tpu.vector_load %arg10[%parallel_loop3A_2942, %parallel_loop3A_2943, %parallel_loop3A_2944] {strides = array<i32>} : memref<2x128x128xf32, #tpu.memory_space<vmem>>, vector<1x1x16xf32>,
        %parallel_loop3A_2946 = vector.shape_cast %parallel_loop3A_2945 : vector<1x1x16xf32> to vector<16xf32>
        %parallel_loop3A_2947 = vector.shape_cast %parallel_loop3A_2941 : vector<16xf32> to vector<1x1x16xf32>
        tpu.vector_store %arg10[%parallel_loop3A_2942, %parallel_loop3A_2943, %parallel_loop3A_2944], %parallel_loop3A_2947 {strides = array<i32>} : memref<2x128x128xf32, #tpu.memory_space<vmem>>, vector<1x1x16xf32>,
        %parallel_loop3A_2948 = arith.index_cast %rem3A_931 : i32 to index
        %parallel_loop3A_2949 = arith.index_cast %parallel_loop3A_2934 : i32 to index
        %parallel_loop3A_2950 = arith.constant 112 : index
        %parallel_loop3A_2951 = tpu.vector_load %arg7[%parallel_loop3A_2948, %parallel_loop3A_2949, %parallel_loop3A_2950] {strides = array<i32>} : memref<2x128x128xi32, #tpu.memory_space<vmem>>, vector<1x1x16xi32>,
        %parallel_loop3A_2952 = vector.shape_cast %parallel_loop3A_2951 : vector<1x1x16xi32> to vector<16xi32>
        %parallel_loop3A_2953 = arith.sitofp %parallel_loop3A_2952 : vector<16xi32> to vector<16xf32>
        %parallel_loop3A_2954 = arith.mulf %parallel_loop3A_2953, %parallel_loop3A_2932 : vector<16xf32>
        %parallel_loop3A_2955 = arith.index_cast %rem3A_931 : i32 to index
        %parallel_loop3A_2956 = arith.index_cast %parallel_loop3A_2934 : i32 to index
        %parallel_loop3A_2957 = arith.constant 112 : index
        %parallel_loop3A_2958 = tpu.vector_load %arg10[%parallel_loop3A_2955, %parallel_loop3A_2956, %parallel_loop3A_2957] {strides = array<i32>} : memref<2x128x128xf32, #tpu.memory_space<vmem>>, vector<1x1x16xf32>,
        %parallel_loop3A_2959 = vector.shape_cast %parallel_loop3A_2958 : vector<1x1x16xf32> to vector<16xf32>
        %parallel_loop3A_2960 = vector.shape_cast %parallel_loop3A_2954 : vector<16xf32> to vector<1x1x16xf32>
        tpu.vector_store %arg10[%parallel_loop3A_2955, %parallel_loop3A_2956, %parallel_loop3A_2957], %parallel_loop3A_2960 {strides = array<i32>} : memref<2x128x128xf32, #tpu.memory_space<vmem>>, vector<1x1x16xf32>,
        %parallel_loop3A_2961 = arith.constant 11 : i32
        %parallel_loop3A_2962 = vector.broadcast %parallel_loop3A_2961 : i32 to vector<16xi32>
        %parallel_loop3A_2963 = vector.shape_cast %parallel_loop3A_2962 : vector<16xi32> to vector<16x1xi32>
        %parallel_loop3A_2964 = vector.shape_cast %parallel_loop3A_2963 : vector<16x1xi32> to vector<16xi32>
        %parallel_loop3A_2965 = tpu.dynamic_gather %parallel_loop3A_2597[%parallel_loop3A_2964] in [0] : vector<16xf32>, vector<16xi32> -> vector<16xf32>
        %parallel_loop3A_2966 = arith.constant 11 : i32
        %parallel_loop3A_2967 = arith.addi %parallel_loop3A_989, %parallel_loop3A_2966 : i32
        %parallel_loop3A_2968 = arith.index_cast %rem3A_931 : i32 to index
        %parallel_loop3A_2969 = arith.index_cast %parallel_loop3A_2967 : i32 to index
        %parallel_loop3A_2970 = arith.constant 96 : index
        %parallel_loop3A_2971 = tpu.vector_load %arg7[%parallel_loop3A_2968, %parallel_loop3A_2969, %parallel_loop3A_2970] {strides = array<i32>} : memref<2x128x128xi32, #tpu.memory_space<vmem>>, vector<1x1x16xi32>,
        %parallel_loop3A_2972 = vector.shape_cast %parallel_loop3A_2971 : vector<1x1x16xi32> to vector<16xi32>
        %parallel_loop3A_2973 = arith.sitofp %parallel_loop3A_2972 : vector<16xi32> to vector<16xf32>
        %parallel_loop3A_2974 = arith.mulf %parallel_loop3A_2973, %parallel_loop3A_2965 : vector<16xf32>
        %parallel_loop3A_2975 = arith.index_cast %rem3A_931 : i32 to index
        %parallel_loop3A_2976 = arith.index_cast %parallel_loop3A_2967 : i32 to index
        %parallel_loop3A_2977 = arith.constant 96 : index
        %parallel_loop3A_2978 = tpu.vector_load %arg10[%parallel_loop3A_2975, %parallel_loop3A_2976, %parallel_loop3A_2977] {strides = array<i32>} : memref<2x128x128xf32, #tpu.memory_space<vmem>>, vector<1x1x16xf32>,
        %parallel_loop3A_2979 = vector.shape_cast %parallel_loop3A_2978 : vector<1x1x16xf32> to vector<16xf32>
        %parallel_loop3A_2980 = vector.shape_cast %parallel_loop3A_2974 : vector<16xf32> to vector<1x1x16xf32>
        tpu.vector_store %arg10[%parallel_loop3A_2975, %parallel_loop3A_2976, %parallel_loop3A_2977], %parallel_loop3A_2980 {strides = array<i32>} : memref<2x128x128xf32, #tpu.memory_space<vmem>>, vector<1x1x16xf32>,
        %parallel_loop3A_2981 = arith.index_cast %rem3A_931 : i32 to index
        %parallel_loop3A_2982 = arith.index_cast %parallel_loop3A_2967 : i32 to index
        %parallel_loop3A_2983 = arith.constant 112 : index
        %parallel_loop3A_2984 = tpu.vector_load %arg7[%parallel_loop3A_2981, %parallel_loop3A_2982, %parallel_loop3A_2983] {strides = array<i32>} : memref<2x128x128xi32, #tpu.memory_space<vmem>>, vector<1x1x16xi32>,
        %parallel_loop3A_2985 = vector.shape_cast %parallel_loop3A_2984 : vector<1x1x16xi32> to vector<16xi32>
        %parallel_loop3A_2986 = arith.sitofp %parallel_loop3A_2985 : vector<16xi32> to vector<16xf32>
        %parallel_loop3A_2987 = arith.mulf %parallel_loop3A_2986, %parallel_loop3A_2965 : vector<16xf32>
        %parallel_loop3A_2988 = arith.index_cast %rem3A_931 : i32 to index
        %parallel_loop3A_2989 = arith.index_cast %parallel_loop3A_2967 : i32 to index
        %parallel_loop3A_2990 = arith.constant 112 : index
        %parallel_loop3A_2991 = tpu.vector_load %arg10[%parallel_loop3A_2988, %parallel_loop3A_2989, %parallel_loop3A_2990] {strides = array<i32>} : memref<2x128x128xf32, #tpu.memory_space<vmem>>, vector<1x1x16xf32>,
        %parallel_loop3A_2992 = vector.shape_cast %parallel_loop3A_2991 : vector<1x1x16xf32> to vector<16xf32>
        %parallel_loop3A_2993 = vector.shape_cast %parallel_loop3A_2987 : vector<16xf32> to vector<1x1x16xf32>
        tpu.vector_store %arg10[%parallel_loop3A_2988, %parallel_loop3A_2989, %parallel_loop3A_2990], %parallel_loop3A_2993 {strides = array<i32>} : memref<2x128x128xf32, #tpu.memory_space<vmem>>, vector<1x1x16xf32>,
        %parallel_loop3A_2994 = arith.constant 12 : i32
        %parallel_loop3A_2995 = vector.broadcast %parallel_loop3A_2994 : i32 to vector<16xi32>
        %parallel_loop3A_2996 = vector.shape_cast %parallel_loop3A_2995 : vector<16xi32> to vector<16x1xi32>
        %parallel_loop3A_2997 = vector.shape_cast %parallel_loop3A_2996 : vector<16x1xi32> to vector<16xi32>
        %parallel_loop3A_2998 = tpu.dynamic_gather %parallel_loop3A_2597[%parallel_loop3A_2997] in [0] : vector<16xf32>, vector<16xi32> -> vector<16xf32>
        %parallel_loop3A_2999 = arith.constant 12 : i32
        %parallel_loop3A_3000 = arith.addi %parallel_loop3A_989, %parallel_loop3A_2999 : i32
        %parallel_loop3A_3001 = arith.index_cast %rem3A_931 : i32 to index
        %parallel_loop3A_3002 = arith.index_cast %parallel_loop3A_3000 : i32 to index
        %parallel_loop3A_3003 = arith.constant 96 : index
        %parallel_loop3A_3004 = tpu.vector_load %arg7[%parallel_loop3A_3001, %parallel_loop3A_3002, %parallel_loop3A_3003] {strides = array<i32>} : memref<2x128x128xi32, #tpu.memory_space<vmem>>, vector<1x1x16xi32>,
        %parallel_loop3A_3005 = vector.shape_cast %parallel_loop3A_3004 : vector<1x1x16xi32> to vector<16xi32>
        %parallel_loop3A_3006 = arith.sitofp %parallel_loop3A_3005 : vector<16xi32> to vector<16xf32>
        %parallel_loop3A_3007 = arith.mulf %parallel_loop3A_3006, %parallel_loop3A_2998 : vector<16xf32>
        %parallel_loop3A_3008 = arith.index_cast %rem3A_931 : i32 to index
        %parallel_loop3A_3009 = arith.index_cast %parallel_loop3A_3000 : i32 to index
        %parallel_loop3A_3010 = arith.constant 96 : index
        %parallel_loop3A_3011 = tpu.vector_load %arg10[%parallel_loop3A_3008, %parallel_loop3A_3009, %parallel_loop3A_3010] {strides = array<i32>} : memref<2x128x128xf32, #tpu.memory_space<vmem>>, vector<1x1x16xf32>,
        %parallel_loop3A_3012 = vector.shape_cast %parallel_loop3A_3011 : vector<1x1x16xf32> to vector<16xf32>
        %parallel_loop3A_3013 = vector.shape_cast %parallel_loop3A_3007 : vector<16xf32> to vector<1x1x16xf32>
        tpu.vector_store %arg10[%parallel_loop3A_3008, %parallel_loop3A_3009, %parallel_loop3A_3010], %parallel_loop3A_3013 {strides = array<i32>} : memref<2x128x128xf32, #tpu.memory_space<vmem>>, vector<1x1x16xf32>,
        %parallel_loop3A_3014 = arith.index_cast %rem3A_931 : i32 to index
        %parallel_loop3A_3015 = arith.index_cast %parallel_loop3A_3000 : i32 to index
        %parallel_loop3A_3016 = arith.constant 112 : index
        %parallel_loop3A_3017 = tpu.vector_load %arg7[%parallel_loop3A_3014, %parallel_loop3A_3015, %parallel_loop3A_3016] {strides = array<i32>} : memref<2x128x128xi32, #tpu.memory_space<vmem>>, vector<1x1x16xi32>,
        %parallel_loop3A_3018 = vector.shape_cast %parallel_loop3A_3017 : vector<1x1x16xi32> to vector<16xi32>
        %parallel_loop3A_3019 = arith.sitofp %parallel_loop3A_3018 : vector<16xi32> to vector<16xf32>
        %parallel_loop3A_3020 = arith.mulf %parallel_loop3A_3019, %parallel_loop3A_2998 : vector<16xf32>
        %parallel_loop3A_3021 = arith.index_cast %rem3A_931 : i32 to index
        %parallel_loop3A_3022 = arith.index_cast %parallel_loop3A_3000 : i32 to index
        %parallel_loop3A_3023 = arith.constant 112 : index
        %parallel_loop3A_3024 = tpu.vector_load %arg10[%parallel_loop3A_3021, %parallel_loop3A_3022, %parallel_loop3A_3023] {strides = array<i32>} : memref<2x128x128xf32, #tpu.memory_space<vmem>>, vector<1x1x16xf32>,
        %parallel_loop3A_3025 = vector.shape_cast %parallel_loop3A_3024 : vector<1x1x16xf32> to vector<16xf32>
        %parallel_loop3A_3026 = vector.shape_cast %parallel_loop3A_3020 : vector<16xf32> to vector<1x1x16xf32>
        tpu.vector_store %arg10[%parallel_loop3A_3021, %parallel_loop3A_3022, %parallel_loop3A_3023], %parallel_loop3A_3026 {strides = array<i32>} : memref<2x128x128xf32, #tpu.memory_space<vmem>>, vector<1x1x16xf32>,
        %parallel_loop3A_3027 = arith.constant 13 : i32
        %parallel_loop3A_3028 = vector.broadcast %parallel_loop3A_3027 : i32 to vector<16xi32>
        %parallel_loop3A_3029 = vector.shape_cast %parallel_loop3A_3028 : vector<16xi32> to vector<16x1xi32>
        %parallel_loop3A_3030 = vector.shape_cast %parallel_loop3A_3029 : vector<16x1xi32> to vector<16xi32>
        %parallel_loop3A_3031 = tpu.dynamic_gather %parallel_loop3A_2597[%parallel_loop3A_3030] in [0] : vector<16xf32>, vector<16xi32> -> vector<16xf32>
        %parallel_loop3A_3032 = arith.constant 13 : i32
        %parallel_loop3A_3033 = arith.addi %parallel_loop3A_989, %parallel_loop3A_3032 : i32
        %parallel_loop3A_3034 = arith.index_cast %rem3A_931 : i32 to index
        %parallel_loop3A_3035 = arith.index_cast %parallel_loop3A_3033 : i32 to index
        %parallel_loop3A_3036 = arith.constant 96 : index
        %parallel_loop3A_3037 = tpu.vector_load %arg7[%parallel_loop3A_3034, %parallel_loop3A_3035, %parallel_loop3A_3036] {strides = array<i32>} : memref<2x128x128xi32, #tpu.memory_space<vmem>>, vector<1x1x16xi32>,
        %parallel_loop3A_3038 = vector.shape_cast %parallel_loop3A_3037 : vector<1x1x16xi32> to vector<16xi32>
        %parallel_loop3A_3039 = arith.sitofp %parallel_loop3A_3038 : vector<16xi32> to vector<16xf32>
        %parallel_loop3A_3040 = arith.mulf %parallel_loop3A_3039, %parallel_loop3A_3031 : vector<16xf32>
        %parallel_loop3A_3041 = arith.index_cast %rem3A_931 : i32 to index
        %parallel_loop3A_3042 = arith.index_cast %parallel_loop3A_3033 : i32 to index
        %parallel_loop3A_3043 = arith.constant 96 : index
        %parallel_loop3A_3044 = tpu.vector_load %arg10[%parallel_loop3A_3041, %parallel_loop3A_3042, %parallel_loop3A_3043] {strides = array<i32>} : memref<2x128x128xf32, #tpu.memory_space<vmem>>, vector<1x1x16xf32>,
        %parallel_loop3A_3045 = vector.shape_cast %parallel_loop3A_3044 : vector<1x1x16xf32> to vector<16xf32>
        %parallel_loop3A_3046 = vector.shape_cast %parallel_loop3A_3040 : vector<16xf32> to vector<1x1x16xf32>
        tpu.vector_store %arg10[%parallel_loop3A_3041, %parallel_loop3A_3042, %parallel_loop3A_3043], %parallel_loop3A_3046 {strides = array<i32>} : memref<2x128x128xf32, #tpu.memory_space<vmem>>, vector<1x1x16xf32>,
        %parallel_loop3A_3047 = arith.index_cast %rem3A_931 : i32 to index
        %parallel_loop3A_3048 = arith.index_cast %parallel_loop3A_3033 : i32 to index
        %parallel_loop3A_3049 = arith.constant 112 : index
        %parallel_loop3A_3050 = tpu.vector_load %arg7[%parallel_loop3A_3047, %parallel_loop3A_3048, %parallel_loop3A_3049] {strides = array<i32>} : memref<2x128x128xi32, #tpu.memory_space<vmem>>, vector<1x1x16xi32>,
        %parallel_loop3A_3051 = vector.shape_cast %parallel_loop3A_3050 : vector<1x1x16xi32> to vector<16xi32>
        %parallel_loop3A_3052 = arith.sitofp %parallel_loop3A_3051 : vector<16xi32> to vector<16xf32>
        %parallel_loop3A_3053 = arith.mulf %parallel_loop3A_3052, %parallel_loop3A_3031 : vector<16xf32>
        %parallel_loop3A_3054 = arith.index_cast %rem3A_931 : i32 to index
        %parallel_loop3A_3055 = arith.index_cast %parallel_loop3A_3033 : i32 to index
        %parallel_loop3A_3056 = arith.constant 112 : index
        %parallel_loop3A_3057 = tpu.vector_load %arg10[%parallel_loop3A_3054, %parallel_loop3A_3055, %parallel_loop3A_3056] {strides = array<i32>} : memref<2x128x128xf32, #tpu.memory_space<vmem>>, vector<1x1x16xf32>,
        %parallel_loop3A_3058 = vector.shape_cast %parallel_loop3A_3057 : vector<1x1x16xf32> to vector<16xf32>
        %parallel_loop3A_3059 = vector.shape_cast %parallel_loop3A_3053 : vector<16xf32> to vector<1x1x16xf32>
        tpu.vector_store %arg10[%parallel_loop3A_3054, %parallel_loop3A_3055, %parallel_loop3A_3056], %parallel_loop3A_3059 {strides = array<i32>} : memref<2x128x128xf32, #tpu.memory_space<vmem>>, vector<1x1x16xf32>,
        %parallel_loop3A_3060 = arith.constant 14 : i32
        %parallel_loop3A_3061 = vector.broadcast %parallel_loop3A_3060 : i32 to vector<16xi32>
        %parallel_loop3A_3062 = vector.shape_cast %parallel_loop3A_3061 : vector<16xi32> to vector<16x1xi32>
        %parallel_loop3A_3063 = vector.shape_cast %parallel_loop3A_3062 : vector<16x1xi32> to vector<16xi32>
        %parallel_loop3A_3064 = tpu.dynamic_gather %parallel_loop3A_2597[%parallel_loop3A_3063] in [0] : vector<16xf32>, vector<16xi32> -> vector<16xf32>
        %parallel_loop3A_3065 = arith.constant 14 : i32
        %parallel_loop3A_3066 = arith.addi %parallel_loop3A_989, %parallel_loop3A_3065 : i32
        %parallel_loop3A_3067 = arith.index_cast %rem3A_931 : i32 to index
        %parallel_loop3A_3068 = arith.index_cast %parallel_loop3A_3066 : i32 to index
        %parallel_loop3A_3069 = arith.constant 96 : index
        %parallel_loop3A_3070 = tpu.vector_load %arg7[%parallel_loop3A_3067, %parallel_loop3A_3068, %parallel_loop3A_3069] {strides = array<i32>} : memref<2x128x128xi32, #tpu.memory_space<vmem>>, vector<1x1x16xi32>,
        %parallel_loop3A_3071 = vector.shape_cast %parallel_loop3A_3070 : vector<1x1x16xi32> to vector<16xi32>
        %parallel_loop3A_3072 = arith.sitofp %parallel_loop3A_3071 : vector<16xi32> to vector<16xf32>
        %parallel_loop3A_3073 = arith.mulf %parallel_loop3A_3072, %parallel_loop3A_3064 : vector<16xf32>
        %parallel_loop3A_3074 = arith.index_cast %rem3A_931 : i32 to index
        %parallel_loop3A_3075 = arith.index_cast %parallel_loop3A_3066 : i32 to index
        %parallel_loop3A_3076 = arith.constant 96 : index
        %parallel_loop3A_3077 = tpu.vector_load %arg10[%parallel_loop3A_3074, %parallel_loop3A_3075, %parallel_loop3A_3076] {strides = array<i32>} : memref<2x128x128xf32, #tpu.memory_space<vmem>>, vector<1x1x16xf32>,
        %parallel_loop3A_3078 = vector.shape_cast %parallel_loop3A_3077 : vector<1x1x16xf32> to vector<16xf32>
        %parallel_loop3A_3079 = vector.shape_cast %parallel_loop3A_3073 : vector<16xf32> to vector<1x1x16xf32>
        tpu.vector_store %arg10[%parallel_loop3A_3074, %parallel_loop3A_3075, %parallel_loop3A_3076], %parallel_loop3A_3079 {strides = array<i32>} : memref<2x128x128xf32, #tpu.memory_space<vmem>>, vector<1x1x16xf32>,
        %parallel_loop3A_3080 = arith.index_cast %rem3A_931 : i32 to index
        %parallel_loop3A_3081 = arith.index_cast %parallel_loop3A_3066 : i32 to index
        %parallel_loop3A_3082 = arith.constant 112 : index
        %parallel_loop3A_3083 = tpu.vector_load %arg7[%parallel_loop3A_3080, %parallel_loop3A_3081, %parallel_loop3A_3082] {strides = array<i32>} : memref<2x128x128xi32, #tpu.memory_space<vmem>>, vector<1x1x16xi32>,
        %parallel_loop3A_3084 = vector.shape_cast %parallel_loop3A_3083 : vector<1x1x16xi32> to vector<16xi32>
        %parallel_loop3A_3085 = arith.sitofp %parallel_loop3A_3084 : vector<16xi32> to vector<16xf32>
        %parallel_loop3A_3086 = arith.mulf %parallel_loop3A_3085, %parallel_loop3A_3064 : vector<16xf32>
        %parallel_loop3A_3087 = arith.index_cast %rem3A_931 : i32 to index
        %parallel_loop3A_3088 = arith.index_cast %parallel_loop3A_3066 : i32 to index
        %parallel_loop3A_3089 = arith.constant 112 : index
        %parallel_loop3A_3090 = tpu.vector_load %arg10[%parallel_loop3A_3087, %parallel_loop3A_3088, %parallel_loop3A_3089] {strides = array<i32>} : memref<2x128x128xf32, #tpu.memory_space<vmem>>, vector<1x1x16xf32>,
        %parallel_loop3A_3091 = vector.shape_cast %parallel_loop3A_3090 : vector<1x1x16xf32> to vector<16xf32>
        %parallel_loop3A_3092 = vector.shape_cast %parallel_loop3A_3086 : vector<16xf32> to vector<1x1x16xf32>
        tpu.vector_store %arg10[%parallel_loop3A_3087, %parallel_loop3A_3088, %parallel_loop3A_3089], %parallel_loop3A_3092 {strides = array<i32>} : memref<2x128x128xf32, #tpu.memory_space<vmem>>, vector<1x1x16xf32>,
        %parallel_loop3A_3093 = arith.constant 15 : i32
        %parallel_loop3A_3094 = vector.broadcast %parallel_loop3A_3093 : i32 to vector<16xi32>
        %parallel_loop3A_3095 = vector.shape_cast %parallel_loop3A_3094 : vector<16xi32> to vector<16x1xi32>
        %parallel_loop3A_3096 = vector.shape_cast %parallel_loop3A_3095 : vector<16x1xi32> to vector<16xi32>
        %parallel_loop3A_3097 = tpu.dynamic_gather %parallel_loop3A_2597[%parallel_loop3A_3096] in [0] : vector<16xf32>, vector<16xi32> -> vector<16xf32>
        %parallel_loop3A_3098 = arith.constant 15 : i32
        %parallel_loop3A_3099 = arith.addi %parallel_loop3A_989, %parallel_loop3A_3098 : i32
        %parallel_loop3A_3100 = arith.index_cast %rem3A_931 : i32 to index
        %parallel_loop3A_3101 = arith.index_cast %parallel_loop3A_3099 : i32 to index
        %parallel_loop3A_3102 = arith.constant 96 : index
        %parallel_loop3A_3103 = tpu.vector_load %arg7[%parallel_loop3A_3100, %parallel_loop3A_3101, %parallel_loop3A_3102] {strides = array<i32>} : memref<2x128x128xi32, #tpu.memory_space<vmem>>, vector<1x1x16xi32>,
        %parallel_loop3A_3104 = vector.shape_cast %parallel_loop3A_3103 : vector<1x1x16xi32> to vector<16xi32>
        %parallel_loop3A_3105 = arith.sitofp %parallel_loop3A_3104 : vector<16xi32> to vector<16xf32>
        %parallel_loop3A_3106 = arith.mulf %parallel_loop3A_3105, %parallel_loop3A_3097 : vector<16xf32>
        %parallel_loop3A_3107 = arith.index_cast %rem3A_931 : i32 to index
        %parallel_loop3A_3108 = arith.index_cast %parallel_loop3A_3099 : i32 to index
        %parallel_loop3A_3109 = arith.constant 96 : index
        %parallel_loop3A_3110 = tpu.vector_load %arg10[%parallel_loop3A_3107, %parallel_loop3A_3108, %parallel_loop3A_3109] {strides = array<i32>} : memref<2x128x128xf32, #tpu.memory_space<vmem>>, vector<1x1x16xf32>,
        %parallel_loop3A_3111 = vector.shape_cast %parallel_loop3A_3110 : vector<1x1x16xf32> to vector<16xf32>
        %parallel_loop3A_3112 = vector.shape_cast %parallel_loop3A_3106 : vector<16xf32> to vector<1x1x16xf32>
        tpu.vector_store %arg10[%parallel_loop3A_3107, %parallel_loop3A_3108, %parallel_loop3A_3109], %parallel_loop3A_3112 {strides = array<i32>} : memref<2x128x128xf32, #tpu.memory_space<vmem>>, vector<1x1x16xf32>,
        %parallel_loop3A_3113 = arith.index_cast %rem3A_931 : i32 to index
        %parallel_loop3A_3114 = arith.index_cast %parallel_loop3A_3099 : i32 to index
        %parallel_loop3A_3115 = arith.constant 112 : index
        %parallel_loop3A_3116 = tpu.vector_load %arg7[%parallel_loop3A_3113, %parallel_loop3A_3114, %parallel_loop3A_3115] {strides = array<i32>} : memref<2x128x128xi32, #tpu.memory_space<vmem>>, vector<1x1x16xi32>,
        %parallel_loop3A_3117 = vector.shape_cast %parallel_loop3A_3116 : vector<1x1x16xi32> to vector<16xi32>
        %parallel_loop3A_3118 = arith.sitofp %parallel_loop3A_3117 : vector<16xi32> to vector<16xf32>
        %parallel_loop3A_3119 = arith.mulf %parallel_loop3A_3118, %parallel_loop3A_3097 : vector<16xf32>
        %parallel_loop3A_3120 = arith.index_cast %rem3A_931 : i32 to index
        %parallel_loop3A_3121 = arith.index_cast %parallel_loop3A_3099 : i32 to index
        %parallel_loop3A_3122 = arith.constant 112 : index
        %parallel_loop3A_3123 = tpu.vector_load %arg10[%parallel_loop3A_3120, %parallel_loop3A_3121, %parallel_loop3A_3122] {strides = array<i32>} : memref<2x128x128xf32, #tpu.memory_space<vmem>>, vector<1x1x16xf32>,
        %parallel_loop3A_3124 = vector.shape_cast %parallel_loop3A_3123 : vector<1x1x16xf32> to vector<16xf32>
        %parallel_loop3A_3125 = vector.shape_cast %parallel_loop3A_3119 : vector<16xf32> to vector<1x1x16xf32>
        tpu.vector_store %arg10[%parallel_loop3A_3120, %parallel_loop3A_3121, %parallel_loop3A_3122], %parallel_loop3A_3125 {strides = array<i32>} : memref<2x128x128xf32, #tpu.memory_space<vmem>>, vector<1x1x16xf32>,
      } {sc.loop_unroll_factor = 2 : i64, sc.parallel_access}
      %mul3A_964 = arith.constant 128 : i32
      %mul3A_965 = arith.muli %scan3A_930, %mul3A_964 : i32
      %add3A_966 = arith.addi %mul3A_2, %mul3A_965 : i32
      %dma_start3A_967 = arith.constant 0 : i32
      %dma_start3A_968 = arith.constant 0 : i32
      %dma_start3A_969 = tpu.memref_slice %arg10[%rem3A_931, %dma_start3A_967, %dma_start3A_968] : memref<2x128x128xf32, #tpu.memory_space<vmem>> -> memref<1x128x128xf32, #tpu.memory_space<vmem>>
      %dma_start3A_970 = tpu.memref_squeeze %dma_start3A_969 : memref<1x128x128xf32, #tpu.memory_space<vmem>> -> memref<128x128xf32, #tpu.memory_space<vmem>>
      %dma_start3A_971 = arith.constant 0 : i32
      %dma_start3A_972 = tpu.memref_slice %arg5[%add3A_966, %dma_start3A_971] : memref<16384x128xf32, #tpu.memory_space<hbm>> -> memref<128x128xf32, #tpu.memory_space<hbm>>
      %dma_start3A_973 = tpu.memref_slice %arg12[%rem3A_931] : memref<2x!tpu.dma_semaphore, #tpu.memory_space<semaphore_mem>> -> memref<1x!tpu.dma_semaphore, #tpu.memory_space<semaphore_mem>>
      %dma_start3A_974 = tpu.memref_squeeze %dma_start3A_973 : memref<1x!tpu.dma_semaphore, #tpu.memory_space<semaphore_mem>> -> memref<!tpu.dma_semaphore, #tpu.memory_space<semaphore_mem>>
      %dma_start3A_975 = arith.constant 0 : i32
      %dma_start3A_976 = tpu.memref_slice %arg5[%add3A_966, %dma_start3A_975] : memref<16384x128xf32, #tpu.memory_space<hbm>> -> memref<128x128xf32, #tpu.memory_space<hbm>>
      %dma_start3A_977 = arith.constant 0 : i32
      %dma_start3A_978 = arith.constant 0 : i32
      %dma_start3A_979 = tpu.memref_slice %arg10[%rem3A_931, %dma_start3A_977, %dma_start3A_978] : memref<2x128x128xf32, #tpu.memory_space<vmem>> -> memref<1x128x128xf32, #tpu.memory_space<vmem>>
      %dma_start3A_980 = tpu.memref_squeeze %dma_start3A_979 : memref<1x128x128xf32, #tpu.memory_space<vmem>> -> memref<128x128xf32, #tpu.memory_space<vmem>>
      tpu.enqueue_dma source(%dma_start3A_980 : memref<128x128xf32, #tpu.memory_space<vmem>>) target(%dma_start3A_976 : memref<128x128xf32, #tpu.memory_space<hbm>>) target_semaphore(%dma_start3A_974 : memref<!tpu.dma_semaphore, #tpu.memory_space<semaphore_mem>>)
      %add3A_981 = arith.constant 2 : i32
      %add3A_982 = arith.addi %scan3A_930, %add3A_981 : i32
      %lt3A = arith.constant 4 : i32
      %lt3A_983 = arith.cmpi slt, %add3A_982, %lt3A : i32
      %convert_element_type3A_984 = arith.extui %lt3A_983 : i1 to i32
      %cond3A_985 = arith.constant 0 : i32
      %cond3A_986 = arith.cmpi ne, %convert_element_type3A_984, %cond3A_985 : i32
      scf.if %cond3A_986 {
        %add3A_987 = arith.constant 2 : i32
        %add3A_988 = arith.addi %scan3A_930, %add3A_987 : i32
        %mul3A_989 = arith.constant 128 : i32
        %mul3A_990 = arith.muli %add3A_988, %mul3A_989 : i32
        %add3A_991 = arith.constant 0 : i32
        %add3A_992 = arith.addi %mul3A_990, %add3A_991 : i32
        %get3A_993 = arith.index_cast %add3A_992 : i32 to index
        %get3A_994 = tpu.vector_load %arg6[%get3A_993] {strides = array<i32>} : memref<512xi32, #tpu.memory_space<vmem>>, vector<16xi32>,
        %get3A_995 = vector.shape_cast %get3A_994 : vector<16xi32> to vector<16xi32>
        %add3A_996 = arith.constant 0 : i32
        %add3A_997 = vector.broadcast %add3A_996 : i32 to vector<16xi32>
        %add3A_998 = arith.addi %get3A_995, %add3A_997 : vector<16xi32>
        %swap3A_999 = arith.constant 0 : i32
        %swap3A_1000 = arith.index_cast %rem3A_931 : i32 to index
        %swap3A_1001 = arith.index_cast %swap3A_999 : i32 to index
        %swap3A_1002 = arith.constant 0 : index
        %swap3A_1003 = tpu.vector_load %arg8[%swap3A_1000, %swap3A_1001, %swap3A_1002] {strides = array<i32>} : memref<2x4x128xi32, #tpu.memory_space<vmem>>, vector<1x1x16xi32>,
        %swap3A_1004 = vector.shape_cast %swap3A_1003 : vector<1x1x16xi32> to vector<16xi32>
        %swap3A_1005 = vector.shape_cast %add3A_998 : vector<16xi32> to vector<1x1x16xi32>
        tpu.vector_store %arg8[%swap3A_1000, %swap3A_1001, %swap3A_1002], %swap3A_1005 {strides = array<i32>} : memref<2x4x128xi32, #tpu.memory_space<vmem>>, vector<1x1x16xi32>,
        %add3A_1006 = arith.constant 100000 : i32
        %add3A_1007 = vector.broadcast %add3A_1006 : i32 to vector<16xi32>
        %add3A_1008 = arith.addi %get3A_995, %add3A_1007 : vector<16xi32>
        %swap3A_1009 = arith.constant 1 : i32
        %swap3A_1010 = arith.index_cast %rem3A_931 : i32 to index
        %swap3A_1011 = arith.index_cast %swap3A_1009 : i32 to index
        %swap3A_1012 = arith.constant 0 : index
        %swap3A_1013 = tpu.vector_load %arg8[%swap3A_1010, %swap3A_1011, %swap3A_1012] {strides = array<i32>} : memref<2x4x128xi32, #tpu.memory_space<vmem>>, vector<1x1x16xi32>,
        %swap3A_1014 = vector.shape_cast %swap3A_1013 : vector<1x1x16xi32> to vector<16xi32>
        %swap3A_1015 = vector.shape_cast %add3A_1008 : vector<16xi32> to vector<1x1x16xi32>
        tpu.vector_store %arg8[%swap3A_1010, %swap3A_1011, %swap3A_1012], %swap3A_1015 {strides = array<i32>} : memref<2x4x128xi32, #tpu.memory_space<vmem>>, vector<1x1x16xi32>,
        %add3A_1016 = arith.constant 200000 : i32
        %add3A_1017 = vector.broadcast %add3A_1016 : i32 to vector<16xi32>
        %add3A_1018 = arith.addi %get3A_995, %add3A_1017 : vector<16xi32>
        %swap3A_1019 = arith.constant 2 : i32
        %swap3A_1020 = arith.index_cast %rem3A_931 : i32 to index
        %swap3A_1021 = arith.index_cast %swap3A_1019 : i32 to index
        %swap3A_1022 = arith.constant 0 : index
        %swap3A_1023 = tpu.vector_load %arg8[%swap3A_1020, %swap3A_1021, %swap3A_1022] {strides = array<i32>} : memref<2x4x128xi32, #tpu.memory_space<vmem>>, vector<1x1x16xi32>,
        %swap3A_1024 = vector.shape_cast %swap3A_1023 : vector<1x1x16xi32> to vector<16xi32>
        %swap3A_1025 = vector.shape_cast %add3A_1018 : vector<16xi32> to vector<1x1x16xi32>
        tpu.vector_store %arg8[%swap3A_1020, %swap3A_1021, %swap3A_1022], %swap3A_1025 {strides = array<i32>} : memref<2x4x128xi32, #tpu.memory_space<vmem>>, vector<1x1x16xi32>,
        %add3A_1026 = arith.constant 300000 : i32
        %add3A_1027 = vector.broadcast %add3A_1026 : i32 to vector<16xi32>
        %add3A_1028 = arith.addi %get3A_995, %add3A_1027 : vector<16xi32>
        %swap3A_1029 = arith.constant 3 : i32
        %swap3A_1030 = arith.index_cast %rem3A_931 : i32 to index
        %swap3A_1031 = arith.index_cast %swap3A_1029 : i32 to index
        %swap3A_1032 = arith.constant 0 : index
        %swap3A_1033 = tpu.vector_load %arg8[%swap3A_1030, %swap3A_1031, %swap3A_1032] {strides = array<i32>} : memref<2x4x128xi32, #tpu.memory_space<vmem>>, vector<1x1x16xi32>,
        %swap3A_1034 = vector.shape_cast %swap3A_1033 : vector<1x1x16xi32> to vector<16xi32>
        %swap3A_1035 = vector.shape_cast %add3A_1028 : vector<16xi32> to vector<1x1x16xi32>
        tpu.vector_store %arg8[%swap3A_1030, %swap3A_1031, %swap3A_1032], %swap3A_1035 {strides = array<i32>} : memref<2x4x128xi32, #tpu.memory_space<vmem>>, vector<1x1x16xi32>,
        %mul3A_1036 = arith.constant 128 : i32
        %mul3A_1037 = arith.muli %add3A_988, %mul3A_1036 : i32
        %add3A_1038 = arith.constant 16 : i32
        %add3A_1039 = arith.addi %mul3A_1037, %add3A_1038 : i32
        %get3A_1040 = arith.index_cast %add3A_1039 : i32 to index
        %get3A_1041 = tpu.vector_load %arg6[%get3A_1040] {strides = array<i32>} : memref<512xi32, #tpu.memory_space<vmem>>, vector<16xi32>,
        %get3A_1042 = vector.shape_cast %get3A_1041 : vector<16xi32> to vector<16xi32>
        %add3A_1043 = arith.constant 0 : i32
        %add3A_1044 = vector.broadcast %add3A_1043 : i32 to vector<16xi32>
        %add3A_1045 = arith.addi %get3A_1042, %add3A_1044 : vector<16xi32>
        %swap3A_1046 = arith.constant 0 : i32
        %swap3A_1047 = arith.index_cast %rem3A_931 : i32 to index
        %swap3A_1048 = arith.index_cast %swap3A_1046 : i32 to index
        %swap3A_1049 = arith.constant 16 : index
        %swap3A_1050 = tpu.vector_load %arg8[%swap3A_1047, %swap3A_1048, %swap3A_1049] {strides = array<i32>} : memref<2x4x128xi32, #tpu.memory_space<vmem>>, vector<1x1x16xi32>,
        %swap3A_1051 = vector.shape_cast %swap3A_1050 : vector<1x1x16xi32> to vector<16xi32>
        %swap3A_1052 = vector.shape_cast %add3A_1045 : vector<16xi32> to vector<1x1x16xi32>
        tpu.vector_store %arg8[%swap3A_1047, %swap3A_1048, %swap3A_1049], %swap3A_1052 {strides = array<i32>} : memref<2x4x128xi32, #tpu.memory_space<vmem>>, vector<1x1x16xi32>,
        %add3A_1053 = arith.constant 100000 : i32
        %add3A_1054 = vector.broadcast %add3A_1053 : i32 to vector<16xi32>
        %add3A_1055 = arith.addi %get3A_1042, %add3A_1054 : vector<16xi32>
        %swap3A_1056 = arith.constant 1 : i32
        %swap3A_1057 = arith.index_cast %rem3A_931 : i32 to index
        %swap3A_1058 = arith.index_cast %swap3A_1056 : i32 to index
        %swap3A_1059 = arith.constant 16 : index
        %swap3A_1060 = tpu.vector_load %arg8[%swap3A_1057, %swap3A_1058, %swap3A_1059] {strides = array<i32>} : memref<2x4x128xi32, #tpu.memory_space<vmem>>, vector<1x1x16xi32>,
        %swap3A_1061 = vector.shape_cast %swap3A_1060 : vector<1x1x16xi32> to vector<16xi32>
        %swap3A_1062 = vector.shape_cast %add3A_1055 : vector<16xi32> to vector<1x1x16xi32>
        tpu.vector_store %arg8[%swap3A_1057, %swap3A_1058, %swap3A_1059], %swap3A_1062 {strides = array<i32>} : memref<2x4x128xi32, #tpu.memory_space<vmem>>, vector<1x1x16xi32>,
        %add3A_1063 = arith.constant 200000 : i32
        %add3A_1064 = vector.broadcast %add3A_1063 : i32 to vector<16xi32>
        %add3A_1065 = arith.addi %get3A_1042, %add3A_1064 : vector<16xi32>
        %swap3A_1066 = arith.constant 2 : i32
        %swap3A_1067 = arith.index_cast %rem3A_931 : i32 to index
        %swap3A_1068 = arith.index_cast %swap3A_1066 : i32 to index
        %swap3A_1069 = arith.constant 16 : index
        %swap3A_1070 = tpu.vector_load %arg8[%swap3A_1067, %swap3A_1068, %swap3A_1069] {strides = array<i32>} : memref<2x4x128xi32, #tpu.memory_space<vmem>>, vector<1x1x16xi32>,
        %swap3A_1071 = vector.shape_cast %swap3A_1070 : vector<1x1x16xi32> to vector<16xi32>
        %swap3A_1072 = vector.shape_cast %add3A_1065 : vector<16xi32> to vector<1x1x16xi32>
        tpu.vector_store %arg8[%swap3A_1067, %swap3A_1068, %swap3A_1069], %swap3A_1072 {strides = array<i32>} : memref<2x4x128xi32, #tpu.memory_space<vmem>>, vector<1x1x16xi32>,
        %add3A_1073 = arith.constant 300000 : i32
        %add3A_1074 = vector.broadcast %add3A_1073 : i32 to vector<16xi32>
        %add3A_1075 = arith.addi %get3A_1042, %add3A_1074 : vector<16xi32>
        %swap3A_1076 = arith.constant 3 : i32
        %swap3A_1077 = arith.index_cast %rem3A_931 : i32 to index
        %swap3A_1078 = arith.index_cast %swap3A_1076 : i32 to index
        %swap3A_1079 = arith.constant 16 : index
        %swap3A_1080 = tpu.vector_load %arg8[%swap3A_1077, %swap3A_1078, %swap3A_1079] {strides = array<i32>} : memref<2x4x128xi32, #tpu.memory_space<vmem>>, vector<1x1x16xi32>,
        %swap3A_1081 = vector.shape_cast %swap3A_1080 : vector<1x1x16xi32> to vector<16xi32>
        %swap3A_1082 = vector.shape_cast %add3A_1075 : vector<16xi32> to vector<1x1x16xi32>
        tpu.vector_store %arg8[%swap3A_1077, %swap3A_1078, %swap3A_1079], %swap3A_1082 {strides = array<i32>} : memref<2x4x128xi32, #tpu.memory_space<vmem>>, vector<1x1x16xi32>,
        %mul3A_1083 = arith.constant 128 : i32
        %mul3A_1084 = arith.muli %add3A_988, %mul3A_1083 : i32
        %add3A_1085 = arith.constant 32 : i32
        %add3A_1086 = arith.addi %mul3A_1084, %add3A_1085 : i32
        %get3A_1087 = arith.index_cast %add3A_1086 : i32 to index
        %get3A_1088 = tpu.vector_load %arg6[%get3A_1087] {strides = array<i32>} : memref<512xi32, #tpu.memory_space<vmem>>, vector<16xi32>,
        %get3A_1089 = vector.shape_cast %get3A_1088 : vector<16xi32> to vector<16xi32>
        %add3A_1090 = arith.constant 0 : i32
        %add3A_1091 = vector.broadcast %add3A_1090 : i32 to vector<16xi32>
        %add3A_1092 = arith.addi %get3A_1089, %add3A_1091 : vector<16xi32>
        %swap3A_1093 = arith.constant 0 : i32
        %swap3A_1094 = arith.index_cast %rem3A_931 : i32 to index
        %swap3A_1095 = arith.index_cast %swap3A_1093 : i32 to index
        %swap3A_1096 = arith.constant 32 : index
        %swap3A_1097 = tpu.vector_load %arg8[%swap3A_1094, %swap3A_1095, %swap3A_1096] {strides = array<i32>} : memref<2x4x128xi32, #tpu.memory_space<vmem>>, vector<1x1x16xi32>,
        %swap3A_1098 = vector.shape_cast %swap3A_1097 : vector<1x1x16xi32> to vector<16xi32>
        %swap3A_1099 = vector.shape_cast %add3A_1092 : vector<16xi32> to vector<1x1x16xi32>
        tpu.vector_store %arg8[%swap3A_1094, %swap3A_1095, %swap3A_1096], %swap3A_1099 {strides = array<i32>} : memref<2x4x128xi32, #tpu.memory_space<vmem>>, vector<1x1x16xi32>,
        %add3A_1100 = arith.constant 100000 : i32
        %add3A_1101 = vector.broadcast %add3A_1100 : i32 to vector<16xi32>
        %add3A_1102 = arith.addi %get3A_1089, %add3A_1101 : vector<16xi32>
        %swap3A_1103 = arith.constant 1 : i32
        %swap3A_1104 = arith.index_cast %rem3A_931 : i32 to index
        %swap3A_1105 = arith.index_cast %swap3A_1103 : i32 to index
        %swap3A_1106 = arith.constant 32 : index
        %swap3A_1107 = tpu.vector_load %arg8[%swap3A_1104, %swap3A_1105, %swap3A_1106] {strides = array<i32>} : memref<2x4x128xi32, #tpu.memory_space<vmem>>, vector<1x1x16xi32>,
        %swap3A_1108 = vector.shape_cast %swap3A_1107 : vector<1x1x16xi32> to vector<16xi32>
        %swap3A_1109 = vector.shape_cast %add3A_1102 : vector<16xi32> to vector<1x1x16xi32>
        tpu.vector_store %arg8[%swap3A_1104, %swap3A_1105, %swap3A_1106], %swap3A_1109 {strides = array<i32>} : memref<2x4x128xi32, #tpu.memory_space<vmem>>, vector<1x1x16xi32>,
        %add3A_1110 = arith.constant 200000 : i32
        %add3A_1111 = vector.broadcast %add3A_1110 : i32 to vector<16xi32>
        %add3A_1112 = arith.addi %get3A_1089, %add3A_1111 : vector<16xi32>
        %swap3A_1113 = arith.constant 2 : i32
        %swap3A_1114 = arith.index_cast %rem3A_931 : i32 to index
        %swap3A_1115 = arith.index_cast %swap3A_1113 : i32 to index
        %swap3A_1116 = arith.constant 32 : index
        %swap3A_1117 = tpu.vector_load %arg8[%swap3A_1114, %swap3A_1115, %swap3A_1116] {strides = array<i32>} : memref<2x4x128xi32, #tpu.memory_space<vmem>>, vector<1x1x16xi32>,
        %swap3A_1118 = vector.shape_cast %swap3A_1117 : vector<1x1x16xi32> to vector<16xi32>
        %swap3A_1119 = vector.shape_cast %add3A_1112 : vector<16xi32> to vector<1x1x16xi32>
        tpu.vector_store %arg8[%swap3A_1114, %swap3A_1115, %swap3A_1116], %swap3A_1119 {strides = array<i32>} : memref<2x4x128xi32, #tpu.memory_space<vmem>>, vector<1x1x16xi32>,
        %add3A_1120 = arith.constant 300000 : i32
        %add3A_1121 = vector.broadcast %add3A_1120 : i32 to vector<16xi32>
        %add3A_1122 = arith.addi %get3A_1089, %add3A_1121 : vector<16xi32>
        %swap3A_1123 = arith.constant 3 : i32
        %swap3A_1124 = arith.index_cast %rem3A_931 : i32 to index
        %swap3A_1125 = arith.index_cast %swap3A_1123 : i32 to index
        %swap3A_1126 = arith.constant 32 : index
        %swap3A_1127 = tpu.vector_load %arg8[%swap3A_1124, %swap3A_1125, %swap3A_1126] {strides = array<i32>} : memref<2x4x128xi32, #tpu.memory_space<vmem>>, vector<1x1x16xi32>,
        %swap3A_1128 = vector.shape_cast %swap3A_1127 : vector<1x1x16xi32> to vector<16xi32>
        %swap3A_1129 = vector.shape_cast %add3A_1122 : vector<16xi32> to vector<1x1x16xi32>
        tpu.vector_store %arg8[%swap3A_1124, %swap3A_1125, %swap3A_1126], %swap3A_1129 {strides = array<i32>} : memref<2x4x128xi32, #tpu.memory_space<vmem>>, vector<1x1x16xi32>,
        %mul3A_1130 = arith.constant 128 : i32
        %mul3A_1131 = arith.muli %add3A_988, %mul3A_1130 : i32
        %add3A_1132 = arith.constant 48 : i32
        %add3A_1133 = arith.addi %mul3A_1131, %add3A_1132 : i32
        %get3A_1134 = arith.index_cast %add3A_1133 : i32 to index
        %get3A_1135 = tpu.vector_load %arg6[%get3A_1134] {strides = array<i32>} : memref<512xi32, #tpu.memory_space<vmem>>, vector<16xi32>,
        %get3A_1136 = vector.shape_cast %get3A_1135 : vector<16xi32> to vector<16xi32>
        %add3A_1137 = arith.constant 0 : i32
        %add3A_1138 = vector.broadcast %add3A_1137 : i32 to vector<16xi32>
        %add3A_1139 = arith.addi %get3A_1136, %add3A_1138 : vector<16xi32>
        %swap3A_1140 = arith.constant 0 : i32
        %swap3A_1141 = arith.index_cast %rem3A_931 : i32 to index
        %swap3A_1142 = arith.index_cast %swap3A_1140 : i32 to index
        %swap3A_1143 = arith.constant 48 : index
        %swap3A_1144 = tpu.vector_load %arg8[%swap3A_1141, %swap3A_1142, %swap3A_1143] {strides = array<i32>} : memref<2x4x128xi32, #tpu.memory_space<vmem>>, vector<1x1x16xi32>,
        %swap3A_1145 = vector.shape_cast %swap3A_1144 : vector<1x1x16xi32> to vector<16xi32>
        %swap3A_1146 = vector.shape_cast %add3A_1139 : vector<16xi32> to vector<1x1x16xi32>
        tpu.vector_store %arg8[%swap3A_1141, %swap3A_1142, %swap3A_1143], %swap3A_1146 {strides = array<i32>} : memref<2x4x128xi32, #tpu.memory_space<vmem>>, vector<1x1x16xi32>,
        %add3A_1147 = arith.constant 100000 : i32
        %add3A_1148 = vector.broadcast %add3A_1147 : i32 to vector<16xi32>
        %add3A_1149 = arith.addi %get3A_1136, %add3A_1148 : vector<16xi32>
        %swap3A_1150 = arith.constant 1 : i32
        %swap3A_1151 = arith.index_cast %rem3A_931 : i32 to index
        %swap3A_1152 = arith.index_cast %swap3A_1150 : i32 to index
        %swap3A_1153 = arith.constant 48 : index
        %swap3A_1154 = tpu.vector_load %arg8[%swap3A_1151, %swap3A_1152, %swap3A_1153] {strides = array<i32>} : memref<2x4x128xi32, #tpu.memory_space<vmem>>, vector<1x1x16xi32>,
        %swap3A_1155 = vector.shape_cast %swap3A_1154 : vector<1x1x16xi32> to vector<16xi32>
        %swap3A_1156 = vector.shape_cast %add3A_1149 : vector<16xi32> to vector<1x1x16xi32>
        tpu.vector_store %arg8[%swap3A_1151, %swap3A_1152, %swap3A_1153], %swap3A_1156 {strides = array<i32>} : memref<2x4x128xi32, #tpu.memory_space<vmem>>, vector<1x1x16xi32>,
        %add3A_1157 = arith.constant 200000 : i32
        %add3A_1158 = vector.broadcast %add3A_1157 : i32 to vector<16xi32>
        %add3A_1159 = arith.addi %get3A_1136, %add3A_1158 : vector<16xi32>
        %swap3A_1160 = arith.constant 2 : i32
        %swap3A_1161 = arith.index_cast %rem3A_931 : i32 to index
        %swap3A_1162 = arith.index_cast %swap3A_1160 : i32 to index
        %swap3A_1163 = arith.constant 48 : index
        %swap3A_1164 = tpu.vector_load %arg8[%swap3A_1161, %swap3A_1162, %swap3A_1163] {strides = array<i32>} : memref<2x4x128xi32, #tpu.memory_space<vmem>>, vector<1x1x16xi32>,
        %swap3A_1165 = vector.shape_cast %swap3A_1164 : vector<1x1x16xi32> to vector<16xi32>
        %swap3A_1166 = vector.shape_cast %add3A_1159 : vector<16xi32> to vector<1x1x16xi32>
        tpu.vector_store %arg8[%swap3A_1161, %swap3A_1162, %swap3A_1163], %swap3A_1166 {strides = array<i32>} : memref<2x4x128xi32, #tpu.memory_space<vmem>>, vector<1x1x16xi32>,
        %add3A_1167 = arith.constant 300000 : i32
        %add3A_1168 = vector.broadcast %add3A_1167 : i32 to vector<16xi32>
        %add3A_1169 = arith.addi %get3A_1136, %add3A_1168 : vector<16xi32>
        %swap3A_1170 = arith.constant 3 : i32
        %swap3A_1171 = arith.index_cast %rem3A_931 : i32 to index
        %swap3A_1172 = arith.index_cast %swap3A_1170 : i32 to index
        %swap3A_1173 = arith.constant 48 : index
        %swap3A_1174 = tpu.vector_load %arg8[%swap3A_1171, %swap3A_1172, %swap3A_1173] {strides = array<i32>} : memref<2x4x128xi32, #tpu.memory_space<vmem>>, vector<1x1x16xi32>,
        %swap3A_1175 = vector.shape_cast %swap3A_1174 : vector<1x1x16xi32> to vector<16xi32>
        %swap3A_1176 = vector.shape_cast %add3A_1169 : vector<16xi32> to vector<1x1x16xi32>
        tpu.vector_store %arg8[%swap3A_1171, %swap3A_1172, %swap3A_1173], %swap3A_1176 {strides = array<i32>} : memref<2x4x128xi32, #tpu.memory_space<vmem>>, vector<1x1x16xi32>,
        %mul3A_1177 = arith.constant 128 : i32
        %mul3A_1178 = arith.muli %add3A_988, %mul3A_1177 : i32
        %add3A_1179 = arith.constant 64 : i32
        %add3A_1180 = arith.addi %mul3A_1178, %add3A_1179 : i32
        %get3A_1181 = arith.index_cast %add3A_1180 : i32 to index
        %get3A_1182 = tpu.vector_load %arg6[%get3A_1181] {strides = array<i32>} : memref<512xi32, #tpu.memory_space<vmem>>, vector<16xi32>,
        %get3A_1183 = vector.shape_cast %get3A_1182 : vector<16xi32> to vector<16xi32>
        %add3A_1184 = arith.constant 0 : i32
        %add3A_1185 = vector.broadcast %add3A_1184 : i32 to vector<16xi32>
        %add3A_1186 = arith.addi %get3A_1183, %add3A_1185 : vector<16xi32>
        %swap3A_1187 = arith.constant 0 : i32
        %swap3A_1188 = arith.index_cast %rem3A_931 : i32 to index
        %swap3A_1189 = arith.index_cast %swap3A_1187 : i32 to index
        %swap3A_1190 = arith.constant 64 : index
        %swap3A_1191 = tpu.vector_load %arg8[%swap3A_1188, %swap3A_1189, %swap3A_1190] {strides = array<i32>} : memref<2x4x128xi32, #tpu.memory_space<vmem>>, vector<1x1x16xi32>,
        %swap3A_1192 = vector.shape_cast %swap3A_1191 : vector<1x1x16xi32> to vector<16xi32>
        %swap3A_1193 = vector.shape_cast %add3A_1186 : vector<16xi32> to vector<1x1x16xi32>
        tpu.vector_store %arg8[%swap3A_1188, %swap3A_1189, %swap3A_1190], %swap3A_1193 {strides = array<i32>} : memref<2x4x128xi32, #tpu.memory_space<vmem>>, vector<1x1x16xi32>,
        %add3A_1194 = arith.constant 100000 : i32
        %add3A_1195 = vector.broadcast %add3A_1194 : i32 to vector<16xi32>
        %add3A_1196 = arith.addi %get3A_1183, %add3A_1195 : vector<16xi32>
        %swap3A_1197 = arith.constant 1 : i32
        %swap3A_1198 = arith.index_cast %rem3A_931 : i32 to index
        %swap3A_1199 = arith.index_cast %swap3A_1197 : i32 to index
        %swap3A_1200 = arith.constant 64 : index
        %swap3A_1201 = tpu.vector_load %arg8[%swap3A_1198, %swap3A_1199, %swap3A_1200] {strides = array<i32>} : memref<2x4x128xi32, #tpu.memory_space<vmem>>, vector<1x1x16xi32>,
        %swap3A_1202 = vector.shape_cast %swap3A_1201 : vector<1x1x16xi32> to vector<16xi32>
        %swap3A_1203 = vector.shape_cast %add3A_1196 : vector<16xi32> to vector<1x1x16xi32>
        tpu.vector_store %arg8[%swap3A_1198, %swap3A_1199, %swap3A_1200], %swap3A_1203 {strides = array<i32>} : memref<2x4x128xi32, #tpu.memory_space<vmem>>, vector<1x1x16xi32>,
        %add3A_1204 = arith.constant 200000 : i32
        %add3A_1205 = vector.broadcast %add3A_1204 : i32 to vector<16xi32>
        %add3A_1206 = arith.addi %get3A_1183, %add3A_1205 : vector<16xi32>
        %swap3A_1207 = arith.constant 2 : i32
        %swap3A_1208 = arith.index_cast %rem3A_931 : i32 to index
        %swap3A_1209 = arith.index_cast %swap3A_1207 : i32 to index
        %swap3A_1210 = arith.constant 64 : index
        %swap3A_1211 = tpu.vector_load %arg8[%swap3A_1208, %swap3A_1209, %swap3A_1210] {strides = array<i32>} : memref<2x4x128xi32, #tpu.memory_space<vmem>>, vector<1x1x16xi32>,
        %swap3A_1212 = vector.shape_cast %swap3A_1211 : vector<1x1x16xi32> to vector<16xi32>
        %swap3A_1213 = vector.shape_cast %add3A_1206 : vector<16xi32> to vector<1x1x16xi32>
        tpu.vector_store %arg8[%swap3A_1208, %swap3A_1209, %swap3A_1210], %swap3A_1213 {strides = array<i32>} : memref<2x4x128xi32, #tpu.memory_space<vmem>>, vector<1x1x16xi32>,
        %add3A_1214 = arith.constant 300000 : i32
        %add3A_1215 = vector.broadcast %add3A_1214 : i32 to vector<16xi32>
        %add3A_1216 = arith.addi %get3A_1183, %add3A_1215 : vector<16xi32>
        %swap3A_1217 = arith.constant 3 : i32
        %swap3A_1218 = arith.index_cast %rem3A_931 : i32 to index
        %swap3A_1219 = arith.index_cast %swap3A_1217 : i32 to index
        %swap3A_1220 = arith.constant 64 : index
        %swap3A_1221 = tpu.vector_load %arg8[%swap3A_1218, %swap3A_1219, %swap3A_1220] {strides = array<i32>} : memref<2x4x128xi32, #tpu.memory_space<vmem>>, vector<1x1x16xi32>,
        %swap3A_1222 = vector.shape_cast %swap3A_1221 : vector<1x1x16xi32> to vector<16xi32>
        %swap3A_1223 = vector.shape_cast %add3A_1216 : vector<16xi32> to vector<1x1x16xi32>
        tpu.vector_store %arg8[%swap3A_1218, %swap3A_1219, %swap3A_1220], %swap3A_1223 {strides = array<i32>} : memref<2x4x128xi32, #tpu.memory_space<vmem>>, vector<1x1x16xi32>,
        %mul3A_1224 = arith.constant 128 : i32
        %mul3A_1225 = arith.muli %add3A_988, %mul3A_1224 : i32
        %add3A_1226 = arith.constant 80 : i32
        %add3A_1227 = arith.addi %mul3A_1225, %add3A_1226 : i32
        %get3A_1228 = arith.index_cast %add3A_1227 : i32 to index
        %get3A_1229 = tpu.vector_load %arg6[%get3A_1228] {strides = array<i32>} : memref<512xi32, #tpu.memory_space<vmem>>, vector<16xi32>,
        %get3A_1230 = vector.shape_cast %get3A_1229 : vector<16xi32> to vector<16xi32>
        %add3A_1231 = arith.constant 0 : i32
        %add3A_1232 = vector.broadcast %add3A_1231 : i32 to vector<16xi32>
        %add3A_1233 = arith.addi %get3A_1230, %add3A_1232 : vector<16xi32>
        %swap3A_1234 = arith.constant 0 : i32
        %swap3A_1235 = arith.index_cast %rem3A_931 : i32 to index
        %swap3A_1236 = arith.index_cast %swap3A_1234 : i32 to index
        %swap3A_1237 = arith.constant 80 : index
        %swap3A_1238 = tpu.vector_load %arg8[%swap3A_1235, %swap3A_1236, %swap3A_1237] {strides = array<i32>} : memref<2x4x128xi32, #tpu.memory_space<vmem>>, vector<1x1x16xi32>,
        %swap3A_1239 = vector.shape_cast %swap3A_1238 : vector<1x1x16xi32> to vector<16xi32>
        %swap3A_1240 = vector.shape_cast %add3A_1233 : vector<16xi32> to vector<1x1x16xi32>
        tpu.vector_store %arg8[%swap3A_1235, %swap3A_1236, %swap3A_1237], %swap3A_1240 {strides = array<i32>} : memref<2x4x128xi32, #tpu.memory_space<vmem>>, vector<1x1x16xi32>,
        %add3A_1241 = arith.constant 100000 : i32
        %add3A_1242 = vector.broadcast %add3A_1241 : i32 to vector<16xi32>
        %add3A_1243 = arith.addi %get3A_1230, %add3A_1242 : vector<16xi32>
        %swap3A_1244 = arith.constant 1 : i32
        %swap3A_1245 = arith.index_cast %rem3A_931 : i32 to index
        %swap3A_1246 = arith.index_cast %swap3A_1244 : i32 to index
        %swap3A_1247 = arith.constant 80 : index
        %swap3A_1248 = tpu.vector_load %arg8[%swap3A_1245, %swap3A_1246, %swap3A_1247] {strides = array<i32>} : memref<2x4x128xi32, #tpu.memory_space<vmem>>, vector<1x1x16xi32>,
        %swap3A_1249 = vector.shape_cast %swap3A_1248 : vector<1x1x16xi32> to vector<16xi32>
        %swap3A_1250 = vector.shape_cast %add3A_1243 : vector<16xi32> to vector<1x1x16xi32>
        tpu.vector_store %arg8[%swap3A_1245, %swap3A_1246, %swap3A_1247], %swap3A_1250 {strides = array<i32>} : memref<2x4x128xi32, #tpu.memory_space<vmem>>, vector<1x1x16xi32>,
        %add3A_1251 = arith.constant 200000 : i32
        %add3A_1252 = vector.broadcast %add3A_1251 : i32 to vector<16xi32>
        %add3A_1253 = arith.addi %get3A_1230, %add3A_1252 : vector<16xi32>
        %swap3A_1254 = arith.constant 2 : i32
        %swap3A_1255 = arith.index_cast %rem3A_931 : i32 to index
        %swap3A_1256 = arith.index_cast %swap3A_1254 : i32 to index
        %swap3A_1257 = arith.constant 80 : index
        %swap3A_1258 = tpu.vector_load %arg8[%swap3A_1255, %swap3A_1256, %swap3A_1257] {strides = array<i32>} : memref<2x4x128xi32, #tpu.memory_space<vmem>>, vector<1x1x16xi32>,
        %swap3A_1259 = vector.shape_cast %swap3A_1258 : vector<1x1x16xi32> to vector<16xi32>
        %swap3A_1260 = vector.shape_cast %add3A_1253 : vector<16xi32> to vector<1x1x16xi32>
        tpu.vector_store %arg8[%swap3A_1255, %swap3A_1256, %swap3A_1257], %swap3A_1260 {strides = array<i32>} : memref<2x4x128xi32, #tpu.memory_space<vmem>>, vector<1x1x16xi32>,
        %add3A_1261 = arith.constant 300000 : i32
        %add3A_1262 = vector.broadcast %add3A_1261 : i32 to vector<16xi32>
        %add3A_1263 = arith.addi %get3A_1230, %add3A_1262 : vector<16xi32>
        %swap3A_1264 = arith.constant 3 : i32
        %swap3A_1265 = arith.index_cast %rem3A_931 : i32 to index
        %swap3A_1266 = arith.index_cast %swap3A_1264 : i32 to index
        %swap3A_1267 = arith.constant 80 : index
        %swap3A_1268 = tpu.vector_load %arg8[%swap3A_1265, %swap3A_1266, %swap3A_1267] {strides = array<i32>} : memref<2x4x128xi32, #tpu.memory_space<vmem>>, vector<1x1x16xi32>,
        %swap3A_1269 = vector.shape_cast %swap3A_1268 : vector<1x1x16xi32> to vector<16xi32>
        %swap3A_1270 = vector.shape_cast %add3A_1263 : vector<16xi32> to vector<1x1x16xi32>
        tpu.vector_store %arg8[%swap3A_1265, %swap3A_1266, %swap3A_1267], %swap3A_1270 {strides = array<i32>} : memref<2x4x128xi32, #tpu.memory_space<vmem>>, vector<1x1x16xi32>,
        %mul3A_1271 = arith.constant 128 : i32
        %mul3A_1272 = arith.muli %add3A_988, %mul3A_1271 : i32
        %add3A_1273 = arith.constant 96 : i32
        %add3A_1274 = arith.addi %mul3A_1272, %add3A_1273 : i32
        %get3A_1275 = arith.index_cast %add3A_1274 : i32 to index
        %get3A_1276 = tpu.vector_load %arg6[%get3A_1275] {strides = array<i32>} : memref<512xi32, #tpu.memory_space<vmem>>, vector<16xi32>,
        %get3A_1277 = vector.shape_cast %get3A_1276 : vector<16xi32> to vector<16xi32>
        %add3A_1278 = arith.constant 0 : i32
        %add3A_1279 = vector.broadcast %add3A_1278 : i32 to vector<16xi32>
        %add3A_1280 = arith.addi %get3A_1277, %add3A_1279 : vector<16xi32>
        %swap3A_1281 = arith.constant 0 : i32
        %swap3A_1282 = arith.index_cast %rem3A_931 : i32 to index
        %swap3A_1283 = arith.index_cast %swap3A_1281 : i32 to index
        %swap3A_1284 = arith.constant 96 : index
        %swap3A_1285 = tpu.vector_load %arg8[%swap3A_1282, %swap3A_1283, %swap3A_1284] {strides = array<i32>} : memref<2x4x128xi32, #tpu.memory_space<vmem>>, vector<1x1x16xi32>,
        %swap3A_1286 = vector.shape_cast %swap3A_1285 : vector<1x1x16xi32> to vector<16xi32>
        %swap3A_1287 = vector.shape_cast %add3A_1280 : vector<16xi32> to vector<1x1x16xi32>
        tpu.vector_store %arg8[%swap3A_1282, %swap3A_1283, %swap3A_1284], %swap3A_1287 {strides = array<i32>} : memref<2x4x128xi32, #tpu.memory_space<vmem>>, vector<1x1x16xi32>,
        %add3A_1288 = arith.constant 100000 : i32
        %add3A_1289 = vector.broadcast %add3A_1288 : i32 to vector<16xi32>
        %add3A_1290 = arith.addi %get3A_1277, %add3A_1289 : vector<16xi32>
        %swap3A_1291 = arith.constant 1 : i32
        %swap3A_1292 = arith.index_cast %rem3A_931 : i32 to index
        %swap3A_1293 = arith.index_cast %swap3A_1291 : i32 to index
        %swap3A_1294 = arith.constant 96 : index
        %swap3A_1295 = tpu.vector_load %arg8[%swap3A_1292, %swap3A_1293, %swap3A_1294] {strides = array<i32>} : memref<2x4x128xi32, #tpu.memory_space<vmem>>, vector<1x1x16xi32>,
        %swap3A_1296 = vector.shape_cast %swap3A_1295 : vector<1x1x16xi32> to vector<16xi32>
        %swap3A_1297 = vector.shape_cast %add3A_1290 : vector<16xi32> to vector<1x1x16xi32>
        tpu.vector_store %arg8[%swap3A_1292, %swap3A_1293, %swap3A_1294], %swap3A_1297 {strides = array<i32>} : memref<2x4x128xi32, #tpu.memory_space<vmem>>, vector<1x1x16xi32>,
        %add3A_1298 = arith.constant 200000 : i32
        %add3A_1299 = vector.broadcast %add3A_1298 : i32 to vector<16xi32>
        %add3A_1300 = arith.addi %get3A_1277, %add3A_1299 : vector<16xi32>
        %swap3A_1301 = arith.constant 2 : i32
        %swap3A_1302 = arith.index_cast %rem3A_931 : i32 to index
        %swap3A_1303 = arith.index_cast %swap3A_1301 : i32 to index
        %swap3A_1304 = arith.constant 96 : index
        %swap3A_1305 = tpu.vector_load %arg8[%swap3A_1302, %swap3A_1303, %swap3A_1304] {strides = array<i32>} : memref<2x4x128xi32, #tpu.memory_space<vmem>>, vector<1x1x16xi32>,
        %swap3A_1306 = vector.shape_cast %swap3A_1305 : vector<1x1x16xi32> to vector<16xi32>
        %swap3A_1307 = vector.shape_cast %add3A_1300 : vector<16xi32> to vector<1x1x16xi32>
        tpu.vector_store %arg8[%swap3A_1302, %swap3A_1303, %swap3A_1304], %swap3A_1307 {strides = array<i32>} : memref<2x4x128xi32, #tpu.memory_space<vmem>>, vector<1x1x16xi32>,
        %add3A_1308 = arith.constant 300000 : i32
        %add3A_1309 = vector.broadcast %add3A_1308 : i32 to vector<16xi32>
        %add3A_1310 = arith.addi %get3A_1277, %add3A_1309 : vector<16xi32>
        %swap3A_1311 = arith.constant 3 : i32
        %swap3A_1312 = arith.index_cast %rem3A_931 : i32 to index
        %swap3A_1313 = arith.index_cast %swap3A_1311 : i32 to index
        %swap3A_1314 = arith.constant 96 : index
        %swap3A_1315 = tpu.vector_load %arg8[%swap3A_1312, %swap3A_1313, %swap3A_1314] {strides = array<i32>} : memref<2x4x128xi32, #tpu.memory_space<vmem>>, vector<1x1x16xi32>,
        %swap3A_1316 = vector.shape_cast %swap3A_1315 : vector<1x1x16xi32> to vector<16xi32>
        %swap3A_1317 = vector.shape_cast %add3A_1310 : vector<16xi32> to vector<1x1x16xi32>
        tpu.vector_store %arg8[%swap3A_1312, %swap3A_1313, %swap3A_1314], %swap3A_1317 {strides = array<i32>} : memref<2x4x128xi32, #tpu.memory_space<vmem>>, vector<1x1x16xi32>,
        %mul3A_1318 = arith.constant 128 : i32
        %mul3A_1319 = arith.muli %add3A_988, %mul3A_1318 : i32
        %add3A_1320 = arith.constant 112 : i32
        %add3A_1321 = arith.addi %mul3A_1319, %add3A_1320 : i32
        %get3A_1322 = arith.index_cast %add3A_1321 : i32 to index
        %get3A_1323 = tpu.vector_load %arg6[%get3A_1322] {strides = array<i32>} : memref<512xi32, #tpu.memory_space<vmem>>, vector<16xi32>,
        %get3A_1324 = vector.shape_cast %get3A_1323 : vector<16xi32> to vector<16xi32>
        %add3A_1325 = arith.constant 0 : i32
        %add3A_1326 = vector.broadcast %add3A_1325 : i32 to vector<16xi32>
        %add3A_1327 = arith.addi %get3A_1324, %add3A_1326 : vector<16xi32>
        %swap3A_1328 = arith.constant 0 : i32
        %swap3A_1329 = arith.index_cast %rem3A_931 : i32 to index
        %swap3A_1330 = arith.index_cast %swap3A_1328 : i32 to index
        %swap3A_1331 = arith.constant 112 : index
        %swap3A_1332 = tpu.vector_load %arg8[%swap3A_1329, %swap3A_1330, %swap3A_1331] {strides = array<i32>} : memref<2x4x128xi32, #tpu.memory_space<vmem>>, vector<1x1x16xi32>,
        %swap3A_1333 = vector.shape_cast %swap3A_1332 : vector<1x1x16xi32> to vector<16xi32>
        %swap3A_1334 = vector.shape_cast %add3A_1327 : vector<16xi32> to vector<1x1x16xi32>
        tpu.vector_store %arg8[%swap3A_1329, %swap3A_1330, %swap3A_1331], %swap3A_1334 {strides = array<i32>} : memref<2x4x128xi32, #tpu.memory_space<vmem>>, vector<1x1x16xi32>,
        %add3A_1335 = arith.constant 100000 : i32
        %add3A_1336 = vector.broadcast %add3A_1335 : i32 to vector<16xi32>
        %add3A_1337 = arith.addi %get3A_1324, %add3A_1336 : vector<16xi32>
        %swap3A_1338 = arith.constant 1 : i32
        %swap3A_1339 = arith.index_cast %rem3A_931 : i32 to index
        %swap3A_1340 = arith.index_cast %swap3A_1338 : i32 to index
        %swap3A_1341 = arith.constant 112 : index
        %swap3A_1342 = tpu.vector_load %arg8[%swap3A_1339, %swap3A_1340, %swap3A_1341] {strides = array<i32>} : memref<2x4x128xi32, #tpu.memory_space<vmem>>, vector<1x1x16xi32>,
        %swap3A_1343 = vector.shape_cast %swap3A_1342 : vector<1x1x16xi32> to vector<16xi32>
        %swap3A_1344 = vector.shape_cast %add3A_1337 : vector<16xi32> to vector<1x1x16xi32>
        tpu.vector_store %arg8[%swap3A_1339, %swap3A_1340, %swap3A_1341], %swap3A_1344 {strides = array<i32>} : memref<2x4x128xi32, #tpu.memory_space<vmem>>, vector<1x1x16xi32>,
        %add3A_1345 = arith.constant 200000 : i32
        %add3A_1346 = vector.broadcast %add3A_1345 : i32 to vector<16xi32>
        %add3A_1347 = arith.addi %get3A_1324, %add3A_1346 : vector<16xi32>
        %swap3A_1348 = arith.constant 2 : i32
        %swap3A_1349 = arith.index_cast %rem3A_931 : i32 to index
        %swap3A_1350 = arith.index_cast %swap3A_1348 : i32 to index
        %swap3A_1351 = arith.constant 112 : index
        %swap3A_1352 = tpu.vector_load %arg8[%swap3A_1349, %swap3A_1350, %swap3A_1351] {strides = array<i32>} : memref<2x4x128xi32, #tpu.memory_space<vmem>>, vector<1x1x16xi32>,
        %swap3A_1353 = vector.shape_cast %swap3A_1352 : vector<1x1x16xi32> to vector<16xi32>
        %swap3A_1354 = vector.shape_cast %add3A_1347 : vector<16xi32> to vector<1x1x16xi32>
        tpu.vector_store %arg8[%swap3A_1349, %swap3A_1350, %swap3A_1351], %swap3A_1354 {strides = array<i32>} : memref<2x4x128xi32, #tpu.memory_space<vmem>>, vector<1x1x16xi32>,
        %add3A_1355 = arith.constant 300000 : i32
        %add3A_1356 = vector.broadcast %add3A_1355 : i32 to vector<16xi32>
        %add3A_1357 = arith.addi %get3A_1324, %add3A_1356 : vector<16xi32>
        %swap3A_1358 = arith.constant 3 : i32
        %swap3A_1359 = arith.index_cast %rem3A_931 : i32 to index
        %swap3A_1360 = arith.index_cast %swap3A_1358 : i32 to index
        %swap3A_1361 = arith.constant 112 : index
        %swap3A_1362 = tpu.vector_load %arg8[%swap3A_1359, %swap3A_1360, %swap3A_1361] {strides = array<i32>} : memref<2x4x128xi32, #tpu.memory_space<vmem>>, vector<1x1x16xi32>,
        %swap3A_1363 = vector.shape_cast %swap3A_1362 : vector<1x1x16xi32> to vector<16xi32>
        %swap3A_1364 = vector.shape_cast %add3A_1357 : vector<16xi32> to vector<1x1x16xi32>
        tpu.vector_store %arg8[%swap3A_1359, %swap3A_1360, %swap3A_1361], %swap3A_1364 {strides = array<i32>} : memref<2x4x128xi32, #tpu.memory_space<vmem>>, vector<1x1x16xi32>,
        %add3A_1365 = arith.constant 2 : i32
        %add3A_1366 = arith.addi %scan3A_930, %add3A_1365 : i32
        %mul3A_1367 = arith.constant 128 : i32
        %mul3A_1368 = arith.muli %add3A_1366, %mul3A_1367 : i32
        %dma_start3A_1369 = arith.constant 0 : i32
        %dma_start3A_1370 = arith.constant 0 : i32
        %dma_start3A_1371 = tpu.memref_slice %arg7[%rem3A_931, %dma_start3A_1369, %dma_start3A_1370] : memref<2x128x128xi32, #tpu.memory_space<vmem>> -> memref<1x128x128xi32, #tpu.memory_space<vmem>>
        %dma_start3A_1372 = tpu.memref_squeeze %dma_start3A_1371 : memref<1x128x128xi32, #tpu.memory_space<vmem>> -> memref<128x128xi32, #tpu.memory_space<vmem>>
        %dma_start3A_1373 = tpu.memref_slice %arg6[%mul3A_1368] : memref<512xi32, #tpu.memory_space<vmem>> -> memref<128xi32, #tpu.memory_space<vmem>>
        %dma_start3A_1374 = arith.constant 0 : i32
        %dma_start3A_1375 = arith.constant 0 : i32
        %dma_start3A_1376 = tpu.memref_slice %arg3[%dma_start3A_1374, %dma_start3A_1375] : memref<100000x128xi32, #tpu.memory_space<hbm>> -> memref<100000x128xi32, #tpu.memory_space<hbm>>
        %dma_start3A_1377 = tpu.memref_slice %arg11[%rem3A_931] : memref<2x!tpu.dma_semaphore, #tpu.memory_space<semaphore_mem>> -> memref<1x!tpu.dma_semaphore, #tpu.memory_space<semaphore_mem>>
        %dma_start3A_1378 = tpu.memref_squeeze %dma_start3A_1377 : memref<1x!tpu.dma_semaphore, #tpu.memory_space<semaphore_mem>> -> memref<!tpu.dma_semaphore, #tpu.memory_space<semaphore_mem>>
        tpu.enqueue_indirect_dma source(%dma_start3A_1376 : memref<100000x128xi32, #tpu.memory_space<hbm>>) target(%dma_start3A_1372 : memref<128x128xi32, #tpu.memory_space<vmem>>) offsets(%dma_start3A_1373 : memref<128xi32, #tpu.memory_space<vmem>>) semaphore(%dma_start3A_1378 : memref<!tpu.dma_semaphore, #tpu.memory_space<semaphore_mem>>)
        %dma_start3A_1379 = arith.constant 0 : i32
        %dma_start3A_1380 = arith.constant 0 : i32
        %dma_start3A_1381 = tpu.memref_slice %arg9[%rem3A_931, %dma_start3A_1380] : memref<2x512xf32, #tpu.memory_space<vmem>> -> memref<1x128xf32, #tpu.memory_space<vmem>>
        %dma_start3A_1382 = tpu.memref_squeeze %dma_start3A_1381 : memref<1x128xf32, #tpu.memory_space<vmem>> -> memref<128xf32, #tpu.memory_space<vmem>>
        %dma_start3A_1383 = arith.constant 0 : i32
        %dma_start3A_1384 = tpu.memref_slice %arg8[%rem3A_931, %dma_start3A_1379, %dma_start3A_1383] : memref<2x4x128xi32, #tpu.memory_space<vmem>> -> memref<1x1x128xi32, #tpu.memory_space<vmem>>
        %dma_start3A_1385 = tpu.memref_squeeze %dma_start3A_1384 : memref<1x1x128xi32, #tpu.memory_space<vmem>> -> memref<128xi32, #tpu.memory_space<vmem>>
        %dma_start3A_1386 = arith.constant 0 : i32
        %dma_start3A_1387 = tpu.memref_slice %arg4[%dma_start3A_1386] : memref<400000xf32, #tpu.memory_space<hbm>> -> memref<400000xf32, #tpu.memory_space<hbm>>
        %dma_start3A_1388 = tpu.memref_slice %arg11[%rem3A_931] : memref<2x!tpu.dma_semaphore, #tpu.memory_space<semaphore_mem>> -> memref<1x!tpu.dma_semaphore, #tpu.memory_space<semaphore_mem>>
        %dma_start3A_1389 = tpu.memref_squeeze %dma_start3A_1388 : memref<1x!tpu.dma_semaphore, #tpu.memory_space<semaphore_mem>> -> memref<!tpu.dma_semaphore, #tpu.memory_space<semaphore_mem>>
        tpu.enqueue_indirect_dma source(%dma_start3A_1387 : memref<400000xf32, #tpu.memory_space<hbm>>) target(%dma_start3A_1382 : memref<128xf32, #tpu.memory_space<vmem>>) offsets(%dma_start3A_1385 : memref<128xi32, #tpu.memory_space<vmem>>) semaphore(%dma_start3A_1389 : memref<!tpu.dma_semaphore, #tpu.memory_space<semaphore_mem>>)
        %dma_start3A_1390 = arith.constant 1 : i32
        %dma_start3A_1391 = arith.constant 128 : i32
        %dma_start3A_1392 = tpu.memref_slice %arg9[%rem3A_931, %dma_start3A_1391] : memref<2x512xf32, #tpu.memory_space<vmem>> -> memref<1x128xf32, #tpu.memory_space<vmem>>
        %dma_start3A_1393 = tpu.memref_squeeze %dma_start3A_1392 : memref<1x128xf32, #tpu.memory_space<vmem>> -> memref<128xf32, #tpu.memory_space<vmem>>
        %dma_start3A_1394 = arith.constant 0 : i32
        %dma_start3A_1395 = tpu.memref_slice %arg8[%rem3A_931, %dma_start3A_1390, %dma_start3A_1394] : memref<2x4x128xi32, #tpu.memory_space<vmem>> -> memref<1x1x128xi32, #tpu.memory_space<vmem>>
        %dma_start3A_1396 = tpu.memref_squeeze %dma_start3A_1395 : memref<1x1x128xi32, #tpu.memory_space<vmem>> -> memref<128xi32, #tpu.memory_space<vmem>>
        %dma_start3A_1397 = arith.constant 0 : i32
        %dma_start3A_1398 = tpu.memref_slice %arg4[%dma_start3A_1397] : memref<400000xf32, #tpu.memory_space<hbm>> -> memref<400000xf32, #tpu.memory_space<hbm>>
        %dma_start3A_1399 = tpu.memref_slice %arg11[%rem3A_931] : memref<2x!tpu.dma_semaphore, #tpu.memory_space<semaphore_mem>> -> memref<1x!tpu.dma_semaphore, #tpu.memory_space<semaphore_mem>>
        %dma_start3A_1400 = tpu.memref_squeeze %dma_start3A_1399 : memref<1x!tpu.dma_semaphore, #tpu.memory_space<semaphore_mem>> -> memref<!tpu.dma_semaphore, #tpu.memory_space<semaphore_mem>>
        tpu.enqueue_indirect_dma source(%dma_start3A_1398 : memref<400000xf32, #tpu.memory_space<hbm>>) target(%dma_start3A_1393 : memref<128xf32, #tpu.memory_space<vmem>>) offsets(%dma_start3A_1396 : memref<128xi32, #tpu.memory_space<vmem>>) semaphore(%dma_start3A_1400 : memref<!tpu.dma_semaphore, #tpu.memory_space<semaphore_mem>>)
        %dma_start3A_1401 = arith.constant 2 : i32
        %dma_start3A_1402 = arith.constant 256 : i32
        %dma_start3A_1403 = tpu.memref_slice %arg9[%rem3A_931, %dma_start3A_1402] : memref<2x512xf32, #tpu.memory_space<vmem>> -> memref<1x128xf32, #tpu.memory_space<vmem>>
        %dma_start3A_1404 = tpu.memref_squeeze %dma_start3A_1403 : memref<1x128xf32, #tpu.memory_space<vmem>> -> memref<128xf32, #tpu.memory_space<vmem>>
        %dma_start3A_1405 = arith.constant 0 : i32
        %dma_start3A_1406 = tpu.memref_slice %arg8[%rem3A_931, %dma_start3A_1401, %dma_start3A_1405] : memref<2x4x128xi32, #tpu.memory_space<vmem>> -> memref<1x1x128xi32, #tpu.memory_space<vmem>>
        %dma_start3A_1407 = tpu.memref_squeeze %dma_start3A_1406 : memref<1x1x128xi32, #tpu.memory_space<vmem>> -> memref<128xi32, #tpu.memory_space<vmem>>
        %dma_start3A_1408 = arith.constant 0 : i32
        %dma_start3A_1409 = tpu.memref_slice %arg4[%dma_start3A_1408] : memref<400000xf32, #tpu.memory_space<hbm>> -> memref<400000xf32, #tpu.memory_space<hbm>>
        %dma_start3A_1410 = tpu.memref_slice %arg11[%rem3A_931] : memref<2x!tpu.dma_semaphore, #tpu.memory_space<semaphore_mem>> -> memref<1x!tpu.dma_semaphore, #tpu.memory_space<semaphore_mem>>
        %dma_start3A_1411 = tpu.memref_squeeze %dma_start3A_1410 : memref<1x!tpu.dma_semaphore, #tpu.memory_space<semaphore_mem>> -> memref<!tpu.dma_semaphore, #tpu.memory_space<semaphore_mem>>
        tpu.enqueue_indirect_dma source(%dma_start3A_1409 : memref<400000xf32, #tpu.memory_space<hbm>>) target(%dma_start3A_1404 : memref<128xf32, #tpu.memory_space<vmem>>) offsets(%dma_start3A_1407 : memref<128xi32, #tpu.memory_space<vmem>>) semaphore(%dma_start3A_1411 : memref<!tpu.dma_semaphore, #tpu.memory_space<semaphore_mem>>)
        %dma_start3A_1412 = arith.constant 3 : i32
        %dma_start3A_1413 = arith.constant 384 : i32
        %dma_start3A_1414 = tpu.memref_slice %arg9[%rem3A_931, %dma_start3A_1413] : memref<2x512xf32, #tpu.memory_space<vmem>> -> memref<1x128xf32, #tpu.memory_space<vmem>>
        %dma_start3A_1415 = tpu.memref_squeeze %dma_start3A_1414 : memref<1x128xf32, #tpu.memory_space<vmem>> -> memref<128xf32, #tpu.memory_space<vmem>>
        %dma_start3A_1416 = arith.constant 0 : i32
        %dma_start3A_1417 = tpu.memref_slice %arg8[%rem3A_931, %dma_start3A_1412, %dma_start3A_1416] : memref<2x4x128xi32, #tpu.memory_space<vmem>> -> memref<1x1x128xi32, #tpu.memory_space<vmem>>
        %dma_start3A_1418 = tpu.memref_squeeze %dma_start3A_1417 : memref<1x1x128xi32, #tpu.memory_space<vmem>> -> memref<128xi32, #tpu.memory_space<vmem>>
        %dma_start3A_1419 = arith.constant 0 : i32
        %dma_start3A_1420 = tpu.memref_slice %arg4[%dma_start3A_1419] : memref<400000xf32, #tpu.memory_space<hbm>> -> memref<400000xf32, #tpu.memory_space<hbm>>
        %dma_start3A_1421 = tpu.memref_slice %arg11[%rem3A_931] : memref<2x!tpu.dma_semaphore, #tpu.memory_space<semaphore_mem>> -> memref<1x!tpu.dma_semaphore, #tpu.memory_space<semaphore_mem>>
        %dma_start3A_1422 = tpu.memref_squeeze %dma_start3A_1421 : memref<1x!tpu.dma_semaphore, #tpu.memory_space<semaphore_mem>> -> memref<!tpu.dma_semaphore, #tpu.memory_space<semaphore_mem>>
        tpu.enqueue_indirect_dma source(%dma_start3A_1420 : memref<400000xf32, #tpu.memory_space<hbm>>) target(%dma_start3A_1415 : memref<128xf32, #tpu.memory_space<vmem>>) offsets(%dma_start3A_1418 : memref<128xi32, #tpu.memory_space<vmem>>) semaphore(%dma_start3A_1422 : memref<!tpu.dma_semaphore, #tpu.memory_space<semaphore_mem>>)
      } else {
      }
    }
    %scan3A_894 = arith.constant 4 : i32
    %dma_wait3A = arith.constant 0 : i32
    %dma_wait3A_895 = arith.constant 0 : i32
    %dma_wait3A_896 = arith.constant 0 : i32
    %dma_wait3A_897 = arith.constant 0 : i32
    %dma_wait3A_898 = tpu.memref_slice %arg10[%dma_wait3A, %dma_wait3A_896, %dma_wait3A_897] : memref<2x128x128xf32, #tpu.memory_space<vmem>> -> memref<1x128x128xf32, #tpu.memory_space<vmem>>
    %dma_wait3A_899 = tpu.memref_squeeze %dma_wait3A_898 : memref<1x128x128xf32, #tpu.memory_space<vmem>> -> memref<128x128xf32, #tpu.memory_space<vmem>>
    %dma_wait3A_900 = arith.constant 0 : i32
    %dma_wait3A_901 = arith.constant 0 : i32
    %dma_wait3A_902 = tpu.memref_slice %arg5[%dma_wait3A_900, %dma_wait3A_901] : memref<16384x128xf32, #tpu.memory_space<hbm>> -> memref<128x128xf32, #tpu.memory_space<hbm>>
    %dma_wait3A_903 = tpu.memref_slice %arg12[%dma_wait3A_895] : memref<2x!tpu.dma_semaphore, #tpu.memory_space<semaphore_mem>> -> memref<1x!tpu.dma_semaphore, #tpu.memory_space<semaphore_mem>>
    %dma_wait3A_904 = tpu.memref_squeeze %dma_wait3A_903 : memref<1x!tpu.dma_semaphore, #tpu.memory_space<semaphore_mem>> -> memref<!tpu.dma_semaphore, #tpu.memory_space<semaphore_mem>>
    %dma_wait3A_905 = arith.constant 0 : i32
    %dma_wait3A_906 = arith.constant 0 : i32
    %dma_wait3A_907 = tpu.memref_slice %arg5[%dma_wait3A_905, %dma_wait3A_906] : memref<16384x128xf32, #tpu.memory_space<hbm>> -> memref<128x128xf32, #tpu.memory_space<hbm>>
    %dma_wait3A_908 = arith.constant 0 : i32
    %dma_wait3A_909 = arith.constant 0 : i32
    %dma_wait3A_910 = tpu.memref_slice %arg10[%dma_wait3A, %dma_wait3A_908, %dma_wait3A_909] : memref<2x128x128xf32, #tpu.memory_space<vmem>> -> memref<1x128x128xf32, #tpu.memory_space<vmem>>
    %dma_wait3A_911 = tpu.memref_squeeze %dma_wait3A_910 : memref<1x128x128xf32, #tpu.memory_space<vmem>> -> memref<128x128xf32, #tpu.memory_space<vmem>>
    tpu.wait_dma2 semaphore(%dma_wait3A_904 : memref<!tpu.dma_semaphore, #tpu.memory_space<semaphore_mem>>) src(%dma_wait3A_911 : memref<128x128xf32, #tpu.memory_space<vmem>>) dst(%dma_wait3A_907 : memref<128x128xf32, #tpu.memory_space<hbm>>)
    %dma_wait3A_912 = arith.constant 1 : i32
    %dma_wait3A_913 = arith.constant 1 : i32
    %dma_wait3A_914 = arith.constant 0 : i32
    %dma_wait3A_915 = arith.constant 0 : i32
    %dma_wait3A_916 = tpu.memref_slice %arg10[%dma_wait3A_912, %dma_wait3A_914, %dma_wait3A_915] : memref<2x128x128xf32, #tpu.memory_space<vmem>> -> memref<1x128x128xf32, #tpu.memory_space<vmem>>
    %dma_wait3A_917 = tpu.memref_squeeze %dma_wait3A_916 : memref<1x128x128xf32, #tpu.memory_space<vmem>> -> memref<128x128xf32, #tpu.memory_space<vmem>>
    %dma_wait3A_918 = arith.constant 0 : i32
    %dma_wait3A_919 = arith.constant 0 : i32
    %dma_wait3A_920 = tpu.memref_slice %arg5[%dma_wait3A_918, %dma_wait3A_919] : memref<16384x128xf32, #tpu.memory_space<hbm>> -> memref<128x128xf32, #tpu.memory_space<hbm>>
    %dma_wait3A_921 = tpu.memref_slice %arg12[%dma_wait3A_913] : memref<2x!tpu.dma_semaphore, #tpu.memory_space<semaphore_mem>> -> memref<1x!tpu.dma_semaphore, #tpu.memory_space<semaphore_mem>>
    %dma_wait3A_922 = tpu.memref_squeeze %dma_wait3A_921 : memref<1x!tpu.dma_semaphore, #tpu.memory_space<semaphore_mem>> -> memref<!tpu.dma_semaphore, #tpu.memory_space<semaphore_mem>>
    %dma_wait3A_923 = arith.constant 0 : i32
    %dma_wait3A_924 = arith.constant 0 : i32
    %dma_wait3A_925 = tpu.memref_slice %arg5[%dma_wait3A_923, %dma_wait3A_924] : memref<16384x128xf32, #tpu.memory_space<hbm>> -> memref<128x128xf32, #tpu.memory_space<hbm>>
    %dma_wait3A_926 = arith.constant 0 : i32
    %dma_wait3A_927 = arith.constant 0 : i32
    %dma_wait3A_928 = tpu.memref_slice %arg10[%dma_wait3A_912, %dma_wait3A_926, %dma_wait3A_927] : memref<2x128x128xf32, #tpu.memory_space<vmem>> -> memref<1x128x128xf32, #tpu.memory_space<vmem>>
    %dma_wait3A_929 = tpu.memref_squeeze %dma_wait3A_928 : memref<1x128x128xf32, #tpu.memory_space<vmem>> -> memref<128x128xf32, #tpu.memory_space<vmem>>
    tpu.wait_dma2 semaphore(%dma_wait3A_922 : memref<!tpu.dma_semaphore, #tpu.memory_space<semaphore_mem>>) src(%dma_wait3A_929 : memref<128x128xf32, #tpu.memory_space<vmem>>) dst(%dma_wait3A_925 : memref<128x128xf32, #tpu.memory_space<hbm>>)
    return
  }
}

</mosaic_0001>

<sc_bundles>
// kernel: kernel.3.cloned.1.call-start
scs
__scs_entry_jumppad:
0x0: {  	(pc) =	sbr.rel $0x88, $3  }
0x1: {  	(tag) =	ssettag $0x0;
	lr =	simm.s32 $0x1  }
0x2: {  	[smem:$0x3F9E] =	sst lr;
	_ =	strace $0xD0000000  }
0x3: {  	_ = 	snop  }
0x4: {  	_ = 	snop  }
0x5: {  	_ = 	snop  }
0x6: {  	_ = 	snop  }
0x7: {  	_ = 	snop  }
__scs_overlays_trampoline_lowered:
0x8: {  	[smem:$0x3FAD] =	sst s0  }
0x9: {  	[smem:$0x3FAE] =	sst s1  }
0xa: {  	[smem:$0x3FAF] =	sst s2  }
0xb: {  	[smem:$0x3FB0] =	sst s3  }
0xc: {  	[smem:$0x3FB1] =	sst s4  }
0xd: {  	[smem:$0x3FB2] =	sst s5  }
0xe: {  	[smem:$0x3FB3] =	sst s6  }
0xf: {  	[smem:$0x3FB4] =	sst s7  }
0x10: {  	[smem:$0x3FB5] =	sst s8  }
0x11: {  	[smem:$0x3FB6] =	sst s9;
	s0 =	simm.s32 @!p0 $0x0  }
0x12: {  	s1 =	sld [smem:$0x3F9C];
	s0 =	simm.s32 @p0 $0x1  }
0x13: {  	[smem:$0x3FB7] =	sst s0;
	s0 =	simm.s32 @!p1 $0x0  }
0x14: {  	s2 =	sld [smem:$0x3F9B];
	s0 =	simm.s32 @p1 $0x1  }
0x15: {  	[smem:$0x3FB8] =	sst s0;
	s0 =	simm.s32 @!p2 $0x0  }
0x16: {  	s3 =	sld [smem:$0x3FDB];
	s0 =	simm.s32 @p2 $0x1  }
0x17: {  	s4 =	simm.s32 $0x1BF5;
	[smem:$0x3FBA] =	sst s0  }
0x18: {  	s0 =	sld [smem:$0x3F9D];
	_ =	swait.ge [sflag:s4], $0x0  }
0x19: {  	s7 =	sld [smem:$0x3F9E]  }
0x1a: {  	s8 =	sadd.s32 $0xFFFFE003, lr  }
0x1b: {  	s9 =	sadd.s32 $0xFFFFFEF7, lr;
	s5 =	simm.s32 $0xFFFFFFFF;
	p2 =	slt.u32 s8, $0xFFFFF086  }
0x1c: {  	p1 =	slt.u32 s9, $0xF7A;
	s5 =	simm.s32 @!p2 $0x0  }
0x1d: {  	s5 =	simm.s32 @p1 $0x1;
	p0 =	seq.s32 s7, s2  }
0x1e: {  	s7 =	smul.u32 @!p0 $0xF7A, s2;
	p2 =	seq.s32 @!p0 s5, $0x0  }
0x1f: {  	s9 =	smul.u32 $0xF7A, s1;
	s8 =	simm.s32 @!p0 $0x1BF5;
	p2 =	por !p2, p0  }
0x20: {  	[sflag:s8] =	ssyncset.s32 @!p0 $0xFFFFF086;
	s6 =	sadd.s32 @!p0 s3, s7;
	s7 =	simm.s32 @!p0 $0x108  }
0x21: {  	s3 =	sadd.s32 s3, s9;
	s6 =	sadd.s32 @!p0 $0x88, s6;
	s7 =	simm.s32 @p2 $0x1082  }
0x22: {  	[simem:s7], [sflag:s8] =	dma.local @!p0 [hbm:s6], $0xF7A  }
0x23: {  	s9 =	sor.u32 $0xD0000000, s2;
	s6 =	simm.s32 $0x108;
	_ =	swait.ge @!p0 [sflag:s8], $0x0  }
0x24: {  	s3 =	sadd.s32 $0x88, s3;
	s6 =	simm.s32 @!p1 $0x1082;
	[sflag:s4] =	ssyncset.s32 $0xFFFFF086  }
0x25: {  	[simem:s6], [sflag:s4] =	dma.local [hbm:s3], $0xF7A  }
0x26: {  	[smem:$0x3F9E] =	sst s1;
	(tag) =	ssettag s2;
	_ =	strace s9  }
0x27: {  	s1 =	sld [smem:$0x3FAE]  }
0x28: {  	s2 =	sld [smem:$0x3FAF]  }
0x29: {  	s4 =	sld [smem:$0x3FB1]  }
0x2a: {  	p0 =	seq.s32 s5, $0x0;
	s5 =	sld [smem:$0x3FB2]  }
0x2b: {  	s6 =	sld [smem:$0x3FB3]  }
0x2c: {  	s7 =	sld [smem:$0x3FB4]  }
0x2d: {  	s3 =	simm.s32 $0x108;
	s8 =	sld [smem:$0x3FB5]  }
0x2e: {  	s3 =	simm.s32 @!p0 $0x1082;
	s9 =	sld [smem:$0x3FB6]  }
0x2f: {  	lr =	sadd.s32 s0, s3;
	s0 =	sld [smem:$0x3FAD]  }
0x30: {  	s3 =	sld [smem:$0x3FB0]  }
0x31: {  	[smem:$0x3FB9] =	sst s10  }
0x32: {  	s10 =	sld [smem:$0x3FB7];
	_ =	sdelay $0x3  }
0x33: {  	p0 =	seq.s32 s10, $0x1;
	s10 =	sld [smem:$0x3FB9];
	_ =	sdelay $0x3  }
0x34: {  	[smem:$0x3FB9] =	sst s10  }
0x35: {  	s10 =	sld [smem:$0x3FB8];
	_ =	sdelay $0x3  }
0x36: {  	p1 =	seq.s32 s10, $0x1;
	s10 =	sld [smem:$0x3FB9];
	_ =	sdelay $0x3  }
0x37: {  	[smem:$0x3FB9] =	sst s10  }
0x38: {  	s10 =	sld [smem:$0x3FBA]  }
0x39: {  	_ = 	snop;
	(pc) =	sbr.ind lr, $3  }
0x3a: {  	_ = 	snop  }
0x3b: {  	_ = 	snop  }
0x3c: {  	p2 =	seq.s32 s10, $0x1;
	s10 =	sld [smem:$0x3FB9]  }
0x3d: {  	_ =	shalt  }
0x3e: {  	_ =	shalt  }
0x3f: {  	_ =	shalt  }
0x40: {  	_ =	shalt  }
0x41: {  	_ =	shalt  }
0x42: {  	_ =	shalt  }
0x43: {  	_ =	shalt  }
0x44: {  	_ =	shalt  }
0x45: {  	_ =	shalt  }
0x46: {  	_ =	shalt  }
0x47: {  	_ =	shalt  }
0x48: {  	_ =	shalt  }
0x49: {  	_ =	shalt  }
0x4a: {  	_ =	shalt  }
0x4b: {  	_ =	shalt  }
0x4c: {  	_ =	shalt  }
0x4d: {  	_ =	shalt  }
0x4e: {  	_ =	shalt  }
0x4f: {  	_ =	shalt  }
0x50: {  	_ =	shalt  }
0x51: {  	_ =	shalt  }
0x52: {  	_ =	shalt  }
0x53: {  	_ =	shalt  }
0x54: {  	_ =	shalt  }
0x55: {  	_ =	shalt  }
0x56: {  	_ =	shalt  }
0x57: {  	_ =	shalt  }
0x58: {  	_ =	shalt  }
0x59: {  	_ =	shalt  }
0x5a: {  	_ =	shalt  }
0x5b: {  	_ =	shalt  }
0x5c: {  	_ =	shalt  }
0x5d: {  	_ =	shalt  }
0x5e: {  	_ =	shalt  }
0x5f: {  	_ =	shalt  }
0x60: {  	_ =	shalt  }
0x61: {  	_ =	shalt  }
0x62: {  	_ =	shalt  }
0x63: {  	_ =	shalt  }
0x64: {  	_ =	shalt  }
0x65: {  	_ =	shalt  }
0x66: {  	_ =	shalt  }
0x67: {  	_ =	shalt  }
0x68: {  	_ =	shalt  }
0x69: {  	_ =	shalt  }
0x6a: {  	_ =	shalt  }
0x6b: {  	_ =	shalt  }
0x6c: {  	_ =	shalt  }
0x6d: {  	_ =	shalt  }
0x6e: {  	_ =	shalt  }
0x6f: {  	_ =	shalt  }
0x70: {  	_ =	shalt  }
0x71: {  	_ =	shalt  }
0x72: {  	_ =	shalt  }
0x73: {  	_ =	shalt  }
0x74: {  	_ =	shalt  }
0x75: {  	_ =	shalt  }
0x76: {  	_ =	shalt  }
0x77: {  	_ =	shalt  }
0x78: {  	_ =	shalt  }
0x79: {  	_ =	shalt  }
0x7a: {  	_ =	shalt  }
0x7b: {  	_ =	shalt  }
0x7c: {  	_ =	shalt  }
0x7d: {  	_ =	shalt  }
0x7e: {  	_ =	shalt  }
0x7f: {  	_ =	shalt  }
0x80: {  	_ =	shalt  }
0x81: {  	_ =	shalt  }
0x82: {  	_ =	shalt  }
0x83: {  	_ =	shalt  }
0x84: {  	_ =	shalt  }
0x85: {  	_ =	shalt  }
0x86: {  	_ =	shalt  }
0x87: {  	_ =	shalt  }
.Lfunc_end0:
.L_simem_size_0:
called_computation_lowered:
.L_overlay_start_0:
0x88: {  	s2 =	sld [smem:$0x3FD9]  }
0x89: {  	s3 =	sld [smem:$0x3FFE];
	_ =	sdelay $0x1  }
0x8a: {  	s1 =	srdreg.scid  }
0x8b: {  	s0 =	sand.u32 $0x1, s1  }
0x8c: {  	s17 =	sshll.u32 s0, $0xA;
	s2 =	sadd.s32 s3, s2  }
0x8d: {  	s2 =	sadd.s32 s2, s17  }
0x8e: {  	[smem:$0x3FC5] =	sst s2  }
0x8f: {  	_ = 	snop  }
0x90: {  	s2 =	sld [smem:$0x3FC9]  }
0x91: {  	s18 =	sld [smem:$0x3FC8]  }
0x92: {  	s4 =	sld [smem:$0x3FD0];
	(tm) =	ssettm $0x1  }
0x93: {  	s5 =	sld [smem:$0x3FFB];
	_ =	sdelay $0x3  }
0x94: {  	_ =	strace s5  }
0x95: {  	s5 =	sld [smem:$0x3FFC];
	_ =	sdelay $0x3  }
0x96: {  	_ =	strace s5  }
0x97: {  	s5 =	sld [smem:$0x3FFD];
	_ =	sdelay $0x3  }
0x98: {  	_ =	strace s5  }
0x99: {  	_ =	strace $0x8FFFFFFF  }
0x9a: {  	s19 =	sld [smem:$0x3FDB];
	_ =	sdelay $0x1  }
0x9b: {  	s6 =	simm.s32 $_scs_section_size  }
0x9c: {  	s7 =	simm.s32 $_size__tile_overlayer_lowered;
	s8 =	simm.s32 $_tile_overlayer_lowered  }
0x9d: {  	s22 =	simm.s32 $0x1BFF;
	s21 =	sshll.u32 s8, $0x1;
	s5 =	sadd.s32 s6, s19  }
0x9e: {  	s9 =	simm.s32 $0x0;
	s20 =	sshll.u32 s7, $0x1;
	s7 =	sadd.s32 s21, s5  }
0x9f: {  	[timem:s9], [sflag:s22] =	dma.local [hbm:s7], s20  }
0xa0: {  	_ =	swait.ge [sflag:s22], s20  }
0xa1: {  	s6 =	ssub.s32 $0x0, s20;
	[sflag:s22] =	ssyncset.done $0x0  }
0xa2: {  	[sflag:s22] =	ssyncadd.s32 s6;
	_ =	sdelay $0x1  }
0xa3: {  	s23 =	simm.s32 $0x1B8B  }
0xa4: {  	_ =	swait.ge [sflag:s23], $0x1  }
0xa5: {  	[sflag:s23] =	ssyncset.done $0x0  }
0xa6: {  	s25 =	simm.s32 $0x1B8E;
	s24 =	sld [smem:$0x3FFE];
	[sflag:s23] =	ssyncadd.s32 $0xFFFFFFFF  }
0xa7: {  	s26 =	simm.s32 $execute0_lowered;
	[smem:$0x3FD2] =	sst s25  }
0xa8: {  	s7 =	sshll.u32 s26, $0x1;
	_ =	strace $0x80000046;
	[dreg:$0x1] =	wrdreg $0xFFFFFFFF  }
0xa9: {  	s28 =	simm.s32 $_size_execute0_lowered;
	s5 =	sadd.s32 s5, s7;
	[dreg:$0x0] =	wrdreg $0x0  }
0xaa: {  	s7 =	sshll.u32 s28, $0x1;
	[dreg:$0x2] =	wrdreg s5  }
0xab: {  	[dreg:$0x3] =	wrdreg s7  }
0xac: {  	[dreg:$0x4] =	wrdreg $0xC0  }
0xad: {  	_ =	task [dreg:s9], $0x5FFFF  }
0xae: {  	[dreg:$0x1] =	wrdreg $0xFFFFFFFF  }
0xaf: {  	[dreg:$0x0] =	wrdreg $0x60  }
0xb0: {  	[dreg:$0x2] =	wrdreg s2  }
0xb1: {  	[dreg:$0x3] =	wrdreg s18  }
0xb2: {  	[dreg:$0x4] =	wrdreg s24  }
0xb3: {  	[dreg:$0x5] =	wrdreg s4  }
0xb4: {  	[dreg:$0x6] =	wrdreg $0x9  }
0xb5: {  	_ =	task.clear_ibuf [dreg:s9], $0x7FFFF;
	_ =	strace $0x90000046  }
0xb6: {  	s29 =	simm.s32 $0x9;
	_ =	strace $0x80000048  }
0xb7: {  	_ =	swait.ge [sflag:s29], $0x1  }
0xb8: {  	[sflag:s29] =	ssyncadd.s32 $0xFFFFFFFF  }
0xb9: {  	_ =	strace $0x90000048  }
0xba: {  	_ =	sfence  }
0xbb: {  	s30 =	sld [smem:$0x0];
	_ =	sdelay $0x2  }
0xbc: {  	s31 =	sshll.u32 s1, $0xD;
	s1 =	sshrl.u32 s1, $0x2  }
0xbd: {  	s3 =	sand.u32 $0x4000, s31;
	s1 =	sadd.s32 s1, s30  }
0xbe: {  	s0 =	sor.u32 s3, s0;
	s1 =	sshll.u32 s1, $0x11  }
0xbf: {  	s0 =	sor.u32 s1, s0  }
0xc0: {  	s0 =	sadd.s32 $0x8F2B, s0  }
0xc1: {  	[sflag:s0] =	ssyncadd.remote.s32 $0x1  }
0xc2: {  	_ =	sfence.sel $0xFFFF  }
0xc3: {  	[dreg:$0x0] =	wrdreg $0xFFFFFFFF;
	(pc) =	sbr.abs _section_cstart, $3  }
0xc4: {  	[dreg:$0x1] =	wrdreg $0xFFFFFFFF  }
0xc5: {  	_ =	task.clear_ibuf [dreg:s9], $0x2FFFF;
	_ =	strace $0x9FFFFFFF  }
0xc6: {  	(tm) =	ssettm $0x7FFFFFFF  }
0xc7: {  	_ =	shalt  }
tec
execute0_lowered:
.L_overlay_start_1:
0x0: {  	(tag) =	ssettag $0x1  }
0x1: {  	s0 =	rddreg [dreg:$0x0]  }
0x2: {  	s1 =	rddreg [dreg:$0x1]  }
0x3: {  	s2 =	rddreg [dreg:$0x2]  }
0x4: {  	s6 =	rddreg [dreg:$0x3]  }
0x5: {  	s3 =	simm.s32 $0x0;
	s4 =	srdreg.scid;
	s7 =	stileid.u32  }
0x6: {  	s22 =	simm.s32 $0x8480;
	s23 =	simm.s32 $0x8780;
	s28 =	simm.s32 $0x8980  }
0x7: {  	s29 =	simm.s32 $0x3;
	s30 =	simm.s32 $0x4;
	s31 =	simm.s32 $0x0  }
0x8: {  	[smem:$0x7FF] =	sst s3;
	s5 =	sand.u32 $0x1, s4;
	s7 =	sshll.u32 s7, $0xA  }
0x9: {  	v0 =	vimm.s32 $0x0;
	s4 =	sadd.s32 $0x400, s2;
	_ =	strace $0x80000047;
	s8 =	sshll.u32 s5, $0x9  }
.Ltmp0:
0xa: {  	v1 =	vimm.s32 $0x1;
	v2 =	vimm.s32 $0x2;
	v3 =	vimm.s32 $0x3;
	s24 =	ssub.s32 $0x2, s5;
	s25 =	sor.u32 s8, s7;
	(pc) =	sbr.rel .LBB2_1-.Ltmp0, $4  }
0xb: {  	v4 =	vimm.s32 $0x4;
	v5 =	vimm.s32 $0x5;
	v6 =	vimm.s32 $0x6;
	s26 =	sshrl.u32 s24, $0x1;
	s8 =	sshrl.u32 s25, $0x3;
	s9 =	sshll.u32 s25, $0x4  }
0xc: {  	v7 =	vimm.s32 $0x7;
	v8 =	vimm.s32 $0x8;
	v9 =	vimm.s32 $0x9;
	s2 =	ssub.s32 s24, s26;
	s24 =	simm.s32 $0x8500;
	s25 =	simm.s32 $0x8880  }
0xd: {  	v10 =	vimm.s32 $0xA;
	v11 =	vimm.s32 $0xB;
	v12 =	vimm.s32 $0xC;
	s26 =	simm.s32 $0x8580;
	s5 =	sadd.s32 s0, s8;
	s6 =	sadd.s32 s6, s9  }
0xe: {  	v13 =	vimm.s32 $0xD;
	v14 =	vimm.s32 $0xE;
	v15 =	vimm.s32 $0xF;
	s7 =	smax.u32 s2, $0x1;
	s8 =	simm.s32 $0x5;
	s9 =	simm.s32 $0x80  }
.LBB2_7:
0xf: {  	s31 =	sadd.s32 $0x1, s31  }
0x10: {  	_ =	swait.ge [sflag:s29], $0x4000;
	p0 =	sne.s32 s31, s7  }
.Ltmp1:
0x11: {  	[sflag:s29] =	ssyncset.done $0x0;
	(pc) =	sbr.rel @!p0 .LBB2_8-.Ltmp1, $4  }
0x12: {  	[sflag:s29] =	ssyncadd.s32 $0xFFFFC000  }
0x13: {  	_ =	swait.ge [sflag:s30], $0x4000  }
0x14: {  	[sflag:s30] =	ssyncset.done $0x0  }
0x15: {  	[sflag:s30] =	ssyncadd.s32 $0xFFFFC000  }
.LBB2_1:
0x16: {  	[tilespmem:s3], [sflag:$0x5] =	stream.linear.gather [hbm4b:s5+s3], $0x200, $0x38;
	[tilespmem:$0x10A00] =	vst v63  }
0x17: {  	_ =	swait.ge [sflag:s8], $0x200  }
0x18: {  	[sflag:s8] =	ssyncset.done $0x0  }
0x19: {  	[sflag:s8] =	ssyncadd.s32 $0xFFFFFE00  }
0x1a: {  	v16 =	vld [tilespmem:$0x0]  }
0x1b: {  	v17 =	vld [tilespmem:$0x10];
	_ =	sdelay $0x3  }
0x1c: {  	[tilespmem:$0x8200] =	vst v16  }
0x1d: {  	v18 =	vadd.s32 $0x186A0, v16;
	[tilespmem:$0x8210] =	vst v17  }
0x1e: {  	v40 =	vadd.s32 $0x30D40, v16;
	v16 =	vadd.s32 $0x493E0, v16;
	[tilespmem:$0x8280] =	vst v18  }
0x1f: {  	v41 =	vadd.s32 $0x186A0, v17;
	v42 =	vadd.s32 $0x30D40, v17;
	v17 =	vadd.s32 $0x493E0, v17;
	[tilespmem:$0x8380] =	vst v16;
	v16 =	vld [tilespmem:$0x20]  }
0x20: {  	[tilespmem:$0x8390] =	vst v17;
	v17 =	vld [tilespmem:$0x30]  }
0x21: {  	[tilespmem:$0x8300] =	vst v40  }
0x22: {  	[tilespmem:$0x8290] =	vst v41  }
0x23: {  	[tilespmem:$0x8310] =	vst v42  }
0x24: {  	[tilespmem:$0x8220] =	vst v16  }
0x25: {  	v43 =	vadd.s32 $0x186A0, v16;
	[tilespmem:$0x8230] =	vst v17  }
0x26: {  	v44 =	vadd.s32 $0x30D40, v16;
	v16 =	vadd.s32 $0x493E0, v16;
	[tilespmem:$0x82A0] =	vst v43  }
0x27: {  	v45 =	vadd.s32 $0x186A0, v17;
	v46 =	vadd.s32 $0x30D40, v17;
	v17 =	vadd.s32 $0x493E0, v17;
	[tilespmem:$0x83A0] =	vst v16;
	v16 =	vld [tilespmem:$0x40]  }
0x28: {  	[tilespmem:$0x83B0] =	vst v17;
	v17 =	vld [tilespmem:$0x50]  }
0x29: {  	[tilespmem:$0x8320] =	vst v44  }
0x2a: {  	[tilespmem:$0x82B0] =	vst v45  }
0x2b: {  	[tilespmem:$0x8330] =	vst v46  }
0x2c: {  	[tilespmem:$0x8240] =	vst v16  }
0x2d: {  	v47 =	vadd.s32 $0x186A0, v16;
	[tilespmem:$0x8250] =	vst v17  }
0x2e: {  	v48 =	vadd.s32 $0x30D40, v16;
	v16 =	vadd.s32 $0x493E0, v16;
	[tilespmem:$0x82C0] =	vst v47  }
0x2f: {  	v49 =	vadd.s32 $0x186A0, v17;
	v50 =	vadd.s32 $0x30D40, v17;
	v17 =	vadd.s32 $0x493E0, v17;
	[tilespmem:$0x83C0] =	vst v16;
	v16 =	vld [tilespmem:$0x60]  }
0x30: {  	[tilespmem:$0x83D0] =	vst v17;
	v17 =	vld [tilespmem:$0x70]  }
0x31: {  	[tilespmem:$0x8340] =	vst v48  }
0x32: {  	[tilespmem:$0x82D0] =	vst v49  }
0x33: {  	[tilespmem:$0x8350] =	vst v50  }
0x34: {  	[tilespmem:$0x8260] =	vst v16  }
0x35: {  	v51 =	vadd.s32 $0x186A0, v16;
	[tilespmem:$0x8270] =	vst v17  }
0x36: {  	v52 =	vadd.s32 $0x30D40, v16;
	[tilespmem:$0x82E0] =	vst v51  }
0x37: {  	v16 =	vadd.s32 $0x493E0, v16;
	[tilespmem:$0x8360] =	vst v52  }
0x38: {  	[tilespmem:$0x83E0] =	vst v16;
	v16 =	vadd.s32 $0x186A0, v17  }
0x39: {  	[tilespmem:$0x82F0] =	vst v16;
	v16 =	vadd.s32 $0x30D40, v17  }
0x3a: {  	[tilespmem:$0x8370] =	vst v16;
	v16 =	vadd.s32 $0x493E0, v17  }
0x3b: {  	s0 =	simm.s32 $0x200;
	[tilespmem:$0x83F0] =	vst v16  }
0x3c: {  	[tilespmem:s0], [sflag:$0x1] =	stream.indirect.gather [hbm4b:s1+s9], $0x80, s3, s9, $0xb8;
	[tilespmem:$0x10A00] =	vst v63  }
0x3d: {  	s12 =	simm.s32 $0x8200;
	s2 =	simm.s32 $0x8600  }
0x3e: {  	[tilespmem:s2], [sflag:$0x1] =	stream.indirect.gather [hbm4b:s4+s9], $0x1, s12, s9, $0xb8;
	[tilespmem:$0x10A00] =	vst v63  }
0x3f: {  	s13 =	simm.s32 $0x8280;
	s14 =	simm.s32 $0x8700  }
0x40: {  	[tilespmem:s14], [sflag:$0x1] =	stream.indirect.gather [hbm4b:s4+s9], $0x1, s13, s9, $0xb8;
	[tilespmem:$0x10A00] =	vst v63  }
0x41: {  	s15 =	simm.s32 $0x8300;
	s16 =	simm.s32 $0x8800  }
0x42: {  	[tilespmem:s16], [sflag:$0x1] =	stream.indirect.gather [hbm4b:s4+s9], $0x1, s15, s9, $0xb8;
	[tilespmem:$0x10A00] =	vst v63  }
0x43: {  	s17 =	simm.s32 $0x8380;
	s18 =	simm.s32 $0x8900  }
0x44: {  	[tilespmem:s18], [sflag:$0x1] =	stream.indirect.gather [hbm4b:s4+s9], $0x1, s17, s9, $0xb8;
	[tilespmem:$0x10A00] =	vst v63  }
0x45: {  	v16 =	vld [tilespmem:$0x80]  }
0x46: {  	v17 =	vld [tilespmem:$0x90]  }
0x47: {  	v63 =	vld [tilespmem:$0xE0];
	_ =	sdelay $0x2  }
0x48: {  	[tilespmem:$0x8400] =	vst v16  }
0x49: {  	[tilespmem:$0x8410] =	vst v17  }
0x4a: {  	v53 =	vadd.s32 $0x186A0, v16;
	[tilespmem:$0x8460] =	vst v63  }
0x4b: {  	v54 =	vadd.s32 $0x30D40, v16;
	v16 =	vadd.s32 $0x493E0, v16;
	[tilespmem:$0x8480] =	vst v53  }
0x4c: {  	v55 =	vadd.s32 $0x186A0, v17;
	v56 =	vadd.s32 $0x30D40, v17;
	v17 =	vadd.s32 $0x493E0, v17;
	[tilespmem:$0x8580] =	vst v16;
	v16 =	vld [tilespmem:$0xA0]  }
0x4d: {  	[tilespmem:$0x8590] =	vst v17;
	v17 =	vld [tilespmem:$0xB0]  }
0x4e: {  	[tilespmem:$0x8500] =	vst v54  }
0x4f: {  	[tilespmem:$0x8490] =	vst v55  }
0x50: {  	[tilespmem:$0x8510] =	vst v56  }
0x51: {  	[tilespmem:$0x8420] =	vst v16  }
0x52: {  	v57 =	vadd.s32 $0x186A0, v16;
	[tilespmem:$0x8430] =	vst v17  }
0x53: {  	v58 =	vadd.s32 $0x30D40, v16;
	v16 =	vadd.s32 $0x493E0, v16;
	[tilespmem:$0x84A0] =	vst v57  }
0x54: {  	v59 =	vadd.s32 $0x186A0, v17;
	v60 =	vadd.s32 $0x30D40, v17;
	v17 =	vadd.s32 $0x493E0, v17;
	[tilespmem:$0x85A0] =	vst v16;
	v16 =	vld [tilespmem:$0xC0]  }
0x55: {  	[tilespmem:$0x85B0] =	vst v17;
	v17 =	vld [tilespmem:$0xD0]  }
0x56: {  	[tilespmem:$0x8520] =	vst v58  }
0x57: {  	[tilespmem:$0x84B0] =	vst v59  }
0x58: {  	[tilespmem:$0x8530] =	vst v60  }
0x59: {  	[tilespmem:$0x8440] =	vst v16  }
0x5a: {  	v61 =	vadd.s32 $0x186A0, v16;
	[tilespmem:$0x8450] =	vst v17  }
0x5b: {  	v62 =	vadd.s32 $0x30D40, v16;
	[tilespmem:$0x84C0] =	vst v61  }
0x5c: {  	v16 =	vadd.s32 $0x493E0, v16;
	[tilespmem:$0x8540] =	vst v62  }
0x5d: {  	[tilespmem:$0x85C0] =	vst v16;
	v16 =	vadd.s32 $0x186A0, v17  }
0x5e: {  	[tilespmem:$0x84D0] =	vst v16;
	v16 =	vadd.s32 $0x30D40, v17  }
0x5f: {  	[tilespmem:$0x8550] =	vst v16;
	v16 =	vadd.s32 $0x493E0, v17;
	v17 =	vld [tilespmem:$0xF0]  }
0x60: {  	[tilespmem:$0x85D0] =	vst v16;
	v16 =	vadd.s32 $0x186A0, v63  }
0x61: {  	[tilespmem:$0x84E0] =	vst v16;
	v16 =	vadd.s32 $0x30D40, v63  }
0x62: {  	[tilespmem:$0x8560] =	vst v16;
	v16 =	vadd.s32 $0x493E0, v63  }
0x63: {  	[tilespmem:$0x85E0] =	vst v16  }
0x64: {  	[tilespmem:$0x8470] =	vst v17;
	v16 =	vadd.s32 $0x186A0, v17  }
0x65: {  	[tilespmem:$0x84F0] =	vst v16;
	v16 =	vadd.s32 $0x30D40, v17  }
0x66: {  	[tilespmem:$0x8570] =	vst v16;
	v16 =	vadd.s32 $0x493E0, v17  }
0x67: {  	s19 =	simm.s32 $0x4200;
	[tilespmem:$0x85F0] =	vst v16  }
0x68: {  	[tilespmem:s19], [sflag:$0x2] =	stream.indirect.gather [hbm4b:s1+s9], $0x80, s9, s9, $0xb8;
	[tilespmem:$0x10A00] =	vst v63  }
0x69: {  	s20 =	simm.s32 $0x8400;
	s21 =	simm.s32 $0x8680  }
0x6a: {  	[tilespmem:s21], [sflag:$0x2] =	stream.indirect.gather [hbm4b:s4+s9], $0x1, s20, s9, $0xb8;
	[tilespmem:$0x10A00] =	vst v63  }
0x6b: {  	_ = 	snop  }
0x6c: {  	[tilespmem:s23], [sflag:$0x2] =	stream.indirect.gather [hbm4b:s4+s9], $0x1, s22, s9, $0xb8;
	[tilespmem:$0x10A00] =	vst v63  }
.Ltmp2:
0x6d: {  	_ = 	snop;
	(pc) =	sbr.rel .LBB2_2-.Ltmp2, $4  }
0x6e: {  	_ = 	snop  }
0x6f: {  	[tilespmem:s25], [sflag:$0x2] =	stream.indirect.gather [hbm4b:s4+s9], $0x1, s24, s9, $0xb8;
	[tilespmem:$0x10A00] =	vst v63  }
0x70: {  	s0 =	simm.s32 $0x0  }
0x71: {  	[tilespmem:s28], [sflag:$0x2] =	stream.indirect.gather [hbm4b:s4+s9], $0x1, s26, s9, $0xb8;
	[tilespmem:$0x10A00] =	vst v63  }
.LBB2_6:
0x72: {  	s0 =	sadd.s32 $0x1, s0  }
0x73: {  	p0 =	sne.s32 s0, $0x4  }
.Ltmp3:
0x74: {  	_ = 	snop;
	(pc) =	sbr.rel @!p0 .LBB2_7-.Ltmp3, $1  }
0x75: {  	_ =	sdelay $0x3  }
.LBB2_2:
0x76: {  	s15 =	sand.u32 $0x1, s0  }
0x77: {  	s2 =	sadd.s32 $0x1, s15  }
0x78: {  	_ =	swait.ge [sflag:s2], $0x4000  }
0x79: {  	[sflag:s2] =	ssyncset.done $0x0  }
0x7a: {  	s16 =	sshll.u32 s0, $0x7;
	p0 =	slt.u32 s0, $0x2;
	[sflag:s2] =	ssyncadd.s32 $0xFFFFC000  }
0x7b: {  	s17 =	sshll.u32 s15, $0xE;
	s14 =	sand.u32 $0x80, s16;
	_ =	swait.ge [sflag:s2], $0x200  }
0x7c: {  	s18 =	sadd.s32 @!p0 $0x3, s15;
	s13 =	sor.u32 $0x8600, s14;
	[sflag:s2] =	ssyncset.done $0x0  }
0x7d: {  	s11 =	sor.u32 $0x8700, s14;
	s12 =	sor.u32 $0x8800, s14;
	v16 =	vmov s13;
	[sflag:s2] =	ssyncadd.s32 $0xFFFFFE00  }
0x7e: {  	s10 =	sor.u32 $0x8900, s14;
	s19 =	sadd.s32 $0x8710, s14;
	v20 =	vmov s17;
	_ =	swait.ge @!p0 [sflag:s18], $0x4000  }
0x7f: {  	s20 =	sadd.s32 $0x8810, s14;
	s21 =	sadd.s32 $0x8910, s14;
	v17 =	vmov s11;
	v18 =	vmov s12;
	v19 =	vmov s10;
	[sflag:s18] =	ssyncset.done @!p0 $0x0  }
0x80: {  	s14 =	sor.u32 $0x200, s17;
	v21 =	vmov s19;
	v22 =	vmov s20;
	v23 =	vmov s21;
	[sflag:s18] =	ssyncadd.s32 @!p0 $0xFFFFC000;
	s18 =	simm.s32 $0x0  }
.LBB2_3:
0x81: {  	s20 =	sshll.u32 s18, $0x4  }
0x82: {  	s19 =	sshll.u32 s18, $0xB;
	v24 =	vld.idx.msk [tilespmem:v16+s20+$0x0 ss:$0x1], $0xffff  }
0x83: {  	s19 =	sor.u32 s17, s19  }
0x84: {  	v25 =	vld [tilespmem:s19+$0x200]  }
0x85: {  	v26 =	vld [tilespmem:s19+$0x210]  }
0x86: {  	v27 =	vld [tilespmem:s19+$0x280]  }
0x87: {  	v28 =	vld [tilespmem:s19+$0x290];
	v29 =	vperm.xlane v24, v0  }
0x88: {  	v31 =	vld [tilespmem:s19+$0x310];
	v32 =	vperm.xlane v24, v1;
	v61 =	vperm.xlane v24, v2  }
0x89: {  	v33 =	vld [tilespmem:s19+$0x380];
	v37 =	vperm.xlane v24, v3;
	v25 =	vcvt.s32.f32 v25  }
0x8a: {  	v34 =	vld [tilespmem:s19+$0x400];
	v40 =	vperm.xlane v24, v4;
	v26 =	vcvt.s32.f32 v26  }
0x8b: {  	v30 =	vld [tilespmem:s19+$0x300];
	v27 =	vcvt.s32.f32 v27;
	v25 =	vmul.f32 v25, v29  }
0x8c: {  	v60 =	vld [tilespmem:s19+$0x390];
	v28 =	vcvt.s32.f32 v28;
	v26 =	vmul.f32 v26, v29  }
0x8d: {  	v36 =	vld [tilespmem:s19+$0x410];
	v63 =	vcvt.s32.f32 v31;
	v27 =	vmul.f32 v27, v32;
	[tilespmem:s19+$0x8A00] =	vst v25  }
0x8e: {  	v33 =	vcvt.s32.f32 v33;
	v28 =	vmul.f32 v28, v32;
	[tilespmem:s19+$0x8A10] =	vst v26  }
0x8f: {  	v41 =	vcvt.s32.f32 v34;
	v38 =	vmul.f32 v63, v61;
	[tilespmem:s19+$0x8A80] =	vst v27  }
0x90: {  	v62 =	vcvt.s32.f32 v30;
	v39 =	vmul.f32 v33, v37;
	[tilespmem:s19+$0x8A90] =	vst v28  }
0x91: {  	v29 =	vcvt.s32.f32 v60;
	v43 =	vmul.f32 v41, v40;
	[tilespmem:s19+$0x8B10] =	vst v38  }
0x92: {  	v42 =	vcvt.s32.f32 v36;
	v25 =	vmul.f32 v62, v61;
	[tilespmem:s19+$0x8B80] =	vst v39  }
0x93: {  	v26 =	vmul.f32 v29, v37;
	[tilespmem:s19+$0x8C00] =	vst v43  }
0x94: {  	[tilespmem:s19+$0x8B00] =	vst v25;
	v25 =	vmul.f32 v42, v40  }
0x95: {  	[tilespmem:s19+$0x8B90] =	vst v26  }
0x96: {  	[tilespmem:s19+$0x8C10] =	vst v25  }
0x97: {  	v25 =	vld [tilespmem:s19+$0x480]  }
0x98: {  	v44 =	vld [tilespmem:s19+$0x490]  }
0x99: {  	v45 =	vld [tilespmem:s19+$0x500]  }
0x9a: {  	v46 =	vld [tilespmem:s19+$0x510]  }
0x9b: {  	v48 =	vld [tilespmem:s19+$0x580]  }
0x9c: {  	v49 =	vld [tilespmem:s19+$0x590]  }
0x9d: {  	v51 =	vld [tilespmem:s19+$0x600]  }
0x9e: {  	v47 =	vperm.xlane v24, v5;
	v50 =	vperm.xlane v24, v6;
	v52 =	vld [tilespmem:s19+$0x610]  }
0x9f: {  	v53 =	vperm.xlane v24, v7;
	v58 =	vperm.xlane v24, v9;
	v54 =	vld [tilespmem:s19+$0x680]  }
0xa0: {  	v36 =	vperm.xlane v24, v8;
	v63 =	vperm.xlane v24, v10;
	v35 =	vld [tilespmem:s19+$0x690]  }
0xa1: {  	v37 =	vld [tilespmem:s19+$0x700];
	v25 =	vcvt.s32.f32 v25;
	v26 =	vcvt.s32.f32 v44  }
0xa2: {  	v59 =	vld [tilespmem:s19+$0x780];
	v27 =	vcvt.s32.f32 v45;
	v28 =	vcvt.s32.f32 v46  }
0xa3: {  	v62 =	vld [tilespmem:s19+$0x790];
	v30 =	vcvt.s32.f32 v48;
	v31 =	vcvt.s32.f32 v49  }
0xa4: {  	v38 =	vld [tilespmem:s19+$0x710];
	v33 =	vcvt.s32.f32 v51;
	v34 =	vcvt.s32.f32 v52  }
0xa5: {  	v41 =	vld [tilespmem:s19+$0x800];
	v60 =	vcvt.s32.f32 v54;
	v25 =	vmul.f32 v25, v47  }
0xa6: {  	v43 =	vld [tilespmem:s19+$0x810];
	v61 =	vcvt.s32.f32 v35;
	v26 =	vmul.f32 v26, v47  }
0xa7: {  	v48 =	vcvt.s32.f32 v59;
	v59 =	vld [tilespmem:s19+$0x980];
	v27 =	vmul.f32 v27, v50;
	[tilespmem:s19+$0x8C80] =	vst v25  }
0xa8: {  	v49 =	vcvt.s32.f32 v62;
	v62 =	vld [tilespmem:s19+$0x990];
	v28 =	vmul.f32 v28, v50;
	[tilespmem:s19+$0x8C90] =	vst v26  }
0xa9: {  	v40 =	vcvt.s32.f32 v37;
	v30 =	vmul.f32 v30, v53;
	v47 =	vld [tilespmem:s19+$0x880];
	[tilespmem:s19+$0x8D00] =	vst v27  }
0xaa: {  	v46 =	vperm.xlane v24, v11;
	v55 =	vmul.f32 v31, v53;
	v50 =	vld [tilespmem:s19+$0x890];
	[tilespmem:s19+$0x8D10] =	vst v28  }
0xab: {  	v42 =	vcvt.s32.f32 v38;
	v57 =	vmul.f32 v34, v36;
	v53 =	vld [tilespmem:s19+$0x900];
	[tilespmem:s19+$0x8D80] =	vst v30  }
0xac: {  	v56 =	vmul.f32 v33, v36;
	v54 =	vmul.f32 v48, v46;
	v48 =	vld [tilespmem:s19+$0x330];
	[tilespmem:s19+$0x8D90] =	vst v55  }
0xad: {  	v51 =	vperm.xlane v24, v12;
	v44 =	vmul.f32 v61, v58;
	[tilespmem:s19+$0x8E10] =	vst v57;
	v57 =	vld [tilespmem:s19+$0x910]  }
0xae: {  	v45 =	vmul.f32 v40, v63;
	[tilespmem:s19+$0x8E00] =	vst v56;
	v28 =	vmul.f32 v42, v63;
	v42 =	vld [tilespmem:s19+$0x220]  }
0xaf: {  	v52 =	vcvt.s32.f32 v41;
	[tilespmem:s19+$0x8E90] =	vst v44;
	v55 =	vcvt.s32.f32 v43;
	v43 =	vld [tilespmem:s19+$0x230]  }
0xb0: {  	v29 =	vmul.f32 v49, v46;
	[tilespmem:s19+$0x8F00] =	vst v45;
	v44 =	vld [tilespmem:s19+$0x2A0]  }
0xb1: {  	v27 =	vmul.f32 v60, v58;
	v56 =	vmul.f32 v52, v51;
	[tilespmem:s19+$0x8F80] =	vst v54;
	v45 =	vld [tilespmem:s19+$0x2B0]  }
0xb2: {  	v58 =	vperm.xlane v24, v13;
	[tilespmem:s19+$0x8F90] =	vst v29;
	v63 =	vperm.xlane v24, v14;
	v54 =	vld [tilespmem:s19+$0x430]  }
0xb3: {  	[tilespmem:s19+$0x8E80] =	vst v27;
	v26 =	vmul.f32 v55, v51;
	v51 =	vld [tilespmem:s19+$0x3B0];
	v60 =	vcvt.s32.f32 v47  }
0xb4: {  	v24 =	vperm.xlane v24, v15;
	[tilespmem:s19+$0x9000] =	vst v56;
	v56 =	vld [tilespmem:s19+$0x4A0];
	v61 =	vcvt.s32.f32 v50  }
0xb5: {  	[tilespmem:s19+$0x8F10] =	vst v28;
	v36 =	vcvt.s32.f32 v53;
	v47 =	vld [tilespmem:s19+$0x320];
	v25 =	vmul.f32 v60, v58  }
0xb6: {  	v50 =	vld [tilespmem:s19+$0x3A0];
	[tilespmem:s19+$0x9010] =	vst v26;
	v27 =	vmul.f32 v61, v58;
	v38 =	vcvt.s32.f32 v57  }
0xb7: {  	v39 =	vcvt.s32.f32 v59;
	v53 =	vld [tilespmem:s19+$0x420];
	v37 =	vmul.f32 v36, v63;
	[tilespmem:s19+$0x9080] =	vst v25  }
0xb8: {  	v41 =	vcvt.s32.f32 v62;
	v57 =	vld [tilespmem:s19+$0x4B0];
	[tilespmem:s19+$0x9090] =	vst v27;
	v40 =	vmul.f32 v38, v63  }
0xb9: {  	v61 =	vld [tilespmem:s19+$0x520];
	[tilespmem:s19+$0x9100] =	vst v37;
	v25 =	vmul.f32 v39, v24  }
0xba: {  	v31 =	vcvt.s32.f32 v48;
	v24 =	vmul.f32 v41, v24;
	v39 =	vld [tilespmem:s19+$0x530];
	[tilespmem:s19+$0x9110] =	vst v40  }
0xbb: {  	v26 =	vcvt.s32.f32 v43;
	v28 =	vcvt.s32.f32 v45;
	[tilespmem:s19+$0x9180] =	vst v25;
	v40 =	vld [tilespmem:s19+$0x5A0]  }
0xbc: {  	v35 =	vcvt.s32.f32 v54;
	[tilespmem:s19+$0x9190] =	vst v24;
	v25 =	vcvt.s32.f32 v42;
	v42 =	vld [tilespmem:s19+$0x5B0]  }
0xbd: {  	v27 =	vcvt.s32.f32 v44;
	v34 =	vcvt.s32.f32 v51;
	v24 =	vld.idx.msk [tilespmem:v17+s20+$0x0 ss:$0x1], $0xffff  }
0xbe: {  	v54 =	vld [tilespmem:s19+$0x6B0];
	v37 =	vcvt.s32.f32 v56;
	v30 =	vcvt.s32.f32 v47  }
0xbf: {  	v33 =	vcvt.s32.f32 v50;
	v32 =	vcvt.s32.f32 v53  }
0xc0: {  	v41 =	vcvt.s32.f32 v57;
	v47 =	vcvt.s32.f32 v61  }
0xc1: {  	v48 =	vcvt.s32.f32 v39;
	v51 =	vcvt.s32.f32 v40  }
0xc2: {  	v53 =	vcvt.s32.f32 v42;
	v46 =	vperm.xlane v24, v0  }
0xc3: {  	v42 =	vcvt.s32.f32 v54;
	v49 =	vperm.xlane v24, v1  }
0xc4: {  	v52 =	vperm.xlane v24, v2;
	v25 =	vmul.f32 v25, v46  }
0xc5: {  	v55 =	vperm.xlane v24, v3;
	v26 =	vmul.f32 v26, v46  }
0xc6: {  	v60 =	vperm.xlane v24, v4;
	v27 =	vmul.f32 v27, v49;
	[tilespmem:s19+$0x8A20] =	vst v25  }
0xc7: {  	v62 =	vperm.xlane v24, v5;
	v28 =	vmul.f32 v28, v49;
	[tilespmem:s19+$0x8A30] =	vst v26  }
0xc8: {  	v45 =	vperm.xlane v24, v6;
	v30 =	vmul.f32 v30, v52;
	[tilespmem:s19+$0x8AA0] =	vst v27  }
0xc9: {  	v50 =	vperm.xlane v24, v7;
	v29 =	vmul.f32 v31, v52;
	[tilespmem:s19+$0x8AB0] =	vst v28  }
0xca: {  	v61 =	vld [tilespmem:s19+$0x730];
	v57 =	vperm.xlane v24, v8;
	v58 =	vmul.f32 v33, v55;
	[tilespmem:s19+$0x8B20] =	vst v30  }
0xcb: {  	v59 =	vmul.f32 v34, v55;
	v63 =	vmul.f32 v32, v60;
	v46 =	vld [tilespmem:s19+$0x620];
	[tilespmem:s19+$0x8B30] =	vst v29  }
0xcc: {  	v40 =	vld [tilespmem:s19+$0x7A0];
	v43 =	vmul.f32 v35, v60;
	v44 =	vmul.f32 v37, v62;
	[tilespmem:s19+$0x8BA0] =	vst v58  }
0xcd: {  	v49 =	vld [tilespmem:s19+$0x630];
	v55 =	vmul.f32 v51, v50;
	v56 =	vmul.f32 v53, v50;
	[tilespmem:s19+$0x8BB0] =	vst v59  }
0xce: {  	v52 =	vld [tilespmem:s19+$0x6A0];
	v25 =	vmul.f32 v41, v62;
	v30 =	vmul.f32 v47, v45;
	[tilespmem:s19+$0x8C20] =	vst v63  }
0xcf: {  	v28 =	vmul.f32 v48, v45;
	v58 =	vld [tilespmem:s19+$0x720];
	[tilespmem:s19+$0x8C30] =	vst v43;
	v62 =	vperm.xlane v24, v9  }
0xd0: {  	[tilespmem:s19+$0x8CA0] =	vst v44;
	v45 =	vperm.xlane v24, v10;
	v59 =	vcvt.s32.f32 v46;
	v46 =	vld [tilespmem:s19+$0x820]  }
0xd1: {  	[tilespmem:s19+$0x8DA0] =	vst v55;
	v47 =	vcvt.s32.f32 v61;
	v50 =	vcvt.s32.f32 v40  }
0xd2: {  	v43 =	vld [tilespmem:s19+$0x7B0];
	[tilespmem:s19+$0x8DB0] =	vst v56;
	v56 =	vperm.xlane v24, v12;
	v61 =	vperm.xlane v24, v13  }
0xd3: {  	s21 =	sor.u32 $0x10, s20;
	v51 =	vld [tilespmem:s19+$0x8A0];
	[tilespmem:s19+$0x8D30] =	vst v28;
	v27 =	vmul.f32 v42, v62;
	v28 =	vmul.f32 v47, v45  }
0xd4: {  	[tilespmem:s19+$0x8CB0] =	vst v25;
	v25 =	vld.idx.msk [tilespmem:v16+s21+$0x0 ss:$0x1], $0xffff;
	s21 =	sshll.u32 s21, $0x7;
	v60 =	vcvt.s32.f32 v49;
	v63 =	vcvt.s32.f32 v52  }
0xd5: {  	[tilespmem:s19+$0x8D20] =	vst v30;
	v31 =	vcvt.s32.f32 v58;
	v58 =	vcvt.s32.f32 v46;
	v46 =	vld.idx.msk [tilespmem:v20+s21+$0x200 ss:$0x1], $0xffff  }
0xd6: {  	v48 =	vld [tilespmem:s19+$0x830];
	v49 =	vperm.xlane v24, v11;
	[tilespmem:s19+$0x8EB0] =	vst v27;
	v41 =	vmul.f32 v59, v57  }
0xd7: {  	v54 =	vld [tilespmem:s19+$0x8B0];
	[tilespmem:s19+$0x8F30] =	vst v28;
	v29 =	vmul.f32 v60, v57;
	v53 =	vcvt.s32.f32 v43  }
0xd8: {  	v44 =	vmul.f32 v63, v62;
	[tilespmem:s19+$0x8E20] =	vst v41;
	v52 =	vmul.f32 v31, v45  }
0xd9: {  	v55 =	vmul.f32 v50, v49;
	[tilespmem:s19+$0x8E30] =	vst v29;
	v26 =	vmul.f32 v53, v49  }
0xda: {  	v57 =	vld [tilespmem:s19+$0x920];
	[tilespmem:s19+$0x8F20] =	vst v52;
	v52 =	vperm.xlane v25, v0;
	v53 =	vcvt.s32.f32 v46  }
0xdb: {  	v59 =	vcvt.s32.f32 v48;
	v60 =	vld [tilespmem:s19+$0x930];
	v62 =	vcvt.s32.f32 v51;
	[tilespmem:s19+$0x8EA0] =	vst v44  }
0xdc: {  	v40 =	vcvt.s32.f32 v54;
	v63 =	vld [tilespmem:s19+$0x9A0];
	[tilespmem:s19+$0x8FA0] =	vst v55;
	v54 =	vmul.f32 v53, v52  }
0xdd: {  	v41 =	vld [tilespmem:s19+$0x9B0];
	v42 =	vmul.f32 v59, v56;
	v43 =	vmul.f32 v62, v61;
	[tilespmem:s19+$0x8FB0] =	vst v26  }
0xde: {  	v44 =	vmul.f32 v40, v61;
	v45 =	vperm.xlane v24, v14;
	[tilespmem:v20+s21+$0x8A00 ss:$0x1] =	vst.idx.msk $0xffff, v54  }
0xdf: {  	[tilespmem:s19+$0x9030] =	vst v42;
	v27 =	vmul.f32 v58, v56;
	v47 =	vcvt.s32.f32 v57;
	v26 =	vld.idx.msk [tilespmem:v20+s21+$0x210 ss:$0x1], $0xffff  }
0xe0: {  	v24 =	vperm.xlane v24, v15;
	[tilespmem:s19+$0x90A0] =	vst v43;
	v48 =	vcvt.s32.f32 v60  }
0xe1: {  	v55 =	vld [tilespmem:s19+$0x240];
	v49 =	vcvt.s32.f32 v63;
	[tilespmem:s19+$0x9020] =	vst v27;
	v27 =	vmul.f32 v47, v45  }
0xe2: {  	v61 =	vld [tilespmem:s19+$0x350];
	[tilespmem:s19+$0x90B0] =	vst v44;
	v28 =	vmul.f32 v48, v45;
	v51 =	vcvt.s32.f32 v41  }
0xe3: {  	v56 =	vld [tilespmem:s19+$0x250];
	v50 =	vmul.f32 v49, v24;
	[tilespmem:s19+$0x9120] =	vst v27  }
0xe4: {  	v57 =	vld [tilespmem:s19+$0x2C0];
	[tilespmem:s19+$0x9130] =	vst v28;
	v24 =	vmul.f32 v51, v24;
	v26 =	vcvt.s32.f32 v26  }
0xe5: {  	v58 =	vld [tilespmem:s19+$0x2D0];
	[tilespmem:s19+$0x91A0] =	vst v50  }
0xe6: {  	v60 =	vld [tilespmem:s19+$0x340];
	[tilespmem:s19+$0x91B0] =	vst v24;
	v26 =	vmul.f32 v26, v52  }
0xe7: {  	v24 =	vld.idx.msk [tilespmem:v18+s20+$0x0 ss:$0x1], $0xffff  }
0xe8: {  	v35 =	vcvt.s32.f32 v61;
	v49 =	vperm.xlane v25, v2;
	[tilespmem:v20+s21+$0x8A10 ss:$0x1] =	vst.idx.msk $0xffff, v26  }
0xe9: {  	v46 =	vperm.xlane v25, v1;
	v28 =	vcvt.s32.f32 v55;
	v40 =	vld [tilespmem:s19+$0xA80]  }
0xea: {  	v55 =	vperm.xlane v25, v5;
	v29 =	vcvt.s32.f32 v56;
	v43 =	vld [tilespmem:s19+$0xA90]  }
0xeb: {  	v63 =	vcvt.s32.f32 v57;
	v41 =	vcvt.s32.f32 v58;
	v44 =	vld [tilespmem:s19+$0xB00]  }
0xec: {  	v34 =	vcvt.s32.f32 v60;
	v59 =	vperm.xlane v24, v0;
	v45 =	vld [tilespmem:s19+$0xB10]  }
0xed: {  	v60 =	vperm.xlane v25, v6;
	v62 =	vperm.xlane v24, v1;
	v47 =	vld [tilespmem:s19+$0xB80]  }
0xee: {  	v42 =	vperm.xlane v24, v2;
	v30 =	vmul.f32 v28, v59;
	v48 =	vld [tilespmem:s19+$0xB90]  }
0xef: {  	v28 =	vmul.f32 v29, v59;
	v29 =	vmul.f32 v41, v62;
	v41 =	vld [tilespmem:s19+$0xC00]  }
0xf0: {  	v27 =	vmul.f32 v34, v42;
	v26 =	vmul.f32 v35, v42;
	v42 =	vld [tilespmem:s19+$0xC10]  }
0xf1: {  	v31 =	vmul.f32 v63, v62;
	v52 =	vperm.xlane v25, v3;
	v53 =	vld [tilespmem:s19+$0xC80]  }
0xf2: {  	v33 =	vcvt.s32.f32 v40;
	v36 =	vcvt.s32.f32 v43  }
0xf3: {  	v37 =	vcvt.s32.f32 v44;
	v38 =	vcvt.s32.f32 v45  }
0xf4: {  	v35 =	vcvt.s32.f32 v47;
	v39 =	vcvt.s32.f32 v48  }
0xf5: {  	v44 =	vperm.xlane v25, v4;
	v41 =	vcvt.s32.f32 v41  }
0xf6: {  	v59 =	vld [tilespmem:s19+$0xD90];
	v42 =	vcvt.s32.f32 v42;
	v57 =	vcvt.s32.f32 v53  }
0xf7: {  	v56 =	vld [tilespmem:s19+$0xD80];
	v33 =	vmul.f32 v33, v46;
	v34 =	vmul.f32 v36, v46  }
0xf8: {  	v62 =	vld [tilespmem:s19+$0xE10];
	v50 =	vmul.f32 v37, v49;
	v51 =	vmul.f32 v38, v49  }
0xf9: {  	v43 =	vld [tilespmem:s19+$0xC90];
	v35 =	vmul.f32 v35, v52;
	v38 =	vmul.f32 v39, v52  }
0xfa: {  	v45 =	vld [tilespmem:s19+$0xD00];
	v54 =	vmul.f32 v41, v44;
	v41 =	vmul.f32 v42, v44;
	[tilespmem:s19+$0x9280] =	vst v33  }
0xfb: {  	v46 =	vld [tilespmem:s19+$0xD10];
	v49 =	vperm.xlane v25, v7;
	v52 =	vcvt.s32.f32 v59;
	[tilespmem:s19+$0x9290] =	vst v34  }
0xfc: {  	v47 =	vld [tilespmem:s19+$0xE00];
	v33 =	vmul.f32 v57, v55;
	[tilespmem:s19+$0x9310] =	vst v51;
	v51 =	vcvt.s32.f32 v56  }
0xfd: {  	[tilespmem:s19+$0x9400] =	vst v54;
	v54 =	vperm.xlane v25, v8;
	v57 =	vcvt.s32.f32 v62  }
0xfe: {  	v53 =	vld [tilespmem:s19+$0xE90];
	[tilespmem:s19+$0x9300] =	vst v50;
	v59 =	vmul.f32 v52, v49;
	v62 =	vperm.xlane v25, v9  }
0xff: {  	[tilespmem:s19+$0x9380] =	vst v35;
	v50 =	vld [tilespmem:s19+$0xE80];
	v58 =	vcvt.s32.f32 v43;
	v45 =	vcvt.s32.f32 v45  }
0x100: {  	[tilespmem:s19+$0x9390] =	vst v38;
	v56 =	vld [tilespmem:s19+$0xF00];
	v38 =	vmul.f32 v51, v49;
	v61 =	vcvt.s32.f32 v46  }
0x101: {  	[tilespmem:s19+$0x9410] =	vst v41;
	v63 =	vmul.f32 v58, v55;
	v55 =	vcvt.s32.f32 v47  }
0x102: {  	[tilespmem:s19+$0x9480] =	vst v33;
	v49 =	vld [tilespmem:s19+$0xF90];
	v48 =	vmul.f32 v45, v60;
	v34 =	vmul.f32 v61, v60  }
0x103: {  	[tilespmem:s19+$0x9590] =	vst v59;
	v58 =	vld [tilespmem:s19+$0xF10];
	v60 =	vmul.f32 v55, v54;
	v61 =	vmul.f32 v57, v54  }
0x104: {  	v46 =	vld [tilespmem:s19+$0x1100];
	[tilespmem:s19+$0x9500] =	vst v48;
	v36 =	vcvt.s32.f32 v50;
	v48 =	vcvt.s32.f32 v53  }
0x105: {  	v52 =	vld [tilespmem:s19+$0x1000];
	[tilespmem:s19+$0x9580] =	vst v38;
	v50 =	vperm.xlane v25, v10;
	v51 =	vcvt.s32.f32 v56  }
0x106: {  	[tilespmem:s19+$0x9490] =	vst v63;
	v63 =	vld [tilespmem:s19+$0xF80];
	v57 =	vperm.xlane v25, v11;
	v36 =	vmul.f32 v36, v62  }
0x107: {  	v54 =	vld [tilespmem:s19+$0x1010];
	[tilespmem:s19+$0x9510] =	vst v34;
	v55 =	vmul.f32 v48, v62;
	v56 =	vmul.f32 v51, v50  }
0x108: {  	[tilespmem:s19+$0x9600] =	vst v60;
	v60 =	vcvt.s32.f32 v49;
	v53 =	vcvt.s32.f32 v58  }
0x109: {  	[tilespmem:s19+$0x9610] =	vst v61;
	v61 =	vld [tilespmem:s19+$0x1090];
	v62 =	vperm.xlane v25, v12;
	v43 =	vcvt.s32.f32 v46  }
0x10a: {  	v58 =	vld [tilespmem:s19+$0x1080];
	[tilespmem:s19+$0x9680] =	vst v36;
	v35 =	vmul.f32 v60, v57;
	v34 =	vmul.f32 v53, v50  }
0x10b: {  	[tilespmem:s19+$0x9690] =	vst v55;
	v59 =	vcvt.s32.f32 v63;
	v63 =	vcvt.s32.f32 v52  }
0x10c: {  	[tilespmem:s19+$0x9700] =	vst v56;
	v48 =	vcvt.s32.f32 v54;
	v50 =	vld [tilespmem:s19+$0x1110];
	v52 =	vperm.xlane v25, v13  }
0x10d: {  	v53 =	vld [tilespmem:s19+$0x1180];
	[tilespmem:s19+$0x9790] =	vst v35;
	v47 =	vmul.f32 v59, v57;
	v49 =	vmul.f32 v63, v62  }
0x10e: {  	v56 =	vld [tilespmem:s19+$0x1190];
	[tilespmem:s19+$0x9710] =	vst v34;
	v51 =	vmul.f32 v48, v62;
	v55 =	vcvt.s32.f32 v61  }
0x10f: {  	v54 =	vcvt.s32.f32 v58;
	v58 =	vperm.xlane v25, v14;
	[tilespmem:s19+$0x9780] =	vst v47  }
0x110: {  	v25 =	vperm.xlane v25, v15;
	[tilespmem:s19+$0x9800] =	vst v49;
	v36 =	vmul.f32 v55, v52  }
0x111: {  	[tilespmem:s19+$0x9810] =	vst v51;
	v33 =	vmul.f32 v54, v52;
	v62 =	vcvt.s32.f32 v50  }
0x112: {  	v60 =	vld [tilespmem:s19+$0x440];
	v61 =	vmul.f32 v43, v58;
	v45 =	vcvt.s32.f32 v53;
	[tilespmem:s19+$0x9890] =	vst v36  }
0x113: {  	v57 =	vld [tilespmem:s19+$0x3C0];
	v46 =	vcvt.s32.f32 v56;
	[tilespmem:s19+$0x9880] =	vst v33;
	v35 =	vmul.f32 v62, v58  }
0x114: {  	v59 =	vld [tilespmem:s19+$0x3D0];
	[tilespmem:s19+$0x9900] =	vst v61;
	v33 =	vmul.f32 v45, v25  }
0x115: {  	v63 =	vld [tilespmem:s19+$0x450];
	v25 =	vmul.f32 v46, v25;
	[tilespmem:s19+$0x9910] =	vst v35  }
0x116: {  	v48 =	vld [tilespmem:s19+$0x4C0];
	[tilespmem:s19+$0x9980] =	vst v33  }
0x117: {  	v32 =	vperm.xlane v24, v3;
	v51 =	vperm.xlane v24, v4;
	[tilespmem:s19+$0x9990] =	vst v25  }
0x118: {  	v56 =	vperm.xlane v24, v5;
	v52 =	vcvt.s32.f32 v60;
	v25 =	vld.idx.msk [tilespmem:v21+s20+$0x0 ss:$0x1], $0xffff  }
0x119: {  	v47 =	vcvt.s32.f32 v57;
	v49 =	vcvt.s32.f32 v59;
	v57 =	vld.idx.msk [tilespmem:v20+s21+$0x220 ss:$0x1], $0xffff  }
0x11a: {  	v55 =	vld [tilespmem:s19+$0x550];
	v54 =	vcvt.s32.f32 v63;
	v34 =	vmul.f32 v52, v51  }
0x11b: {  	v50 =	vld [tilespmem:s19+$0x4D0];
	v39 =	vcvt.s32.f32 v48;
	v59 =	vperm.xlane v24, v6  }
0x11c: {  	v53 =	vld [tilespmem:s19+$0x540];
	v63 =	vperm.xlane v24, v7;
	v33 =	vmul.f32 v47, v32  }
0x11d: {  	v60 =	vld [tilespmem:s19+$0x5D0];
	v32 =	vmul.f32 v49, v32;
	v35 =	vmul.f32 v54, v51  }
0x11e: {  	v58 =	vld [tilespmem:s19+$0x5C0];
	v46 =	vperm.xlane v25, v0;
	v37 =	vcvt.s32.f32 v57  }
0x11f: {  	v61 =	vld [tilespmem:s19+$0x640];
	v39 =	vmul.f32 v39, v56;
	v40 =	vcvt.s32.f32 v55  }
0x120: {  	v62 =	vld [tilespmem:s19+$0x650];
	v51 =	vperm.xlane v24, v8;
	v37 =	vmul.f32 v37, v46  }
0x121: {  	[tilespmem:s19+$0x8A50] =	vst v28;
	v48 =	vld [tilespmem:s19+$0x6C0];
	v41 =	vcvt.s32.f32 v50;
	v38 =	vcvt.s32.f32 v53  }
0x122: {  	v52 =	vld [tilespmem:s19+$0x740];
	v49 =	vcvt.s32.f32 v60;
	v28 =	vmul.f32 v40, v59;
	[tilespmem:v20+s21+$0x8A20 ss:$0x1] =	vst.idx.msk $0xffff, v37  }
0x123: {  	v36 =	vmul.f32 v41, v56;
	v38 =	vmul.f32 v38, v59;
	v55 =	vld.idx.msk [tilespmem:v20+s21+$0x230 ss:$0x1], $0xffff  }
0x124: {  	[tilespmem:s19+$0x8A40] =	vst v30;
	v50 =	vld [tilespmem:s19+$0x6D0];
	v42 =	vcvt.s32.f32 v58;
	v30 =	vmul.f32 v49, v63  }
0x125: {  	v53 =	vcvt.s32.f32 v61;
	v54 =	vcvt.s32.f32 v62  }
0x126: {  	v60 =	vld [tilespmem:s19+$0x7C0];
	v56 =	vperm.xlane v24, v9;
	v62 =	vperm.xlane v24, v10  }
0x127: {  	[tilespmem:s19+$0x8B40] =	vst v27;
	v58 =	vld [tilespmem:s19+$0x750];
	v40 =	vmul.f32 v42, v63;
	v27 =	vmul.f32 v53, v51  }
0x128: {  	v61 =	vld [tilespmem:s19+$0x7D0];
	v63 =	vcvt.s32.f32 v52;
	v41 =	vcvt.s32.f32 v55  }
0x129: {  	v53 =	vld [tilespmem:s19+$0x8C0];
	v57 =	vcvt.s32.f32 v48;
	v59 =	vcvt.s32.f32 v50  }
0x12a: {  	[tilespmem:s19+$0x8AD0] =	vst v29;
	v48 =	vld [tilespmem:s19+$0x840];
	v50 =	vperm.xlane v24, v11;
	v41 =	vmul.f32 v41, v46  }
0x12b: {  	[tilespmem:s19+$0x8BD0] =	vst v32;
	v52 =	vcvt.s32.f32 v60;
	v37 =	vmul.f32 v54, v51;
	v51 =	vld [tilespmem:s19+$0x850]  }
0x12c: {  	v32 =	vmul.f32 v63, v62;
	v42 =	vmul.f32 v57, v56;
	v54 =	vld [tilespmem:s19+$0x8D0];
	[tilespmem:v20+s21+$0x8A30 ss:$0x1] =	vst.idx.msk $0xffff, v41  }
0x12d: {  	[tilespmem:s19+$0x8B50] =	vst v26;
	v29 =	vmul.f32 v59, v56;
	v49 =	vcvt.s32.f32 v58;
	v41 =	vld [tilespmem:s19+$0xAA0]  }
0x12e: {  	[tilespmem:s19+$0x8C40] =	vst v34;
	v26 =	vcvt.s32.f32 v61;
	v34 =	vmul.f32 v52, v50;
	v57 =	vld [tilespmem:s19+$0xAB0]  }
0x12f: {  	[tilespmem:s19+$0x8AC0] =	vst v31;
	v61 =	vperm.xlane v25, v1;
	v31 =	vmul.f32 v49, v62;
	v59 =	vld [tilespmem:s19+$0xB20]  }
0x130: {  	[tilespmem:s19+$0x8CD0] =	vst v36;
	v36 =	vmul.f32 v26, v50;
	v26 =	vperm.xlane v24, v13;
	v60 =	vld [tilespmem:s19+$0xB30]  }
0x131: {  	v58 =	vcvt.s32.f32 v53;
	v50 =	vperm.xlane v25, v2;
	v62 =	vld [tilespmem:s19+$0xBA0]  }
0x132: {  	[tilespmem:s19+$0x8BC0] =	vst v33;
	v33 =	vcvt.s32.f32 v48;
	v55 =	vperm.xlane v24, v12;
	v49 =	vld [tilespmem:s19+$0xBB0]  }
0x133: {  	[tilespmem:s19+$0x8DD0] =	vst v30;
	v30 =	vmul.f32 v58, v26;
	v56 =	vcvt.s32.f32 v51;
	v51 =	vld [tilespmem:s19+$0xC20]  }
0x134: {  	[tilespmem:s19+$0x8D50] =	vst v28;
	v28 =	vcvt.s32.f32 v54;
	v33 =	vmul.f32 v33, v55;
	v54 =	vld [tilespmem:s19+$0xC30]  }
0x135: {  	[tilespmem:s19+$0x8D40] =	vst v38;
	v38 =	vmul.f32 v56, v55;
	v56 =	vperm.xlane v25, v3  }
0x136: {  	[tilespmem:s19+$0x8C50] =	vst v35;
	v63 =	vcvt.s32.f32 v41;
	v48 =	vcvt.s32.f32 v57  }
0x137: {  	[tilespmem:s19+$0x8F40] =	vst v32;
	v44 =	vcvt.s32.f32 v59;
	v53 =	vcvt.s32.f32 v60  }
0x138: {  	[tilespmem:s19+$0x8EC0] =	vst v42;
	v58 =	vcvt.s32.f32 v62;
	v59 =	vcvt.s32.f32 v49  }
0x139: {  	[tilespmem:s19+$0x8ED0] =	vst v29;
	v57 =	vld [tilespmem:s19+$0xCA0];
	v62 =	vcvt.s32.f32 v51;
	v47 =	vcvt.s32.f32 v54  }
0x13a: {  	[tilespmem:s19+$0x8E50] =	vst v37;
	v60 =	vld [tilespmem:s19+$0xCB0];
	v52 =	vmul.f32 v63, v61;
	v55 =	vmul.f32 v48, v61  }
0x13b: {  	[tilespmem:s19+$0x8F50] =	vst v31;
	v51 =	vld [tilespmem:s19+$0xDA0];
	v35 =	vmul.f32 v44, v50;
	v31 =	vmul.f32 v53, v50  }
0x13c: {  	[tilespmem:s19+$0x8FD0] =	vst v36;
	v54 =	vld [tilespmem:s19+$0xDB0];
	v61 =	vperm.xlane v25, v4;
	v46 =	vmul.f32 v58, v56  }
0x13d: {  	[tilespmem:s19+$0x90C0] =	vst v30;
	v63 =	vld [tilespmem:s19+$0xD20];
	v37 =	vmul.f32 v59, v56;
	v50 =	vperm.xlane v25, v5  }
0x13e: {  	[tilespmem:s19+$0x9040] =	vst v33;
	v48 =	vld [tilespmem:s19+$0xD30];
	v49 =	vmul.f32 v62, v61;
	v30 =	vmul.f32 v47, v61  }
0x13f: {  	[tilespmem:s19+$0x92B0] =	vst v55;
	v55 =	vperm.xlane v25, v6;
	v62 =	vperm.xlane v25, v7  }
0x140: {  	v59 =	vld [tilespmem:s19+$0xE30];
	[tilespmem:s19+$0x92A0] =	vst v52;
	v47 =	vperm.xlane v25, v8;
	v52 =	vcvt.s32.f32 v57  }
0x141: {  	[tilespmem:s19+$0x9320] =	vst v35;
	v53 =	vcvt.s32.f32 v60;
	v36 =	vcvt.s32.f32 v51  }
0x142: {  	[tilespmem:s19+$0x9330] =	vst v31;
	v45 =	vcvt.s32.f32 v54;
	v56 =	vcvt.s32.f32 v63  }
0x143: {  	[tilespmem:s19+$0x93A0] =	vst v46;
	v46 =	vld [tilespmem:s19+$0xEB0];
	v29 =	vmul.f32 v52, v50;
	v58 =	vcvt.s32.f32 v48  }
0x144: {  	[tilespmem:s19+$0x93B0] =	vst v37;
	v57 =	vld [tilespmem:s19+$0xE20];
	v60 =	vmul.f32 v53, v50;
	v50 =	vmul.f32 v36, v62  }
0x145: {  	[tilespmem:s19+$0x9420] =	vst v49;
	v49 =	vld [tilespmem:s19+$0xF20];
	v51 =	vcvt.s32.f32 v59;
	v53 =	vmul.f32 v45, v62  }
0x146: {  	[tilespmem:s19+$0x9430] =	vst v30;
	v63 =	vld [tilespmem:s19+$0xEA0];
	v61 =	vmul.f32 v56, v55;
	v32 =	vmul.f32 v58, v55  }
0x147: {  	v52 =	vld [tilespmem:s19+$0xF30];
	[tilespmem:s19+$0x94B0] =	vst v60;
	v55 =	vmul.f32 v51, v47;
	v56 =	vperm.xlane v25, v9  }
0x148: {  	v59 =	vcvt.s32.f32 v46;
	[tilespmem:s19+$0x95B0] =	vst v53;
	v53 =	vperm.xlane v25, v12  }
0x149: {  	v60 =	vld [tilespmem:s19+$0xFB0];
	v48 =	vcvt.s32.f32 v57;
	[tilespmem:s19+$0x9520] =	vst v61;
	v61 =	vperm.xlane v25, v10  }
0x14a: {  	[tilespmem:s19+$0x94A0] =	vst v29;
	v62 =	vcvt.s32.f32 v49;
	v46 =	vmul.f32 v59, v56  }
0x14b: {  	[tilespmem:s19+$0x95A0] =	vst v50;
	v57 =	vld [tilespmem:s19+$0xFA0];
	v54 =	vmul.f32 v48, v47;
	v58 =	vcvt.s32.f32 v63  }
0x14c: {  	v45 =	vld [tilespmem:s19+$0x1030];
	[tilespmem:s19+$0x9530] =	vst v32;
	v44 =	vcvt.s32.f32 v52;
	v48 =	vperm.xlane v25, v11  }
0x14d: {  	v49 =	vld [tilespmem:s19+$0x10A0];
	[tilespmem:s19+$0x9630] =	vst v55;
	v47 =	vmul.f32 v62, v61;
	v43 =	vmul.f32 v58, v56  }
0x14e: {  	v55 =	vld [tilespmem:s19+$0x1120];
	[tilespmem:s19+$0x96B0] =	vst v46;
	v32 =	vmul.f32 v44, v61;
	v51 =	vcvt.s32.f32 v60  }
0x14f: {  	v63 =	vld [tilespmem:s19+$0x1020];
	[tilespmem:s19+$0x9620] =	vst v54;
	v60 =	vperm.xlane v25, v13;
	v44 =	vperm.xlane v25, v14  }
0x150: {  	v52 =	vld [tilespmem:s19+$0x10B0];
	v25 =	vperm.xlane v25, v15;
	v50 =	vcvt.s32.f32 v57;
	[tilespmem:s19+$0x9720] =	vst v47  }
0x151: {  	v59 =	vld [tilespmem:s19+$0x1130];
	v57 =	vcvt.s32.f32 v45;
	[tilespmem:s19+$0x96A0] =	vst v43;
	v33 =	vmul.f32 v51, v48  }
0x152: {  	v61 =	vld [tilespmem:s19+$0x11A0];
	[tilespmem:s19+$0x9730] =	vst v32;
	v62 =	vcvt.s32.f32 v49;
	v56 =	vmul.f32 v50, v48  }
0x153: {  	v42 =	vld [tilespmem:s19+$0x11B0];
	v45 =	vcvt.s32.f32 v55;
	v30 =	vmul.f32 v57, v53;
	[tilespmem:s19+$0x97B0] =	vst v33  }
0x154: {  	v54 =	vcvt.s32.f32 v63;
	v29 =	vmul.f32 v62, v60;
	[tilespmem:s19+$0x97A0] =	vst v56  }
0x155: {  	v63 =	vcvt.s32.f32 v52;
	v47 =	vmul.f32 v45, v44;
	[tilespmem:s19+$0x9830] =	vst v30  }
0x156: {  	v48 =	vcvt.s32.f32 v59;
	v58 =	vmul.f32 v54, v53;
	[tilespmem:s19+$0x98A0] =	vst v29  }
0x157: {  	v31 =	vmul.f32 v63, v60;
	v50 =	vcvt.s32.f32 v61;
	[tilespmem:s19+$0x9920] =	vst v47  }
0x158: {  	v52 =	vmul.f32 v48, v44;
	v53 =	vcvt.s32.f32 v42;
	[tilespmem:s19+$0x9820] =	vst v58  }
0x159: {  	[tilespmem:s19+$0x98B0] =	vst v31;
	v29 =	vmul.f32 v50, v25  }
0x15a: {  	[tilespmem:s19+$0x9930] =	vst v52;
	v25 =	vmul.f32 v53, v25  }
0x15b: {  	v46 =	vld [tilespmem:s19+$0x950];
	[tilespmem:s19+$0x99A0] =	vst v29  }
0x15c: {  	v43 =	vld [tilespmem:s19+$0x940];
	[tilespmem:s19+$0x99B0] =	vst v25  }
0x15d: {  	v25 =	vld.idx.msk [tilespmem:v22+s20+$0x0 ss:$0x1], $0xffff  }
0x15e: {  	v61 =	vld.idx.msk [tilespmem:v20+s21+$0x240 ss:$0x1], $0xffff;
	_ =	sdelay $0x2  }
0x15f: {  	[tilespmem:s19+$0x8E40] =	vst v27;
	v27 =	vperm.xlane v24, v14;
	v41 =	vld [tilespmem:s19+$0x270]  }
0x160: {  	v49 =	vld [tilespmem:s19+$0x9C0];
	v56 =	vcvt.s32.f32 v46;
	v54 =	vcvt.s32.f32 v43  }
0x161: {  	[tilespmem:s19+$0x8DC0] =	vst v40;
	v51 =	vld [tilespmem:s19+$0x9D0];
	v63 =	vperm.xlane v25, v0;
	v40 =	vcvt.s32.f32 v61  }
0x162: {  	[tilespmem:s19+$0x8CC0] =	vst v39;
	v26 =	vmul.f32 v28, v26;
	v62 =	vld [tilespmem:s19+$0x260];
	v58 =	vmul.f32 v56, v27  }
0x163: {  	[tilespmem:s19+$0x8FC0] =	vst v34;
	v42 =	vld [tilespmem:s19+$0x2E0];
	v55 =	vmul.f32 v54, v27;
	v27 =	vmul.f32 v40, v63  }
0x164: {  	[tilespmem:s19+$0x90D0] =	vst v26;
	v46 =	vld [tilespmem:s19+$0x360]  }
0x165: {  	v24 =	vperm.xlane v24, v15;
	v47 =	vld [tilespmem:s19+$0x370];
	v57 =	vcvt.s32.f32 v49;
	[tilespmem:v20+s21+$0x8A40 ss:$0x1] =	vst.idx.msk $0xffff, v27  }
0x166: {  	[tilespmem:s19+$0x9050] =	vst v38;
	v59 =	vcvt.s32.f32 v51;
	v45 =	vld.idx.msk [tilespmem:v20+s21+$0x250 ss:$0x1], $0xffff  }
0x167: {  	v43 =	vld [tilespmem:s19+$0x2F0];
	v60 =	vmul.f32 v57, v24;
	[tilespmem:s19+$0x9150] =	vst v58  }
0x168: {  	v50 =	vld [tilespmem:s19+$0x3E0];
	v24 =	vmul.f32 v59, v24;
	[tilespmem:s19+$0x9140] =	vst v55  }
0x169: {  	v51 =	vld [tilespmem:s19+$0x3F0];
	[tilespmem:s19+$0x91C0] =	vst v60  }
0x16a: {  	v53 =	vld [tilespmem:s19+$0x460];
	v26 =	vcvt.s32.f32 v62;
	v29 =	vcvt.s32.f32 v41;
	[tilespmem:s19+$0x91D0] =	vst v24  }
0x16b: {  	v49 =	vcvt.s32.f32 v42;
	v24 =	vld.idx.msk [tilespmem:v19+s20+$0x0 ss:$0x1], $0xffff;
	v33 =	vcvt.s32.f32 v45  }
0x16c: {  	v34 =	vcvt.s32.f32 v46;
	v54 =	vcvt.s32.f32 v47  }
0x16d: {  	v55 =	vld [tilespmem:s19+$0x470];
	v32 =	vcvt.s32.f32 v43;
	v28 =	vmul.f32 v33, v63  }
0x16e: {  	v57 =	vcvt.s32.f32 v50;
	v59 =	vcvt.s32.f32 v51  }
0x16f: {  	v38 =	vcvt.s32.f32 v53;
	v51 =	vperm.xlane v25, v2;
	[tilespmem:v20+s21+$0x8A50 ss:$0x1] =	vst.idx.msk $0xffff, v28  }
0x170: {  	v44 =	vperm.xlane v24, v0;
	v48 =	vperm.xlane v24, v1;
	v58 =	vld [tilespmem:s19+$0xAC0]  }
0x171: {  	v52 =	vperm.xlane v24, v2;
	v56 =	vperm.xlane v24, v3;
	v61 =	vld [tilespmem:s19+$0xAD0]  }
0x172: {  	v60 =	vperm.xlane v24, v4;
	v40 =	vcvt.s32.f32 v55;
	v62 =	vld [tilespmem:s19+$0xB40]  }
0x173: {  	v31 =	vmul.f32 v26, v44;
	v27 =	vmul.f32 v29, v44;
	v63 =	vld [tilespmem:s19+$0xB50]  }
0x174: {  	v35 =	vmul.f32 v49, v48;
	v29 =	vmul.f32 v54, v52;
	v49 =	vld [tilespmem:s19+$0xBC0]  }
0x175: {  	v30 =	vmul.f32 v59, v56;
	v26 =	vmul.f32 v40, v60;
	v50 =	vld [tilespmem:s19+$0xBD0]  }
0x176: {  	v33 =	vmul.f32 v32, v48;
	v32 =	vmul.f32 v34, v52;
	v52 =	vld [tilespmem:s19+$0xC40]  }
0x177: {  	v54 =	vperm.xlane v25, v3;
	v34 =	vmul.f32 v57, v56;
	v53 =	vld [tilespmem:s19+$0xC50]  }
0x178: {  	v48 =	vperm.xlane v25, v1;
	v57 =	vperm.xlane v25, v4;
	v55 =	vld [tilespmem:s19+$0xCC0]  }
0x179: {  	v28 =	vmul.f32 v38, v60;
	v56 =	vld [tilespmem:s19+$0xCD0];
	v37 =	vcvt.s32.f32 v58  }
0x17a: {  	v39 =	vcvt.s32.f32 v61;
	v41 =	vcvt.s32.f32 v62  }
0x17b: {  	v42 =	vcvt.s32.f32 v63;
	v40 =	vcvt.s32.f32 v49  }
0x17c: {  	v43 =	vcvt.s32.f32 v50;
	v45 =	vcvt.s32.f32 v52  }
0x17d: {  	v46 =	vcvt.s32.f32 v53;
	v58 =	vperm.xlane v25, v5  }
0x17e: {  	v60 =	vcvt.s32.f32 v55;
	v61 =	vcvt.s32.f32 v56  }
0x17f: {  	v59 =	vld [tilespmem:s19+$0xDC0];
	v63 =	vperm.xlane v25, v6;
	v37 =	vmul.f32 v37, v48  }
0x180: {  	v49 =	vld [tilespmem:s19+$0xD40];
	v38 =	vmul.f32 v39, v48;
	v39 =	vmul.f32 v41, v51  }
0x181: {  	v50 =	vld [tilespmem:s19+$0xD50];
	v41 =	vmul.f32 v42, v51;
	v40 =	vmul.f32 v40, v54  }
0x182: {  	v62 =	vld [tilespmem:s19+$0xDD0];
	v42 =	vmul.f32 v43, v54;
	v43 =	vmul.f32 v45, v57;
	[tilespmem:s19+$0x92C0] =	vst v37  }
0x183: {  	v55 =	vld [tilespmem:s19+$0xE50];
	v45 =	vmul.f32 v46, v57;
	v56 =	vmul.f32 v61, v58;
	[tilespmem:s19+$0x92D0] =	vst v38  }
0x184: {  	v51 =	vld [tilespmem:s19+$0xE40];
	v57 =	vperm.xlane v25, v7;
	v61 =	vperm.xlane v25, v8;
	[tilespmem:s19+$0x9340] =	vst v39  }
0x185: {  	v53 =	vld [tilespmem:s19+$0xF50];
	v37 =	vmul.f32 v60, v58;
	[tilespmem:s19+$0x93C0] =	vst v40;
	v58 =	vcvt.s32.f32 v59  }
0x186: {  	v40 =	vld [tilespmem:s19+$0xEC0];
	[tilespmem:s19+$0x94D0] =	vst v56;
	v56 =	vperm.xlane v25, v9;
	v49 =	vcvt.s32.f32 v49  }
0x187: {  	[tilespmem:s19+$0x9350] =	vst v41;
	v60 =	vld [tilespmem:s19+$0xED0];
	v54 =	vcvt.s32.f32 v50;
	v59 =	vcvt.s32.f32 v62  }
0x188: {  	[tilespmem:s19+$0x93D0] =	vst v42;
	v52 =	vcvt.s32.f32 v55;
	v50 =	vld [tilespmem:s19+$0x1150];
	v44 =	vmul.f32 v49, v63  }
0x189: {  	[tilespmem:s19+$0x9440] =	vst v43;
	v38 =	vmul.f32 v54, v63;
	v62 =	vcvt.s32.f32 v51;
	v63 =	vld [tilespmem:s19+$0xF40]  }
0x18a: {  	[tilespmem:s19+$0x9450] =	vst v45;
	v42 =	vmul.f32 v58, v57;
	v54 =	vmul.f32 v59, v57;
	v57 =	vld [tilespmem:s19+$0xFC0]  }
0x18b: {  	[tilespmem:s19+$0x94C0] =	vst v37;
	v41 =	vmul.f32 v52, v61;
	v59 =	vld [tilespmem:s19+$0xFD0];
	v55 =	vmul.f32 v62, v61  }
0x18c: {  	v52 =	vld [tilespmem:s19+$0x1050];
	[tilespmem:s19+$0x95C0] =	vst v42;
	v40 =	vcvt.s32.f32 v40;
	v58 =	vcvt.s32.f32 v60  }
0x18d: {  	[tilespmem:s19+$0x9540] =	vst v44;
	v60 =	vperm.xlane v25, v10;
	v44 =	vcvt.s32.f32 v50  }
0x18e: {  	v40 =	vmul.f32 v40, v56;
	[tilespmem:s19+$0x9640] =	vst v55;
	v55 =	vperm.xlane v25, v11  }
0x18f: {  	[tilespmem:s19+$0x9550] =	vst v38;
	v62 =	vld [tilespmem:s19+$0x1040];
	v61 =	vcvt.s32.f32 v63;
	v63 =	vcvt.s32.f32 v53  }
0x190: {  	[tilespmem:s19+$0x95D0] =	vst v54;
	v53 =	vmul.f32 v58, v56;
	v57 =	vcvt.s32.f32 v57  }
0x191: {  	[tilespmem:s19+$0x9650] =	vst v41;
	v56 =	vld [tilespmem:s19+$0x10C0];
	v58 =	vcvt.s32.f32 v59;
	v48 =	vcvt.s32.f32 v52  }
0x192: {  	v52 =	vperm.xlane v25, v13;
	[tilespmem:s19+$0x96C0] =	vst v40;
	v54 =	vmul.f32 v61, v60  }
0x193: {  	v59 =	vld [tilespmem:s19+$0x10D0];
	v38 =	vmul.f32 v63, v60;
	v60 =	vperm.xlane v25, v12;
	[tilespmem:s19+$0x96D0] =	vst v53  }
0x194: {  	v61 =	vcvt.s32.f32 v62;
	v62 =	vld [tilespmem:s19+$0x1140];
	v63 =	vmul.f32 v57, v55;
	[tilespmem:s19+$0x9740] =	vst v54  }
0x195: {  	v39 =	vmul.f32 v58, v55;
	v53 =	vld [tilespmem:s19+$0x11C0];
	v58 =	vperm.xlane v25, v14;
	[tilespmem:s19+$0x9750] =	vst v38  }
0x196: {  	v49 =	vmul.f32 v61, v60;
	[tilespmem:s19+$0x97C0] =	vst v63;
	v54 =	vcvt.s32.f32 v56;
	v56 =	vld [tilespmem:s19+$0x11D0]  }
0x197: {  	v25 =	vperm.xlane v25, v15;
	v51 =	vmul.f32 v48, v60;
	[tilespmem:s19+$0x97D0] =	vst v39  }
0x198: {  	v50 =	vld [tilespmem:s19+$0x5E0];
	v39 =	vmul.f32 v44, v58;
	v55 =	vcvt.s32.f32 v59;
	[tilespmem:s19+$0x9840] =	vst v49  }
0x199: {  	v57 =	vld [tilespmem:s19+$0x4E0];
	[tilespmem:s19+$0x9850] =	vst v51;
	v47 =	vcvt.s32.f32 v62;
	v37 =	vmul.f32 v54, v52  }
0x19a: {  	v60 =	vld [tilespmem:s19+$0x560];
	[tilespmem:s19+$0x9950] =	vst v39;
	v40 =	vmul.f32 v55, v52;
	v63 =	vcvt.s32.f32 v53  }
0x19b: {  	v59 =	vld [tilespmem:s19+$0x4F0];
	v61 =	vmul.f32 v47, v58;
	[tilespmem:s19+$0x98C0] =	vst v37;
	v48 =	vcvt.s32.f32 v56  }
0x19c: {  	v62 =	vld [tilespmem:s19+$0x570];
	[tilespmem:s19+$0x98D0] =	vst v40;
	v37 =	vmul.f32 v63, v25  }
0x19d: {  	v36 =	vperm.xlane v24, v5;
	v52 =	vld [tilespmem:s19+$0x5F0];
	[tilespmem:s19+$0x9940] =	vst v61;
	v25 =	vmul.f32 v48, v25  }
0x19e: {  	v44 =	vcvt.s32.f32 v50;
	v50 =	vperm.xlane v24, v9;
	v55 =	vld [tilespmem:s19+$0x660];
	[tilespmem:s19+$0x99C0] =	vst v37  }
0x19f: {  	v49 =	vcvt.s32.f32 v57;
	v53 =	vperm.xlane v24, v6;
	v57 =	vld [tilespmem:s19+$0x670];
	[tilespmem:s19+$0x99D0] =	vst v25  }
0x1a0: {  	v54 =	vcvt.s32.f32 v60;
	v58 =	vperm.xlane v24, v7;
	v25 =	vld.idx.msk [tilespmem:v23+s20+$0x0 ss:$0x1], $0xffff  }
0x1a1: {  	v51 =	vcvt.s32.f32 v59;
	v37 =	vmul.f32 v49, v36;
	v59 =	vld.idx.msk [tilespmem:v20+s21+$0x260 ss:$0x1], $0xffff  }
0x1a2: {  	v38 =	vmul.f32 v54, v53;
	v61 =	vperm.xlane v24, v8  }
0x1a3: {  	[tilespmem:s19+$0x8A70] =	vst v27;
	v27 =	vmul.f32 v44, v58;
	v56 =	vcvt.s32.f32 v62  }
0x1a4: {  	v60 =	vld [tilespmem:s19+$0x6E0];
	v36 =	vmul.f32 v51, v36;
	v43 =	vcvt.s32.f32 v52  }
0x1a5: {  	[tilespmem:s19+$0x8A60] =	vst v31;
	v49 =	vld [tilespmem:s19+$0x770];
	v42 =	vcvt.s32.f32 v55;
	v63 =	vcvt.s32.f32 v57  }
0x1a6: {  	[tilespmem:s19+$0x8AE0] =	vst v35;
	v54 =	vld [tilespmem:s19+$0x7F0];
	v44 =	vperm.xlane v25, v0;
	v41 =	vcvt.s32.f32 v59  }
0x1a7: {  	[tilespmem:s19+$0x8B70] =	vst v29;
	v62 =	vld [tilespmem:s19+$0x6F0];
	v55 =	vperm.xlane v24, v10;
	v39 =	vmul.f32 v56, v53  }
0x1a8: {  	[tilespmem:s19+$0x8BF0] =	vst v30;
	v48 =	vld [tilespmem:s19+$0x760];
	v40 =	vmul.f32 v43, v58;
	v41 =	vmul.f32 v41, v44  }
0x1a9: {  	[tilespmem:s19+$0x8AF0] =	vst v33;
	v35 =	vmul.f32 v42, v61;
	v51 =	vcvt.s32.f32 v60;
	v56 =	vld [tilespmem:s19+$0x860]  }
0x1aa: {  	v31 =	vmul.f32 v63, v61;
	v58 =	vperm.xlane v24, v11;
	v60 =	vld [tilespmem:s19+$0x870];
	[tilespmem:v20+s21+$0x8A60 ss:$0x1] =	vst.idx.msk $0xffff, v41  }
0x1ab: {  	[tilespmem:s19+$0x8BE0] =	vst v34;
	v34 =	vmul.f32 v51, v50;
	v33 =	vcvt.s32.f32 v49;
	v41 =	vld.idx.msk [tilespmem:v20+s21+$0x270 ss:$0x1], $0xffff  }
0x1ac: {  	[tilespmem:s19+$0x8C70] =	vst v26;
	v63 =	vld [tilespmem:s19+$0x8F0];
	v61 =	vcvt.s32.f32 v54;
	v53 =	vcvt.s32.f32 v62  }
0x1ad: {  	[tilespmem:s19+$0x8B60] =	vst v32;
	v57 =	vcvt.s32.f32 v48;
	v48 =	vperm.xlane v24, v12  }
0x1ae: {  	[tilespmem:s19+$0x8C60] =	vst v28;
	v52 =	vld [tilespmem:s19+$0x7E0];
	v32 =	vmul.f32 v33, v55;
	v28 =	vmul.f32 v61, v58  }
0x1af: {  	[tilespmem:s19+$0x8CE0] =	vst v37;
	v29 =	vmul.f32 v53, v50;
	v26 =	vmul.f32 v57, v55  }
0x1b0: {  	[tilespmem:s19+$0x8D60] =	vst v38;
	v62 =	vld [tilespmem:s19+$0x8E0];
	v49 =	vcvt.s32.f32 v56;
	v41 =	vcvt.s32.f32 v41  }
0x1b1: {  	[tilespmem:s19+$0x8DE0] =	vst v27;
	v50 =	vld [tilespmem:s19+$0x960];
	v51 =	vcvt.s32.f32 v60;
	v37 =	vcvt.s32.f32 v63  }
0x1b2: {  	[tilespmem:s19+$0x8CF0] =	vst v36;
	v53 =	vld [tilespmem:s19+$0x970];
	v57 =	vperm.xlane v24, v14;
	v41 =	vmul.f32 v41, v44  }
0x1b3: {  	[tilespmem:s19+$0x8D70] =	vst v39;
	v55 =	vld [tilespmem:s19+$0x9E0];
	v59 =	vcvt.s32.f32 v52;
	v52 =	vperm.xlane v24, v13  }
0x1b4: {  	v56 =	vld [tilespmem:s19+$0x9F0];
	v24 =	vperm.xlane v24, v15;
	v47 =	vperm.xlane v25, v1;
	[tilespmem:v20+s21+$0x8A70 ss:$0x1] =	vst.idx.msk $0xffff, v41  }
0x1b5: {  	[tilespmem:s19+$0x8DF0] =	vst v40;
	v40 =	vperm.xlane v25, v7;
	v33 =	vmul.f32 v59, v58;
	v58 =	vld [tilespmem:s19+$0xAE0]  }
0x1b6: {  	[tilespmem:s19+$0x8E60] =	vst v35;
	v36 =	vmul.f32 v49, v48;
	v54 =	vcvt.s32.f32 v62;
	v41 =	vld [tilespmem:s19+$0xAF0]  }
0x1b7: {  	[tilespmem:s19+$0x8E70] =	vst v31;
	v30 =	vmul.f32 v51, v48;
	v35 =	vmul.f32 v37, v52;
	v62 =	vld [tilespmem:s19+$0xB60]  }
0x1b8: {  	[tilespmem:s19+$0x8EE0] =	vst v34;
	v27 =	vmul.f32 v54, v52;
	v59 =	vcvt.s32.f32 v50;
	v45 =	vld [tilespmem:s19+$0xB70]  }
0x1b9: {  	[tilespmem:s19+$0x8F70] =	vst v32;
	v60 =	vcvt.s32.f32 v53;
	v61 =	vcvt.s32.f32 v55;
	v48 =	vld [tilespmem:s19+$0xBE0]  }
0x1ba: {  	[tilespmem:s19+$0x8FF0] =	vst v28;
	v52 =	vperm.xlane v25, v2;
	v44 =	vcvt.s32.f32 v56;
	v51 =	vld [tilespmem:s19+$0xBF0]  }
0x1bb: {  	[tilespmem:s19+$0x8EF0] =	vst v29;
	v63 =	vmul.f32 v59, v57;
	v46 =	vmul.f32 v60, v57;
	v54 =	vld [tilespmem:s19+$0xC60]  }
0x1bc: {  	[tilespmem:s19+$0x8F60] =	vst v26;
	v34 =	vmul.f32 v61, v24;
	v24 =	vmul.f32 v44, v24;
	v56 =	vld [tilespmem:s19+$0xC70]  }
0x1bd: {  	[tilespmem:s19+$0x9060] =	vst v36;
	v44 =	vld [tilespmem:s19+$0xD60];
	v49 =	vcvt.s32.f32 v58;
	v50 =	vcvt.s32.f32 v41  }
0x1be: {  	[tilespmem:s19+$0x9070] =	vst v30;
	v53 =	vcvt.s32.f32 v62;
	v55 =	vcvt.s32.f32 v45  }
0x1bf: {  	[tilespmem:s19+$0x8FE0] =	vst v33;
	v58 =	vperm.xlane v25, v3;
	v32 =	vcvt.s32.f32 v48  }
0x1c0: {  	[tilespmem:s19+$0x9160] =	vst v63;
	v60 =	vcvt.s32.f32 v51;
	v62 =	vperm.xlane v25, v4  }
0x1c1: {  	[tilespmem:s19+$0x9170] =	vst v46;
	v59 =	vld [tilespmem:s19+$0xCE0];
	v63 =	vcvt.s32.f32 v54;
	v46 =	vcvt.s32.f32 v56  }
0x1c2: {  	[tilespmem:s19+$0x90F0] =	vst v35;
	v61 =	vld [tilespmem:s19+$0xCF0];
	v56 =	vcvt.s32.f32 v44;
	v33 =	vmul.f32 v49, v47  }
0x1c3: {  	[tilespmem:s19+$0x90E0] =	vst v27;
	v57 =	vmul.f32 v50, v47;
	v31 =	vmul.f32 v53, v52  }
0x1c4: {  	[tilespmem:s19+$0x91E0] =	vst v34;
	v27 =	vmul.f32 v55, v52;
	v45 =	vmul.f32 v32, v58  }
0x1c5: {  	[tilespmem:s19+$0x91F0] =	vst v24;
	v51 =	vld [tilespmem:s19+$0xDE0];
	v28 =	vmul.f32 v60, v58;
	v48 =	vmul.f32 v63, v62  }
0x1c6: {  	v54 =	vld [tilespmem:s19+$0xDF0];
	v50 =	vperm.xlane v25, v5;
	v52 =	vcvt.s32.f32 v59;
	[tilespmem:s19+$0x92E0] =	vst v33  }
0x1c7: {  	v44 =	vld [tilespmem:s19+$0xEF0];
	v53 =	vcvt.s32.f32 v61;
	v55 =	vperm.xlane v25, v6;
	[tilespmem:s19+$0x92F0] =	vst v57  }
0x1c8: {  	v47 =	vld [tilespmem:s19+$0xD70];
	v49 =	vmul.f32 v46, v62;
	[tilespmem:s19+$0x9360] =	vst v31;
	v58 =	vmul.f32 v52, v50  }
0x1c9: {  	v60 =	vld [tilespmem:s19+$0xE70];
	[tilespmem:s19+$0x9370] =	vst v27;
	v61 =	vmul.f32 v53, v50;
	v62 =	vmul.f32 v56, v55  }
0x1ca: {  	v41 =	vld [tilespmem:s19+$0xEE0];
	[tilespmem:s19+$0x93E0] =	vst v45;
	v45 =	vperm.xlane v25, v8;
	v53 =	vperm.xlane v25, v9  }
0x1cb: {  	v57 =	vld [tilespmem:s19+$0xE60];
	[tilespmem:s19+$0x93F0] =	vst v28;
	v42 =	vcvt.s32.f32 v51;
	v43 =	vcvt.s32.f32 v54  }
0x1cc: {  	v50 =	vld [tilespmem:s19+$0xF70];
	v56 =	vcvt.s32.f32 v44;
	[tilespmem:s19+$0x94E0] =	vst v58;
	v58 =	vperm.xlane v25, v10  }
0x1cd: {  	[tilespmem:s19+$0x9460] =	vst v48;
	v54 =	vld [tilespmem:s19+$0xFE0];
	v59 =	vcvt.s32.f32 v47;
	v48 =	vmul.f32 v42, v40  }
0x1ce: {  	[tilespmem:s19+$0x9470] =	vst v49;
	v44 =	vld [tilespmem:s19+$0x10F0];
	v49 =	vcvt.s32.f32 v60;
	v30 =	vmul.f32 v43, v40  }
0x1cf: {  	[tilespmem:s19+$0x94F0] =	vst v61;
	v28 =	vmul.f32 v56, v53;
	v40 =	vperm.xlane v25, v11  }
0x1d0: {  	[tilespmem:s19+$0x9560] =	vst v62;
	v47 =	vld [tilespmem:s19+$0xF60];
	v56 =	vperm.xlane v25, v14;
	v63 =	vmul.f32 v59, v55  }
0x1d1: {  	v60 =	vld [tilespmem:s19+$0x1060];
	v46 =	vcvt.s32.f32 v57;
	v52 =	vmul.f32 v49, v45;
	[tilespmem:s19+$0x95E0] =	vst v48  }
0x1d2: {  	v55 =	vcvt.s32.f32 v41;
	v62 =	vcvt.s32.f32 v50;
	[tilespmem:s19+$0x95F0] =	vst v30  }
0x1d3: {  	[tilespmem:s19+$0x96F0] =	vst v28;
	v42 =	vcvt.s32.f32 v54;
	v54 =	vcvt.s32.f32 v44  }
0x1d4: {  	v57 =	vld [tilespmem:s19+$0xFF0];
	v51 =	vmul.f32 v46, v45;
	[tilespmem:s19+$0x9570] =	vst v63;
	v61 =	vmul.f32 v55, v53  }
0x1d5: {  	v41 =	vld [tilespmem:s19+$0x10E0];
	v26 =	vmul.f32 v62, v58;
	[tilespmem:s19+$0x9670] =	vst v52;
	v45 =	vperm.xlane v25, v12  }
0x1d6: {  	v50 =	vld [tilespmem:s19+$0x1170];
	v59 =	vcvt.s32.f32 v47;
	v46 =	vcvt.s32.f32 v60;
	[tilespmem:s19+$0x9660] =	vst v51  }
0x1d7: {  	v63 =	vld [tilespmem:s19+$0x1070];
	v27 =	vmul.f32 v42, v40;
	[tilespmem:s19+$0x96E0] =	vst v61;
	v51 =	vperm.xlane v25, v13  }
0x1d8: {  	v52 =	vld [tilespmem:s19+$0x11E0];
	[tilespmem:s19+$0x9770] =	vst v26;
	v25 =	vperm.xlane v25, v15;
	v39 =	vmul.f32 v59, v58  }
0x1d9: {  	v55 =	vld [tilespmem:s19+$0x11F0];
	v43 =	vcvt.s32.f32 v57;
	v49 =	vmul.f32 v46, v45;
	[tilespmem:s19+$0x97E0] =	vst v27  }
0x1da: {  	v47 =	vld [tilespmem:s19+$0x1160];
	v53 =	vcvt.s32.f32 v41;
	v26 =	vmul.f32 v54, v51;
	[tilespmem:s19+$0x9760] =	vst v39  }
0x1db: {  	v59 =	vcvt.s32.f32 v50;
	v29 =	vmul.f32 v43, v40;
	[tilespmem:s19+$0x9860] =	vst v49  }
0x1dc: {  	v48 =	vcvt.s32.f32 v63;
	v27 =	vmul.f32 v53, v51;
	[tilespmem:s19+$0x98F0] =	vst v26  }
0x1dd: {  	v60 =	vcvt.s32.f32 v52;
	v61 =	vmul.f32 v59, v56;
	[tilespmem:s19+$0x97F0] =	vst v29  }
0x1de: {  	p0 =	slt.u32 s18, $0x6;
	v62 =	vcvt.s32.f32 v55;
	v24 =	vmul.f32 v48, v45;
	[tilespmem:s19+$0x98E0] =	vst v27  }
.Ltmp4:
0x1df: {  	v57 =	vcvt.s32.f32 v47;
	v63 =	vmul.f32 v60, v25;
	[tilespmem:s19+$0x9970] =	vst v61;
	(pc) =	sbr.rel @p0 .LBB2_3-.Ltmp4, $4  }
0x1e0: {  	v25 =	vmul.f32 v62, v25;
	[tilespmem:s19+$0x9870] =	vst v24  }
0x1e1: {  	v58 =	vmul.f32 v57, v56;
	[tilespmem:s19+$0x99E0] =	vst v63  }
0x1e2: {  	s21 =	sadd.s32 $0x2, s18;
	[tilespmem:s19+$0x99F0] =	vst v25  }
0x1e3: {  	s18 =	smov.u32 s21;
	[tilespmem:s19+$0x9960] =	vst v58  }
0x1e4: {  	p0 =	sgt.u32 s0, $0x1  }
.Ltmp5:
0x1e5: {  	_ = 	snop;
	(pc) =	sbr.rel @p0 .LBB2_6-.Ltmp5, $4  }
0x1e6: {  	_ = 	snop  }
0x1e7: {  	s18 =	sshll.u32 s0, $0xB  }
0x1e8: {  	s17 =	sadd.s32 $0x8A00, s17;
	s15 =	sadd.s32 $0x3, s15;
	s19 =	sadd.s32 s18, s6  }
0x1e9: {  	[hbm4b:s19+s3] =	stream.linear.scatter [tilespmem:s17], [sflag:s15], $0x4000, $0x38;
	[tilespmem:$0x10A00] =	vst v63  }
0x1ea: {  	s16 =	sand.u32 $0x3FFFFF80, s16  }
0x1eb: {  	v16 =	vld [tilespmem:s16+$0x100];
	_ =	sdelay $0x3  }
0x1ec: {  	s15 =	sshrl.u32 s18, $0x2  }
0x1ed: {  	[tilespmem:s15+$0x8200] =	vst v16;
	v17 =	vadd.s32 $0x186A0, v16  }
0x1ee: {  	[tilespmem:s15+$0x8280] =	vst v17;
	v17 =	vadd.s32 $0x30D40, v16  }
0x1ef: {  	v16 =	vadd.s32 $0x493E0, v16;
	[tilespmem:s15+$0x8300] =	vst v17  }
0x1f0: {  	[tilespmem:s15+$0x8380] =	vst v16  }
0x1f1: {  	v16 =	vld [tilespmem:s16+$0x110];
	_ =	sdelay $0x4  }
0x1f2: {  	[tilespmem:s15+$0x8210] =	vst v16;
	v17 =	vadd.s32 $0x186A0, v16  }
0x1f3: {  	[tilespmem:s15+$0x8290] =	vst v17;
	v17 =	vadd.s32 $0x30D40, v16  }
0x1f4: {  	v16 =	vadd.s32 $0x493E0, v16;
	[tilespmem:s15+$0x8310] =	vst v17  }
0x1f5: {  	[tilespmem:s15+$0x8390] =	vst v16  }
0x1f6: {  	v16 =	vld [tilespmem:s16+$0x120];
	_ =	sdelay $0x4  }
0x1f7: {  	[tilespmem:s15+$0x8220] =	vst v16;
	v17 =	vadd.s32 $0x186A0, v16  }
0x1f8: {  	[tilespmem:s15+$0x82A0] =	vst v17;
	v17 =	vadd.s32 $0x30D40, v16  }
0x1f9: {  	v16 =	vadd.s32 $0x493E0, v16;
	[tilespmem:s15+$0x8320] =	vst v17  }
0x1fa: {  	[tilespmem:s15+$0x83A0] =	vst v16  }
0x1fb: {  	v16 =	vld [tilespmem:s16+$0x130];
	_ =	sdelay $0x4  }
0x1fc: {  	[tilespmem:s15+$0x8230] =	vst v16;
	v17 =	vadd.s32 $0x186A0, v16  }
0x1fd: {  	[tilespmem:s15+$0x82B0] =	vst v17;
	v17 =	vadd.s32 $0x30D40, v16  }
0x1fe: {  	v16 =	vadd.s32 $0x493E0, v16;
	[tilespmem:s15+$0x8330] =	vst v17  }
0x1ff: {  	[tilespmem:s15+$0x83B0] =	vst v16  }
0x200: {  	v16 =	vld [tilespmem:s16+$0x140];
	_ =	sdelay $0x4  }
0x201: {  	[tilespmem:s15+$0x8240] =	vst v16;
	v17 =	vadd.s32 $0x186A0, v16  }
0x202: {  	[tilespmem:s15+$0x82C0] =	vst v17;
	v17 =	vadd.s32 $0x30D40, v16  }
0x203: {  	v16 =	vadd.s32 $0x493E0, v16;
	[tilespmem:s15+$0x8340] =	vst v17  }
0x204: {  	[tilespmem:s15+$0x83C0] =	vst v16  }
0x205: {  	v16 =	vld [tilespmem:s16+$0x150];
	_ =	sdelay $0x4  }
0x206: {  	[tilespmem:s15+$0x8250] =	vst v16;
	v17 =	vadd.s32 $0x186A0, v16  }
0x207: {  	[tilespmem:s15+$0x82D0] =	vst v17;
	v17 =	vadd.s32 $0x30D40, v16  }
0x208: {  	v16 =	vadd.s32 $0x493E0, v16;
	[tilespmem:s15+$0x8350] =	vst v17  }
0x209: {  	[tilespmem:s15+$0x83D0] =	vst v16  }
0x20a: {  	v16 =	vld [tilespmem:s16+$0x160];
	_ =	sdelay $0x4  }
0x20b: {  	[tilespmem:s15+$0x8260] =	vst v16;
	v17 =	vadd.s32 $0x186A0, v16  }
0x20c: {  	[tilespmem:s15+$0x82E0] =	vst v17;
	v17 =	vadd.s32 $0x30D40, v16  }
0x20d: {  	v16 =	vadd.s32 $0x493E0, v16;
	[tilespmem:s15+$0x8360] =	vst v17  }
0x20e: {  	[tilespmem:s15+$0x83E0] =	vst v16  }
0x20f: {  	v16 =	vld [tilespmem:s16+$0x170];
	_ =	sdelay $0x4  }
0x210: {  	[tilespmem:s15+$0x8270] =	vst v16;
	v17 =	vadd.s32 $0x186A0, v16  }
0x211: {  	[tilespmem:s15+$0x82F0] =	vst v17;
	v17 =	vadd.s32 $0x30D40, v16  }
0x212: {  	v16 =	vadd.s32 $0x493E0, v16;
	[tilespmem:s15+$0x8370] =	vst v17  }
0x213: {  	s16 =	sadd.s32 $0x100, s16;
	[tilespmem:s15+$0x83F0] =	vst v16  }
0x214: {  	[tilespmem:s14], [sflag:s2] =	stream.indirect.gather [hbm4b:s1+s9], $0x80, s16, s9, $0xb8;
	[tilespmem:$0x10A00] =	vst v63  }
0x215: {  	s18 =	sadd.s32 $0x8200, s15  }
0x216: {  	[tilespmem:s13], [sflag:s2] =	stream.indirect.gather [hbm4b:s4+s9], $0x1, s18, s9, $0xb8;
	[tilespmem:$0x10A00] =	vst v63  }
0x217: {  	s19 =	sadd.s32 $0x8280, s15  }
0x218: {  	[tilespmem:s11], [sflag:s2] =	stream.indirect.gather [hbm4b:s4+s9], $0x1, s19, s9, $0xb8;
	[tilespmem:$0x10A00] =	vst v63  }
.Ltmp6:
0x219: {  	_ = 	snop;
	(pc) =	sbr.rel .LBB2_6-.Ltmp6, $4  }
0x21a: {  	s20 =	sadd.s32 $0x8300, s15  }
0x21b: {  	[tilespmem:s12], [sflag:s2] =	stream.indirect.gather [hbm4b:s4+s9], $0x1, s20, s9, $0xb8;
	[tilespmem:$0x10A00] =	vst v63  }
0x21c: {  	s21 =	sadd.s32 $0x8380, s15  }
0x21d: {  	[tilespmem:s10], [sflag:s2] =	stream.indirect.gather [hbm4b:s4+s9], $0x1, s21, s9, $0xb8;
	[tilespmem:$0x10A00] =	vst v63  }
.LBB2_8:
0x21e: {  	_ =	sfence.sel $0x180000  }
0x21f: {  	[bflag:$0x0] =	sbarrier.arrive $0xFFFF  }
0x220: {  	_ =	strace $0x90000047  }
0x221: {  	s0 =	stileid.u32;
	[bflag:$0x2] =	sbarrier.arrive $0xFFFF  }
0x222: {  	p0 =	sne.s32 s0, $0x0;
	s0 =	rddreg [dreg:$0x4]  }
0x223: {  	s0 =	sadd.s32 @!p0 $0x100000, s0  }
0x224: {  	[sflag:s0] =	ssyncadd.tile.s32 @!p0 $0x1;
	_ =	shalt  }
.Lfunc_end2:
_tile_overlayer_lowered:
.L_overlay_start_2:
0x225: {  	(tag) =	ssettag $0x2  }
0x226: {  	s0 =	rddreg [dreg:$0x0];
	s2 =	stileid.u32  }
0x227: {  	s1 =	rddreg [dreg:$0x1];
	p0 =	sne.s32 s2, $0x0  }
0x228: {  	s3 =	rddreg [dreg:$0x2];
	[bflag:$0x3] =	sbarrier.arrive $0xFFFF;
	s2 =	simm.s32 @!p0 $0x1C05  }
0x229: {  	[timem:s3], [sflag:s2] =	dma.local @!p0 [hbm:s0], s1  }
0x22a: {  	s0 =	simm.s32 @!p0 $0x5  }
0x22b: {  	_ =	swait.ge @!p0 [sflag:s0], s1  }
0x22c: {  	s1 =	ssub.s32 @!p0 $0x0, s1;
	[sflag:s0] =	ssyncset.done @!p0 $0x0  }
0x22d: {  	[sflag:s0] =	ssyncadd.s32 @!p0 s1  }
0x22e: {  	[bflag:$0x3] =	sbarrier.arrive $0xFFFF  }
0x22f: {  	_ =	shalt  }

</sc_bundles>
